<compile_context>
chip_gen: v7x
topology: tpu7x:2x2x1
jax: 0.10.2.dev20260603
libtpu: 0.0.44.dev20260713+nightly
codegen_flags: <defaults>
</compile_context>

<pallas_src>
import functools
import jax
import jax.numpy as jnp
from jax import lax
from jax.experimental import pallas as pl
from jax.experimental.pallas import tpu as pltpu
from jax.experimental.pallas import tpu_sc as plsc

B, T, D = 64, 32, 2048
NRE = 7
DFF = 2048
BF = 512
KF = DFF // BF
GS = 16
MG = GS * T
NG = 10
NCH = B // 16



def _gate_body(x_ref, wg_ref, lt_ref):
    xs = jnp.sum(x_ref[...], axis=1) * (1.0 / T)
    lt_ref[...] = lax.dot_general(
        wg_ref[...], xs, (((1,), (1,)), ((), ())),
        preferred_element_type=jnp.float32)


def _gate(x, Wg):
    return pl.pallas_call(
        _gate_body,
        out_shape=jax.ShapeDtypeStruct((NRE, B), jnp.float32),
    )(x, Wg)



def _route_body(lt_hbm,
                topv_hbm, eid_hbm, ge_hbm, gact_hbm, grow_hbm, gval_hbm,
                gw_hbm, loss_hbm,
                lt_v, prob_v, topv_v, eid_v, perm_v, rank_v, meta_v,
                grow_v, gval_v, gw_v, loss_v):
    wid = lax.axis_index("s") * 2 + lax.axis_index("c")
    pltpu.sync_copy(lt_hbm, lt_v)
    glane = jnp.arange(16, dtype=jnp.int32)

    imp = [jnp.float32(0.0)] * NRE
    for c in range(NCH):
        sl = pl.ds(c * 16, 16)
        v = [lt_v[e, sl] for e in range(NRE)]
        m = v[0]
        for e in range(1, NRE):
            m = jnp.maximum(m, v[e])
        ex = [jnp.exp(v[e] - m) for e in range(NRE)]
        ssum = ex[0]
        for e in range(1, NRE):
            ssum = ssum + ex[e]
        p = [ex[e] / ssum for e in range(NRE)]
        best = p[0]
        bi = jnp.zeros((16,), jnp.int32)
        for e in range(1, NRE):
            upd = p[e] > best
            best = jnp.where(upd, p[e], best)
            bi = jnp.where(upd, jnp.int32(e), bi)
        topv_v[sl] = best
        eid_v[sl] = bi
        for e in range(NRE):
            prob_v[e, sl] = p[e]
            imp[e] = imp[e] + jnp.sum(p[e])

    cnt = [jnp.int32(0)] * NRE
    for c in range(NCH):
        sl = pl.ds(c * 16, 16)
        bi = eid_v[sl]
        rnk = jnp.zeros((16,), jnp.int32)
        for e in range(NRE):
            mi = (bi == e).astype(jnp.int32)
            pre = plsc.cumsum(mi) - mi
            rnk = rnk + mi * cnt[e] + mi * pre
            cnt[e] = cnt[e] + jnp.sum(mi)
        rank_v[sl] = rnk
    off = [jnp.int32(0)] * NRE
    for e in range(1, NRE):
        off[e] = off[e - 1] + cnt[e - 1]
    for c in range(NCH):
        sl = pl.ds(c * 16, 16)
        bi = eid_v[sl]
        base = jnp.zeros((16,), jnp.int32)
        for e in range(NRE):
            base = base + (bi == e).astype(jnp.int32) * off[e]
        rowid = glane + jnp.int32(c * 16)
        plsc.store_scatter(perm_v, [base + rank_v[sl]], rowid)

    gpe = [lax.shift_right_logical(cnt[e] + GS - 1, 4) for e in range(NRE)]
    gcum = [jnp.int32(0)] * NRE
    gcum[0] = gpe[0]
    for e in range(1, NRE):
        gcum[e] = gcum[e - 1] + gpe[e]
    total = gcum[NRE - 1]
    ge_vec = jnp.zeros((16,), jnp.int32)
    for e in range(NRE):
        ge_vec = ge_vec + (glane >= gcum[e]).astype(jnp.int32)
    gact_vec = (glane < total).astype(jnp.int32)
    ge_vec = jnp.where(gact_vec > 0, ge_vec, jnp.int32(NRE - 1))
    gstart = jnp.zeros((16,), jnp.int32)
    offsel = jnp.zeros((16,), jnp.int32)
    cntsel = jnp.zeros((16,), jnp.int32)
    for e in range(NRE):
        me = (ge_vec == e).astype(jnp.int32)
        gstart = gstart + me * (gcum[e] - gpe[e])
        offsel = offsel + me * off[e]
        cntsel = cntsel + me * cnt[e]
    p0_vec = offsel + (glane - gstart) * GS
    lim_vec = offsel + cntsel
    meta_v[0] = ge_vec
    meta_v[1] = gact_vec

    for g in range(NG):
        ge_g = ge_vec[g]
        act_g = gact_vec[g]
        p0_g = p0_vec[g]
        lim_g = lim_vec[g]
        idx = glane + p0_g
        idxc = jnp.minimum(idx, jnp.int32(B - 1))
        rows = plsc.load_gather(perm_v, [idxc])
        grow_v[g] = rows
        gval_v[g] = ((idx < lim_g) & (act_g > 0)).astype(jnp.int32)
        eidx = jnp.full((16,), ge_g, jnp.int32)
        rh = lax.shift_right_logical(rows, 1)
        gw_v[g] = plsc.load_gather(prob_v, [eidx, rh])

    tot = imp[0]
    for e in range(1, NRE):
        tot = tot + imp[e]
    mean = tot * jnp.float32(1.0 / NRE)
    var = jnp.float32(0.0)
    for e in range(NRE):
        dev = imp[e] - mean
        var = var + dev * dev
    var = var * jnp.float32(1.0 / (NRE - 1))
    loss_v[...] = (jnp.full((16,), var, jnp.float32)
                   / jnp.full((16,), mean * mean, jnp.float32))

    @pl.when(wid == 0)
    def _():
        pltpu.sync_copy(topv_v, topv_hbm)
        pltpu.sync_copy(eid_v, eid_hbm)
        pltpu.sync_copy(grow_v, grow_hbm)
        pltpu.sync_copy(gval_v, gval_hbm)
        pltpu.sync_copy(gw_v, gw_hbm)
        pltpu.sync_copy(loss_v, loss_hbm)
        pltpu.sync_copy(meta_v.at[0], ge_hbm)
        pltpu.sync_copy(meta_v.at[1], gact_hbm)


def _route(lt):
    mesh = plsc.VectorSubcoreMesh(core_axis_name="c", subcore_axis_name="s")
    f = pl.kernel(
        _route_body,
        mesh=mesh,
        compiler_params=pltpu.CompilerParams(needs_layout_passes=False),
        out_type=[
            jax.ShapeDtypeStruct((B,), jnp.float32),
            jax.ShapeDtypeStruct((B,), jnp.int32),
            jax.ShapeDtypeStruct((16,), jnp.int32),
            jax.ShapeDtypeStruct((16,), jnp.int32),
            jax.ShapeDtypeStruct((NG, GS), jnp.int32),
            jax.ShapeDtypeStruct((NG, GS), jnp.int32),
            jax.ShapeDtypeStruct((NG, GS), jnp.float32),
            jax.ShapeDtypeStruct((16,), jnp.float32),
        ],
        scratch_types=[
            pltpu.VMEM((NRE, B), jnp.float32),
            pltpu.VMEM((NRE, B), jnp.float32),
            pltpu.VMEM((B,), jnp.float32),
            pltpu.VMEM((B,), jnp.int32),
            pltpu.VMEM((B,), jnp.int32),
            pltpu.VMEM((B,), jnp.int32),
            pltpu.VMEM((2, 16), jnp.int32),
            pltpu.VMEM((NG, GS), jnp.int32),
            pltpu.VMEM((NG, GS), jnp.int32),
            pltpu.VMEM((NG, GS), jnp.float32),
            pltpu.VMEM((16,), jnp.float32),
        ],
    )
    return f(lt)



def _moe_body(ge_ref, gact_ref, grow_ref, gval_ref, gw_ref,
              x_ref, w1_ref, b1_ref, w2_ref, b2_ref,
              out_ref, xg_ref, acc_ref):
    g = pl.program_id(0)
    kf = pl.program_id(1)

    @pl.when(gact_ref[g] > 0)
    def _():
        @pl.when(kf == 0)
        def _():
            for s in range(GS):
                xg_ref[s * T:(s + 1) * T] = x_ref[grow_ref[g, s] // 2]

        h = jnp.dot(xg_ref[...], w1_ref[0], preferred_element_type=jnp.float32)
        h = h + b1_ref[0, 0][None, :]
        gl = jax.nn.gelu(h)
        wcol = jnp.concatenate(
            [jnp.full((T, 1), gw_ref[g, s], jnp.float32) for s in range(GS)],
            axis=0)
        gl = gl * wcol
        contrib = jnp.dot(gl, w2_ref[0], preferred_element_type=jnp.float32)

        @pl.when(kf == 0)
        def _():
            acc_ref[...] = contrib

        @pl.when(kf > 0)
        def _():
            acc_ref[...] = acc_ref[...] + contrib

        @pl.when(kf == KF - 1)
        def _():
            total = acc_ref[...] + wcol * b2_ref[0, 0][None, :]
            for s in range(GS):
                @pl.when(gval_ref[g, s] > 0)
                def _():
                    out_ref[grow_ref[g, s]] = total[s * T:(s + 1) * T]


def _widx(kf, gact, g):
    return jnp.where(gact[g] > 0, kf, 0)


def _moe_ffn(ge, gact, grow, gval, gw, x, W1, b1r, W2, b2r):
    grid_spec = pltpu.PrefetchScalarGridSpec(
        num_scalar_prefetch=5,
        grid=(NG, KF),
        in_specs=[
            pl.BlockSpec((B, T, D),
                         lambda g, kf, ge, ga, gr, gv, gw: (0, 0, 0)),
            pl.BlockSpec((1, D, BF),
                         lambda g, kf, ge, ga, gr, gv, gw:
                         (ge[g], 0, _widx(kf, ga, g))),
            pl.BlockSpec((1, 1, BF),
                         lambda g, kf, ge, ga, gr, gv, gw:
                         (ge[g], 0, _widx(kf, ga, g))),
            pl.BlockSpec((1, BF, D),
                         lambda g, kf, ge, ga, gr, gv, gw:
                         (ge[g], _widx(kf, ga, g), 0)),
            pl.BlockSpec((1, 1, D),
                         lambda g, kf, ge, ga, gr, gv, gw: (ge[g], 0, 0)),
        ],
        out_specs=pl.BlockSpec((B, T, D),
                               lambda g, kf, ge, ga, gr, gv, gw: (0, 0, 0)),
        scratch_shapes=[
            pltpu.VMEM((MG, D), jnp.float32),
            pltpu.VMEM((MG, D), jnp.float32),
        ],
    )
    return pl.pallas_call(
        _moe_body,
        grid_spec=grid_spec,
        out_shape=jax.ShapeDtypeStruct((B, T, D), jnp.float32),
        compiler_params=pltpu.CompilerParams(
            dimension_semantics=("arbitrary", "arbitrary"),
            vmem_limit_bytes=67000000,
        ),
    )(ge, gact, grow, gval, gw, x, W1, b1r, W2, b2r)


@jax.jit
def kernel(x, Wg, W1, b1, W2, b2):
    lt = _gate(x, Wg)
    topv, eid, ge16, gact16, grow, gval, gw, loss16 = _route(lt)
    ge = ge16[:NG]
    gact = gact16[:NG]

    b1r = b1.reshape(NRE, 1, DFF)
    b2r = b2.reshape(NRE, 1, D)
    output = _moe_ffn(ge, gact, grow, gval, gw, x, W1, b1r, W2, b2r)

    beam_scores = topv
    expert_route = eid[:, None]
    beam_idx = jnp.arange(B, dtype=jnp.int32)
    importance_loss = loss16[0]
    return (output, beam_scores, expert_route, beam_idx, importance_loss)

# --- scband reference (transcript-rebuilt; emitter-appended) ---
"""Pipeline reference for scband-uni-route-mo-elayer-18150531793245 (READ-ONLY COPY).

The authoritative reference and input builder live on the scoring server;
editing this copy changes nothing except your own understanding.
"""

import jax, jax.numpy as jnp
import numpy as np

B, T, D = 64, 32, 2048
E = 8
NRE = E - 1   # num_route_experts
NB = 2        # num_beams
NRB = NB - 1  # num_route_beam
DFF = 2048

def setup_inputs(seed: int = 0):
    key = jax.random.key(seed)
    ks = jax.random.split(key, 6)
    x = jax.random.normal(ks[0], (B, T, D), dtype=jnp.float32)
    Wg = jax.random.normal(ks[1], (NRE, D), dtype=jnp.float32) * 0.02
    W1 = jax.random.normal(ks[2], (NRE, D, DFF), dtype=jnp.float32) * 0.02
    b1 = jnp.zeros((NRE, DFF), dtype=jnp.float32)
    W2 = jax.random.normal(ks[3], (NRE, DFF, D), dtype=jnp.float32) * 0.02
    b2 = jnp.zeros((NRE, D), dtype=jnp.float32)
    return {"x": x, "Wg": Wg, "W1": W1, "b1": b1, "W2": W2, "b2": b2}

def reference(x, Wg, W1, b1, W2, b2):
    bsz, nt, d = x.shape
    # forward_gate: attention mask is all ones so x_masked == x
    x_avg = jnp.mean(x, axis=1)                       # [B, D]
    logits_gate = x_avg @ Wg.T                        # [B, NRE]
    prob_gate = jax.nn.softmax(logits_gate, axis=-1)  # [B, NRE]
    # importance auxiliary loss (torch.std is unbiased -> ddof=1)
    imp = jnp.sum(prob_gate, axis=0)
    importance_loss = (jnp.std(imp, ddof=1) / jnp.mean(imp)) ** 2
    # beam_search, first layer: beam_scores/expert_route are None
    current_scores_log = jnp.log(prob_gate)
    current_scores = jnp.exp(current_scores_log)      # == prob_gate
    topv, topi = jax.lax.top_k(current_scores, NRB)   # [B, 1]
    beam_scores = topv.reshape(NRB * bsz)             # [B]
    expert_route = topi.reshape(NRB * bsz)[:, None]   # [B, 1]
    beam_idx = jnp.arange(NRB * bsz)                  # [B]
    current_expert_select = expert_route[:, -1]       # [B]
    # layer_judge == 'first': replicate across num_beams
    x_rep = jnp.broadcast_to(x[:, None], (bsz, NB, nt, d)).reshape(-1, nt, d)        # [2B, T, D]
    scores_rep = jnp.broadcast_to(prob_gate[:, None, :], (bsz, NB, NRE)).reshape(-1, NRE)  # [2B, NRE]
    input_x = x_rep[beam_idx]       # [B, T, D]
    scores_sel = scores_rep[beam_idx]  # [B, NRE]
    # forward_expert_ffn over the num_experts-1 route experts
    outs = []
    for i in range(NRE):
        hi = jax.nn.gelu(input_x @ W1[i] + b1[i])
        outs.append(hi @ W2[i] + b2[i])
    candidate_output = jnp.stack(outs, axis=1)        # [B, NRE, T, D]
    expert_select_matrix = jax.nn.one_hot(current_expert_select, NRE, dtype=candidate_output.dtype)
    tmp_prob = scores_sel * expert_select_matrix      # weight_type == 'ffn_prob'
    output = jnp.sum(candidate_output * tmp_prob[:, :, None, None], axis=1)  # [B, T, D]
    return (output, beam_scores, expert_route, beam_idx, importance_loss)

if __name__ == "__main__":
    import jax
    _d = setup_inputs()
    print(jax.jit(kernel)(*tuple(_d.values())))

</pallas_src>

<mosaic_0001>
#map = affine_map<(d0, d1) -> (0, 0)>
#map1 = affine_map<(d0, d1) -> (0)>
module attributes {stable_mosaic.version = 14 : i64} {
  func.func @_route_body(%arg0: i32, %arg1: i32, %arg2: memref<7x64xf32, #tpu.memory_space<hbm>>, %arg3: memref<64xf32, #tpu.memory_space<hbm>>, %arg4: memref<64xi32, #tpu.memory_space<hbm>>, %arg5: memref<16xi32, #tpu.memory_space<hbm>>, %arg6: memref<16xi32, #tpu.memory_space<hbm>>, %arg7: memref<10x16xi32, #tpu.memory_space<hbm>>, %arg8: memref<10x16xi32, #tpu.memory_space<hbm>>, %arg9: memref<10x16xf32, #tpu.memory_space<hbm>>, %arg10: memref<16xf32, #tpu.memory_space<hbm>>, %arg11: memref<7x64xf32, #tpu.memory_space<vmem>>, %arg12: memref<7x64xf32, #tpu.memory_space<vmem>>, %arg13: memref<64xf32, #tpu.memory_space<vmem>>, %arg14: memref<64xi32, #tpu.memory_space<vmem>>, %arg15: memref<64xi32, #tpu.memory_space<vmem>>, %arg16: memref<64xi32, #tpu.memory_space<vmem>>, %arg17: memref<2x16xi32, #tpu.memory_space<vmem>>, %arg18: memref<10x16xi32, #tpu.memory_space<vmem>>, %arg19: memref<10x16xi32, #tpu.memory_space<vmem>>, %arg20: memref<10x16xf32, #tpu.memory_space<vmem>>, %arg21: memref<16xf32, #tpu.memory_space<vmem>>) attributes {dimension_semantics = [#tpu.dimension_semantics<core_parallel>, #tpu.dimension_semantics<subcore_parallel>], iteration_bounds = array<i64: 2, 16>, scalar_prefetch = 0 : i64, scratch_operands = 11 : i64, tpu.core_type = #tpu.core_type<sc_vector_subcore>, window_params = [{transform_indices = #map}, {transform_indices = #map1}, {transform_indices = #map1}, {transform_indices = #map1}, {transform_indices = #map1}, {transform_indices = #map}, {transform_indices = #map}, {transform_indices = #map}, {transform_indices = #map1}]} {
    %mul3A = arith.constant 2 : i32
    %mul3A_0 = arith.muli %arg1, %mul3A : i32
    %add3A = arith.addi %mul3A_0, %arg0 : i32
    "tpu.region"() ({
      %run_scoped3A = tpu.sem_alloc : memref<!tpu.dma_semaphore, #tpu.memory_space<semaphore_mem>>
      tpu.enqueue_dma source(%arg2 : memref<7x64xf32, #tpu.memory_space<hbm>>) target(%arg11 : memref<7x64xf32, #tpu.memory_space<vmem>>) target_semaphore(%run_scoped3A : memref<!tpu.dma_semaphore, #tpu.memory_space<semaphore_mem>>)
      tpu.wait_dma2 semaphore(%run_scoped3A : memref<!tpu.dma_semaphore, #tpu.memory_space<semaphore_mem>>) src(%arg2 : memref<7x64xf32, #tpu.memory_space<hbm>>) dst(%arg11 : memref<7x64xf32, #tpu.memory_space<vmem>>)
      tpu.yield
    }) : () -> ()
    %iota3A = tpu.iota {dimensions = array<i32: 0>} : vector<16xi32>
    %get3A = arith.constant 0 : i32
    %get3A_1 = arith.index_cast %get3A : i32 to index
    %get3A_2 = arith.constant 0 : index
    %get3A_3 = tpu.vector_load %arg11[%get3A_1, %get3A_2] {strides = array<i32>} : memref<7x64xf32, #tpu.memory_space<vmem>>, vector<16xf32>,
    %get3A_4 = arith.constant 1 : i32
    %get3A_5 = arith.index_cast %get3A_4 : i32 to index
    %get3A_6 = arith.constant 0 : index
    %get3A_7 = tpu.vector_load %arg11[%get3A_5, %get3A_6] {strides = array<i32>} : memref<7x64xf32, #tpu.memory_space<vmem>>, vector<16xf32>,
    %get3A_8 = arith.constant 2 : i32
    %get3A_9 = arith.index_cast %get3A_8 : i32 to index
    %get3A_10 = arith.constant 0 : index
    %get3A_11 = tpu.vector_load %arg11[%get3A_9, %get3A_10] {strides = array<i32>} : memref<7x64xf32, #tpu.memory_space<vmem>>, vector<16xf32>,
    %get3A_12 = arith.constant 3 : i32
    %get3A_13 = arith.index_cast %get3A_12 : i32 to index
    %get3A_14 = arith.constant 0 : index
    %get3A_15 = tpu.vector_load %arg11[%get3A_13, %get3A_14] {strides = array<i32>} : memref<7x64xf32, #tpu.memory_space<vmem>>, vector<16xf32>,
    %get3A_16 = arith.constant 4 : i32
    %get3A_17 = arith.index_cast %get3A_16 : i32 to index
    %get3A_18 = arith.constant 0 : index
    %get3A_19 = tpu.vector_load %arg11[%get3A_17, %get3A_18] {strides = array<i32>} : memref<7x64xf32, #tpu.memory_space<vmem>>, vector<16xf32>,
    %get3A_20 = arith.constant 5 : i32
    %get3A_21 = arith.index_cast %get3A_20 : i32 to index
    %get3A_22 = arith.constant 0 : index
    %get3A_23 = tpu.vector_load %arg11[%get3A_21, %get3A_22] {strides = array<i32>} : memref<7x64xf32, #tpu.memory_space<vmem>>, vector<16xf32>,
    %get3A_24 = arith.constant 6 : i32
    %get3A_25 = arith.index_cast %get3A_24 : i32 to index
    %get3A_26 = arith.constant 0 : index
    %get3A_27 = tpu.vector_load %arg11[%get3A_25, %get3A_26] {strides = array<i32>} : memref<7x64xf32, #tpu.memory_space<vmem>>, vector<16xf32>,
    %max3A = arith.maximumf %get3A_3, %get3A_7 : vector<16xf32>
    %max3A_28 = arith.maximumf %max3A, %get3A_11 : vector<16xf32>
    %max3A_29 = arith.maximumf %max3A_28, %get3A_15 : vector<16xf32>
    %max3A_30 = arith.maximumf %max3A_29, %get3A_19 : vector<16xf32>
    %max3A_31 = arith.maximumf %max3A_30, %get3A_23 : vector<16xf32>
    %max3A_32 = arith.maximumf %max3A_31, %get3A_27 : vector<16xf32>
    %sub3A = arith.subf %get3A_3, %max3A_32 : vector<16xf32>
    %exp3A = math.exp %sub3A : vector<16xf32>
    %sub3A_33 = arith.subf %get3A_7, %max3A_32 : vector<16xf32>
    %exp3A_34 = math.exp %sub3A_33 : vector<16xf32>
    %sub3A_35 = arith.subf %get3A_11, %max3A_32 : vector<16xf32>
    %exp3A_36 = math.exp %sub3A_35 : vector<16xf32>
    %sub3A_37 = arith.subf %get3A_15, %max3A_32 : vector<16xf32>
    %exp3A_38 = math.exp %sub3A_37 : vector<16xf32>
    %sub3A_39 = arith.subf %get3A_19, %max3A_32 : vector<16xf32>
    %exp3A_40 = math.exp %sub3A_39 : vector<16xf32>
    %sub3A_41 = arith.subf %get3A_23, %max3A_32 : vector<16xf32>
    %exp3A_42 = math.exp %sub3A_41 : vector<16xf32>
    %sub3A_43 = arith.subf %get3A_27, %max3A_32 : vector<16xf32>
    %exp3A_44 = math.exp %sub3A_43 : vector<16xf32>
    %add3A_45 = arith.addf %exp3A, %exp3A_34 : vector<16xf32>
    %add3A_46 = arith.addf %add3A_45, %exp3A_36 : vector<16xf32>
    %add3A_47 = arith.addf %add3A_46, %exp3A_38 : vector<16xf32>
    %add3A_48 = arith.addf %add3A_47, %exp3A_40 : vector<16xf32>
    %add3A_49 = arith.addf %add3A_48, %exp3A_42 : vector<16xf32>
    %add3A_50 = arith.addf %add3A_49, %exp3A_44 : vector<16xf32>
    %div3A = arith.divf %exp3A, %add3A_50 : vector<16xf32>
    %div3A_51 = arith.divf %exp3A_34, %add3A_50 : vector<16xf32>
    %div3A_52 = arith.divf %exp3A_36, %add3A_50 : vector<16xf32>
    %div3A_53 = arith.divf %exp3A_38, %add3A_50 : vector<16xf32>
    %div3A_54 = arith.divf %exp3A_40, %add3A_50 : vector<16xf32>
    %div3A_55 = arith.divf %exp3A_42, %add3A_50 : vector<16xf32>
    %div3A_56 = arith.divf %exp3A_44, %add3A_50 : vector<16xf32>
    %broadcast_in_dim3A = arith.constant 0 : i32
    %broadcast_in_dim3A_57 = vector.broadcast %broadcast_in_dim3A : i32 to vector<16xi32>
    %gt3A = arith.cmpf ogt, %div3A_51, %div3A : vector<16xf32>
    %select_n3A = arith.select %gt3A, %div3A_51, %div3A : vector<16xi1>, vector<16xf32>
    %jit3A = arith.constant 1 : i32
    %broadcast_in_dim3A_58 = vector.broadcast %jit3A : i32 to vector<16xi32>
    %select_n3A_59 = arith.select %gt3A, %broadcast_in_dim3A_58, %broadcast_in_dim3A_57 : vector<16xi1>, vector<16xi32>
    %gt3A_60 = arith.cmpf ogt, %div3A_52, %select_n3A : vector<16xf32>
    %select_n3A_61 = arith.select %gt3A_60, %div3A_52, %select_n3A : vector<16xi1>, vector<16xf32>
    %jit3A_62 = arith.constant 2 : i32
    %broadcast_in_dim3A_63 = vector.broadcast %jit3A_62 : i32 to vector<16xi32>
    %select_n3A_64 = arith.select %gt3A_60, %broadcast_in_dim3A_63, %select_n3A_59 : vector<16xi1>, vector<16xi32>
    %gt3A_65 = arith.cmpf ogt, %div3A_53, %select_n3A_61 : vector<16xf32>
    %select_n3A_66 = arith.select %gt3A_65, %div3A_53, %select_n3A_61 : vector<16xi1>, vector<16xf32>
    %jit3A_67 = arith.constant 3 : i32
    %broadcast_in_dim3A_68 = vector.broadcast %jit3A_67 : i32 to vector<16xi32>
    %select_n3A_69 = arith.select %gt3A_65, %broadcast_in_dim3A_68, %select_n3A_64 : vector<16xi1>, vector<16xi32>
    %gt3A_70 = arith.cmpf ogt, %div3A_54, %select_n3A_66 : vector<16xf32>
    %select_n3A_71 = arith.select %gt3A_70, %div3A_54, %select_n3A_66 : vector<16xi1>, vector<16xf32>
    %jit3A_72 = arith.constant 4 : i32
    %broadcast_in_dim3A_73 = vector.broadcast %jit3A_72 : i32 to vector<16xi32>
    %select_n3A_74 = arith.select %gt3A_70, %broadcast_in_dim3A_73, %select_n3A_69 : vector<16xi1>, vector<16xi32>
    %gt3A_75 = arith.cmpf ogt, %div3A_55, %select_n3A_71 : vector<16xf32>
    %select_n3A_76 = arith.select %gt3A_75, %div3A_55, %select_n3A_71 : vector<16xi1>, vector<16xf32>
    %jit3A_77 = arith.constant 5 : i32
    %broadcast_in_dim3A_78 = vector.broadcast %jit3A_77 : i32 to vector<16xi32>
    %select_n3A_79 = arith.select %gt3A_75, %broadcast_in_dim3A_78, %select_n3A_74 : vector<16xi1>, vector<16xi32>
    %gt3A_80 = arith.cmpf ogt, %div3A_56, %select_n3A_76 : vector<16xf32>
    %select_n3A_81 = arith.select %gt3A_80, %div3A_56, %select_n3A_76 : vector<16xi1>, vector<16xf32>
    %jit3A_82 = arith.constant 6 : i32
    %broadcast_in_dim3A_83 = vector.broadcast %jit3A_82 : i32 to vector<16xi32>
    %select_n3A_84 = arith.select %gt3A_80, %broadcast_in_dim3A_83, %select_n3A_79 : vector<16xi1>, vector<16xi32>
    %swap3A = arith.constant 0 : index
    %swap3A_85 = tpu.vector_load %arg13[%swap3A] {strides = array<i32>} : memref<64xf32, #tpu.memory_space<vmem>>, vector<16xf32>,
    tpu.vector_store %arg13[%swap3A], %select_n3A_81 {strides = array<i32>} : memref<64xf32, #tpu.memory_space<vmem>>, vector<16xf32>,
    %swap3A_86 = arith.constant 0 : index
    %swap3A_87 = tpu.vector_load %arg14[%swap3A_86] {strides = array<i32>} : memref<64xi32, #tpu.memory_space<vmem>>, vector<16xi32>,
    tpu.vector_store %arg14[%swap3A_86], %select_n3A_84 {strides = array<i32>} : memref<64xi32, #tpu.memory_space<vmem>>, vector<16xi32>,
    %swap3A_88 = arith.constant 0 : i32
    %swap3A_89 = arith.index_cast %swap3A_88 : i32 to index
    %swap3A_90 = arith.constant 0 : index
    %swap3A_91 = tpu.vector_load %arg12[%swap3A_89, %swap3A_90] {strides = array<i32>} : memref<7x64xf32, #tpu.memory_space<vmem>>, vector<16xf32>,
    tpu.vector_store %arg12[%swap3A_89, %swap3A_90], %div3A {strides = array<i32>} : memref<7x64xf32, #tpu.memory_space<vmem>>, vector<16xf32>,
    %reduce_sum3A = arith.constant true
    %reduce_sum3A_92 = vector.broadcast %reduce_sum3A : i1 to vector<16xi1>
    %reduce_sum3A_93 = tpu.scan <sum>, %div3A masked %reduce_sum3A_92 : vector<16xf32>, vector<16xi1> -> vector<16xf32>
    %reduce_sum3A_94 = vector.extract %reduce_sum3A_93[15] : f32 from vector<16xf32>
    %add3A_95 = arith.constant 0.000000e+00 : f32
    %add3A_96 = arith.addf %add3A_95, %reduce_sum3A_94 : f32
    %swap3A_97 = arith.constant 1 : i32
    %swap3A_98 = arith.index_cast %swap3A_97 : i32 to index
    %swap3A_99 = arith.constant 0 : index
    %swap3A_100 = tpu.vector_load %arg12[%swap3A_98, %swap3A_99] {strides = array<i32>} : memref<7x64xf32, #tpu.memory_space<vmem>>, vector<16xf32>,
    tpu.vector_store %arg12[%swap3A_98, %swap3A_99], %div3A_51 {strides = array<i32>} : memref<7x64xf32, #tpu.memory_space<vmem>>, vector<16xf32>,
    %reduce_sum3A_101 = arith.constant true
    %reduce_sum3A_102 = vector.broadcast %reduce_sum3A_101 : i1 to vector<16xi1>
    %reduce_sum3A_103 = tpu.scan <sum>, %div3A_51 masked %reduce_sum3A_102 : vector<16xf32>, vector<16xi1> -> vector<16xf32>
    %reduce_sum3A_104 = vector.extract %reduce_sum3A_103[15] : f32 from vector<16xf32>
    %add3A_105 = arith.constant 0.000000e+00 : f32
    %add3A_106 = arith.addf %add3A_105, %reduce_sum3A_104 : f32
    %swap3A_107 = arith.constant 2 : i32
    %swap3A_108 = arith.index_cast %swap3A_107 : i32 to index
    %swap3A_109 = arith.constant 0 : index
    %swap3A_110 = tpu.vector_load %arg12[%swap3A_108, %swap3A_109] {strides = array<i32>} : memref<7x64xf32, #tpu.memory_space<vmem>>, vector<16xf32>,
    tpu.vector_store %arg12[%swap3A_108, %swap3A_109], %div3A_52 {strides = array<i32>} : memref<7x64xf32, #tpu.memory_space<vmem>>, vector<16xf32>,
    %reduce_sum3A_111 = arith.constant true
    %reduce_sum3A_112 = vector.broadcast %reduce_sum3A_111 : i1 to vector<16xi1>
    %reduce_sum3A_113 = tpu.scan <sum>, %div3A_52 masked %reduce_sum3A_112 : vector<16xf32>, vector<16xi1> -> vector<16xf32>
    %reduce_sum3A_114 = vector.extract %reduce_sum3A_113[15] : f32 from vector<16xf32>
    %add3A_115 = arith.constant 0.000000e+00 : f32
    %add3A_116 = arith.addf %add3A_115, %reduce_sum3A_114 : f32
    %swap3A_117 = arith.constant 3 : i32
    %swap3A_118 = arith.index_cast %swap3A_117 : i32 to index
    %swap3A_119 = arith.constant 0 : index
    %swap3A_120 = tpu.vector_load %arg12[%swap3A_118, %swap3A_119] {strides = array<i32>} : memref<7x64xf32, #tpu.memory_space<vmem>>, vector<16xf32>,
    tpu.vector_store %arg12[%swap3A_118, %swap3A_119], %div3A_53 {strides = array<i32>} : memref<7x64xf32, #tpu.memory_space<vmem>>, vector<16xf32>,
    %reduce_sum3A_121 = arith.constant true
    %reduce_sum3A_122 = vector.broadcast %reduce_sum3A_121 : i1 to vector<16xi1>
    %reduce_sum3A_123 = tpu.scan <sum>, %div3A_53 masked %reduce_sum3A_122 : vector<16xf32>, vector<16xi1> -> vector<16xf32>
    %reduce_sum3A_124 = vector.extract %reduce_sum3A_123[15] : f32 from vector<16xf32>
    %add3A_125 = arith.constant 0.000000e+00 : f32
    %add3A_126 = arith.addf %add3A_125, %reduce_sum3A_124 : f32
    %swap3A_127 = arith.constant 4 : i32
    %swap3A_128 = arith.index_cast %swap3A_127 : i32 to index
    %swap3A_129 = arith.constant 0 : index
    %swap3A_130 = tpu.vector_load %arg12[%swap3A_128, %swap3A_129] {strides = array<i32>} : memref<7x64xf32, #tpu.memory_space<vmem>>, vector<16xf32>,
    tpu.vector_store %arg12[%swap3A_128, %swap3A_129], %div3A_54 {strides = array<i32>} : memref<7x64xf32, #tpu.memory_space<vmem>>, vector<16xf32>,
    %reduce_sum3A_131 = arith.constant true
    %reduce_sum3A_132 = vector.broadcast %reduce_sum3A_131 : i1 to vector<16xi1>
    %reduce_sum3A_133 = tpu.scan <sum>, %div3A_54 masked %reduce_sum3A_132 : vector<16xf32>, vector<16xi1> -> vector<16xf32>
    %reduce_sum3A_134 = vector.extract %reduce_sum3A_133[15] : f32 from vector<16xf32>
    %add3A_135 = arith.constant 0.000000e+00 : f32
    %add3A_136 = arith.addf %add3A_135, %reduce_sum3A_134 : f32
    %swap3A_137 = arith.constant 5 : i32
    %swap3A_138 = arith.index_cast %swap3A_137 : i32 to index
    %swap3A_139 = arith.constant 0 : index
    %swap3A_140 = tpu.vector_load %arg12[%swap3A_138, %swap3A_139] {strides = array<i32>} : memref<7x64xf32, #tpu.memory_space<vmem>>, vector<16xf32>,
    tpu.vector_store %arg12[%swap3A_138, %swap3A_139], %div3A_55 {strides = array<i32>} : memref<7x64xf32, #tpu.memory_space<vmem>>, vector<16xf32>,
    %reduce_sum3A_141 = arith.constant true
    %reduce_sum3A_142 = vector.broadcast %reduce_sum3A_141 : i1 to vector<16xi1>
    %reduce_sum3A_143 = tpu.scan <sum>, %div3A_55 masked %reduce_sum3A_142 : vector<16xf32>, vector<16xi1> -> vector<16xf32>
    %reduce_sum3A_144 = vector.extract %reduce_sum3A_143[15] : f32 from vector<16xf32>
    %add3A_145 = arith.constant 0.000000e+00 : f32
    %add3A_146 = arith.addf %add3A_145, %reduce_sum3A_144 : f32
    %swap3A_147 = arith.constant 6 : i32
    %swap3A_148 = arith.index_cast %swap3A_147 : i32 to index
    %swap3A_149 = arith.constant 0 : index
    %swap3A_150 = tpu.vector_load %arg12[%swap3A_148, %swap3A_149] {strides = array<i32>} : memref<7x64xf32, #tpu.memory_space<vmem>>, vector<16xf32>,
    tpu.vector_store %arg12[%swap3A_148, %swap3A_149], %div3A_56 {strides = array<i32>} : memref<7x64xf32, #tpu.memory_space<vmem>>, vector<16xf32>,
    %reduce_sum3A_151 = arith.constant true
    %reduce_sum3A_152 = vector.broadcast %reduce_sum3A_151 : i1 to vector<16xi1>
    %reduce_sum3A_153 = tpu.scan <sum>, %div3A_56 masked %reduce_sum3A_152 : vector<16xf32>, vector<16xi1> -> vector<16xf32>
    %reduce_sum3A_154 = vector.extract %reduce_sum3A_153[15] : f32 from vector<16xf32>
    %add3A_155 = arith.constant 0.000000e+00 : f32
    %add3A_156 = arith.addf %add3A_155, %reduce_sum3A_154 : f32
    %get3A_157 = arith.constant 0 : i32
    %get3A_158 = arith.index_cast %get3A_157 : i32 to index
    %get3A_159 = arith.constant 16 : index
    %get3A_160 = tpu.vector_load %arg11[%get3A_158, %get3A_159] {strides = array<i32>} : memref<7x64xf32, #tpu.memory_space<vmem>>, vector<16xf32>,
    %get3A_161 = arith.constant 1 : i32
    %get3A_162 = arith.index_cast %get3A_161 : i32 to index
    %get3A_163 = arith.constant 16 : index
    %get3A_164 = tpu.vector_load %arg11[%get3A_162, %get3A_163] {strides = array<i32>} : memref<7x64xf32, #tpu.memory_space<vmem>>, vector<16xf32>,
    %get3A_165 = arith.constant 2 : i32
    %get3A_166 = arith.index_cast %get3A_165 : i32 to index
    %get3A_167 = arith.constant 16 : index
    %get3A_168 = tpu.vector_load %arg11[%get3A_166, %get3A_167] {strides = array<i32>} : memref<7x64xf32, #tpu.memory_space<vmem>>, vector<16xf32>,
    %get3A_169 = arith.constant 3 : i32
    %get3A_170 = arith.index_cast %get3A_169 : i32 to index
    %get3A_171 = arith.constant 16 : index
    %get3A_172 = tpu.vector_load %arg11[%get3A_170, %get3A_171] {strides = array<i32>} : memref<7x64xf32, #tpu.memory_space<vmem>>, vector<16xf32>,
    %get3A_173 = arith.constant 4 : i32
    %get3A_174 = arith.index_cast %get3A_173 : i32 to index
    %get3A_175 = arith.constant 16 : index
    %get3A_176 = tpu.vector_load %arg11[%get3A_174, %get3A_175] {strides = array<i32>} : memref<7x64xf32, #tpu.memory_space<vmem>>, vector<16xf32>,
    %get3A_177 = arith.constant 5 : i32
    %get3A_178 = arith.index_cast %get3A_177 : i32 to index
    %get3A_179 = arith.constant 16 : index
    %get3A_180 = tpu.vector_load %arg11[%get3A_178, %get3A_179] {strides = array<i32>} : memref<7x64xf32, #tpu.memory_space<vmem>>, vector<16xf32>,
    %get3A_181 = arith.constant 6 : i32
    %get3A_182 = arith.index_cast %get3A_181 : i32 to index
    %get3A_183 = arith.constant 16 : index
    %get3A_184 = tpu.vector_load %arg11[%get3A_182, %get3A_183] {strides = array<i32>} : memref<7x64xf32, #tpu.memory_space<vmem>>, vector<16xf32>,
    %max3A_185 = arith.maximumf %get3A_160, %get3A_164 : vector<16xf32>
    %max3A_186 = arith.maximumf %max3A_185, %get3A_168 : vector<16xf32>
    %max3A_187 = arith.maximumf %max3A_186, %get3A_172 : vector<16xf32>
    %max3A_188 = arith.maximumf %max3A_187, %get3A_176 : vector<16xf32>
    %max3A_189 = arith.maximumf %max3A_188, %get3A_180 : vector<16xf32>
    %max3A_190 = arith.maximumf %max3A_189, %get3A_184 : vector<16xf32>
    %sub3A_191 = arith.subf %get3A_160, %max3A_190 : vector<16xf32>
    %exp3A_192 = math.exp %sub3A_191 : vector<16xf32>
    %sub3A_193 = arith.subf %get3A_164, %max3A_190 : vector<16xf32>
    %exp3A_194 = math.exp %sub3A_193 : vector<16xf32>
    %sub3A_195 = arith.subf %get3A_168, %max3A_190 : vector<16xf32>
    %exp3A_196 = math.exp %sub3A_195 : vector<16xf32>
    %sub3A_197 = arith.subf %get3A_172, %max3A_190 : vector<16xf32>
    %exp3A_198 = math.exp %sub3A_197 : vector<16xf32>
    %sub3A_199 = arith.subf %get3A_176, %max3A_190 : vector<16xf32>
    %exp3A_200 = math.exp %sub3A_199 : vector<16xf32>
    %sub3A_201 = arith.subf %get3A_180, %max3A_190 : vector<16xf32>
    %exp3A_202 = math.exp %sub3A_201 : vector<16xf32>
    %sub3A_203 = arith.subf %get3A_184, %max3A_190 : vector<16xf32>
    %exp3A_204 = math.exp %sub3A_203 : vector<16xf32>
    %add3A_205 = arith.addf %exp3A_192, %exp3A_194 : vector<16xf32>
    %add3A_206 = arith.addf %add3A_205, %exp3A_196 : vector<16xf32>
    %add3A_207 = arith.addf %add3A_206, %exp3A_198 : vector<16xf32>
    %add3A_208 = arith.addf %add3A_207, %exp3A_200 : vector<16xf32>
    %add3A_209 = arith.addf %add3A_208, %exp3A_202 : vector<16xf32>
    %add3A_210 = arith.addf %add3A_209, %exp3A_204 : vector<16xf32>
    %div3A_211 = arith.divf %exp3A_192, %add3A_210 : vector<16xf32>
    %div3A_212 = arith.divf %exp3A_194, %add3A_210 : vector<16xf32>
    %div3A_213 = arith.divf %exp3A_196, %add3A_210 : vector<16xf32>
    %div3A_214 = arith.divf %exp3A_198, %add3A_210 : vector<16xf32>
    %div3A_215 = arith.divf %exp3A_200, %add3A_210 : vector<16xf32>
    %div3A_216 = arith.divf %exp3A_202, %add3A_210 : vector<16xf32>
    %div3A_217 = arith.divf %exp3A_204, %add3A_210 : vector<16xf32>
    %broadcast_in_dim3A_218 = arith.constant 0 : i32
    %broadcast_in_dim3A_219 = vector.broadcast %broadcast_in_dim3A_218 : i32 to vector<16xi32>
    %gt3A_220 = arith.cmpf ogt, %div3A_212, %div3A_211 : vector<16xf32>
    %select_n3A_221 = arith.select %gt3A_220, %div3A_212, %div3A_211 : vector<16xi1>, vector<16xf32>
    %jit3A_222 = arith.constant 1 : i32
    %broadcast_in_dim3A_223 = vector.broadcast %jit3A_222 : i32 to vector<16xi32>
    %select_n3A_224 = arith.select %gt3A_220, %broadcast_in_dim3A_223, %broadcast_in_dim3A_219 : vector<16xi1>, vector<16xi32>
    %gt3A_225 = arith.cmpf ogt, %div3A_213, %select_n3A_221 : vector<16xf32>
    %select_n3A_226 = arith.select %gt3A_225, %div3A_213, %select_n3A_221 : vector<16xi1>, vector<16xf32>
    %jit3A_227 = arith.constant 2 : i32
    %broadcast_in_dim3A_228 = vector.broadcast %jit3A_227 : i32 to vector<16xi32>
    %select_n3A_229 = arith.select %gt3A_225, %broadcast_in_dim3A_228, %select_n3A_224 : vector<16xi1>, vector<16xi32>
    %gt3A_230 = arith.cmpf ogt, %div3A_214, %select_n3A_226 : vector<16xf32>
    %select_n3A_231 = arith.select %gt3A_230, %div3A_214, %select_n3A_226 : vector<16xi1>, vector<16xf32>
    %jit3A_232 = arith.constant 3 : i32
    %broadcast_in_dim3A_233 = vector.broadcast %jit3A_232 : i32 to vector<16xi32>
    %select_n3A_234 = arith.select %gt3A_230, %broadcast_in_dim3A_233, %select_n3A_229 : vector<16xi1>, vector<16xi32>
    %gt3A_235 = arith.cmpf ogt, %div3A_215, %select_n3A_231 : vector<16xf32>
    %select_n3A_236 = arith.select %gt3A_235, %div3A_215, %select_n3A_231 : vector<16xi1>, vector<16xf32>
    %jit3A_237 = arith.constant 4 : i32
    %broadcast_in_dim3A_238 = vector.broadcast %jit3A_237 : i32 to vector<16xi32>
    %select_n3A_239 = arith.select %gt3A_235, %broadcast_in_dim3A_238, %select_n3A_234 : vector<16xi1>, vector<16xi32>
    %gt3A_240 = arith.cmpf ogt, %div3A_216, %select_n3A_236 : vector<16xf32>
    %select_n3A_241 = arith.select %gt3A_240, %div3A_216, %select_n3A_236 : vector<16xi1>, vector<16xf32>
    %jit3A_242 = arith.constant 5 : i32
    %broadcast_in_dim3A_243 = vector.broadcast %jit3A_242 : i32 to vector<16xi32>
    %select_n3A_244 = arith.select %gt3A_240, %broadcast_in_dim3A_243, %select_n3A_239 : vector<16xi1>, vector<16xi32>
    %gt3A_245 = arith.cmpf ogt, %div3A_217, %select_n3A_241 : vector<16xf32>
    %select_n3A_246 = arith.select %gt3A_245, %div3A_217, %select_n3A_241 : vector<16xi1>, vector<16xf32>
    %jit3A_247 = arith.constant 6 : i32
    %broadcast_in_dim3A_248 = vector.broadcast %jit3A_247 : i32 to vector<16xi32>
    %select_n3A_249 = arith.select %gt3A_245, %broadcast_in_dim3A_248, %select_n3A_244 : vector<16xi1>, vector<16xi32>
    %swap3A_250 = arith.constant 16 : index
    %swap3A_251 = tpu.vector_load %arg13[%swap3A_250] {strides = array<i32>} : memref<64xf32, #tpu.memory_space<vmem>>, vector<16xf32>,
    tpu.vector_store %arg13[%swap3A_250], %select_n3A_246 {strides = array<i32>} : memref<64xf32, #tpu.memory_space<vmem>>, vector<16xf32>,
    %swap3A_252 = arith.constant 16 : index
    %swap3A_253 = tpu.vector_load %arg14[%swap3A_252] {strides = array<i32>} : memref<64xi32, #tpu.memory_space<vmem>>, vector<16xi32>,
    tpu.vector_store %arg14[%swap3A_252], %select_n3A_249 {strides = array<i32>} : memref<64xi32, #tpu.memory_space<vmem>>, vector<16xi32>,
    %swap3A_254 = arith.constant 0 : i32
    %swap3A_255 = arith.index_cast %swap3A_254 : i32 to index
    %swap3A_256 = arith.constant 16 : index
    %swap3A_257 = tpu.vector_load %arg12[%swap3A_255, %swap3A_256] {strides = array<i32>} : memref<7x64xf32, #tpu.memory_space<vmem>>, vector<16xf32>,
    tpu.vector_store %arg12[%swap3A_255, %swap3A_256], %div3A_211 {strides = array<i32>} : memref<7x64xf32, #tpu.memory_space<vmem>>, vector<16xf32>,
    %reduce_sum3A_258 = arith.constant true
    %reduce_sum3A_259 = vector.broadcast %reduce_sum3A_258 : i1 to vector<16xi1>
    %reduce_sum3A_260 = tpu.scan <sum>, %div3A_211 masked %reduce_sum3A_259 : vector<16xf32>, vector<16xi1> -> vector<16xf32>
    %reduce_sum3A_261 = vector.extract %reduce_sum3A_260[15] : f32 from vector<16xf32>
    %add3A_262 = arith.addf %add3A_96, %reduce_sum3A_261 : f32
    %swap3A_263 = arith.constant 1 : i32
    %swap3A_264 = arith.index_cast %swap3A_263 : i32 to index
    %swap3A_265 = arith.constant 16 : index
    %swap3A_266 = tpu.vector_load %arg12[%swap3A_264, %swap3A_265] {strides = array<i32>} : memref<7x64xf32, #tpu.memory_space<vmem>>, vector<16xf32>,
    tpu.vector_store %arg12[%swap3A_264, %swap3A_265], %div3A_212 {strides = array<i32>} : memref<7x64xf32, #tpu.memory_space<vmem>>, vector<16xf32>,
    %reduce_sum3A_267 = arith.constant true
    %reduce_sum3A_268 = vector.broadcast %reduce_sum3A_267 : i1 to vector<16xi1>
    %reduce_sum3A_269 = tpu.scan <sum>, %div3A_212 masked %reduce_sum3A_268 : vector<16xf32>, vector<16xi1> -> vector<16xf32>
    %reduce_sum3A_270 = vector.extract %reduce_sum3A_269[15] : f32 from vector<16xf32>
    %add3A_271 = arith.addf %add3A_106, %reduce_sum3A_270 : f32
    %swap3A_272 = arith.constant 2 : i32
    %swap3A_273 = arith.index_cast %swap3A_272 : i32 to index
    %swap3A_274 = arith.constant 16 : index
    %swap3A_275 = tpu.vector_load %arg12[%swap3A_273, %swap3A_274] {strides = array<i32>} : memref<7x64xf32, #tpu.memory_space<vmem>>, vector<16xf32>,
    tpu.vector_store %arg12[%swap3A_273, %swap3A_274], %div3A_213 {strides = array<i32>} : memref<7x64xf32, #tpu.memory_space<vmem>>, vector<16xf32>,
    %reduce_sum3A_276 = arith.constant true
    %reduce_sum3A_277 = vector.broadcast %reduce_sum3A_276 : i1 to vector<16xi1>
    %reduce_sum3A_278 = tpu.scan <sum>, %div3A_213 masked %reduce_sum3A_277 : vector<16xf32>, vector<16xi1> -> vector<16xf32>
    %reduce_sum3A_279 = vector.extract %reduce_sum3A_278[15] : f32 from vector<16xf32>
    %add3A_280 = arith.addf %add3A_116, %reduce_sum3A_279 : f32
    %swap3A_281 = arith.constant 3 : i32
    %swap3A_282 = arith.index_cast %swap3A_281 : i32 to index
    %swap3A_283 = arith.constant 16 : index
    %swap3A_284 = tpu.vector_load %arg12[%swap3A_282, %swap3A_283] {strides = array<i32>} : memref<7x64xf32, #tpu.memory_space<vmem>>, vector<16xf32>,
    tpu.vector_store %arg12[%swap3A_282, %swap3A_283], %div3A_214 {strides = array<i32>} : memref<7x64xf32, #tpu.memory_space<vmem>>, vector<16xf32>,
    %reduce_sum3A_285 = arith.constant true
    %reduce_sum3A_286 = vector.broadcast %reduce_sum3A_285 : i1 to vector<16xi1>
    %reduce_sum3A_287 = tpu.scan <sum>, %div3A_214 masked %reduce_sum3A_286 : vector<16xf32>, vector<16xi1> -> vector<16xf32>
    %reduce_sum3A_288 = vector.extract %reduce_sum3A_287[15] : f32 from vector<16xf32>
    %add3A_289 = arith.addf %add3A_126, %reduce_sum3A_288 : f32
    %swap3A_290 = arith.constant 4 : i32
    %swap3A_291 = arith.index_cast %swap3A_290 : i32 to index
    %swap3A_292 = arith.constant 16 : index
    %swap3A_293 = tpu.vector_load %arg12[%swap3A_291, %swap3A_292] {strides = array<i32>} : memref<7x64xf32, #tpu.memory_space<vmem>>, vector<16xf32>,
    tpu.vector_store %arg12[%swap3A_291, %swap3A_292], %div3A_215 {strides = array<i32>} : memref<7x64xf32, #tpu.memory_space<vmem>>, vector<16xf32>,
    %reduce_sum3A_294 = arith.constant true
    %reduce_sum3A_295 = vector.broadcast %reduce_sum3A_294 : i1 to vector<16xi1>
    %reduce_sum3A_296 = tpu.scan <sum>, %div3A_215 masked %reduce_sum3A_295 : vector<16xf32>, vector<16xi1> -> vector<16xf32>
    %reduce_sum3A_297 = vector.extract %reduce_sum3A_296[15] : f32 from vector<16xf32>
    %add3A_298 = arith.addf %add3A_136, %reduce_sum3A_297 : f32
    %swap3A_299 = arith.constant 5 : i32
    %swap3A_300 = arith.index_cast %swap3A_299 : i32 to index
    %swap3A_301 = arith.constant 16 : index
    %swap3A_302 = tpu.vector_load %arg12[%swap3A_300, %swap3A_301] {strides = array<i32>} : memref<7x64xf32, #tpu.memory_space<vmem>>, vector<16xf32>,
    tpu.vector_store %arg12[%swap3A_300, %swap3A_301], %div3A_216 {strides = array<i32>} : memref<7x64xf32, #tpu.memory_space<vmem>>, vector<16xf32>,
    %reduce_sum3A_303 = arith.constant true
    %reduce_sum3A_304 = vector.broadcast %reduce_sum3A_303 : i1 to vector<16xi1>
    %reduce_sum3A_305 = tpu.scan <sum>, %div3A_216 masked %reduce_sum3A_304 : vector<16xf32>, vector<16xi1> -> vector<16xf32>
    %reduce_sum3A_306 = vector.extract %reduce_sum3A_305[15] : f32 from vector<16xf32>
    %add3A_307 = arith.addf %add3A_146, %reduce_sum3A_306 : f32
    %swap3A_308 = arith.constant 6 : i32
    %swap3A_309 = arith.index_cast %swap3A_308 : i32 to index
    %swap3A_310 = arith.constant 16 : index
    %swap3A_311 = tpu.vector_load %arg12[%swap3A_309, %swap3A_310] {strides = array<i32>} : memref<7x64xf32, #tpu.memory_space<vmem>>, vector<16xf32>,
    tpu.vector_store %arg12[%swap3A_309, %swap3A_310], %div3A_217 {strides = array<i32>} : memref<7x64xf32, #tpu.memory_space<vmem>>, vector<16xf32>,
    %reduce_sum3A_312 = arith.constant true
    %reduce_sum3A_313 = vector.broadcast %reduce_sum3A_312 : i1 to vector<16xi1>
    %reduce_sum3A_314 = tpu.scan <sum>, %div3A_217 masked %reduce_sum3A_313 : vector<16xf32>, vector<16xi1> -> vector<16xf32>
    %reduce_sum3A_315 = vector.extract %reduce_sum3A_314[15] : f32 from vector<16xf32>
    %add3A_316 = arith.addf %add3A_156, %reduce_sum3A_315 : f32
    %get3A_317 = arith.constant 0 : i32
    %get3A_318 = arith.index_cast %get3A_317 : i32 to index
    %get3A_319 = arith.constant 32 : index
    %get3A_320 = tpu.vector_load %arg11[%get3A_318, %get3A_319] {strides = array<i32>} : memref<7x64xf32, #tpu.memory_space<vmem>>, vector<16xf32>,
    %get3A_321 = arith.constant 1 : i32
    %get3A_322 = arith.index_cast %get3A_321 : i32 to index
    %get3A_323 = arith.constant 32 : index
    %get3A_324 = tpu.vector_load %arg11[%get3A_322, %get3A_323] {strides = array<i32>} : memref<7x64xf32, #tpu.memory_space<vmem>>, vector<16xf32>,
    %get3A_325 = arith.constant 2 : i32
    %get3A_326 = arith.index_cast %get3A_325 : i32 to index
    %get3A_327 = arith.constant 32 : index
    %get3A_328 = tpu.vector_load %arg11[%get3A_326, %get3A_327] {strides = array<i32>} : memref<7x64xf32, #tpu.memory_space<vmem>>, vector<16xf32>,
    %get3A_329 = arith.constant 3 : i32
    %get3A_330 = arith.index_cast %get3A_329 : i32 to index
    %get3A_331 = arith.constant 32 : index
    %get3A_332 = tpu.vector_load %arg11[%get3A_330, %get3A_331] {strides = array<i32>} : memref<7x64xf32, #tpu.memory_space<vmem>>, vector<16xf32>,
    %get3A_333 = arith.constant 4 : i32
    %get3A_334 = arith.index_cast %get3A_333 : i32 to index
    %get3A_335 = arith.constant 32 : index
    %get3A_336 = tpu.vector_load %arg11[%get3A_334, %get3A_335] {strides = array<i32>} : memref<7x64xf32, #tpu.memory_space<vmem>>, vector<16xf32>,
    %get3A_337 = arith.constant 5 : i32
    %get3A_338 = arith.index_cast %get3A_337 : i32 to index
    %get3A_339 = arith.constant 32 : index
    %get3A_340 = tpu.vector_load %arg11[%get3A_338, %get3A_339] {strides = array<i32>} : memref<7x64xf32, #tpu.memory_space<vmem>>, vector<16xf32>,
    %get3A_341 = arith.constant 6 : i32
    %get3A_342 = arith.index_cast %get3A_341 : i32 to index
    %get3A_343 = arith.constant 32 : index
    %get3A_344 = tpu.vector_load %arg11[%get3A_342, %get3A_343] {strides = array<i32>} : memref<7x64xf32, #tpu.memory_space<vmem>>, vector<16xf32>,
    %max3A_345 = arith.maximumf %get3A_320, %get3A_324 : vector<16xf32>
    %max3A_346 = arith.maximumf %max3A_345, %get3A_328 : vector<16xf32>
    %max3A_347 = arith.maximumf %max3A_346, %get3A_332 : vector<16xf32>
    %max3A_348 = arith.maximumf %max3A_347, %get3A_336 : vector<16xf32>
    %max3A_349 = arith.maximumf %max3A_348, %get3A_340 : vector<16xf32>
    %max3A_350 = arith.maximumf %max3A_349, %get3A_344 : vector<16xf32>
    %sub3A_351 = arith.subf %get3A_320, %max3A_350 : vector<16xf32>
    %exp3A_352 = math.exp %sub3A_351 : vector<16xf32>
    %sub3A_353 = arith.subf %get3A_324, %max3A_350 : vector<16xf32>
    %exp3A_354 = math.exp %sub3A_353 : vector<16xf32>
    %sub3A_355 = arith.subf %get3A_328, %max3A_350 : vector<16xf32>
    %exp3A_356 = math.exp %sub3A_355 : vector<16xf32>
    %sub3A_357 = arith.subf %get3A_332, %max3A_350 : vector<16xf32>
    %exp3A_358 = math.exp %sub3A_357 : vector<16xf32>
    %sub3A_359 = arith.subf %get3A_336, %max3A_350 : vector<16xf32>
    %exp3A_360 = math.exp %sub3A_359 : vector<16xf32>
    %sub3A_361 = arith.subf %get3A_340, %max3A_350 : vector<16xf32>
    %exp3A_362 = math.exp %sub3A_361 : vector<16xf32>
    %sub3A_363 = arith.subf %get3A_344, %max3A_350 : vector<16xf32>
    %exp3A_364 = math.exp %sub3A_363 : vector<16xf32>
    %add3A_365 = arith.addf %exp3A_352, %exp3A_354 : vector<16xf32>
    %add3A_366 = arith.addf %add3A_365, %exp3A_356 : vector<16xf32>
    %add3A_367 = arith.addf %add3A_366, %exp3A_358 : vector<16xf32>
    %add3A_368 = arith.addf %add3A_367, %exp3A_360 : vector<16xf32>
    %add3A_369 = arith.addf %add3A_368, %exp3A_362 : vector<16xf32>
    %add3A_370 = arith.addf %add3A_369, %exp3A_364 : vector<16xf32>
    %div3A_371 = arith.divf %exp3A_352, %add3A_370 : vector<16xf32>
    %div3A_372 = arith.divf %exp3A_354, %add3A_370 : vector<16xf32>
    %div3A_373 = arith.divf %exp3A_356, %add3A_370 : vector<16xf32>
    %div3A_374 = arith.divf %exp3A_358, %add3A_370 : vector<16xf32>
    %div3A_375 = arith.divf %exp3A_360, %add3A_370 : vector<16xf32>
    %div3A_376 = arith.divf %exp3A_362, %add3A_370 : vector<16xf32>
    %div3A_377 = arith.divf %exp3A_364, %add3A_370 : vector<16xf32>
    %broadcast_in_dim3A_378 = arith.constant 0 : i32
    %broadcast_in_dim3A_379 = vector.broadcast %broadcast_in_dim3A_378 : i32 to vector<16xi32>
    %gt3A_380 = arith.cmpf ogt, %div3A_372, %div3A_371 : vector<16xf32>
    %select_n3A_381 = arith.select %gt3A_380, %div3A_372, %div3A_371 : vector<16xi1>, vector<16xf32>
    %jit3A_382 = arith.constant 1 : i32
    %broadcast_in_dim3A_383 = vector.broadcast %jit3A_382 : i32 to vector<16xi32>
    %select_n3A_384 = arith.select %gt3A_380, %broadcast_in_dim3A_383, %broadcast_in_dim3A_379 : vector<16xi1>, vector<16xi32>
    %gt3A_385 = arith.cmpf ogt, %div3A_373, %select_n3A_381 : vector<16xf32>
    %select_n3A_386 = arith.select %gt3A_385, %div3A_373, %select_n3A_381 : vector<16xi1>, vector<16xf32>
    %jit3A_387 = arith.constant 2 : i32
    %broadcast_in_dim3A_388 = vector.broadcast %jit3A_387 : i32 to vector<16xi32>
    %select_n3A_389 = arith.select %gt3A_385, %broadcast_in_dim3A_388, %select_n3A_384 : vector<16xi1>, vector<16xi32>
    %gt3A_390 = arith.cmpf ogt, %div3A_374, %select_n3A_386 : vector<16xf32>
    %select_n3A_391 = arith.select %gt3A_390, %div3A_374, %select_n3A_386 : vector<16xi1>, vector<16xf32>
    %jit3A_392 = arith.constant 3 : i32
    %broadcast_in_dim3A_393 = vector.broadcast %jit3A_392 : i32 to vector<16xi32>
    %select_n3A_394 = arith.select %gt3A_390, %broadcast_in_dim3A_393, %select_n3A_389 : vector<16xi1>, vector<16xi32>
    %gt3A_395 = arith.cmpf ogt, %div3A_375, %select_n3A_391 : vector<16xf32>
    %select_n3A_396 = arith.select %gt3A_395, %div3A_375, %select_n3A_391 : vector<16xi1>, vector<16xf32>
    %jit3A_397 = arith.constant 4 : i32
    %broadcast_in_dim3A_398 = vector.broadcast %jit3A_397 : i32 to vector<16xi32>
    %select_n3A_399 = arith.select %gt3A_395, %broadcast_in_dim3A_398, %select_n3A_394 : vector<16xi1>, vector<16xi32>
    %gt3A_400 = arith.cmpf ogt, %div3A_376, %select_n3A_396 : vector<16xf32>
    %select_n3A_401 = arith.select %gt3A_400, %div3A_376, %select_n3A_396 : vector<16xi1>, vector<16xf32>
    %jit3A_402 = arith.constant 5 : i32
    %broadcast_in_dim3A_403 = vector.broadcast %jit3A_402 : i32 to vector<16xi32>
    %select_n3A_404 = arith.select %gt3A_400, %broadcast_in_dim3A_403, %select_n3A_399 : vector<16xi1>, vector<16xi32>
    %gt3A_405 = arith.cmpf ogt, %div3A_377, %select_n3A_401 : vector<16xf32>
    %select_n3A_406 = arith.select %gt3A_405, %div3A_377, %select_n3A_401 : vector<16xi1>, vector<16xf32>
    %jit3A_407 = arith.constant 6 : i32
    %broadcast_in_dim3A_408 = vector.broadcast %jit3A_407 : i32 to vector<16xi32>
    %select_n3A_409 = arith.select %gt3A_405, %broadcast_in_dim3A_408, %select_n3A_404 : vector<16xi1>, vector<16xi32>
    %swap3A_410 = arith.constant 32 : index
    %swap3A_411 = tpu.vector_load %arg13[%swap3A_410] {strides = array<i32>} : memref<64xf32, #tpu.memory_space<vmem>>, vector<16xf32>,
    tpu.vector_store %arg13[%swap3A_410], %select_n3A_406 {strides = array<i32>} : memref<64xf32, #tpu.memory_space<vmem>>, vector<16xf32>,
    %swap3A_412 = arith.constant 32 : index
    %swap3A_413 = tpu.vector_load %arg14[%swap3A_412] {strides = array<i32>} : memref<64xi32, #tpu.memory_space<vmem>>, vector<16xi32>,
    tpu.vector_store %arg14[%swap3A_412], %select_n3A_409 {strides = array<i32>} : memref<64xi32, #tpu.memory_space<vmem>>, vector<16xi32>,
    %swap3A_414 = arith.constant 0 : i32
    %swap3A_415 = arith.index_cast %swap3A_414 : i32 to index
    %swap3A_416 = arith.constant 32 : index
    %swap3A_417 = tpu.vector_load %arg12[%swap3A_415, %swap3A_416] {strides = array<i32>} : memref<7x64xf32, #tpu.memory_space<vmem>>, vector<16xf32>,
    tpu.vector_store %arg12[%swap3A_415, %swap3A_416], %div3A_371 {strides = array<i32>} : memref<7x64xf32, #tpu.memory_space<vmem>>, vector<16xf32>,
    %reduce_sum3A_418 = arith.constant true
    %reduce_sum3A_419 = vector.broadcast %reduce_sum3A_418 : i1 to vector<16xi1>
    %reduce_sum3A_420 = tpu.scan <sum>, %div3A_371 masked %reduce_sum3A_419 : vector<16xf32>, vector<16xi1> -> vector<16xf32>
    %reduce_sum3A_421 = vector.extract %reduce_sum3A_420[15] : f32 from vector<16xf32>
    %add3A_422 = arith.addf %add3A_262, %reduce_sum3A_421 : f32
    %swap3A_423 = arith.constant 1 : i32
    %swap3A_424 = arith.index_cast %swap3A_423 : i32 to index
    %swap3A_425 = arith.constant 32 : index
    %swap3A_426 = tpu.vector_load %arg12[%swap3A_424, %swap3A_425] {strides = array<i32>} : memref<7x64xf32, #tpu.memory_space<vmem>>, vector<16xf32>,
    tpu.vector_store %arg12[%swap3A_424, %swap3A_425], %div3A_372 {strides = array<i32>} : memref<7x64xf32, #tpu.memory_space<vmem>>, vector<16xf32>,
    %reduce_sum3A_427 = arith.constant true
    %reduce_sum3A_428 = vector.broadcast %reduce_sum3A_427 : i1 to vector<16xi1>
    %reduce_sum3A_429 = tpu.scan <sum>, %div3A_372 masked %reduce_sum3A_428 : vector<16xf32>, vector<16xi1> -> vector<16xf32>
    %reduce_sum3A_430 = vector.extract %reduce_sum3A_429[15] : f32 from vector<16xf32>
    %add3A_431 = arith.addf %add3A_271, %reduce_sum3A_430 : f32
    %swap3A_432 = arith.constant 2 : i32
    %swap3A_433 = arith.index_cast %swap3A_432 : i32 to index
    %swap3A_434 = arith.constant 32 : index
    %swap3A_435 = tpu.vector_load %arg12[%swap3A_433, %swap3A_434] {strides = array<i32>} : memref<7x64xf32, #tpu.memory_space<vmem>>, vector<16xf32>,
    tpu.vector_store %arg12[%swap3A_433, %swap3A_434], %div3A_373 {strides = array<i32>} : memref<7x64xf32, #tpu.memory_space<vmem>>, vector<16xf32>,
    %reduce_sum3A_436 = arith.constant true
    %reduce_sum3A_437 = vector.broadcast %reduce_sum3A_436 : i1 to vector<16xi1>
    %reduce_sum3A_438 = tpu.scan <sum>, %div3A_373 masked %reduce_sum3A_437 : vector<16xf32>, vector<16xi1> -> vector<16xf32>
    %reduce_sum3A_439 = vector.extract %reduce_sum3A_438[15] : f32 from vector<16xf32>
    %add3A_440 = arith.addf %add3A_280, %reduce_sum3A_439 : f32
    %swap3A_441 = arith.constant 3 : i32
    %swap3A_442 = arith.index_cast %swap3A_441 : i32 to index
    %swap3A_443 = arith.constant 32 : index
    %swap3A_444 = tpu.vector_load %arg12[%swap3A_442, %swap3A_443] {strides = array<i32>} : memref<7x64xf32, #tpu.memory_space<vmem>>, vector<16xf32>,
    tpu.vector_store %arg12[%swap3A_442, %swap3A_443], %div3A_374 {strides = array<i32>} : memref<7x64xf32, #tpu.memory_space<vmem>>, vector<16xf32>,
    %reduce_sum3A_445 = arith.constant true
    %reduce_sum3A_446 = vector.broadcast %reduce_sum3A_445 : i1 to vector<16xi1>
    %reduce_sum3A_447 = tpu.scan <sum>, %div3A_374 masked %reduce_sum3A_446 : vector<16xf32>, vector<16xi1> -> vector<16xf32>
    %reduce_sum3A_448 = vector.extract %reduce_sum3A_447[15] : f32 from vector<16xf32>
    %add3A_449 = arith.addf %add3A_289, %reduce_sum3A_448 : f32
    %swap3A_450 = arith.constant 4 : i32
    %swap3A_451 = arith.index_cast %swap3A_450 : i32 to index
    %swap3A_452 = arith.constant 32 : index
    %swap3A_453 = tpu.vector_load %arg12[%swap3A_451, %swap3A_452] {strides = array<i32>} : memref<7x64xf32, #tpu.memory_space<vmem>>, vector<16xf32>,
    tpu.vector_store %arg12[%swap3A_451, %swap3A_452], %div3A_375 {strides = array<i32>} : memref<7x64xf32, #tpu.memory_space<vmem>>, vector<16xf32>,
    %reduce_sum3A_454 = arith.constant true
    %reduce_sum3A_455 = vector.broadcast %reduce_sum3A_454 : i1 to vector<16xi1>
    %reduce_sum3A_456 = tpu.scan <sum>, %div3A_375 masked %reduce_sum3A_455 : vector<16xf32>, vector<16xi1> -> vector<16xf32>
    %reduce_sum3A_457 = vector.extract %reduce_sum3A_456[15] : f32 from vector<16xf32>
    %add3A_458 = arith.addf %add3A_298, %reduce_sum3A_457 : f32
    %swap3A_459 = arith.constant 5 : i32
    %swap3A_460 = arith.index_cast %swap3A_459 : i32 to index
    %swap3A_461 = arith.constant 32 : index
    %swap3A_462 = tpu.vector_load %arg12[%swap3A_460, %swap3A_461] {strides = array<i32>} : memref<7x64xf32, #tpu.memory_space<vmem>>, vector<16xf32>,
    tpu.vector_store %arg12[%swap3A_460, %swap3A_461], %div3A_376 {strides = array<i32>} : memref<7x64xf32, #tpu.memory_space<vmem>>, vector<16xf32>,
    %reduce_sum3A_463 = arith.constant true
    %reduce_sum3A_464 = vector.broadcast %reduce_sum3A_463 : i1 to vector<16xi1>
    %reduce_sum3A_465 = tpu.scan <sum>, %div3A_376 masked %reduce_sum3A_464 : vector<16xf32>, vector<16xi1> -> vector<16xf32>
    %reduce_sum3A_466 = vector.extract %reduce_sum3A_465[15] : f32 from vector<16xf32>
    %add3A_467 = arith.addf %add3A_307, %reduce_sum3A_466 : f32
    %swap3A_468 = arith.constant 6 : i32
    %swap3A_469 = arith.index_cast %swap3A_468 : i32 to index
    %swap3A_470 = arith.constant 32 : index
    %swap3A_471 = tpu.vector_load %arg12[%swap3A_469, %swap3A_470] {strides = array<i32>} : memref<7x64xf32, #tpu.memory_space<vmem>>, vector<16xf32>,
    tpu.vector_store %arg12[%swap3A_469, %swap3A_470], %div3A_377 {strides = array<i32>} : memref<7x64xf32, #tpu.memory_space<vmem>>, vector<16xf32>,
    %reduce_sum3A_472 = arith.constant true
    %reduce_sum3A_473 = vector.broadcast %reduce_sum3A_472 : i1 to vector<16xi1>
    %reduce_sum3A_474 = tpu.scan <sum>, %div3A_377 masked %reduce_sum3A_473 : vector<16xf32>, vector<16xi1> -> vector<16xf32>
    %reduce_sum3A_475 = vector.extract %reduce_sum3A_474[15] : f32 from vector<16xf32>
    %add3A_476 = arith.addf %add3A_316, %reduce_sum3A_475 : f32
    %get3A_477 = arith.constant 0 : i32
    %get3A_478 = arith.index_cast %get3A_477 : i32 to index
    %get3A_479 = arith.constant 48 : index
    %get3A_480 = tpu.vector_load %arg11[%get3A_478, %get3A_479] {strides = array<i32>} : memref<7x64xf32, #tpu.memory_space<vmem>>, vector<16xf32>,
    %get3A_481 = arith.constant 1 : i32
    %get3A_482 = arith.index_cast %get3A_481 : i32 to index
    %get3A_483 = arith.constant 48 : index
    %get3A_484 = tpu.vector_load %arg11[%get3A_482, %get3A_483] {strides = array<i32>} : memref<7x64xf32, #tpu.memory_space<vmem>>, vector<16xf32>,
    %get3A_485 = arith.constant 2 : i32
    %get3A_486 = arith.index_cast %get3A_485 : i32 to index
    %get3A_487 = arith.constant 48 : index
    %get3A_488 = tpu.vector_load %arg11[%get3A_486, %get3A_487] {strides = array<i32>} : memref<7x64xf32, #tpu.memory_space<vmem>>, vector<16xf32>,
    %get3A_489 = arith.constant 3 : i32
    %get3A_490 = arith.index_cast %get3A_489 : i32 to index
    %get3A_491 = arith.constant 48 : index
    %get3A_492 = tpu.vector_load %arg11[%get3A_490, %get3A_491] {strides = array<i32>} : memref<7x64xf32, #tpu.memory_space<vmem>>, vector<16xf32>,
    %get3A_493 = arith.constant 4 : i32
    %get3A_494 = arith.index_cast %get3A_493 : i32 to index
    %get3A_495 = arith.constant 48 : index
    %get3A_496 = tpu.vector_load %arg11[%get3A_494, %get3A_495] {strides = array<i32>} : memref<7x64xf32, #tpu.memory_space<vmem>>, vector<16xf32>,
    %get3A_497 = arith.constant 5 : i32
    %get3A_498 = arith.index_cast %get3A_497 : i32 to index
    %get3A_499 = arith.constant 48 : index
    %get3A_500 = tpu.vector_load %arg11[%get3A_498, %get3A_499] {strides = array<i32>} : memref<7x64xf32, #tpu.memory_space<vmem>>, vector<16xf32>,
    %get3A_501 = arith.constant 6 : i32
    %get3A_502 = arith.index_cast %get3A_501 : i32 to index
    %get3A_503 = arith.constant 48 : index
    %get3A_504 = tpu.vector_load %arg11[%get3A_502, %get3A_503] {strides = array<i32>} : memref<7x64xf32, #tpu.memory_space<vmem>>, vector<16xf32>,
    %max3A_505 = arith.maximumf %get3A_480, %get3A_484 : vector<16xf32>
    %max3A_506 = arith.maximumf %max3A_505, %get3A_488 : vector<16xf32>
    %max3A_507 = arith.maximumf %max3A_506, %get3A_492 : vector<16xf32>
    %max3A_508 = arith.maximumf %max3A_507, %get3A_496 : vector<16xf32>
    %max3A_509 = arith.maximumf %max3A_508, %get3A_500 : vector<16xf32>
    %max3A_510 = arith.maximumf %max3A_509, %get3A_504 : vector<16xf32>
    %sub3A_511 = arith.subf %get3A_480, %max3A_510 : vector<16xf32>
    %exp3A_512 = math.exp %sub3A_511 : vector<16xf32>
    %sub3A_513 = arith.subf %get3A_484, %max3A_510 : vector<16xf32>
    %exp3A_514 = math.exp %sub3A_513 : vector<16xf32>
    %sub3A_515 = arith.subf %get3A_488, %max3A_510 : vector<16xf32>
    %exp3A_516 = math.exp %sub3A_515 : vector<16xf32>
    %sub3A_517 = arith.subf %get3A_492, %max3A_510 : vector<16xf32>
    %exp3A_518 = math.exp %sub3A_517 : vector<16xf32>
    %sub3A_519 = arith.subf %get3A_496, %max3A_510 : vector<16xf32>
    %exp3A_520 = math.exp %sub3A_519 : vector<16xf32>
    %sub3A_521 = arith.subf %get3A_500, %max3A_510 : vector<16xf32>
    %exp3A_522 = math.exp %sub3A_521 : vector<16xf32>
    %sub3A_523 = arith.subf %get3A_504, %max3A_510 : vector<16xf32>
    %exp3A_524 = math.exp %sub3A_523 : vector<16xf32>
    %add3A_525 = arith.addf %exp3A_512, %exp3A_514 : vector<16xf32>
    %add3A_526 = arith.addf %add3A_525, %exp3A_516 : vector<16xf32>
    %add3A_527 = arith.addf %add3A_526, %exp3A_518 : vector<16xf32>
    %add3A_528 = arith.addf %add3A_527, %exp3A_520 : vector<16xf32>
    %add3A_529 = arith.addf %add3A_528, %exp3A_522 : vector<16xf32>
    %add3A_530 = arith.addf %add3A_529, %exp3A_524 : vector<16xf32>
    %div3A_531 = arith.divf %exp3A_512, %add3A_530 : vector<16xf32>
    %div3A_532 = arith.divf %exp3A_514, %add3A_530 : vector<16xf32>
    %div3A_533 = arith.divf %exp3A_516, %add3A_530 : vector<16xf32>
    %div3A_534 = arith.divf %exp3A_518, %add3A_530 : vector<16xf32>
    %div3A_535 = arith.divf %exp3A_520, %add3A_530 : vector<16xf32>
    %div3A_536 = arith.divf %exp3A_522, %add3A_530 : vector<16xf32>
    %div3A_537 = arith.divf %exp3A_524, %add3A_530 : vector<16xf32>
    %broadcast_in_dim3A_538 = arith.constant 0 : i32
    %broadcast_in_dim3A_539 = vector.broadcast %broadcast_in_dim3A_538 : i32 to vector<16xi32>
    %gt3A_540 = arith.cmpf ogt, %div3A_532, %div3A_531 : vector<16xf32>
    %select_n3A_541 = arith.select %gt3A_540, %div3A_532, %div3A_531 : vector<16xi1>, vector<16xf32>
    %jit3A_542 = arith.constant 1 : i32
    %broadcast_in_dim3A_543 = vector.broadcast %jit3A_542 : i32 to vector<16xi32>
    %select_n3A_544 = arith.select %gt3A_540, %broadcast_in_dim3A_543, %broadcast_in_dim3A_539 : vector<16xi1>, vector<16xi32>
    %gt3A_545 = arith.cmpf ogt, %div3A_533, %select_n3A_541 : vector<16xf32>
    %select_n3A_546 = arith.select %gt3A_545, %div3A_533, %select_n3A_541 : vector<16xi1>, vector<16xf32>
    %jit3A_547 = arith.constant 2 : i32
    %broadcast_in_dim3A_548 = vector.broadcast %jit3A_547 : i32 to vector<16xi32>
    %select_n3A_549 = arith.select %gt3A_545, %broadcast_in_dim3A_548, %select_n3A_544 : vector<16xi1>, vector<16xi32>
    %gt3A_550 = arith.cmpf ogt, %div3A_534, %select_n3A_546 : vector<16xf32>
    %select_n3A_551 = arith.select %gt3A_550, %div3A_534, %select_n3A_546 : vector<16xi1>, vector<16xf32>
    %jit3A_552 = arith.constant 3 : i32
    %broadcast_in_dim3A_553 = vector.broadcast %jit3A_552 : i32 to vector<16xi32>
    %select_n3A_554 = arith.select %gt3A_550, %broadcast_in_dim3A_553, %select_n3A_549 : vector<16xi1>, vector<16xi32>
    %gt3A_555 = arith.cmpf ogt, %div3A_535, %select_n3A_551 : vector<16xf32>
    %select_n3A_556 = arith.select %gt3A_555, %div3A_535, %select_n3A_551 : vector<16xi1>, vector<16xf32>
    %jit3A_557 = arith.constant 4 : i32
    %broadcast_in_dim3A_558 = vector.broadcast %jit3A_557 : i32 to vector<16xi32>
    %select_n3A_559 = arith.select %gt3A_555, %broadcast_in_dim3A_558, %select_n3A_554 : vector<16xi1>, vector<16xi32>
    %gt3A_560 = arith.cmpf ogt, %div3A_536, %select_n3A_556 : vector<16xf32>
    %select_n3A_561 = arith.select %gt3A_560, %div3A_536, %select_n3A_556 : vector<16xi1>, vector<16xf32>
    %jit3A_562 = arith.constant 5 : i32
    %broadcast_in_dim3A_563 = vector.broadcast %jit3A_562 : i32 to vector<16xi32>
    %select_n3A_564 = arith.select %gt3A_560, %broadcast_in_dim3A_563, %select_n3A_559 : vector<16xi1>, vector<16xi32>
    %gt3A_565 = arith.cmpf ogt, %div3A_537, %select_n3A_561 : vector<16xf32>
    %select_n3A_566 = arith.select %gt3A_565, %div3A_537, %select_n3A_561 : vector<16xi1>, vector<16xf32>
    %jit3A_567 = arith.constant 6 : i32
    %broadcast_in_dim3A_568 = vector.broadcast %jit3A_567 : i32 to vector<16xi32>
    %select_n3A_569 = arith.select %gt3A_565, %broadcast_in_dim3A_568, %select_n3A_564 : vector<16xi1>, vector<16xi32>
    %swap3A_570 = arith.constant 48 : index
    %swap3A_571 = tpu.vector_load %arg13[%swap3A_570] {strides = array<i32>} : memref<64xf32, #tpu.memory_space<vmem>>, vector<16xf32>,
    tpu.vector_store %arg13[%swap3A_570], %select_n3A_566 {strides = array<i32>} : memref<64xf32, #tpu.memory_space<vmem>>, vector<16xf32>,
    %swap3A_572 = arith.constant 48 : index
    %swap3A_573 = tpu.vector_load %arg14[%swap3A_572] {strides = array<i32>} : memref<64xi32, #tpu.memory_space<vmem>>, vector<16xi32>,
    tpu.vector_store %arg14[%swap3A_572], %select_n3A_569 {strides = array<i32>} : memref<64xi32, #tpu.memory_space<vmem>>, vector<16xi32>,
    %swap3A_574 = arith.constant 0 : i32
    %swap3A_575 = arith.index_cast %swap3A_574 : i32 to index
    %swap3A_576 = arith.constant 48 : index
    %swap3A_577 = tpu.vector_load %arg12[%swap3A_575, %swap3A_576] {strides = array<i32>} : memref<7x64xf32, #tpu.memory_space<vmem>>, vector<16xf32>,
    tpu.vector_store %arg12[%swap3A_575, %swap3A_576], %div3A_531 {strides = array<i32>} : memref<7x64xf32, #tpu.memory_space<vmem>>, vector<16xf32>,
    %reduce_sum3A_578 = arith.constant true
    %reduce_sum3A_579 = vector.broadcast %reduce_sum3A_578 : i1 to vector<16xi1>
    %reduce_sum3A_580 = tpu.scan <sum>, %div3A_531 masked %reduce_sum3A_579 : vector<16xf32>, vector<16xi1> -> vector<16xf32>
    %reduce_sum3A_581 = vector.extract %reduce_sum3A_580[15] : f32 from vector<16xf32>
    %add3A_582 = arith.addf %add3A_422, %reduce_sum3A_581 : f32
    %swap3A_583 = arith.constant 1 : i32
    %swap3A_584 = arith.index_cast %swap3A_583 : i32 to index
    %swap3A_585 = arith.constant 48 : index
    %swap3A_586 = tpu.vector_load %arg12[%swap3A_584, %swap3A_585] {strides = array<i32>} : memref<7x64xf32, #tpu.memory_space<vmem>>, vector<16xf32>,
    tpu.vector_store %arg12[%swap3A_584, %swap3A_585], %div3A_532 {strides = array<i32>} : memref<7x64xf32, #tpu.memory_space<vmem>>, vector<16xf32>,
    %reduce_sum3A_587 = arith.constant true
    %reduce_sum3A_588 = vector.broadcast %reduce_sum3A_587 : i1 to vector<16xi1>
    %reduce_sum3A_589 = tpu.scan <sum>, %div3A_532 masked %reduce_sum3A_588 : vector<16xf32>, vector<16xi1> -> vector<16xf32>
    %reduce_sum3A_590 = vector.extract %reduce_sum3A_589[15] : f32 from vector<16xf32>
    %add3A_591 = arith.addf %add3A_431, %reduce_sum3A_590 : f32
    %swap3A_592 = arith.constant 2 : i32
    %swap3A_593 = arith.index_cast %swap3A_592 : i32 to index
    %swap3A_594 = arith.constant 48 : index
    %swap3A_595 = tpu.vector_load %arg12[%swap3A_593, %swap3A_594] {strides = array<i32>} : memref<7x64xf32, #tpu.memory_space<vmem>>, vector<16xf32>,
    tpu.vector_store %arg12[%swap3A_593, %swap3A_594], %div3A_533 {strides = array<i32>} : memref<7x64xf32, #tpu.memory_space<vmem>>, vector<16xf32>,
    %reduce_sum3A_596 = arith.constant true
    %reduce_sum3A_597 = vector.broadcast %reduce_sum3A_596 : i1 to vector<16xi1>
    %reduce_sum3A_598 = tpu.scan <sum>, %div3A_533 masked %reduce_sum3A_597 : vector<16xf32>, vector<16xi1> -> vector<16xf32>
    %reduce_sum3A_599 = vector.extract %reduce_sum3A_598[15] : f32 from vector<16xf32>
    %add3A_600 = arith.addf %add3A_440, %reduce_sum3A_599 : f32
    %swap3A_601 = arith.constant 3 : i32
    %swap3A_602 = arith.index_cast %swap3A_601 : i32 to index
    %swap3A_603 = arith.constant 48 : index
    %swap3A_604 = tpu.vector_load %arg12[%swap3A_602, %swap3A_603] {strides = array<i32>} : memref<7x64xf32, #tpu.memory_space<vmem>>, vector<16xf32>,
    tpu.vector_store %arg12[%swap3A_602, %swap3A_603], %div3A_534 {strides = array<i32>} : memref<7x64xf32, #tpu.memory_space<vmem>>, vector<16xf32>,
    %reduce_sum3A_605 = arith.constant true
    %reduce_sum3A_606 = vector.broadcast %reduce_sum3A_605 : i1 to vector<16xi1>
    %reduce_sum3A_607 = tpu.scan <sum>, %div3A_534 masked %reduce_sum3A_606 : vector<16xf32>, vector<16xi1> -> vector<16xf32>
    %reduce_sum3A_608 = vector.extract %reduce_sum3A_607[15] : f32 from vector<16xf32>
    %add3A_609 = arith.addf %add3A_449, %reduce_sum3A_608 : f32
    %swap3A_610 = arith.constant 4 : i32
    %swap3A_611 = arith.index_cast %swap3A_610 : i32 to index
    %swap3A_612 = arith.constant 48 : index
    %swap3A_613 = tpu.vector_load %arg12[%swap3A_611, %swap3A_612] {strides = array<i32>} : memref<7x64xf32, #tpu.memory_space<vmem>>, vector<16xf32>,
    tpu.vector_store %arg12[%swap3A_611, %swap3A_612], %div3A_535 {strides = array<i32>} : memref<7x64xf32, #tpu.memory_space<vmem>>, vector<16xf32>,
    %reduce_sum3A_614 = arith.constant true
    %reduce_sum3A_615 = vector.broadcast %reduce_sum3A_614 : i1 to vector<16xi1>
    %reduce_sum3A_616 = tpu.scan <sum>, %div3A_535 masked %reduce_sum3A_615 : vector<16xf32>, vector<16xi1> -> vector<16xf32>
    %reduce_sum3A_617 = vector.extract %reduce_sum3A_616[15] : f32 from vector<16xf32>
    %add3A_618 = arith.addf %add3A_458, %reduce_sum3A_617 : f32
    %swap3A_619 = arith.constant 5 : i32
    %swap3A_620 = arith.index_cast %swap3A_619 : i32 to index
    %swap3A_621 = arith.constant 48 : index
    %swap3A_622 = tpu.vector_load %arg12[%swap3A_620, %swap3A_621] {strides = array<i32>} : memref<7x64xf32, #tpu.memory_space<vmem>>, vector<16xf32>,
    tpu.vector_store %arg12[%swap3A_620, %swap3A_621], %div3A_536 {strides = array<i32>} : memref<7x64xf32, #tpu.memory_space<vmem>>, vector<16xf32>,
    %reduce_sum3A_623 = arith.constant true
    %reduce_sum3A_624 = vector.broadcast %reduce_sum3A_623 : i1 to vector<16xi1>
    %reduce_sum3A_625 = tpu.scan <sum>, %div3A_536 masked %reduce_sum3A_624 : vector<16xf32>, vector<16xi1> -> vector<16xf32>
    %reduce_sum3A_626 = vector.extract %reduce_sum3A_625[15] : f32 from vector<16xf32>
    %add3A_627 = arith.addf %add3A_467, %reduce_sum3A_626 : f32
    %swap3A_628 = arith.constant 6 : i32
    %swap3A_629 = arith.index_cast %swap3A_628 : i32 to index
    %swap3A_630 = arith.constant 48 : index
    %swap3A_631 = tpu.vector_load %arg12[%swap3A_629, %swap3A_630] {strides = array<i32>} : memref<7x64xf32, #tpu.memory_space<vmem>>, vector<16xf32>,
    tpu.vector_store %arg12[%swap3A_629, %swap3A_630], %div3A_537 {strides = array<i32>} : memref<7x64xf32, #tpu.memory_space<vmem>>, vector<16xf32>,
    %reduce_sum3A_632 = arith.constant true
    %reduce_sum3A_633 = vector.broadcast %reduce_sum3A_632 : i1 to vector<16xi1>
    %reduce_sum3A_634 = tpu.scan <sum>, %div3A_537 masked %reduce_sum3A_633 : vector<16xf32>, vector<16xi1> -> vector<16xf32>
    %reduce_sum3A_635 = vector.extract %reduce_sum3A_634[15] : f32 from vector<16xf32>
    %add3A_636 = arith.addf %add3A_476, %reduce_sum3A_635 : f32
    %get3A_637 = arith.constant 0 : index
    %get3A_638 = tpu.vector_load %arg14[%get3A_637] {strides = array<i32>} : memref<64xi32, #tpu.memory_space<vmem>>, vector<16xi32>,
    %broadcast_in_dim3A_639 = arith.constant 0 : i32
    %broadcast_in_dim3A_640 = vector.broadcast %broadcast_in_dim3A_639 : i32 to vector<16xi32>
    %eq3A = arith.constant 0 : i32
    %eq3A_641 = vector.broadcast %eq3A : i32 to vector<16xi32>
    %eq3A_642 = arith.cmpi eq, %get3A_638, %eq3A_641 : vector<16xi32>
    %convert_element_type3A = arith.extui %eq3A_642 : vector<16xi1> to vector<16xi32>
    %broadcast_in_dim3A_643 = arith.constant true
    %broadcast_in_dim3A_644 = vector.broadcast %broadcast_in_dim3A_643 : i1 to vector<16xi1>
    %masked_cumsum3A = tpu.scan <sum>, %convert_element_type3A masked %broadcast_in_dim3A_644 : vector<16xi32>, vector<16xi1> -> vector<16xi32>
    %sub3A_645 = arith.subi %masked_cumsum3A, %convert_element_type3A : vector<16xi32>
    %mul3A_646 = arith.constant 0 : i32
    %mul3A_647 = vector.broadcast %mul3A_646 : i32 to vector<16xi32>
    %mul3A_648 = arith.muli %convert_element_type3A, %mul3A_647 : vector<16xi32>
    %add3A_649 = arith.addi %broadcast_in_dim3A_640, %mul3A_648 : vector<16xi32>
    %mul3A_650 = arith.muli %convert_element_type3A, %sub3A_645 : vector<16xi32>
    %add3A_651 = arith.addi %add3A_649, %mul3A_650 : vector<16xi32>
    %reduce_sum3A_652 = arith.constant true
    %reduce_sum3A_653 = vector.broadcast %reduce_sum3A_652 : i1 to vector<16xi1>
    %reduce_sum3A_654 = tpu.scan <sum>, %convert_element_type3A masked %reduce_sum3A_653 : vector<16xi32>, vector<16xi1> -> vector<16xi32>
    %reduce_sum3A_655 = vector.extract %reduce_sum3A_654[15] : i32 from vector<16xi32>
    %add3A_656 = arith.constant 0 : i32
    %add3A_657 = arith.addi %add3A_656, %reduce_sum3A_655 : i32
    %eq3A_658 = arith.constant 1 : i32
    %eq3A_659 = vector.broadcast %eq3A_658 : i32 to vector<16xi32>
    %eq3A_660 = arith.cmpi eq, %get3A_638, %eq3A_659 : vector<16xi32>
    %convert_element_type3A_661 = arith.extui %eq3A_660 : vector<16xi1> to vector<16xi32>
    %broadcast_in_dim3A_662 = arith.constant true
    %broadcast_in_dim3A_663 = vector.broadcast %broadcast_in_dim3A_662 : i1 to vector<16xi1>
    %masked_cumsum3A_664 = tpu.scan <sum>, %convert_element_type3A_661 masked %broadcast_in_dim3A_663 : vector<16xi32>, vector<16xi1> -> vector<16xi32>
    %sub3A_665 = arith.subi %masked_cumsum3A_664, %convert_element_type3A_661 : vector<16xi32>
    %mul3A_666 = arith.constant 0 : i32
    %mul3A_667 = vector.broadcast %mul3A_666 : i32 to vector<16xi32>
    %mul3A_668 = arith.muli %convert_element_type3A_661, %mul3A_667 : vector<16xi32>
    %add3A_669 = arith.addi %add3A_651, %mul3A_668 : vector<16xi32>
    %mul3A_670 = arith.muli %convert_element_type3A_661, %sub3A_665 : vector<16xi32>
    %add3A_671 = arith.addi %add3A_669, %mul3A_670 : vector<16xi32>
    %reduce_sum3A_672 = arith.constant true
    %reduce_sum3A_673 = vector.broadcast %reduce_sum3A_672 : i1 to vector<16xi1>
    %reduce_sum3A_674 = tpu.scan <sum>, %convert_element_type3A_661 masked %reduce_sum3A_673 : vector<16xi32>, vector<16xi1> -> vector<16xi32>
    %reduce_sum3A_675 = vector.extract %reduce_sum3A_674[15] : i32 from vector<16xi32>
    %add3A_676 = arith.constant 0 : i32
    %add3A_677 = arith.addi %add3A_676, %reduce_sum3A_675 : i32
    %eq3A_678 = arith.constant 2 : i32
    %eq3A_679 = vector.broadcast %eq3A_678 : i32 to vector<16xi32>
    %eq3A_680 = arith.cmpi eq, %get3A_638, %eq3A_679 : vector<16xi32>
    %convert_element_type3A_681 = arith.extui %eq3A_680 : vector<16xi1> to vector<16xi32>
    %broadcast_in_dim3A_682 = arith.constant true
    %broadcast_in_dim3A_683 = vector.broadcast %broadcast_in_dim3A_682 : i1 to vector<16xi1>
    %masked_cumsum3A_684 = tpu.scan <sum>, %convert_element_type3A_681 masked %broadcast_in_dim3A_683 : vector<16xi32>, vector<16xi1> -> vector<16xi32>
    %sub3A_685 = arith.subi %masked_cumsum3A_684, %convert_element_type3A_681 : vector<16xi32>
    %mul3A_686 = arith.constant 0 : i32
    %mul3A_687 = vector.broadcast %mul3A_686 : i32 to vector<16xi32>
    %mul3A_688 = arith.muli %convert_element_type3A_681, %mul3A_687 : vector<16xi32>
    %add3A_689 = arith.addi %add3A_671, %mul3A_688 : vector<16xi32>
    %mul3A_690 = arith.muli %convert_element_type3A_681, %sub3A_685 : vector<16xi32>
    %add3A_691 = arith.addi %add3A_689, %mul3A_690 : vector<16xi32>
    %reduce_sum3A_692 = arith.constant true
    %reduce_sum3A_693 = vector.broadcast %reduce_sum3A_692 : i1 to vector<16xi1>
    %reduce_sum3A_694 = tpu.scan <sum>, %convert_element_type3A_681 masked %reduce_sum3A_693 : vector<16xi32>, vector<16xi1> -> vector<16xi32>
    %reduce_sum3A_695 = vector.extract %reduce_sum3A_694[15] : i32 from vector<16xi32>
    %add3A_696 = arith.constant 0 : i32
    %add3A_697 = arith.addi %add3A_696, %reduce_sum3A_695 : i32
    %eq3A_698 = arith.constant 3 : i32
    %eq3A_699 = vector.broadcast %eq3A_698 : i32 to vector<16xi32>
    %eq3A_700 = arith.cmpi eq, %get3A_638, %eq3A_699 : vector<16xi32>
    %convert_element_type3A_701 = arith.extui %eq3A_700 : vector<16xi1> to vector<16xi32>
    %broadcast_in_dim3A_702 = arith.constant true
    %broadcast_in_dim3A_703 = vector.broadcast %broadcast_in_dim3A_702 : i1 to vector<16xi1>
    %masked_cumsum3A_704 = tpu.scan <sum>, %convert_element_type3A_701 masked %broadcast_in_dim3A_703 : vector<16xi32>, vector<16xi1> -> vector<16xi32>
    %sub3A_705 = arith.subi %masked_cumsum3A_704, %convert_element_type3A_701 : vector<16xi32>
    %mul3A_706 = arith.constant 0 : i32
    %mul3A_707 = vector.broadcast %mul3A_706 : i32 to vector<16xi32>
    %mul3A_708 = arith.muli %convert_element_type3A_701, %mul3A_707 : vector<16xi32>
    %add3A_709 = arith.addi %add3A_691, %mul3A_708 : vector<16xi32>
    %mul3A_710 = arith.muli %convert_element_type3A_701, %sub3A_705 : vector<16xi32>
    %add3A_711 = arith.addi %add3A_709, %mul3A_710 : vector<16xi32>
    %reduce_sum3A_712 = arith.constant true
    %reduce_sum3A_713 = vector.broadcast %reduce_sum3A_712 : i1 to vector<16xi1>
    %reduce_sum3A_714 = tpu.scan <sum>, %convert_element_type3A_701 masked %reduce_sum3A_713 : vector<16xi32>, vector<16xi1> -> vector<16xi32>
    %reduce_sum3A_715 = vector.extract %reduce_sum3A_714[15] : i32 from vector<16xi32>
    %add3A_716 = arith.constant 0 : i32
    %add3A_717 = arith.addi %add3A_716, %reduce_sum3A_715 : i32
    %eq3A_718 = arith.constant 4 : i32
    %eq3A_719 = vector.broadcast %eq3A_718 : i32 to vector<16xi32>
    %eq3A_720 = arith.cmpi eq, %get3A_638, %eq3A_719 : vector<16xi32>
    %convert_element_type3A_721 = arith.extui %eq3A_720 : vector<16xi1> to vector<16xi32>
    %broadcast_in_dim3A_722 = arith.constant true
    %broadcast_in_dim3A_723 = vector.broadcast %broadcast_in_dim3A_722 : i1 to vector<16xi1>
    %masked_cumsum3A_724 = tpu.scan <sum>, %convert_element_type3A_721 masked %broadcast_in_dim3A_723 : vector<16xi32>, vector<16xi1> -> vector<16xi32>
    %sub3A_725 = arith.subi %masked_cumsum3A_724, %convert_element_type3A_721 : vector<16xi32>
    %mul3A_726 = arith.constant 0 : i32
    %mul3A_727 = vector.broadcast %mul3A_726 : i32 to vector<16xi32>
    %mul3A_728 = arith.muli %convert_element_type3A_721, %mul3A_727 : vector<16xi32>
    %add3A_729 = arith.addi %add3A_711, %mul3A_728 : vector<16xi32>
    %mul3A_730 = arith.muli %convert_element_type3A_721, %sub3A_725 : vector<16xi32>
    %add3A_731 = arith.addi %add3A_729, %mul3A_730 : vector<16xi32>
    %reduce_sum3A_732 = arith.constant true
    %reduce_sum3A_733 = vector.broadcast %reduce_sum3A_732 : i1 to vector<16xi1>
    %reduce_sum3A_734 = tpu.scan <sum>, %convert_element_type3A_721 masked %reduce_sum3A_733 : vector<16xi32>, vector<16xi1> -> vector<16xi32>
    %reduce_sum3A_735 = vector.extract %reduce_sum3A_734[15] : i32 from vector<16xi32>
    %add3A_736 = arith.constant 0 : i32
    %add3A_737 = arith.addi %add3A_736, %reduce_sum3A_735 : i32
    %eq3A_738 = arith.constant 5 : i32
    %eq3A_739 = vector.broadcast %eq3A_738 : i32 to vector<16xi32>
    %eq3A_740 = arith.cmpi eq, %get3A_638, %eq3A_739 : vector<16xi32>
    %convert_element_type3A_741 = arith.extui %eq3A_740 : vector<16xi1> to vector<16xi32>
    %broadcast_in_dim3A_742 = arith.constant true
    %broadcast_in_dim3A_743 = vector.broadcast %broadcast_in_dim3A_742 : i1 to vector<16xi1>
    %masked_cumsum3A_744 = tpu.scan <sum>, %convert_element_type3A_741 masked %broadcast_in_dim3A_743 : vector<16xi32>, vector<16xi1> -> vector<16xi32>
    %sub3A_745 = arith.subi %masked_cumsum3A_744, %convert_element_type3A_741 : vector<16xi32>
    %mul3A_746 = arith.constant 0 : i32
    %mul3A_747 = vector.broadcast %mul3A_746 : i32 to vector<16xi32>
    %mul3A_748 = arith.muli %convert_element_type3A_741, %mul3A_747 : vector<16xi32>
    %add3A_749 = arith.addi %add3A_731, %mul3A_748 : vector<16xi32>
    %mul3A_750 = arith.muli %convert_element_type3A_741, %sub3A_745 : vector<16xi32>
    %add3A_751 = arith.addi %add3A_749, %mul3A_750 : vector<16xi32>
    %reduce_sum3A_752 = arith.constant true
    %reduce_sum3A_753 = vector.broadcast %reduce_sum3A_752 : i1 to vector<16xi1>
    %reduce_sum3A_754 = tpu.scan <sum>, %convert_element_type3A_741 masked %reduce_sum3A_753 : vector<16xi32>, vector<16xi1> -> vector<16xi32>
    %reduce_sum3A_755 = vector.extract %reduce_sum3A_754[15] : i32 from vector<16xi32>
    %add3A_756 = arith.constant 0 : i32
    %add3A_757 = arith.addi %add3A_756, %reduce_sum3A_755 : i32
    %eq3A_758 = arith.constant 6 : i32
    %eq3A_759 = vector.broadcast %eq3A_758 : i32 to vector<16xi32>
    %eq3A_760 = arith.cmpi eq, %get3A_638, %eq3A_759 : vector<16xi32>
    %convert_element_type3A_761 = arith.extui %eq3A_760 : vector<16xi1> to vector<16xi32>
    %broadcast_in_dim3A_762 = arith.constant true
    %broadcast_in_dim3A_763 = vector.broadcast %broadcast_in_dim3A_762 : i1 to vector<16xi1>
    %masked_cumsum3A_764 = tpu.scan <sum>, %convert_element_type3A_761 masked %broadcast_in_dim3A_763 : vector<16xi32>, vector<16xi1> -> vector<16xi32>
    %sub3A_765 = arith.subi %masked_cumsum3A_764, %convert_element_type3A_761 : vector<16xi32>
    %mul3A_766 = arith.constant 0 : i32
    %mul3A_767 = vector.broadcast %mul3A_766 : i32 to vector<16xi32>
    %mul3A_768 = arith.muli %convert_element_type3A_761, %mul3A_767 : vector<16xi32>
    %add3A_769 = arith.addi %add3A_751, %mul3A_768 : vector<16xi32>
    %mul3A_770 = arith.muli %convert_element_type3A_761, %sub3A_765 : vector<16xi32>
    %add3A_771 = arith.addi %add3A_769, %mul3A_770 : vector<16xi32>
    %reduce_sum3A_772 = arith.constant true
    %reduce_sum3A_773 = vector.broadcast %reduce_sum3A_772 : i1 to vector<16xi1>
    %reduce_sum3A_774 = tpu.scan <sum>, %convert_element_type3A_761 masked %reduce_sum3A_773 : vector<16xi32>, vector<16xi1> -> vector<16xi32>
    %reduce_sum3A_775 = vector.extract %reduce_sum3A_774[15] : i32 from vector<16xi32>
    %add3A_776 = arith.constant 0 : i32
    %add3A_777 = arith.addi %add3A_776, %reduce_sum3A_775 : i32
    %swap3A_778 = arith.constant 0 : index
    %swap3A_779 = tpu.vector_load %arg16[%swap3A_778] {strides = array<i32>} : memref<64xi32, #tpu.memory_space<vmem>>, vector<16xi32>,
    tpu.vector_store %arg16[%swap3A_778], %add3A_771 {strides = array<i32>} : memref<64xi32, #tpu.memory_space<vmem>>, vector<16xi32>,
    %get3A_780 = arith.constant 16 : index
    %get3A_781 = tpu.vector_load %arg14[%get3A_780] {strides = array<i32>} : memref<64xi32, #tpu.memory_space<vmem>>, vector<16xi32>,
    %broadcast_in_dim3A_782 = arith.constant 0 : i32
    %broadcast_in_dim3A_783 = vector.broadcast %broadcast_in_dim3A_782 : i32 to vector<16xi32>
    %eq3A_784 = arith.constant 0 : i32
    %eq3A_785 = vector.broadcast %eq3A_784 : i32 to vector<16xi32>
    %eq3A_786 = arith.cmpi eq, %get3A_781, %eq3A_785 : vector<16xi32>
    %convert_element_type3A_787 = arith.extui %eq3A_786 : vector<16xi1> to vector<16xi32>
    %broadcast_in_dim3A_788 = arith.constant true
    %broadcast_in_dim3A_789 = vector.broadcast %broadcast_in_dim3A_788 : i1 to vector<16xi1>
    %masked_cumsum3A_790 = tpu.scan <sum>, %convert_element_type3A_787 masked %broadcast_in_dim3A_789 : vector<16xi32>, vector<16xi1> -> vector<16xi32>
    %sub3A_791 = arith.subi %masked_cumsum3A_790, %convert_element_type3A_787 : vector<16xi32>
    %mul3A_792 = vector.broadcast %add3A_657 : i32 to vector<16xi32>
    %mul3A_793 = arith.muli %convert_element_type3A_787, %mul3A_792 : vector<16xi32>
    %add3A_794 = arith.addi %broadcast_in_dim3A_783, %mul3A_793 : vector<16xi32>
    %mul3A_795 = arith.muli %convert_element_type3A_787, %sub3A_791 : vector<16xi32>
    %add3A_796 = arith.addi %add3A_794, %mul3A_795 : vector<16xi32>
    %reduce_sum3A_797 = arith.constant true
    %reduce_sum3A_798 = vector.broadcast %reduce_sum3A_797 : i1 to vector<16xi1>
    %reduce_sum3A_799 = tpu.scan <sum>, %convert_element_type3A_787 masked %reduce_sum3A_798 : vector<16xi32>, vector<16xi1> -> vector<16xi32>
    %reduce_sum3A_800 = vector.extract %reduce_sum3A_799[15] : i32 from vector<16xi32>
    %add3A_801 = arith.addi %add3A_657, %reduce_sum3A_800 : i32
    %eq3A_802 = arith.constant 1 : i32
    %eq3A_803 = vector.broadcast %eq3A_802 : i32 to vector<16xi32>
    %eq3A_804 = arith.cmpi eq, %get3A_781, %eq3A_803 : vector<16xi32>
    %convert_element_type3A_805 = arith.extui %eq3A_804 : vector<16xi1> to vector<16xi32>
    %broadcast_in_dim3A_806 = arith.constant true
    %broadcast_in_dim3A_807 = vector.broadcast %broadcast_in_dim3A_806 : i1 to vector<16xi1>
    %masked_cumsum3A_808 = tpu.scan <sum>, %convert_element_type3A_805 masked %broadcast_in_dim3A_807 : vector<16xi32>, vector<16xi1> -> vector<16xi32>
    %sub3A_809 = arith.subi %masked_cumsum3A_808, %convert_element_type3A_805 : vector<16xi32>
    %mul3A_810 = vector.broadcast %add3A_677 : i32 to vector<16xi32>
    %mul3A_811 = arith.muli %convert_element_type3A_805, %mul3A_810 : vector<16xi32>
    %add3A_812 = arith.addi %add3A_796, %mul3A_811 : vector<16xi32>
    %mul3A_813 = arith.muli %convert_element_type3A_805, %sub3A_809 : vector<16xi32>
    %add3A_814 = arith.addi %add3A_812, %mul3A_813 : vector<16xi32>
    %reduce_sum3A_815 = arith.constant true
    %reduce_sum3A_816 = vector.broadcast %reduce_sum3A_815 : i1 to vector<16xi1>
    %reduce_sum3A_817 = tpu.scan <sum>, %convert_element_type3A_805 masked %reduce_sum3A_816 : vector<16xi32>, vector<16xi1> -> vector<16xi32>
    %reduce_sum3A_818 = vector.extract %reduce_sum3A_817[15] : i32 from vector<16xi32>
    %add3A_819 = arith.addi %add3A_677, %reduce_sum3A_818 : i32
    %eq3A_820 = arith.constant 2 : i32
    %eq3A_821 = vector.broadcast %eq3A_820 : i32 to vector<16xi32>
    %eq3A_822 = arith.cmpi eq, %get3A_781, %eq3A_821 : vector<16xi32>
    %convert_element_type3A_823 = arith.extui %eq3A_822 : vector<16xi1> to vector<16xi32>
    %broadcast_in_dim3A_824 = arith.constant true
    %broadcast_in_dim3A_825 = vector.broadcast %broadcast_in_dim3A_824 : i1 to vector<16xi1>
    %masked_cumsum3A_826 = tpu.scan <sum>, %convert_element_type3A_823 masked %broadcast_in_dim3A_825 : vector<16xi32>, vector<16xi1> -> vector<16xi32>
    %sub3A_827 = arith.subi %masked_cumsum3A_826, %convert_element_type3A_823 : vector<16xi32>
    %mul3A_828 = vector.broadcast %add3A_697 : i32 to vector<16xi32>
    %mul3A_829 = arith.muli %convert_element_type3A_823, %mul3A_828 : vector<16xi32>
    %add3A_830 = arith.addi %add3A_814, %mul3A_829 : vector<16xi32>
    %mul3A_831 = arith.muli %convert_element_type3A_823, %sub3A_827 : vector<16xi32>
    %add3A_832 = arith.addi %add3A_830, %mul3A_831 : vector<16xi32>
    %reduce_sum3A_833 = arith.constant true
    %reduce_sum3A_834 = vector.broadcast %reduce_sum3A_833 : i1 to vector<16xi1>
    %reduce_sum3A_835 = tpu.scan <sum>, %convert_element_type3A_823 masked %reduce_sum3A_834 : vector<16xi32>, vector<16xi1> -> vector<16xi32>
    %reduce_sum3A_836 = vector.extract %reduce_sum3A_835[15] : i32 from vector<16xi32>
    %add3A_837 = arith.addi %add3A_697, %reduce_sum3A_836 : i32
    %eq3A_838 = arith.constant 3 : i32
    %eq3A_839 = vector.broadcast %eq3A_838 : i32 to vector<16xi32>
    %eq3A_840 = arith.cmpi eq, %get3A_781, %eq3A_839 : vector<16xi32>
    %convert_element_type3A_841 = arith.extui %eq3A_840 : vector<16xi1> to vector<16xi32>
    %broadcast_in_dim3A_842 = arith.constant true
    %broadcast_in_dim3A_843 = vector.broadcast %broadcast_in_dim3A_842 : i1 to vector<16xi1>
    %masked_cumsum3A_844 = tpu.scan <sum>, %convert_element_type3A_841 masked %broadcast_in_dim3A_843 : vector<16xi32>, vector<16xi1> -> vector<16xi32>
    %sub3A_845 = arith.subi %masked_cumsum3A_844, %convert_element_type3A_841 : vector<16xi32>
    %mul3A_846 = vector.broadcast %add3A_717 : i32 to vector<16xi32>
    %mul3A_847 = arith.muli %convert_element_type3A_841, %mul3A_846 : vector<16xi32>
    %add3A_848 = arith.addi %add3A_832, %mul3A_847 : vector<16xi32>
    %mul3A_849 = arith.muli %convert_element_type3A_841, %sub3A_845 : vector<16xi32>
    %add3A_850 = arith.addi %add3A_848, %mul3A_849 : vector<16xi32>
    %reduce_sum3A_851 = arith.constant true
    %reduce_sum3A_852 = vector.broadcast %reduce_sum3A_851 : i1 to vector<16xi1>
    %reduce_sum3A_853 = tpu.scan <sum>, %convert_element_type3A_841 masked %reduce_sum3A_852 : vector<16xi32>, vector<16xi1> -> vector<16xi32>
    %reduce_sum3A_854 = vector.extract %reduce_sum3A_853[15] : i32 from vector<16xi32>
    %add3A_855 = arith.addi %add3A_717, %reduce_sum3A_854 : i32
    %eq3A_856 = arith.constant 4 : i32
    %eq3A_857 = vector.broadcast %eq3A_856 : i32 to vector<16xi32>
    %eq3A_858 = arith.cmpi eq, %get3A_781, %eq3A_857 : vector<16xi32>
    %convert_element_type3A_859 = arith.extui %eq3A_858 : vector<16xi1> to vector<16xi32>
    %broadcast_in_dim3A_860 = arith.constant true
    %broadcast_in_dim3A_861 = vector.broadcast %broadcast_in_dim3A_860 : i1 to vector<16xi1>
    %masked_cumsum3A_862 = tpu.scan <sum>, %convert_element_type3A_859 masked %broadcast_in_dim3A_861 : vector<16xi32>, vector<16xi1> -> vector<16xi32>
    %sub3A_863 = arith.subi %masked_cumsum3A_862, %convert_element_type3A_859 : vector<16xi32>
    %mul3A_864 = vector.broadcast %add3A_737 : i32 to vector<16xi32>
    %mul3A_865 = arith.muli %convert_element_type3A_859, %mul3A_864 : vector<16xi32>
    %add3A_866 = arith.addi %add3A_850, %mul3A_865 : vector<16xi32>
    %mul3A_867 = arith.muli %convert_element_type3A_859, %sub3A_863 : vector<16xi32>
    %add3A_868 = arith.addi %add3A_866, %mul3A_867 : vector<16xi32>
    %reduce_sum3A_869 = arith.constant true
    %reduce_sum3A_870 = vector.broadcast %reduce_sum3A_869 : i1 to vector<16xi1>
    %reduce_sum3A_871 = tpu.scan <sum>, %convert_element_type3A_859 masked %reduce_sum3A_870 : vector<16xi32>, vector<16xi1> -> vector<16xi32>
    %reduce_sum3A_872 = vector.extract %reduce_sum3A_871[15] : i32 from vector<16xi32>
    %add3A_873 = arith.addi %add3A_737, %reduce_sum3A_872 : i32
    %eq3A_874 = arith.constant 5 : i32
    %eq3A_875 = vector.broadcast %eq3A_874 : i32 to vector<16xi32>
    %eq3A_876 = arith.cmpi eq, %get3A_781, %eq3A_875 : vector<16xi32>
    %convert_element_type3A_877 = arith.extui %eq3A_876 : vector<16xi1> to vector<16xi32>
    %broadcast_in_dim3A_878 = arith.constant true
    %broadcast_in_dim3A_879 = vector.broadcast %broadcast_in_dim3A_878 : i1 to vector<16xi1>
    %masked_cumsum3A_880 = tpu.scan <sum>, %convert_element_type3A_877 masked %broadcast_in_dim3A_879 : vector<16xi32>, vector<16xi1> -> vector<16xi32>
    %sub3A_881 = arith.subi %masked_cumsum3A_880, %convert_element_type3A_877 : vector<16xi32>
    %mul3A_882 = vector.broadcast %add3A_757 : i32 to vector<16xi32>
    %mul3A_883 = arith.muli %convert_element_type3A_877, %mul3A_882 : vector<16xi32>
    %add3A_884 = arith.addi %add3A_868, %mul3A_883 : vector<16xi32>
    %mul3A_885 = arith.muli %convert_element_type3A_877, %sub3A_881 : vector<16xi32>
    %add3A_886 = arith.addi %add3A_884, %mul3A_885 : vector<16xi32>
    %reduce_sum3A_887 = arith.constant true
    %reduce_sum3A_888 = vector.broadcast %reduce_sum3A_887 : i1 to vector<16xi1>
    %reduce_sum3A_889 = tpu.scan <sum>, %convert_element_type3A_877 masked %reduce_sum3A_888 : vector<16xi32>, vector<16xi1> -> vector<16xi32>
    %reduce_sum3A_890 = vector.extract %reduce_sum3A_889[15] : i32 from vector<16xi32>
    %add3A_891 = arith.addi %add3A_757, %reduce_sum3A_890 : i32
    %eq3A_892 = arith.constant 6 : i32
    %eq3A_893 = vector.broadcast %eq3A_892 : i32 to vector<16xi32>
    %eq3A_894 = arith.cmpi eq, %get3A_781, %eq3A_893 : vector<16xi32>
    %convert_element_type3A_895 = arith.extui %eq3A_894 : vector<16xi1> to vector<16xi32>
    %broadcast_in_dim3A_896 = arith.constant true
    %broadcast_in_dim3A_897 = vector.broadcast %broadcast_in_dim3A_896 : i1 to vector<16xi1>
    %masked_cumsum3A_898 = tpu.scan <sum>, %convert_element_type3A_895 masked %broadcast_in_dim3A_897 : vector<16xi32>, vector<16xi1> -> vector<16xi32>
    %sub3A_899 = arith.subi %masked_cumsum3A_898, %convert_element_type3A_895 : vector<16xi32>
    %mul3A_900 = vector.broadcast %add3A_777 : i32 to vector<16xi32>
    %mul3A_901 = arith.muli %convert_element_type3A_895, %mul3A_900 : vector<16xi32>
    %add3A_902 = arith.addi %add3A_886, %mul3A_901 : vector<16xi32>
    %mul3A_903 = arith.muli %convert_element_type3A_895, %sub3A_899 : vector<16xi32>
    %add3A_904 = arith.addi %add3A_902, %mul3A_903 : vector<16xi32>
    %reduce_sum3A_905 = arith.constant true
    %reduce_sum3A_906 = vector.broadcast %reduce_sum3A_905 : i1 to vector<16xi1>
    %reduce_sum3A_907 = tpu.scan <sum>, %convert_element_type3A_895 masked %reduce_sum3A_906 : vector<16xi32>, vector<16xi1> -> vector<16xi32>
    %reduce_sum3A_908 = vector.extract %reduce_sum3A_907[15] : i32 from vector<16xi32>
    %add3A_909 = arith.addi %add3A_777, %reduce_sum3A_908 : i32
    %swap3A_910 = arith.constant 16 : index
    %swap3A_911 = tpu.vector_load %arg16[%swap3A_910] {strides = array<i32>} : memref<64xi32, #tpu.memory_space<vmem>>, vector<16xi32>,
    tpu.vector_store %arg16[%swap3A_910], %add3A_904 {strides = array<i32>} : memref<64xi32, #tpu.memory_space<vmem>>, vector<16xi32>,
    %get3A_912 = arith.constant 32 : index
    %get3A_913 = tpu.vector_load %arg14[%get3A_912] {strides = array<i32>} : memref<64xi32, #tpu.memory_space<vmem>>, vector<16xi32>,
    %broadcast_in_dim3A_914 = arith.constant 0 : i32
    %broadcast_in_dim3A_915 = vector.broadcast %broadcast_in_dim3A_914 : i32 to vector<16xi32>
    %eq3A_916 = arith.constant 0 : i32
    %eq3A_917 = vector.broadcast %eq3A_916 : i32 to vector<16xi32>
    %eq3A_918 = arith.cmpi eq, %get3A_913, %eq3A_917 : vector<16xi32>
    %convert_element_type3A_919 = arith.extui %eq3A_918 : vector<16xi1> to vector<16xi32>
    %broadcast_in_dim3A_920 = arith.constant true
    %broadcast_in_dim3A_921 = vector.broadcast %broadcast_in_dim3A_920 : i1 to vector<16xi1>
    %masked_cumsum3A_922 = tpu.scan <sum>, %convert_element_type3A_919 masked %broadcast_in_dim3A_921 : vector<16xi32>, vector<16xi1> -> vector<16xi32>
    %sub3A_923 = arith.subi %masked_cumsum3A_922, %convert_element_type3A_919 : vector<16xi32>
    %mul3A_924 = vector.broadcast %add3A_801 : i32 to vector<16xi32>
    %mul3A_925 = arith.muli %convert_element_type3A_919, %mul3A_924 : vector<16xi32>
    %add3A_926 = arith.addi %broadcast_in_dim3A_915, %mul3A_925 : vector<16xi32>
    %mul3A_927 = arith.muli %convert_element_type3A_919, %sub3A_923 : vector<16xi32>
    %add3A_928 = arith.addi %add3A_926, %mul3A_927 : vector<16xi32>
    %reduce_sum3A_929 = arith.constant true
    %reduce_sum3A_930 = vector.broadcast %reduce_sum3A_929 : i1 to vector<16xi1>
    %reduce_sum3A_931 = tpu.scan <sum>, %convert_element_type3A_919 masked %reduce_sum3A_930 : vector<16xi32>, vector<16xi1> -> vector<16xi32>
    %reduce_sum3A_932 = vector.extract %reduce_sum3A_931[15] : i32 from vector<16xi32>
    %add3A_933 = arith.addi %add3A_801, %reduce_sum3A_932 : i32
    %eq3A_934 = arith.constant 1 : i32
    %eq3A_935 = vector.broadcast %eq3A_934 : i32 to vector<16xi32>
    %eq3A_936 = arith.cmpi eq, %get3A_913, %eq3A_935 : vector<16xi32>
    %convert_element_type3A_937 = arith.extui %eq3A_936 : vector<16xi1> to vector<16xi32>
    %broadcast_in_dim3A_938 = arith.constant true
    %broadcast_in_dim3A_939 = vector.broadcast %broadcast_in_dim3A_938 : i1 to vector<16xi1>
    %masked_cumsum3A_940 = tpu.scan <sum>, %convert_element_type3A_937 masked %broadcast_in_dim3A_939 : vector<16xi32>, vector<16xi1> -> vector<16xi32>
    %sub3A_941 = arith.subi %masked_cumsum3A_940, %convert_element_type3A_937 : vector<16xi32>
    %mul3A_942 = vector.broadcast %add3A_819 : i32 to vector<16xi32>
    %mul3A_943 = arith.muli %convert_element_type3A_937, %mul3A_942 : vector<16xi32>
    %add3A_944 = arith.addi %add3A_928, %mul3A_943 : vector<16xi32>
    %mul3A_945 = arith.muli %convert_element_type3A_937, %sub3A_941 : vector<16xi32>
    %add3A_946 = arith.addi %add3A_944, %mul3A_945 : vector<16xi32>
    %reduce_sum3A_947 = arith.constant true
    %reduce_sum3A_948 = vector.broadcast %reduce_sum3A_947 : i1 to vector<16xi1>
    %reduce_sum3A_949 = tpu.scan <sum>, %convert_element_type3A_937 masked %reduce_sum3A_948 : vector<16xi32>, vector<16xi1> -> vector<16xi32>
    %reduce_sum3A_950 = vector.extract %reduce_sum3A_949[15] : i32 from vector<16xi32>
    %add3A_951 = arith.addi %add3A_819, %reduce_sum3A_950 : i32
    %eq3A_952 = arith.constant 2 : i32
    %eq3A_953 = vector.broadcast %eq3A_952 : i32 to vector<16xi32>
    %eq3A_954 = arith.cmpi eq, %get3A_913, %eq3A_953 : vector<16xi32>
    %convert_element_type3A_955 = arith.extui %eq3A_954 : vector<16xi1> to vector<16xi32>
    %broadcast_in_dim3A_956 = arith.constant true
    %broadcast_in_dim3A_957 = vector.broadcast %broadcast_in_dim3A_956 : i1 to vector<16xi1>
    %masked_cumsum3A_958 = tpu.scan <sum>, %convert_element_type3A_955 masked %broadcast_in_dim3A_957 : vector<16xi32>, vector<16xi1> -> vector<16xi32>
    %sub3A_959 = arith.subi %masked_cumsum3A_958, %convert_element_type3A_955 : vector<16xi32>
    %mul3A_960 = vector.broadcast %add3A_837 : i32 to vector<16xi32>
    %mul3A_961 = arith.muli %convert_element_type3A_955, %mul3A_960 : vector<16xi32>
    %add3A_962 = arith.addi %add3A_946, %mul3A_961 : vector<16xi32>
    %mul3A_963 = arith.muli %convert_element_type3A_955, %sub3A_959 : vector<16xi32>
    %add3A_964 = arith.addi %add3A_962, %mul3A_963 : vector<16xi32>
    %reduce_sum3A_965 = arith.constant true
    %reduce_sum3A_966 = vector.broadcast %reduce_sum3A_965 : i1 to vector<16xi1>
    %reduce_sum3A_967 = tpu.scan <sum>, %convert_element_type3A_955 masked %reduce_sum3A_966 : vector<16xi32>, vector<16xi1> -> vector<16xi32>
    %reduce_sum3A_968 = vector.extract %reduce_sum3A_967[15] : i32 from vector<16xi32>
    %add3A_969 = arith.addi %add3A_837, %reduce_sum3A_968 : i32
    %eq3A_970 = arith.constant 3 : i32
    %eq3A_971 = vector.broadcast %eq3A_970 : i32 to vector<16xi32>
    %eq3A_972 = arith.cmpi eq, %get3A_913, %eq3A_971 : vector<16xi32>
    %convert_element_type3A_973 = arith.extui %eq3A_972 : vector<16xi1> to vector<16xi32>
    %broadcast_in_dim3A_974 = arith.constant true
    %broadcast_in_dim3A_975 = vector.broadcast %broadcast_in_dim3A_974 : i1 to vector<16xi1>
    %masked_cumsum3A_976 = tpu.scan <sum>, %convert_element_type3A_973 masked %broadcast_in_dim3A_975 : vector<16xi32>, vector<16xi1> -> vector<16xi32>
    %sub3A_977 = arith.subi %masked_cumsum3A_976, %convert_element_type3A_973 : vector<16xi32>
    %mul3A_978 = vector.broadcast %add3A_855 : i32 to vector<16xi32>
    %mul3A_979 = arith.muli %convert_element_type3A_973, %mul3A_978 : vector<16xi32>
    %add3A_980 = arith.addi %add3A_964, %mul3A_979 : vector<16xi32>
    %mul3A_981 = arith.muli %convert_element_type3A_973, %sub3A_977 : vector<16xi32>
    %add3A_982 = arith.addi %add3A_980, %mul3A_981 : vector<16xi32>
    %reduce_sum3A_983 = arith.constant true
    %reduce_sum3A_984 = vector.broadcast %reduce_sum3A_983 : i1 to vector<16xi1>
    %reduce_sum3A_985 = tpu.scan <sum>, %convert_element_type3A_973 masked %reduce_sum3A_984 : vector<16xi32>, vector<16xi1> -> vector<16xi32>
    %reduce_sum3A_986 = vector.extract %reduce_sum3A_985[15] : i32 from vector<16xi32>
    %add3A_987 = arith.addi %add3A_855, %reduce_sum3A_986 : i32
    %eq3A_988 = arith.constant 4 : i32
    %eq3A_989 = vector.broadcast %eq3A_988 : i32 to vector<16xi32>
    %eq3A_990 = arith.cmpi eq, %get3A_913, %eq3A_989 : vector<16xi32>
    %convert_element_type3A_991 = arith.extui %eq3A_990 : vector<16xi1> to vector<16xi32>
    %broadcast_in_dim3A_992 = arith.constant true
    %broadcast_in_dim3A_993 = vector.broadcast %broadcast_in_dim3A_992 : i1 to vector<16xi1>
    %masked_cumsum3A_994 = tpu.scan <sum>, %convert_element_type3A_991 masked %broadcast_in_dim3A_993 : vector<16xi32>, vector<16xi1> -> vector<16xi32>
    %sub3A_995 = arith.subi %masked_cumsum3A_994, %convert_element_type3A_991 : vector<16xi32>
    %mul3A_996 = vector.broadcast %add3A_873 : i32 to vector<16xi32>
    %mul3A_997 = arith.muli %convert_element_type3A_991, %mul3A_996 : vector<16xi32>
    %add3A_998 = arith.addi %add3A_982, %mul3A_997 : vector<16xi32>
    %mul3A_999 = arith.muli %convert_element_type3A_991, %sub3A_995 : vector<16xi32>
    %add3A_1000 = arith.addi %add3A_998, %mul3A_999 : vector<16xi32>
    %reduce_sum3A_1001 = arith.constant true
    %reduce_sum3A_1002 = vector.broadcast %reduce_sum3A_1001 : i1 to vector<16xi1>
    %reduce_sum3A_1003 = tpu.scan <sum>, %convert_element_type3A_991 masked %reduce_sum3A_1002 : vector<16xi32>, vector<16xi1> -> vector<16xi32>
    %reduce_sum3A_1004 = vector.extract %reduce_sum3A_1003[15] : i32 from vector<16xi32>
    %add3A_1005 = arith.addi %add3A_873, %reduce_sum3A_1004 : i32
    %eq3A_1006 = arith.constant 5 : i32
    %eq3A_1007 = vector.broadcast %eq3A_1006 : i32 to vector<16xi32>
    %eq3A_1008 = arith.cmpi eq, %get3A_913, %eq3A_1007 : vector<16xi32>
    %convert_element_type3A_1009 = arith.extui %eq3A_1008 : vector<16xi1> to vector<16xi32>
    %broadcast_in_dim3A_1010 = arith.constant true
    %broadcast_in_dim3A_1011 = vector.broadcast %broadcast_in_dim3A_1010 : i1 to vector<16xi1>
    %masked_cumsum3A_1012 = tpu.scan <sum>, %convert_element_type3A_1009 masked %broadcast_in_dim3A_1011 : vector<16xi32>, vector<16xi1> -> vector<16xi32>
    %sub3A_1013 = arith.subi %masked_cumsum3A_1012, %convert_element_type3A_1009 : vector<16xi32>
    %mul3A_1014 = vector.broadcast %add3A_891 : i32 to vector<16xi32>
    %mul3A_1015 = arith.muli %convert_element_type3A_1009, %mul3A_1014 : vector<16xi32>
    %add3A_1016 = arith.addi %add3A_1000, %mul3A_1015 : vector<16xi32>
    %mul3A_1017 = arith.muli %convert_element_type3A_1009, %sub3A_1013 : vector<16xi32>
    %add3A_1018 = arith.addi %add3A_1016, %mul3A_1017 : vector<16xi32>
    %reduce_sum3A_1019 = arith.constant true
    %reduce_sum3A_1020 = vector.broadcast %reduce_sum3A_1019 : i1 to vector<16xi1>
    %reduce_sum3A_1021 = tpu.scan <sum>, %convert_element_type3A_1009 masked %reduce_sum3A_1020 : vector<16xi32>, vector<16xi1> -> vector<16xi32>
    %reduce_sum3A_1022 = vector.extract %reduce_sum3A_1021[15] : i32 from vector<16xi32>
    %add3A_1023 = arith.addi %add3A_891, %reduce_sum3A_1022 : i32
    %eq3A_1024 = arith.constant 6 : i32
    %eq3A_1025 = vector.broadcast %eq3A_1024 : i32 to vector<16xi32>
    %eq3A_1026 = arith.cmpi eq, %get3A_913, %eq3A_1025 : vector<16xi32>
    %convert_element_type3A_1027 = arith.extui %eq3A_1026 : vector<16xi1> to vector<16xi32>
    %broadcast_in_dim3A_1028 = arith.constant true
    %broadcast_in_dim3A_1029 = vector.broadcast %broadcast_in_dim3A_1028 : i1 to vector<16xi1>
    %masked_cumsum3A_1030 = tpu.scan <sum>, %convert_element_type3A_1027 masked %broadcast_in_dim3A_1029 : vector<16xi32>, vector<16xi1> -> vector<16xi32>
    %sub3A_1031 = arith.subi %masked_cumsum3A_1030, %convert_element_type3A_1027 : vector<16xi32>
    %mul3A_1032 = vector.broadcast %add3A_909 : i32 to vector<16xi32>
    %mul3A_1033 = arith.muli %convert_element_type3A_1027, %mul3A_1032 : vector<16xi32>
    %add3A_1034 = arith.addi %add3A_1018, %mul3A_1033 : vector<16xi32>
    %mul3A_1035 = arith.muli %convert_element_type3A_1027, %sub3A_1031 : vector<16xi32>
    %add3A_1036 = arith.addi %add3A_1034, %mul3A_1035 : vector<16xi32>
    %reduce_sum3A_1037 = arith.constant true
    %reduce_sum3A_1038 = vector.broadcast %reduce_sum3A_1037 : i1 to vector<16xi1>
    %reduce_sum3A_1039 = tpu.scan <sum>, %convert_element_type3A_1027 masked %reduce_sum3A_1038 : vector<16xi32>, vector<16xi1> -> vector<16xi32>
    %reduce_sum3A_1040 = vector.extract %reduce_sum3A_1039[15] : i32 from vector<16xi32>
    %add3A_1041 = arith.addi %add3A_909, %reduce_sum3A_1040 : i32
    %swap3A_1042 = arith.constant 32 : index
    %swap3A_1043 = tpu.vector_load %arg16[%swap3A_1042] {strides = array<i32>} : memref<64xi32, #tpu.memory_space<vmem>>, vector<16xi32>,
    tpu.vector_store %arg16[%swap3A_1042], %add3A_1036 {strides = array<i32>} : memref<64xi32, #tpu.memory_space<vmem>>, vector<16xi32>,
    %get3A_1044 = arith.constant 48 : index
    %get3A_1045 = tpu.vector_load %arg14[%get3A_1044] {strides = array<i32>} : memref<64xi32, #tpu.memory_space<vmem>>, vector<16xi32>,
    %broadcast_in_dim3A_1046 = arith.constant 0 : i32
    %broadcast_in_dim3A_1047 = vector.broadcast %broadcast_in_dim3A_1046 : i32 to vector<16xi32>
    %eq3A_1048 = arith.constant 0 : i32
    %eq3A_1049 = vector.broadcast %eq3A_1048 : i32 to vector<16xi32>
    %eq3A_1050 = arith.cmpi eq, %get3A_1045, %eq3A_1049 : vector<16xi32>
    %convert_element_type3A_1051 = arith.extui %eq3A_1050 : vector<16xi1> to vector<16xi32>
    %broadcast_in_dim3A_1052 = arith.constant true
    %broadcast_in_dim3A_1053 = vector.broadcast %broadcast_in_dim3A_1052 : i1 to vector<16xi1>
    %masked_cumsum3A_1054 = tpu.scan <sum>, %convert_element_type3A_1051 masked %broadcast_in_dim3A_1053 : vector<16xi32>, vector<16xi1> -> vector<16xi32>
    %sub3A_1055 = arith.subi %masked_cumsum3A_1054, %convert_element_type3A_1051 : vector<16xi32>
    %mul3A_1056 = vector.broadcast %add3A_933 : i32 to vector<16xi32>
    %mul3A_1057 = arith.muli %convert_element_type3A_1051, %mul3A_1056 : vector<16xi32>
    %add3A_1058 = arith.addi %broadcast_in_dim3A_1047, %mul3A_1057 : vector<16xi32>
    %mul3A_1059 = arith.muli %convert_element_type3A_1051, %sub3A_1055 : vector<16xi32>
    %add3A_1060 = arith.addi %add3A_1058, %mul3A_1059 : vector<16xi32>
    %reduce_sum3A_1061 = arith.constant true
    %reduce_sum3A_1062 = vector.broadcast %reduce_sum3A_1061 : i1 to vector<16xi1>
    %reduce_sum3A_1063 = tpu.scan <sum>, %convert_element_type3A_1051 masked %reduce_sum3A_1062 : vector<16xi32>, vector<16xi1> -> vector<16xi32>
    %reduce_sum3A_1064 = vector.extract %reduce_sum3A_1063[15] : i32 from vector<16xi32>
    %add3A_1065 = arith.addi %add3A_933, %reduce_sum3A_1064 : i32
    %eq3A_1066 = arith.constant 1 : i32
    %eq3A_1067 = vector.broadcast %eq3A_1066 : i32 to vector<16xi32>
    %eq3A_1068 = arith.cmpi eq, %get3A_1045, %eq3A_1067 : vector<16xi32>
    %convert_element_type3A_1069 = arith.extui %eq3A_1068 : vector<16xi1> to vector<16xi32>
    %broadcast_in_dim3A_1070 = arith.constant true
    %broadcast_in_dim3A_1071 = vector.broadcast %broadcast_in_dim3A_1070 : i1 to vector<16xi1>
    %masked_cumsum3A_1072 = tpu.scan <sum>, %convert_element_type3A_1069 masked %broadcast_in_dim3A_1071 : vector<16xi32>, vector<16xi1> -> vector<16xi32>
    %sub3A_1073 = arith.subi %masked_cumsum3A_1072, %convert_element_type3A_1069 : vector<16xi32>
    %mul3A_1074 = vector.broadcast %add3A_951 : i32 to vector<16xi32>
    %mul3A_1075 = arith.muli %convert_element_type3A_1069, %mul3A_1074 : vector<16xi32>
    %add3A_1076 = arith.addi %add3A_1060, %mul3A_1075 : vector<16xi32>
    %mul3A_1077 = arith.muli %convert_element_type3A_1069, %sub3A_1073 : vector<16xi32>
    %add3A_1078 = arith.addi %add3A_1076, %mul3A_1077 : vector<16xi32>
    %reduce_sum3A_1079 = arith.constant true
    %reduce_sum3A_1080 = vector.broadcast %reduce_sum3A_1079 : i1 to vector<16xi1>
    %reduce_sum3A_1081 = tpu.scan <sum>, %convert_element_type3A_1069 masked %reduce_sum3A_1080 : vector<16xi32>, vector<16xi1> -> vector<16xi32>
    %reduce_sum3A_1082 = vector.extract %reduce_sum3A_1081[15] : i32 from vector<16xi32>
    %add3A_1083 = arith.addi %add3A_951, %reduce_sum3A_1082 : i32
    %eq3A_1084 = arith.constant 2 : i32
    %eq3A_1085 = vector.broadcast %eq3A_1084 : i32 to vector<16xi32>
    %eq3A_1086 = arith.cmpi eq, %get3A_1045, %eq3A_1085 : vector<16xi32>
    %convert_element_type3A_1087 = arith.extui %eq3A_1086 : vector<16xi1> to vector<16xi32>
    %broadcast_in_dim3A_1088 = arith.constant true
    %broadcast_in_dim3A_1089 = vector.broadcast %broadcast_in_dim3A_1088 : i1 to vector<16xi1>
    %masked_cumsum3A_1090 = tpu.scan <sum>, %convert_element_type3A_1087 masked %broadcast_in_dim3A_1089 : vector<16xi32>, vector<16xi1> -> vector<16xi32>
    %sub3A_1091 = arith.subi %masked_cumsum3A_1090, %convert_element_type3A_1087 : vector<16xi32>
    %mul3A_1092 = vector.broadcast %add3A_969 : i32 to vector<16xi32>
    %mul3A_1093 = arith.muli %convert_element_type3A_1087, %mul3A_1092 : vector<16xi32>
    %add3A_1094 = arith.addi %add3A_1078, %mul3A_1093 : vector<16xi32>
    %mul3A_1095 = arith.muli %convert_element_type3A_1087, %sub3A_1091 : vector<16xi32>
    %add3A_1096 = arith.addi %add3A_1094, %mul3A_1095 : vector<16xi32>
    %reduce_sum3A_1097 = arith.constant true
    %reduce_sum3A_1098 = vector.broadcast %reduce_sum3A_1097 : i1 to vector<16xi1>
    %reduce_sum3A_1099 = tpu.scan <sum>, %convert_element_type3A_1087 masked %reduce_sum3A_1098 : vector<16xi32>, vector<16xi1> -> vector<16xi32>
    %reduce_sum3A_1100 = vector.extract %reduce_sum3A_1099[15] : i32 from vector<16xi32>
    %add3A_1101 = arith.addi %add3A_969, %reduce_sum3A_1100 : i32
    %eq3A_1102 = arith.constant 3 : i32
    %eq3A_1103 = vector.broadcast %eq3A_1102 : i32 to vector<16xi32>
    %eq3A_1104 = arith.cmpi eq, %get3A_1045, %eq3A_1103 : vector<16xi32>
    %convert_element_type3A_1105 = arith.extui %eq3A_1104 : vector<16xi1> to vector<16xi32>
    %broadcast_in_dim3A_1106 = arith.constant true
    %broadcast_in_dim3A_1107 = vector.broadcast %broadcast_in_dim3A_1106 : i1 to vector<16xi1>
    %masked_cumsum3A_1108 = tpu.scan <sum>, %convert_element_type3A_1105 masked %broadcast_in_dim3A_1107 : vector<16xi32>, vector<16xi1> -> vector<16xi32>
    %sub3A_1109 = arith.subi %masked_cumsum3A_1108, %convert_element_type3A_1105 : vector<16xi32>
    %mul3A_1110 = vector.broadcast %add3A_987 : i32 to vector<16xi32>
    %mul3A_1111 = arith.muli %convert_element_type3A_1105, %mul3A_1110 : vector<16xi32>
    %add3A_1112 = arith.addi %add3A_1096, %mul3A_1111 : vector<16xi32>
    %mul3A_1113 = arith.muli %convert_element_type3A_1105, %sub3A_1109 : vector<16xi32>
    %add3A_1114 = arith.addi %add3A_1112, %mul3A_1113 : vector<16xi32>
    %reduce_sum3A_1115 = arith.constant true
    %reduce_sum3A_1116 = vector.broadcast %reduce_sum3A_1115 : i1 to vector<16xi1>
    %reduce_sum3A_1117 = tpu.scan <sum>, %convert_element_type3A_1105 masked %reduce_sum3A_1116 : vector<16xi32>, vector<16xi1> -> vector<16xi32>
    %reduce_sum3A_1118 = vector.extract %reduce_sum3A_1117[15] : i32 from vector<16xi32>
    %add3A_1119 = arith.addi %add3A_987, %reduce_sum3A_1118 : i32
    %eq3A_1120 = arith.constant 4 : i32
    %eq3A_1121 = vector.broadcast %eq3A_1120 : i32 to vector<16xi32>
    %eq3A_1122 = arith.cmpi eq, %get3A_1045, %eq3A_1121 : vector<16xi32>
    %convert_element_type3A_1123 = arith.extui %eq3A_1122 : vector<16xi1> to vector<16xi32>
    %broadcast_in_dim3A_1124 = arith.constant true
    %broadcast_in_dim3A_1125 = vector.broadcast %broadcast_in_dim3A_1124 : i1 to vector<16xi1>
    %masked_cumsum3A_1126 = tpu.scan <sum>, %convert_element_type3A_1123 masked %broadcast_in_dim3A_1125 : vector<16xi32>, vector<16xi1> -> vector<16xi32>
    %sub3A_1127 = arith.subi %masked_cumsum3A_1126, %convert_element_type3A_1123 : vector<16xi32>
    %mul3A_1128 = vector.broadcast %add3A_1005 : i32 to vector<16xi32>
    %mul3A_1129 = arith.muli %convert_element_type3A_1123, %mul3A_1128 : vector<16xi32>
    %add3A_1130 = arith.addi %add3A_1114, %mul3A_1129 : vector<16xi32>
    %mul3A_1131 = arith.muli %convert_element_type3A_1123, %sub3A_1127 : vector<16xi32>
    %add3A_1132 = arith.addi %add3A_1130, %mul3A_1131 : vector<16xi32>
    %reduce_sum3A_1133 = arith.constant true
    %reduce_sum3A_1134 = vector.broadcast %reduce_sum3A_1133 : i1 to vector<16xi1>
    %reduce_sum3A_1135 = tpu.scan <sum>, %convert_element_type3A_1123 masked %reduce_sum3A_1134 : vector<16xi32>, vector<16xi1> -> vector<16xi32>
    %reduce_sum3A_1136 = vector.extract %reduce_sum3A_1135[15] : i32 from vector<16xi32>
    %add3A_1137 = arith.addi %add3A_1005, %reduce_sum3A_1136 : i32
    %eq3A_1138 = arith.constant 5 : i32
    %eq3A_1139 = vector.broadcast %eq3A_1138 : i32 to vector<16xi32>
    %eq3A_1140 = arith.cmpi eq, %get3A_1045, %eq3A_1139 : vector<16xi32>
    %convert_element_type3A_1141 = arith.extui %eq3A_1140 : vector<16xi1> to vector<16xi32>
    %broadcast_in_dim3A_1142 = arith.constant true
    %broadcast_in_dim3A_1143 = vector.broadcast %broadcast_in_dim3A_1142 : i1 to vector<16xi1>
    %masked_cumsum3A_1144 = tpu.scan <sum>, %convert_element_type3A_1141 masked %broadcast_in_dim3A_1143 : vector<16xi32>, vector<16xi1> -> vector<16xi32>
    %sub3A_1145 = arith.subi %masked_cumsum3A_1144, %convert_element_type3A_1141 : vector<16xi32>
    %mul3A_1146 = vector.broadcast %add3A_1023 : i32 to vector<16xi32>
    %mul3A_1147 = arith.muli %convert_element_type3A_1141, %mul3A_1146 : vector<16xi32>
    %add3A_1148 = arith.addi %add3A_1132, %mul3A_1147 : vector<16xi32>
    %mul3A_1149 = arith.muli %convert_element_type3A_1141, %sub3A_1145 : vector<16xi32>
    %add3A_1150 = arith.addi %add3A_1148, %mul3A_1149 : vector<16xi32>
    %reduce_sum3A_1151 = arith.constant true
    %reduce_sum3A_1152 = vector.broadcast %reduce_sum3A_1151 : i1 to vector<16xi1>
    %reduce_sum3A_1153 = tpu.scan <sum>, %convert_element_type3A_1141 masked %reduce_sum3A_1152 : vector<16xi32>, vector<16xi1> -> vector<16xi32>
    %reduce_sum3A_1154 = vector.extract %reduce_sum3A_1153[15] : i32 from vector<16xi32>
    %add3A_1155 = arith.addi %add3A_1023, %reduce_sum3A_1154 : i32
    %eq3A_1156 = arith.constant 6 : i32
    %eq3A_1157 = vector.broadcast %eq3A_1156 : i32 to vector<16xi32>
    %eq3A_1158 = arith.cmpi eq, %get3A_1045, %eq3A_1157 : vector<16xi32>
    %convert_element_type3A_1159 = arith.extui %eq3A_1158 : vector<16xi1> to vector<16xi32>
    %broadcast_in_dim3A_1160 = arith.constant true
    %broadcast_in_dim3A_1161 = vector.broadcast %broadcast_in_dim3A_1160 : i1 to vector<16xi1>
    %masked_cumsum3A_1162 = tpu.scan <sum>, %convert_element_type3A_1159 masked %broadcast_in_dim3A_1161 : vector<16xi32>, vector<16xi1> -> vector<16xi32>
    %sub3A_1163 = arith.subi %masked_cumsum3A_1162, %convert_element_type3A_1159 : vector<16xi32>
    %mul3A_1164 = vector.broadcast %add3A_1041 : i32 to vector<16xi32>
    %mul3A_1165 = arith.muli %convert_element_type3A_1159, %mul3A_1164 : vector<16xi32>
    %add3A_1166 = arith.addi %add3A_1150, %mul3A_1165 : vector<16xi32>
    %mul3A_1167 = arith.muli %convert_element_type3A_1159, %sub3A_1163 : vector<16xi32>
    %add3A_1168 = arith.addi %add3A_1166, %mul3A_1167 : vector<16xi32>
    %reduce_sum3A_1169 = arith.constant true
    %reduce_sum3A_1170 = vector.broadcast %reduce_sum3A_1169 : i1 to vector<16xi1>
    %reduce_sum3A_1171 = tpu.scan <sum>, %convert_element_type3A_1159 masked %reduce_sum3A_1170 : vector<16xi32>, vector<16xi1> -> vector<16xi32>
    %reduce_sum3A_1172 = vector.extract %reduce_sum3A_1171[15] : i32 from vector<16xi32>
    %add3A_1173 = arith.addi %add3A_1041, %reduce_sum3A_1172 : i32
    %swap3A_1174 = arith.constant 48 : index
    %swap3A_1175 = tpu.vector_load %arg16[%swap3A_1174] {strides = array<i32>} : memref<64xi32, #tpu.memory_space<vmem>>, vector<16xi32>,
    tpu.vector_store %arg16[%swap3A_1174], %add3A_1168 {strides = array<i32>} : memref<64xi32, #tpu.memory_space<vmem>>, vector<16xi32>,
    %add3A_1176 = arith.constant 0 : i32
    %add3A_1177 = arith.addi %add3A_1176, %add3A_1065 : i32
    %add3A_1178 = arith.addi %add3A_1177, %add3A_1083 : i32
    %add3A_1179 = arith.addi %add3A_1178, %add3A_1101 : i32
    %add3A_1180 = arith.addi %add3A_1179, %add3A_1119 : i32
    %add3A_1181 = arith.addi %add3A_1180, %add3A_1137 : i32
    %add3A_1182 = arith.addi %add3A_1181, %add3A_1155 : i32
    %get3A_1183 = arith.constant 0 : index
    %get3A_1184 = tpu.vector_load %arg14[%get3A_1183] {strides = array<i32>} : memref<64xi32, #tpu.memory_space<vmem>>, vector<16xi32>,
    %broadcast_in_dim3A_1185 = arith.constant 0 : i32
    %broadcast_in_dim3A_1186 = vector.broadcast %broadcast_in_dim3A_1185 : i32 to vector<16xi32>
    %eq3A_1187 = arith.constant 0 : i32
    %eq3A_1188 = vector.broadcast %eq3A_1187 : i32 to vector<16xi32>
    %eq3A_1189 = arith.cmpi eq, %get3A_1184, %eq3A_1188 : vector<16xi32>
    %convert_element_type3A_1190 = arith.extui %eq3A_1189 : vector<16xi1> to vector<16xi32>
    %mul3A_1191 = arith.constant 0 : i32
    %mul3A_1192 = vector.broadcast %mul3A_1191 : i32 to vector<16xi32>
    %mul3A_1193 = arith.muli %convert_element_type3A_1190, %mul3A_1192 : vector<16xi32>
    %add3A_1194 = arith.addi %broadcast_in_dim3A_1186, %mul3A_1193 : vector<16xi32>
    %eq3A_1195 = arith.constant 1 : i32
    %eq3A_1196 = vector.broadcast %eq3A_1195 : i32 to vector<16xi32>
    %eq3A_1197 = arith.cmpi eq, %get3A_1184, %eq3A_1196 : vector<16xi32>
    %convert_element_type3A_1198 = arith.extui %eq3A_1197 : vector<16xi1> to vector<16xi32>
    %mul3A_1199 = vector.broadcast %add3A_1177 : i32 to vector<16xi32>
    %mul3A_1200 = arith.muli %convert_element_type3A_1198, %mul3A_1199 : vector<16xi32>
    %add3A_1201 = arith.addi %add3A_1194, %mul3A_1200 : vector<16xi32>
    %eq3A_1202 = arith.constant 2 : i32
    %eq3A_1203 = vector.broadcast %eq3A_1202 : i32 to vector<16xi32>
    %eq3A_1204 = arith.cmpi eq, %get3A_1184, %eq3A_1203 : vector<16xi32>
    %convert_element_type3A_1205 = arith.extui %eq3A_1204 : vector<16xi1> to vector<16xi32>
    %mul3A_1206 = vector.broadcast %add3A_1178 : i32 to vector<16xi32>
    %mul3A_1207 = arith.muli %convert_element_type3A_1205, %mul3A_1206 : vector<16xi32>
    %add3A_1208 = arith.addi %add3A_1201, %mul3A_1207 : vector<16xi32>
    %eq3A_1209 = arith.constant 3 : i32
    %eq3A_1210 = vector.broadcast %eq3A_1209 : i32 to vector<16xi32>
    %eq3A_1211 = arith.cmpi eq, %get3A_1184, %eq3A_1210 : vector<16xi32>
    %convert_element_type3A_1212 = arith.extui %eq3A_1211 : vector<16xi1> to vector<16xi32>
    %mul3A_1213 = vector.broadcast %add3A_1179 : i32 to vector<16xi32>
    %mul3A_1214 = arith.muli %convert_element_type3A_1212, %mul3A_1213 : vector<16xi32>
    %add3A_1215 = arith.addi %add3A_1208, %mul3A_1214 : vector<16xi32>
    %eq3A_1216 = arith.constant 4 : i32
    %eq3A_1217 = vector.broadcast %eq3A_1216 : i32 to vector<16xi32>
    %eq3A_1218 = arith.cmpi eq, %get3A_1184, %eq3A_1217 : vector<16xi32>
    %convert_element_type3A_1219 = arith.extui %eq3A_1218 : vector<16xi1> to vector<16xi32>
    %mul3A_1220 = vector.broadcast %add3A_1180 : i32 to vector<16xi32>
    %mul3A_1221 = arith.muli %convert_element_type3A_1219, %mul3A_1220 : vector<16xi32>
    %add3A_1222 = arith.addi %add3A_1215, %mul3A_1221 : vector<16xi32>
    %eq3A_1223 = arith.constant 5 : i32
    %eq3A_1224 = vector.broadcast %eq3A_1223 : i32 to vector<16xi32>
    %eq3A_1225 = arith.cmpi eq, %get3A_1184, %eq3A_1224 : vector<16xi32>
    %convert_element_type3A_1226 = arith.extui %eq3A_1225 : vector<16xi1> to vector<16xi32>
    %mul3A_1227 = vector.broadcast %add3A_1181 : i32 to vector<16xi32>
    %mul3A_1228 = arith.muli %convert_element_type3A_1226, %mul3A_1227 : vector<16xi32>
    %add3A_1229 = arith.addi %add3A_1222, %mul3A_1228 : vector<16xi32>
    %eq3A_1230 = arith.constant 6 : i32
    %eq3A_1231 = vector.broadcast %eq3A_1230 : i32 to vector<16xi32>
    %eq3A_1232 = arith.cmpi eq, %get3A_1184, %eq3A_1231 : vector<16xi32>
    %convert_element_type3A_1233 = arith.extui %eq3A_1232 : vector<16xi1> to vector<16xi32>
    %mul3A_1234 = vector.broadcast %add3A_1182 : i32 to vector<16xi32>
    %mul3A_1235 = arith.muli %convert_element_type3A_1233, %mul3A_1234 : vector<16xi32>
    %add3A_1236 = arith.addi %add3A_1229, %mul3A_1235 : vector<16xi32>
    %add3A_1237 = arith.constant 0 : i32
    %add3A_1238 = vector.broadcast %add3A_1237 : i32 to vector<16xi32>
    %add3A_1239 = arith.addi %iota3A, %add3A_1238 : vector<16xi32>
    %get3A_1240 = arith.constant 0 : index
    %get3A_1241 = tpu.vector_load %arg16[%get3A_1240] {strides = array<i32>} : memref<64xi32, #tpu.memory_space<vmem>>, vector<16xi32>,
    %add3A_1242 = arith.addi %add3A_1236, %get3A_1241 : vector<16xi32>
    tpu.vector_store_idx %arg15[%add3A_1242], %add3A_1239 : memref<64xi32, #tpu.memory_space<vmem>>[vector<16xi32>], vector<16xi32>,
    %get3A_1243 = arith.constant 16 : index
    %get3A_1244 = tpu.vector_load %arg14[%get3A_1243] {strides = array<i32>} : memref<64xi32, #tpu.memory_space<vmem>>, vector<16xi32>,
    %broadcast_in_dim3A_1245 = arith.constant 0 : i32
    %broadcast_in_dim3A_1246 = vector.broadcast %broadcast_in_dim3A_1245 : i32 to vector<16xi32>
    %eq3A_1247 = arith.constant 0 : i32
    %eq3A_1248 = vector.broadcast %eq3A_1247 : i32 to vector<16xi32>
    %eq3A_1249 = arith.cmpi eq, %get3A_1244, %eq3A_1248 : vector<16xi32>
    %convert_element_type3A_1250 = arith.extui %eq3A_1249 : vector<16xi1> to vector<16xi32>
    %mul3A_1251 = arith.constant 0 : i32
    %mul3A_1252 = vector.broadcast %mul3A_1251 : i32 to vector<16xi32>
    %mul3A_1253 = arith.muli %convert_element_type3A_1250, %mul3A_1252 : vector<16xi32>
    %add3A_1254 = arith.addi %broadcast_in_dim3A_1246, %mul3A_1253 : vector<16xi32>
    %eq3A_1255 = arith.constant 1 : i32
    %eq3A_1256 = vector.broadcast %eq3A_1255 : i32 to vector<16xi32>
    %eq3A_1257 = arith.cmpi eq, %get3A_1244, %eq3A_1256 : vector<16xi32>
    %convert_element_type3A_1258 = arith.extui %eq3A_1257 : vector<16xi1> to vector<16xi32>
    %mul3A_1259 = vector.broadcast %add3A_1177 : i32 to vector<16xi32>
    %mul3A_1260 = arith.muli %convert_element_type3A_1258, %mul3A_1259 : vector<16xi32>
    %add3A_1261 = arith.addi %add3A_1254, %mul3A_1260 : vector<16xi32>
    %eq3A_1262 = arith.constant 2 : i32
    %eq3A_1263 = vector.broadcast %eq3A_1262 : i32 to vector<16xi32>
    %eq3A_1264 = arith.cmpi eq, %get3A_1244, %eq3A_1263 : vector<16xi32>
    %convert_element_type3A_1265 = arith.extui %eq3A_1264 : vector<16xi1> to vector<16xi32>
    %mul3A_1266 = vector.broadcast %add3A_1178 : i32 to vector<16xi32>
    %mul3A_1267 = arith.muli %convert_element_type3A_1265, %mul3A_1266 : vector<16xi32>
    %add3A_1268 = arith.addi %add3A_1261, %mul3A_1267 : vector<16xi32>
    %eq3A_1269 = arith.constant 3 : i32
    %eq3A_1270 = vector.broadcast %eq3A_1269 : i32 to vector<16xi32>
    %eq3A_1271 = arith.cmpi eq, %get3A_1244, %eq3A_1270 : vector<16xi32>
    %convert_element_type3A_1272 = arith.extui %eq3A_1271 : vector<16xi1> to vector<16xi32>
    %mul3A_1273 = vector.broadcast %add3A_1179 : i32 to vector<16xi32>
    %mul3A_1274 = arith.muli %convert_element_type3A_1272, %mul3A_1273 : vector<16xi32>
    %add3A_1275 = arith.addi %add3A_1268, %mul3A_1274 : vector<16xi32>
    %eq3A_1276 = arith.constant 4 : i32
    %eq3A_1277 = vector.broadcast %eq3A_1276 : i32 to vector<16xi32>
    %eq3A_1278 = arith.cmpi eq, %get3A_1244, %eq3A_1277 : vector<16xi32>
    %convert_element_type3A_1279 = arith.extui %eq3A_1278 : vector<16xi1> to vector<16xi32>
    %mul3A_1280 = vector.broadcast %add3A_1180 : i32 to vector<16xi32>
    %mul3A_1281 = arith.muli %convert_element_type3A_1279, %mul3A_1280 : vector<16xi32>
    %add3A_1282 = arith.addi %add3A_1275, %mul3A_1281 : vector<16xi32>
    %eq3A_1283 = arith.constant 5 : i32
    %eq3A_1284 = vector.broadcast %eq3A_1283 : i32 to vector<16xi32>
    %eq3A_1285 = arith.cmpi eq, %get3A_1244, %eq3A_1284 : vector<16xi32>
    %convert_element_type3A_1286 = arith.extui %eq3A_1285 : vector<16xi1> to vector<16xi32>
    %mul3A_1287 = vector.broadcast %add3A_1181 : i32 to vector<16xi32>
    %mul3A_1288 = arith.muli %convert_element_type3A_1286, %mul3A_1287 : vector<16xi32>
    %add3A_1289 = arith.addi %add3A_1282, %mul3A_1288 : vector<16xi32>
    %eq3A_1290 = arith.constant 6 : i32
    %eq3A_1291 = vector.broadcast %eq3A_1290 : i32 to vector<16xi32>
    %eq3A_1292 = arith.cmpi eq, %get3A_1244, %eq3A_1291 : vector<16xi32>
    %convert_element_type3A_1293 = arith.extui %eq3A_1292 : vector<16xi1> to vector<16xi32>
    %mul3A_1294 = vector.broadcast %add3A_1182 : i32 to vector<16xi32>
    %mul3A_1295 = arith.muli %convert_element_type3A_1293, %mul3A_1294 : vector<16xi32>
    %add3A_1296 = arith.addi %add3A_1289, %mul3A_1295 : vector<16xi32>
    %add3A_1297 = arith.constant 16 : i32
    %add3A_1298 = vector.broadcast %add3A_1297 : i32 to vector<16xi32>
    %add3A_1299 = arith.addi %iota3A, %add3A_1298 : vector<16xi32>
    %get3A_1300 = arith.constant 16 : index
    %get3A_1301 = tpu.vector_load %arg16[%get3A_1300] {strides = array<i32>} : memref<64xi32, #tpu.memory_space<vmem>>, vector<16xi32>,
    %add3A_1302 = arith.addi %add3A_1296, %get3A_1301 : vector<16xi32>
    tpu.vector_store_idx %arg15[%add3A_1302], %add3A_1299 : memref<64xi32, #tpu.memory_space<vmem>>[vector<16xi32>], vector<16xi32>,
    %get3A_1303 = arith.constant 32 : index
    %get3A_1304 = tpu.vector_load %arg14[%get3A_1303] {strides = array<i32>} : memref<64xi32, #tpu.memory_space<vmem>>, vector<16xi32>,
    %broadcast_in_dim3A_1305 = arith.constant 0 : i32
    %broadcast_in_dim3A_1306 = vector.broadcast %broadcast_in_dim3A_1305 : i32 to vector<16xi32>
    %eq3A_1307 = arith.constant 0 : i32
    %eq3A_1308 = vector.broadcast %eq3A_1307 : i32 to vector<16xi32>
    %eq3A_1309 = arith.cmpi eq, %get3A_1304, %eq3A_1308 : vector<16xi32>
    %convert_element_type3A_1310 = arith.extui %eq3A_1309 : vector<16xi1> to vector<16xi32>
    %mul3A_1311 = arith.constant 0 : i32
    %mul3A_1312 = vector.broadcast %mul3A_1311 : i32 to vector<16xi32>
    %mul3A_1313 = arith.muli %convert_element_type3A_1310, %mul3A_1312 : vector<16xi32>
    %add3A_1314 = arith.addi %broadcast_in_dim3A_1306, %mul3A_1313 : vector<16xi32>
    %eq3A_1315 = arith.constant 1 : i32
    %eq3A_1316 = vector.broadcast %eq3A_1315 : i32 to vector<16xi32>
    %eq3A_1317 = arith.cmpi eq, %get3A_1304, %eq3A_1316 : vector<16xi32>
    %convert_element_type3A_1318 = arith.extui %eq3A_1317 : vector<16xi1> to vector<16xi32>
    %mul3A_1319 = vector.broadcast %add3A_1177 : i32 to vector<16xi32>
    %mul3A_1320 = arith.muli %convert_element_type3A_1318, %mul3A_1319 : vector<16xi32>
    %add3A_1321 = arith.addi %add3A_1314, %mul3A_1320 : vector<16xi32>
    %eq3A_1322 = arith.constant 2 : i32
    %eq3A_1323 = vector.broadcast %eq3A_1322 : i32 to vector<16xi32>
    %eq3A_1324 = arith.cmpi eq, %get3A_1304, %eq3A_1323 : vector<16xi32>
    %convert_element_type3A_1325 = arith.extui %eq3A_1324 : vector<16xi1> to vector<16xi32>
    %mul3A_1326 = vector.broadcast %add3A_1178 : i32 to vector<16xi32>
    %mul3A_1327 = arith.muli %convert_element_type3A_1325, %mul3A_1326 : vector<16xi32>
    %add3A_1328 = arith.addi %add3A_1321, %mul3A_1327 : vector<16xi32>
    %eq3A_1329 = arith.constant 3 : i32
    %eq3A_1330 = vector.broadcast %eq3A_1329 : i32 to vector<16xi32>
    %eq3A_1331 = arith.cmpi eq, %get3A_1304, %eq3A_1330 : vector<16xi32>
    %convert_element_type3A_1332 = arith.extui %eq3A_1331 : vector<16xi1> to vector<16xi32>
    %mul3A_1333 = vector.broadcast %add3A_1179 : i32 to vector<16xi32>
    %mul3A_1334 = arith.muli %convert_element_type3A_1332, %mul3A_1333 : vector<16xi32>
    %add3A_1335 = arith.addi %add3A_1328, %mul3A_1334 : vector<16xi32>
    %eq3A_1336 = arith.constant 4 : i32
    %eq3A_1337 = vector.broadcast %eq3A_1336 : i32 to vector<16xi32>
    %eq3A_1338 = arith.cmpi eq, %get3A_1304, %eq3A_1337 : vector<16xi32>
    %convert_element_type3A_1339 = arith.extui %eq3A_1338 : vector<16xi1> to vector<16xi32>
    %mul3A_1340 = vector.broadcast %add3A_1180 : i32 to vector<16xi32>
    %mul3A_1341 = arith.muli %convert_element_type3A_1339, %mul3A_1340 : vector<16xi32>
    %add3A_1342 = arith.addi %add3A_1335, %mul3A_1341 : vector<16xi32>
    %eq3A_1343 = arith.constant 5 : i32
    %eq3A_1344 = vector.broadcast %eq3A_1343 : i32 to vector<16xi32>
    %eq3A_1345 = arith.cmpi eq, %get3A_1304, %eq3A_1344 : vector<16xi32>
    %convert_element_type3A_1346 = arith.extui %eq3A_1345 : vector<16xi1> to vector<16xi32>
    %mul3A_1347 = vector.broadcast %add3A_1181 : i32 to vector<16xi32>
    %mul3A_1348 = arith.muli %convert_element_type3A_1346, %mul3A_1347 : vector<16xi32>
    %add3A_1349 = arith.addi %add3A_1342, %mul3A_1348 : vector<16xi32>
    %eq3A_1350 = arith.constant 6 : i32
    %eq3A_1351 = vector.broadcast %eq3A_1350 : i32 to vector<16xi32>
    %eq3A_1352 = arith.cmpi eq, %get3A_1304, %eq3A_1351 : vector<16xi32>
    %convert_element_type3A_1353 = arith.extui %eq3A_1352 : vector<16xi1> to vector<16xi32>
    %mul3A_1354 = vector.broadcast %add3A_1182 : i32 to vector<16xi32>
    %mul3A_1355 = arith.muli %convert_element_type3A_1353, %mul3A_1354 : vector<16xi32>
    %add3A_1356 = arith.addi %add3A_1349, %mul3A_1355 : vector<16xi32>
    %add3A_1357 = arith.constant 32 : i32
    %add3A_1358 = vector.broadcast %add3A_1357 : i32 to vector<16xi32>
    %add3A_1359 = arith.addi %iota3A, %add3A_1358 : vector<16xi32>
    %get3A_1360 = arith.constant 32 : index
    %get3A_1361 = tpu.vector_load %arg16[%get3A_1360] {strides = array<i32>} : memref<64xi32, #tpu.memory_space<vmem>>, vector<16xi32>,
    %add3A_1362 = arith.addi %add3A_1356, %get3A_1361 : vector<16xi32>
    tpu.vector_store_idx %arg15[%add3A_1362], %add3A_1359 : memref<64xi32, #tpu.memory_space<vmem>>[vector<16xi32>], vector<16xi32>,
    %get3A_1363 = arith.constant 48 : index
    %get3A_1364 = tpu.vector_load %arg14[%get3A_1363] {strides = array<i32>} : memref<64xi32, #tpu.memory_space<vmem>>, vector<16xi32>,
    %broadcast_in_dim3A_1365 = arith.constant 0 : i32
    %broadcast_in_dim3A_1366 = vector.broadcast %broadcast_in_dim3A_1365 : i32 to vector<16xi32>
    %eq3A_1367 = arith.constant 0 : i32
    %eq3A_1368 = vector.broadcast %eq3A_1367 : i32 to vector<16xi32>
    %eq3A_1369 = arith.cmpi eq, %get3A_1364, %eq3A_1368 : vector<16xi32>
    %convert_element_type3A_1370 = arith.extui %eq3A_1369 : vector<16xi1> to vector<16xi32>
    %mul3A_1371 = arith.constant 0 : i32
    %mul3A_1372 = vector.broadcast %mul3A_1371 : i32 to vector<16xi32>
    %mul3A_1373 = arith.muli %convert_element_type3A_1370, %mul3A_1372 : vector<16xi32>
    %add3A_1374 = arith.addi %broadcast_in_dim3A_1366, %mul3A_1373 : vector<16xi32>
    %eq3A_1375 = arith.constant 1 : i32
    %eq3A_1376 = vector.broadcast %eq3A_1375 : i32 to vector<16xi32>
    %eq3A_1377 = arith.cmpi eq, %get3A_1364, %eq3A_1376 : vector<16xi32>
    %convert_element_type3A_1378 = arith.extui %eq3A_1377 : vector<16xi1> to vector<16xi32>
    %mul3A_1379 = vector.broadcast %add3A_1177 : i32 to vector<16xi32>
    %mul3A_1380 = arith.muli %convert_element_type3A_1378, %mul3A_1379 : vector<16xi32>
    %add3A_1381 = arith.addi %add3A_1374, %mul3A_1380 : vector<16xi32>
    %eq3A_1382 = arith.constant 2 : i32
    %eq3A_1383 = vector.broadcast %eq3A_1382 : i32 to vector<16xi32>
    %eq3A_1384 = arith.cmpi eq, %get3A_1364, %eq3A_1383 : vector<16xi32>
    %convert_element_type3A_1385 = arith.extui %eq3A_1384 : vector<16xi1> to vector<16xi32>
    %mul3A_1386 = vector.broadcast %add3A_1178 : i32 to vector<16xi32>
    %mul3A_1387 = arith.muli %convert_element_type3A_1385, %mul3A_1386 : vector<16xi32>
    %add3A_1388 = arith.addi %add3A_1381, %mul3A_1387 : vector<16xi32>
    %eq3A_1389 = arith.constant 3 : i32
    %eq3A_1390 = vector.broadcast %eq3A_1389 : i32 to vector<16xi32>
    %eq3A_1391 = arith.cmpi eq, %get3A_1364, %eq3A_1390 : vector<16xi32>
    %convert_element_type3A_1392 = arith.extui %eq3A_1391 : vector<16xi1> to vector<16xi32>
    %mul3A_1393 = vector.broadcast %add3A_1179 : i32 to vector<16xi32>
    %mul3A_1394 = arith.muli %convert_element_type3A_1392, %mul3A_1393 : vector<16xi32>
    %add3A_1395 = arith.addi %add3A_1388, %mul3A_1394 : vector<16xi32>
    %eq3A_1396 = arith.constant 4 : i32
    %eq3A_1397 = vector.broadcast %eq3A_1396 : i32 to vector<16xi32>
    %eq3A_1398 = arith.cmpi eq, %get3A_1364, %eq3A_1397 : vector<16xi32>
    %convert_element_type3A_1399 = arith.extui %eq3A_1398 : vector<16xi1> to vector<16xi32>
    %mul3A_1400 = vector.broadcast %add3A_1180 : i32 to vector<16xi32>
    %mul3A_1401 = arith.muli %convert_element_type3A_1399, %mul3A_1400 : vector<16xi32>
    %add3A_1402 = arith.addi %add3A_1395, %mul3A_1401 : vector<16xi32>
    %eq3A_1403 = arith.constant 5 : i32
    %eq3A_1404 = vector.broadcast %eq3A_1403 : i32 to vector<16xi32>
    %eq3A_1405 = arith.cmpi eq, %get3A_1364, %eq3A_1404 : vector<16xi32>
    %convert_element_type3A_1406 = arith.extui %eq3A_1405 : vector<16xi1> to vector<16xi32>
    %mul3A_1407 = vector.broadcast %add3A_1181 : i32 to vector<16xi32>
    %mul3A_1408 = arith.muli %convert_element_type3A_1406, %mul3A_1407 : vector<16xi32>
    %add3A_1409 = arith.addi %add3A_1402, %mul3A_1408 : vector<16xi32>
    %eq3A_1410 = arith.constant 6 : i32
    %eq3A_1411 = vector.broadcast %eq3A_1410 : i32 to vector<16xi32>
    %eq3A_1412 = arith.cmpi eq, %get3A_1364, %eq3A_1411 : vector<16xi32>
    %convert_element_type3A_1413 = arith.extui %eq3A_1412 : vector<16xi1> to vector<16xi32>
    %mul3A_1414 = vector.broadcast %add3A_1182 : i32 to vector<16xi32>
    %mul3A_1415 = arith.muli %convert_element_type3A_1413, %mul3A_1414 : vector<16xi32>
    %add3A_1416 = arith.addi %add3A_1409, %mul3A_1415 : vector<16xi32>
    %add3A_1417 = arith.constant 48 : i32
    %add3A_1418 = vector.broadcast %add3A_1417 : i32 to vector<16xi32>
    %add3A_1419 = arith.addi %iota3A, %add3A_1418 : vector<16xi32>
    %get3A_1420 = arith.constant 48 : index
    %get3A_1421 = tpu.vector_load %arg16[%get3A_1420] {strides = array<i32>} : memref<64xi32, #tpu.memory_space<vmem>>, vector<16xi32>,
    %add3A_1422 = arith.addi %add3A_1416, %get3A_1421 : vector<16xi32>
    tpu.vector_store_idx %arg15[%add3A_1422], %add3A_1419 : memref<64xi32, #tpu.memory_space<vmem>>[vector<16xi32>], vector<16xi32>,
    %add3A_1423 = arith.constant 16 : i32
    %add3A_1424 = arith.addi %add3A_1065, %add3A_1423 : i32
    %sub3A_1425 = arith.constant 1 : i32
    %sub3A_1426 = arith.subi %add3A_1424, %sub3A_1425 : i32
    %shift_right_logical3A = arith.constant 4 : i32
    %shift_right_logical3A_1427 = arith.shrui %sub3A_1426, %shift_right_logical3A : i32
    %add3A_1428 = arith.constant 16 : i32
    %add3A_1429 = arith.addi %add3A_1083, %add3A_1428 : i32
    %sub3A_1430 = arith.constant 1 : i32
    %sub3A_1431 = arith.subi %add3A_1429, %sub3A_1430 : i32
    %shift_right_logical3A_1432 = arith.constant 4 : i32
    %shift_right_logical3A_1433 = arith.shrui %sub3A_1431, %shift_right_logical3A_1432 : i32
    %add3A_1434 = arith.constant 16 : i32
    %add3A_1435 = arith.addi %add3A_1101, %add3A_1434 : i32
    %sub3A_1436 = arith.constant 1 : i32
    %sub3A_1437 = arith.subi %add3A_1435, %sub3A_1436 : i32
    %shift_right_logical3A_1438 = arith.constant 4 : i32
    %shift_right_logical3A_1439 = arith.shrui %sub3A_1437, %shift_right_logical3A_1438 : i32
    %add3A_1440 = arith.constant 16 : i32
    %add3A_1441 = arith.addi %add3A_1119, %add3A_1440 : i32
    %sub3A_1442 = arith.constant 1 : i32
    %sub3A_1443 = arith.subi %add3A_1441, %sub3A_1442 : i32
    %shift_right_logical3A_1444 = arith.constant 4 : i32
    %shift_right_logical3A_1445 = arith.shrui %sub3A_1443, %shift_right_logical3A_1444 : i32
    %add3A_1446 = arith.constant 16 : i32
    %add3A_1447 = arith.addi %add3A_1137, %add3A_1446 : i32
    %sub3A_1448 = arith.constant 1 : i32
    %sub3A_1449 = arith.subi %add3A_1447, %sub3A_1448 : i32
    %shift_right_logical3A_1450 = arith.constant 4 : i32
    %shift_right_logical3A_1451 = arith.shrui %sub3A_1449, %shift_right_logical3A_1450 : i32
    %add3A_1452 = arith.constant 16 : i32
    %add3A_1453 = arith.addi %add3A_1155, %add3A_1452 : i32
    %sub3A_1454 = arith.constant 1 : i32
    %sub3A_1455 = arith.subi %add3A_1453, %sub3A_1454 : i32
    %shift_right_logical3A_1456 = arith.constant 4 : i32
    %shift_right_logical3A_1457 = arith.shrui %sub3A_1455, %shift_right_logical3A_1456 : i32
    %add3A_1458 = arith.constant 16 : i32
    %add3A_1459 = arith.addi %add3A_1173, %add3A_1458 : i32
    %sub3A_1460 = arith.constant 1 : i32
    %sub3A_1461 = arith.subi %add3A_1459, %sub3A_1460 : i32
    %shift_right_logical3A_1462 = arith.constant 4 : i32
    %shift_right_logical3A_1463 = arith.shrui %sub3A_1461, %shift_right_logical3A_1462 : i32
    %add3A_1464 = arith.addi %shift_right_logical3A_1427, %shift_right_logical3A_1433 : i32
    %add3A_1465 = arith.addi %add3A_1464, %shift_right_logical3A_1439 : i32
    %add3A_1466 = arith.addi %add3A_1465, %shift_right_logical3A_1445 : i32
    %add3A_1467 = arith.addi %add3A_1466, %shift_right_logical3A_1451 : i32
    %add3A_1468 = arith.addi %add3A_1467, %shift_right_logical3A_1457 : i32
    %add3A_1469 = arith.addi %add3A_1468, %shift_right_logical3A_1463 : i32
    %broadcast_in_dim3A_1470 = arith.constant 0 : i32
    %broadcast_in_dim3A_1471 = vector.broadcast %broadcast_in_dim3A_1470 : i32 to vector<16xi32>
    %ge3A = vector.broadcast %shift_right_logical3A_1427 : i32 to vector<16xi32>
    %ge3A_1472 = arith.cmpi sge, %iota3A, %ge3A : vector<16xi32>
    %convert_element_type3A_1473 = arith.extui %ge3A_1472 : vector<16xi1> to vector<16xi32>
    %add3A_1474 = arith.addi %broadcast_in_dim3A_1471, %convert_element_type3A_1473 : vector<16xi32>
    %ge3A_1475 = vector.broadcast %add3A_1464 : i32 to vector<16xi32>
    %ge3A_1476 = arith.cmpi sge, %iota3A, %ge3A_1475 : vector<16xi32>
    %convert_element_type3A_1477 = arith.extui %ge3A_1476 : vector<16xi1> to vector<16xi32>
    %add3A_1478 = arith.addi %add3A_1474, %convert_element_type3A_1477 : vector<16xi32>
    %ge3A_1479 = vector.broadcast %add3A_1465 : i32 to vector<16xi32>
    %ge3A_1480 = arith.cmpi sge, %iota3A, %ge3A_1479 : vector<16xi32>
    %convert_element_type3A_1481 = arith.extui %ge3A_1480 : vector<16xi1> to vector<16xi32>
    %add3A_1482 = arith.addi %add3A_1478, %convert_element_type3A_1481 : vector<16xi32>
    %ge3A_1483 = vector.broadcast %add3A_1466 : i32 to vector<16xi32>
    %ge3A_1484 = arith.cmpi sge, %iota3A, %ge3A_1483 : vector<16xi32>
    %convert_element_type3A_1485 = arith.extui %ge3A_1484 : vector<16xi1> to vector<16xi32>
    %add3A_1486 = arith.addi %add3A_1482, %convert_element_type3A_1485 : vector<16xi32>
    %ge3A_1487 = vector.broadcast %add3A_1467 : i32 to vector<16xi32>
    %ge3A_1488 = arith.cmpi sge, %iota3A, %ge3A_1487 : vector<16xi32>
    %convert_element_type3A_1489 = arith.extui %ge3A_1488 : vector<16xi1> to vector<16xi32>
    %add3A_1490 = arith.addi %add3A_1486, %convert_element_type3A_1489 : vector<16xi32>
    %ge3A_1491 = vector.broadcast %add3A_1468 : i32 to vector<16xi32>
    %ge3A_1492 = arith.cmpi sge, %iota3A, %ge3A_1491 : vector<16xi32>
    %convert_element_type3A_1493 = arith.extui %ge3A_1492 : vector<16xi1> to vector<16xi32>
    %add3A_1494 = arith.addi %add3A_1490, %convert_element_type3A_1493 : vector<16xi32>
    %ge3A_1495 = vector.broadcast %add3A_1469 : i32 to vector<16xi32>
    %ge3A_1496 = arith.cmpi sge, %iota3A, %ge3A_1495 : vector<16xi32>
    %convert_element_type3A_1497 = arith.extui %ge3A_1496 : vector<16xi1> to vector<16xi32>
    %add3A_1498 = arith.addi %add3A_1494, %convert_element_type3A_1497 : vector<16xi32>
    %lt3A = vector.broadcast %add3A_1469 : i32 to vector<16xi32>
    %lt3A_1499 = arith.cmpi slt, %iota3A, %lt3A : vector<16xi32>
    %convert_element_type3A_1500 = arith.extui %lt3A_1499 : vector<16xi1> to vector<16xi32>
    %gt3A_1501 = arith.constant 0 : i32
    %gt3A_1502 = vector.broadcast %gt3A_1501 : i32 to vector<16xi32>
    %gt3A_1503 = arith.cmpi sgt, %convert_element_type3A_1500, %gt3A_1502 : vector<16xi32>
    %jit3A_1504 = arith.constant 6 : i32
    %broadcast_in_dim3A_1505 = vector.broadcast %jit3A_1504 : i32 to vector<16xi32>
    %select_n3A_1506 = arith.select %gt3A_1503, %add3A_1498, %broadcast_in_dim3A_1505 : vector<16xi1>, vector<16xi32>
    %broadcast_in_dim3A_1507 = arith.constant 0 : i32
    %broadcast_in_dim3A_1508 = vector.broadcast %broadcast_in_dim3A_1507 : i32 to vector<16xi32>
    %broadcast_in_dim3A_1509 = arith.constant 0 : i32
    %broadcast_in_dim3A_1510 = vector.broadcast %broadcast_in_dim3A_1509 : i32 to vector<16xi32>
    %broadcast_in_dim3A_1511 = arith.constant 0 : i32
    %broadcast_in_dim3A_1512 = vector.broadcast %broadcast_in_dim3A_1511 : i32 to vector<16xi32>
    %eq3A_1513 = arith.constant 0 : i32
    %eq3A_1514 = vector.broadcast %eq3A_1513 : i32 to vector<16xi32>
    %eq3A_1515 = arith.cmpi eq, %select_n3A_1506, %eq3A_1514 : vector<16xi32>
    %convert_element_type3A_1516 = arith.extui %eq3A_1515 : vector<16xi1> to vector<16xi32>
    %sub3A_1517 = arith.subi %shift_right_logical3A_1427, %shift_right_logical3A_1427 : i32
    %mul3A_1518 = vector.broadcast %sub3A_1517 : i32 to vector<16xi32>
    %mul3A_1519 = arith.muli %convert_element_type3A_1516, %mul3A_1518 : vector<16xi32>
    %add3A_1520 = arith.addi %broadcast_in_dim3A_1508, %mul3A_1519 : vector<16xi32>
    %mul3A_1521 = arith.constant 0 : i32
    %mul3A_1522 = vector.broadcast %mul3A_1521 : i32 to vector<16xi32>
    %mul3A_1523 = arith.muli %convert_element_type3A_1516, %mul3A_1522 : vector<16xi32>
    %add3A_1524 = arith.addi %broadcast_in_dim3A_1510, %mul3A_1523 : vector<16xi32>
    %mul3A_1525 = vector.broadcast %add3A_1065 : i32 to vector<16xi32>
    %mul3A_1526 = arith.muli %convert_element_type3A_1516, %mul3A_1525 : vector<16xi32>
    %add3A_1527 = arith.addi %broadcast_in_dim3A_1512, %mul3A_1526 : vector<16xi32>
    %eq3A_1528 = arith.constant 1 : i32
    %eq3A_1529 = vector.broadcast %eq3A_1528 : i32 to vector<16xi32>
    %eq3A_1530 = arith.cmpi eq, %select_n3A_1506, %eq3A_1529 : vector<16xi32>
    %convert_element_type3A_1531 = arith.extui %eq3A_1530 : vector<16xi1> to vector<16xi32>
    %sub3A_1532 = arith.subi %add3A_1464, %shift_right_logical3A_1433 : i32
    %mul3A_1533 = vector.broadcast %sub3A_1532 : i32 to vector<16xi32>
    %mul3A_1534 = arith.muli %convert_element_type3A_1531, %mul3A_1533 : vector<16xi32>
    %add3A_1535 = arith.addi %add3A_1520, %mul3A_1534 : vector<16xi32>
    %mul3A_1536 = vector.broadcast %add3A_1177 : i32 to vector<16xi32>
    %mul3A_1537 = arith.muli %convert_element_type3A_1531, %mul3A_1536 : vector<16xi32>
    %add3A_1538 = arith.addi %add3A_1524, %mul3A_1537 : vector<16xi32>
    %mul3A_1539 = vector.broadcast %add3A_1083 : i32 to vector<16xi32>
    %mul3A_1540 = arith.muli %convert_element_type3A_1531, %mul3A_1539 : vector<16xi32>
    %add3A_1541 = arith.addi %add3A_1527, %mul3A_1540 : vector<16xi32>
    %eq3A_1542 = arith.constant 2 : i32
    %eq3A_1543 = vector.broadcast %eq3A_1542 : i32 to vector<16xi32>
    %eq3A_1544 = arith.cmpi eq, %select_n3A_1506, %eq3A_1543 : vector<16xi32>
    %convert_element_type3A_1545 = arith.extui %eq3A_1544 : vector<16xi1> to vector<16xi32>
    %sub3A_1546 = arith.subi %add3A_1465, %shift_right_logical3A_1439 : i32
    %mul3A_1547 = vector.broadcast %sub3A_1546 : i32 to vector<16xi32>
    %mul3A_1548 = arith.muli %convert_element_type3A_1545, %mul3A_1547 : vector<16xi32>
    %add3A_1549 = arith.addi %add3A_1535, %mul3A_1548 : vector<16xi32>
    %mul3A_1550 = vector.broadcast %add3A_1178 : i32 to vector<16xi32>
    %mul3A_1551 = arith.muli %convert_element_type3A_1545, %mul3A_1550 : vector<16xi32>
    %add3A_1552 = arith.addi %add3A_1538, %mul3A_1551 : vector<16xi32>
    %mul3A_1553 = vector.broadcast %add3A_1101 : i32 to vector<16xi32>
    %mul3A_1554 = arith.muli %convert_element_type3A_1545, %mul3A_1553 : vector<16xi32>
    %add3A_1555 = arith.addi %add3A_1541, %mul3A_1554 : vector<16xi32>
    %eq3A_1556 = arith.constant 3 : i32
    %eq3A_1557 = vector.broadcast %eq3A_1556 : i32 to vector<16xi32>
    %eq3A_1558 = arith.cmpi eq, %select_n3A_1506, %eq3A_1557 : vector<16xi32>
    %convert_element_type3A_1559 = arith.extui %eq3A_1558 : vector<16xi1> to vector<16xi32>
    %sub3A_1560 = arith.subi %add3A_1466, %shift_right_logical3A_1445 : i32
    %mul3A_1561 = vector.broadcast %sub3A_1560 : i32 to vector<16xi32>
    %mul3A_1562 = arith.muli %convert_element_type3A_1559, %mul3A_1561 : vector<16xi32>
    %add3A_1563 = arith.addi %add3A_1549, %mul3A_1562 : vector<16xi32>
    %mul3A_1564 = vector.broadcast %add3A_1179 : i32 to vector<16xi32>
    %mul3A_1565 = arith.muli %convert_element_type3A_1559, %mul3A_1564 : vector<16xi32>
    %add3A_1566 = arith.addi %add3A_1552, %mul3A_1565 : vector<16xi32>
    %mul3A_1567 = vector.broadcast %add3A_1119 : i32 to vector<16xi32>
    %mul3A_1568 = arith.muli %convert_element_type3A_1559, %mul3A_1567 : vector<16xi32>
    %add3A_1569 = arith.addi %add3A_1555, %mul3A_1568 : vector<16xi32>
    %eq3A_1570 = arith.constant 4 : i32
    %eq3A_1571 = vector.broadcast %eq3A_1570 : i32 to vector<16xi32>
    %eq3A_1572 = arith.cmpi eq, %select_n3A_1506, %eq3A_1571 : vector<16xi32>
    %convert_element_type3A_1573 = arith.extui %eq3A_1572 : vector<16xi1> to vector<16xi32>
    %sub3A_1574 = arith.subi %add3A_1467, %shift_right_logical3A_1451 : i32
    %mul3A_1575 = vector.broadcast %sub3A_1574 : i32 to vector<16xi32>
    %mul3A_1576 = arith.muli %convert_element_type3A_1573, %mul3A_1575 : vector<16xi32>
    %add3A_1577 = arith.addi %add3A_1563, %mul3A_1576 : vector<16xi32>
    %mul3A_1578 = vector.broadcast %add3A_1180 : i32 to vector<16xi32>
    %mul3A_1579 = arith.muli %convert_element_type3A_1573, %mul3A_1578 : vector<16xi32>
    %add3A_1580 = arith.addi %add3A_1566, %mul3A_1579 : vector<16xi32>
    %mul3A_1581 = vector.broadcast %add3A_1137 : i32 to vector<16xi32>
    %mul3A_1582 = arith.muli %convert_element_type3A_1573, %mul3A_1581 : vector<16xi32>
    %add3A_1583 = arith.addi %add3A_1569, %mul3A_1582 : vector<16xi32>
    %eq3A_1584 = arith.constant 5 : i32
    %eq3A_1585 = vector.broadcast %eq3A_1584 : i32 to vector<16xi32>
    %eq3A_1586 = arith.cmpi eq, %select_n3A_1506, %eq3A_1585 : vector<16xi32>
    %convert_element_type3A_1587 = arith.extui %eq3A_1586 : vector<16xi1> to vector<16xi32>
    %sub3A_1588 = arith.subi %add3A_1468, %shift_right_logical3A_1457 : i32
    %mul3A_1589 = vector.broadcast %sub3A_1588 : i32 to vector<16xi32>
    %mul3A_1590 = arith.muli %convert_element_type3A_1587, %mul3A_1589 : vector<16xi32>
    %add3A_1591 = arith.addi %add3A_1577, %mul3A_1590 : vector<16xi32>
    %mul3A_1592 = vector.broadcast %add3A_1181 : i32 to vector<16xi32>
    %mul3A_1593 = arith.muli %convert_element_type3A_1587, %mul3A_1592 : vector<16xi32>
    %add3A_1594 = arith.addi %add3A_1580, %mul3A_1593 : vector<16xi32>
    %mul3A_1595 = vector.broadcast %add3A_1155 : i32 to vector<16xi32>
    %mul3A_1596 = arith.muli %convert_element_type3A_1587, %mul3A_1595 : vector<16xi32>
    %add3A_1597 = arith.addi %add3A_1583, %mul3A_1596 : vector<16xi32>
    %eq3A_1598 = arith.constant 6 : i32
    %eq3A_1599 = vector.broadcast %eq3A_1598 : i32 to vector<16xi32>
    %eq3A_1600 = arith.cmpi eq, %select_n3A_1506, %eq3A_1599 : vector<16xi32>
    %convert_element_type3A_1601 = arith.extui %eq3A_1600 : vector<16xi1> to vector<16xi32>
    %sub3A_1602 = arith.subi %add3A_1469, %shift_right_logical3A_1463 : i32
    %mul3A_1603 = vector.broadcast %sub3A_1602 : i32 to vector<16xi32>
    %mul3A_1604 = arith.muli %convert_element_type3A_1601, %mul3A_1603 : vector<16xi32>
    %add3A_1605 = arith.addi %add3A_1591, %mul3A_1604 : vector<16xi32>
    %mul3A_1606 = vector.broadcast %add3A_1182 : i32 to vector<16xi32>
    %mul3A_1607 = arith.muli %convert_element_type3A_1601, %mul3A_1606 : vector<16xi32>
    %add3A_1608 = arith.addi %add3A_1594, %mul3A_1607 : vector<16xi32>
    %mul3A_1609 = vector.broadcast %add3A_1173 : i32 to vector<16xi32>
    %mul3A_1610 = arith.muli %convert_element_type3A_1601, %mul3A_1609 : vector<16xi32>
    %add3A_1611 = arith.addi %add3A_1597, %mul3A_1610 : vector<16xi32>
    %sub3A_1612 = arith.subi %iota3A, %add3A_1605 : vector<16xi32>
    %mul3A_1613 = arith.constant 16 : i32
    %mul3A_1614 = vector.broadcast %mul3A_1613 : i32 to vector<16xi32>
    %mul3A_1615 = arith.muli %sub3A_1612, %mul3A_1614 : vector<16xi32>
    %add3A_1616 = arith.addi %add3A_1608, %mul3A_1615 : vector<16xi32>
    %add3A_1617 = arith.addi %add3A_1608, %add3A_1611 : vector<16xi32>
    %swap3A_1618 = arith.constant 0 : i32
    %swap3A_1619 = arith.index_cast %swap3A_1618 : i32 to index
    %swap3A_1620 = arith.constant 0 : index
    %swap3A_1621 = tpu.vector_load %arg17[%swap3A_1619, %swap3A_1620] {strides = array<i32>} : memref<2x16xi32, #tpu.memory_space<vmem>>, vector<16xi32>,
    tpu.vector_store %arg17[%swap3A_1619, %swap3A_1620], %select_n3A_1506 {strides = array<i32>} : memref<2x16xi32, #tpu.memory_space<vmem>>, vector<16xi32>,
    %swap3A_1622 = arith.constant 1 : i32
    %swap3A_1623 = arith.index_cast %swap3A_1622 : i32 to index
    %swap3A_1624 = arith.constant 0 : index
    %swap3A_1625 = tpu.vector_load %arg17[%swap3A_1623, %swap3A_1624] {strides = array<i32>} : memref<2x16xi32, #tpu.memory_space<vmem>>, vector<16xi32>,
    tpu.vector_store %arg17[%swap3A_1623, %swap3A_1624], %convert_element_type3A_1500 {strides = array<i32>} : memref<2x16xi32, #tpu.memory_space<vmem>>, vector<16xi32>,
    %slice3A = vector.extract_strided_slice %select_n3A_1506 {offsets = [0], sizes = [1], strides = [1]} : vector<16xi32> to vector<1xi32>
    %squeeze3A = vector.extract %slice3A[0] : i32 from vector<1xi32>
    %slice3A_1626 = vector.extract_strided_slice %convert_element_type3A_1500 {offsets = [0], sizes = [1], strides = [1]} : vector<16xi32> to vector<1xi32>
    %squeeze3A_1627 = vector.extract %slice3A_1626[0] : i32 from vector<1xi32>
    %slice3A_1628 = vector.extract_strided_slice %add3A_1616 {offsets = [0], sizes = [1], strides = [1]} : vector<16xi32> to vector<1xi32>
    %squeeze3A_1629 = vector.extract %slice3A_1628[0] : i32 from vector<1xi32>
    %slice3A_1630 = vector.extract_strided_slice %add3A_1617 {offsets = [0], sizes = [1], strides = [1]} : vector<16xi32> to vector<1xi32>
    %squeeze3A_1631 = vector.extract %slice3A_1630[0] : i32 from vector<1xi32>
    %add3A_1632 = vector.broadcast %squeeze3A_1629 : i32 to vector<16xi32>
    %add3A_1633 = arith.addi %iota3A, %add3A_1632 : vector<16xi32>
    %min3A = arith.constant 63 : i32
    %min3A_1634 = vector.broadcast %min3A : i32 to vector<16xi32>
    %min3A_1635 = arith.minsi %add3A_1633, %min3A_1634 : vector<16xi32>
    %gather3A = tpu.vector_load_idx %arg15[%min3A_1635] : memref<64xi32, #tpu.memory_space<vmem>>[vector<16xi32>], vector<16xi32>,
    %swap3A_1636 = arith.constant 0 : i32
    %swap3A_1637 = arith.index_cast %swap3A_1636 : i32 to index
    %swap3A_1638 = arith.constant 0 : index
    %swap3A_1639 = tpu.vector_load %arg18[%swap3A_1637, %swap3A_1638] {strides = array<i32>} : memref<10x16xi32, #tpu.memory_space<vmem>>, vector<16xi32>,
    tpu.vector_store %arg18[%swap3A_1637, %swap3A_1638], %gather3A {strides = array<i32>} : memref<10x16xi32, #tpu.memory_space<vmem>>, vector<16xi32>,
    %lt3A_1640 = vector.broadcast %squeeze3A_1631 : i32 to vector<16xi32>
    %lt3A_1641 = arith.cmpi slt, %add3A_1633, %lt3A_1640 : vector<16xi32>
    %gt3A_1642 = arith.constant 0 : i32
    %gt3A_1643 = arith.cmpi sgt, %squeeze3A_1627, %gt3A_1642 : i32
    %and3A = vector.broadcast %gt3A_1643 : i1 to vector<16xi1>
    %and3A_1644 = arith.andi %lt3A_1641, %and3A : vector<16xi1>
    %convert_element_type3A_1645 = arith.extui %and3A_1644 : vector<16xi1> to vector<16xi32>
    %swap3A_1646 = arith.constant 0 : i32
    %swap3A_1647 = arith.index_cast %swap3A_1646 : i32 to index
    %swap3A_1648 = arith.constant 0 : index
    %swap3A_1649 = tpu.vector_load %arg19[%swap3A_1647, %swap3A_1648] {strides = array<i32>} : memref<10x16xi32, #tpu.memory_space<vmem>>, vector<16xi32>,
    tpu.vector_store %arg19[%swap3A_1647, %swap3A_1648], %convert_element_type3A_1645 {strides = array<i32>} : memref<10x16xi32, #tpu.memory_space<vmem>>, vector<16xi32>,
    %broadcast_in_dim3A_1650 = vector.broadcast %squeeze3A : i32 to vector<16xi32>
    %shift_right_logical3A_1651 = arith.constant 1 : i32
    %shift_right_logical3A_1652 = vector.broadcast %shift_right_logical3A_1651 : i32 to vector<16xi32>
    %shift_right_logical3A_1653 = arith.shrui %gather3A, %shift_right_logical3A_1652 : vector<16xi32>
    %gather3A_1654 = tpu.vector_load_idx %arg12[%broadcast_in_dim3A_1650, %shift_right_logical3A_1653] : memref<7x64xf32, #tpu.memory_space<vmem>>[vector<16xi32>, vector<16xi32>], vector<16xf32>,
    %swap3A_1655 = arith.constant 0 : i32
    %swap3A_1656 = arith.index_cast %swap3A_1655 : i32 to index
    %swap3A_1657 = arith.constant 0 : index
    %swap3A_1658 = tpu.vector_load %arg20[%swap3A_1656, %swap3A_1657] {strides = array<i32>} : memref<10x16xf32, #tpu.memory_space<vmem>>, vector<16xf32>,
    tpu.vector_store %arg20[%swap3A_1656, %swap3A_1657], %gather3A_1654 {strides = array<i32>} : memref<10x16xf32, #tpu.memory_space<vmem>>, vector<16xf32>,
    %slice3A_1659 = vector.extract_strided_slice %select_n3A_1506 {offsets = [1], sizes = [1], strides = [1]} : vector<16xi32> to vector<1xi32>
    %squeeze3A_1660 = vector.extract %slice3A_1659[0] : i32 from vector<1xi32>
    %slice3A_1661 = vector.extract_strided_slice %convert_element_type3A_1500 {offsets = [1], sizes = [1], strides = [1]} : vector<16xi32> to vector<1xi32>
    %squeeze3A_1662 = vector.extract %slice3A_1661[0] : i32 from vector<1xi32>
    %slice3A_1663 = vector.extract_strided_slice %add3A_1616 {offsets = [1], sizes = [1], strides = [1]} : vector<16xi32> to vector<1xi32>
    %squeeze3A_1664 = vector.extract %slice3A_1663[0] : i32 from vector<1xi32>
    %slice3A_1665 = vector.extract_strided_slice %add3A_1617 {offsets = [1], sizes = [1], strides = [1]} : vector<16xi32> to vector<1xi32>
    %squeeze3A_1666 = vector.extract %slice3A_1665[0] : i32 from vector<1xi32>
    %add3A_1667 = vector.broadcast %squeeze3A_1664 : i32 to vector<16xi32>
    %add3A_1668 = arith.addi %iota3A, %add3A_1667 : vector<16xi32>
    %min3A_1669 = arith.constant 63 : i32
    %min3A_1670 = vector.broadcast %min3A_1669 : i32 to vector<16xi32>
    %min3A_1671 = arith.minsi %add3A_1668, %min3A_1670 : vector<16xi32>
    %gather3A_1672 = tpu.vector_load_idx %arg15[%min3A_1671] : memref<64xi32, #tpu.memory_space<vmem>>[vector<16xi32>], vector<16xi32>,
    %swap3A_1673 = arith.constant 1 : i32
    %swap3A_1674 = arith.index_cast %swap3A_1673 : i32 to index
    %swap3A_1675 = arith.constant 0 : index
    %swap3A_1676 = tpu.vector_load %arg18[%swap3A_1674, %swap3A_1675] {strides = array<i32>} : memref<10x16xi32, #tpu.memory_space<vmem>>, vector<16xi32>,
    tpu.vector_store %arg18[%swap3A_1674, %swap3A_1675], %gather3A_1672 {strides = array<i32>} : memref<10x16xi32, #tpu.memory_space<vmem>>, vector<16xi32>,
    %lt3A_1677 = vector.broadcast %squeeze3A_1666 : i32 to vector<16xi32>
    %lt3A_1678 = arith.cmpi slt, %add3A_1668, %lt3A_1677 : vector<16xi32>
    %gt3A_1679 = arith.constant 0 : i32
    %gt3A_1680 = arith.cmpi sgt, %squeeze3A_1662, %gt3A_1679 : i32
    %and3A_1681 = vector.broadcast %gt3A_1680 : i1 to vector<16xi1>
    %and3A_1682 = arith.andi %lt3A_1678, %and3A_1681 : vector<16xi1>
    %convert_element_type3A_1683 = arith.extui %and3A_1682 : vector<16xi1> to vector<16xi32>
    %swap3A_1684 = arith.constant 1 : i32
    %swap3A_1685 = arith.index_cast %swap3A_1684 : i32 to index
    %swap3A_1686 = arith.constant 0 : index
    %swap3A_1687 = tpu.vector_load %arg19[%swap3A_1685, %swap3A_1686] {strides = array<i32>} : memref<10x16xi32, #tpu.memory_space<vmem>>, vector<16xi32>,
    tpu.vector_store %arg19[%swap3A_1685, %swap3A_1686], %convert_element_type3A_1683 {strides = array<i32>} : memref<10x16xi32, #tpu.memory_space<vmem>>, vector<16xi32>,
    %broadcast_in_dim3A_1688 = vector.broadcast %squeeze3A_1660 : i32 to vector<16xi32>
    %shift_right_logical3A_1689 = arith.constant 1 : i32
    %shift_right_logical3A_1690 = vector.broadcast %shift_right_logical3A_1689 : i32 to vector<16xi32>
    %shift_right_logical3A_1691 = arith.shrui %gather3A_1672, %shift_right_logical3A_1690 : vector<16xi32>
    %gather3A_1692 = tpu.vector_load_idx %arg12[%broadcast_in_dim3A_1688, %shift_right_logical3A_1691] : memref<7x64xf32, #tpu.memory_space<vmem>>[vector<16xi32>, vector<16xi32>], vector<16xf32>,
    %swap3A_1693 = arith.constant 1 : i32
    %swap3A_1694 = arith.index_cast %swap3A_1693 : i32 to index
    %swap3A_1695 = arith.constant 0 : index
    %swap3A_1696 = tpu.vector_load %arg20[%swap3A_1694, %swap3A_1695] {strides = array<i32>} : memref<10x16xf32, #tpu.memory_space<vmem>>, vector<16xf32>,
    tpu.vector_store %arg20[%swap3A_1694, %swap3A_1695], %gather3A_1692 {strides = array<i32>} : memref<10x16xf32, #tpu.memory_space<vmem>>, vector<16xf32>,
    %slice3A_1697 = vector.extract_strided_slice %select_n3A_1506 {offsets = [2], sizes = [1], strides = [1]} : vector<16xi32> to vector<1xi32>
    %squeeze3A_1698 = vector.extract %slice3A_1697[0] : i32 from vector<1xi32>
    %slice3A_1699 = vector.extract_strided_slice %convert_element_type3A_1500 {offsets = [2], sizes = [1], strides = [1]} : vector<16xi32> to vector<1xi32>
    %squeeze3A_1700 = vector.extract %slice3A_1699[0] : i32 from vector<1xi32>
    %slice3A_1701 = vector.extract_strided_slice %add3A_1616 {offsets = [2], sizes = [1], strides = [1]} : vector<16xi32> to vector<1xi32>
    %squeeze3A_1702 = vector.extract %slice3A_1701[0] : i32 from vector<1xi32>
    %slice3A_1703 = vector.extract_strided_slice %add3A_1617 {offsets = [2], sizes = [1], strides = [1]} : vector<16xi32> to vector<1xi32>
    %squeeze3A_1704 = vector.extract %slice3A_1703[0] : i32 from vector<1xi32>
    %add3A_1705 = vector.broadcast %squeeze3A_1702 : i32 to vector<16xi32>
    %add3A_1706 = arith.addi %iota3A, %add3A_1705 : vector<16xi32>
    %min3A_1707 = arith.constant 63 : i32
    %min3A_1708 = vector.broadcast %min3A_1707 : i32 to vector<16xi32>
    %min3A_1709 = arith.minsi %add3A_1706, %min3A_1708 : vector<16xi32>
    %gather3A_1710 = tpu.vector_load_idx %arg15[%min3A_1709] : memref<64xi32, #tpu.memory_space<vmem>>[vector<16xi32>], vector<16xi32>,
    %swap3A_1711 = arith.constant 2 : i32
    %swap3A_1712 = arith.index_cast %swap3A_1711 : i32 to index
    %swap3A_1713 = arith.constant 0 : index
    %swap3A_1714 = tpu.vector_load %arg18[%swap3A_1712, %swap3A_1713] {strides = array<i32>} : memref<10x16xi32, #tpu.memory_space<vmem>>, vector<16xi32>,
    tpu.vector_store %arg18[%swap3A_1712, %swap3A_1713], %gather3A_1710 {strides = array<i32>} : memref<10x16xi32, #tpu.memory_space<vmem>>, vector<16xi32>,
    %lt3A_1715 = vector.broadcast %squeeze3A_1704 : i32 to vector<16xi32>
    %lt3A_1716 = arith.cmpi slt, %add3A_1706, %lt3A_1715 : vector<16xi32>
    %gt3A_1717 = arith.constant 0 : i32
    %gt3A_1718 = arith.cmpi sgt, %squeeze3A_1700, %gt3A_1717 : i32
    %and3A_1719 = vector.broadcast %gt3A_1718 : i1 to vector<16xi1>
    %and3A_1720 = arith.andi %lt3A_1716, %and3A_1719 : vector<16xi1>
    %convert_element_type3A_1721 = arith.extui %and3A_1720 : vector<16xi1> to vector<16xi32>
    %swap3A_1722 = arith.constant 2 : i32
    %swap3A_1723 = arith.index_cast %swap3A_1722 : i32 to index
    %swap3A_1724 = arith.constant 0 : index
    %swap3A_1725 = tpu.vector_load %arg19[%swap3A_1723, %swap3A_1724] {strides = array<i32>} : memref<10x16xi32, #tpu.memory_space<vmem>>, vector<16xi32>,
    tpu.vector_store %arg19[%swap3A_1723, %swap3A_1724], %convert_element_type3A_1721 {strides = array<i32>} : memref<10x16xi32, #tpu.memory_space<vmem>>, vector<16xi32>,
    %broadcast_in_dim3A_1726 = vector.broadcast %squeeze3A_1698 : i32 to vector<16xi32>
    %shift_right_logical3A_1727 = arith.constant 1 : i32
    %shift_right_logical3A_1728 = vector.broadcast %shift_right_logical3A_1727 : i32 to vector<16xi32>
    %shift_right_logical3A_1729 = arith.shrui %gather3A_1710, %shift_right_logical3A_1728 : vector<16xi32>
    %gather3A_1730 = tpu.vector_load_idx %arg12[%broadcast_in_dim3A_1726, %shift_right_logical3A_1729] : memref<7x64xf32, #tpu.memory_space<vmem>>[vector<16xi32>, vector<16xi32>], vector<16xf32>,
    %swap3A_1731 = arith.constant 2 : i32
    %swap3A_1732 = arith.index_cast %swap3A_1731 : i32 to index
    %swap3A_1733 = arith.constant 0 : index
    %swap3A_1734 = tpu.vector_load %arg20[%swap3A_1732, %swap3A_1733] {strides = array<i32>} : memref<10x16xf32, #tpu.memory_space<vmem>>, vector<16xf32>,
    tpu.vector_store %arg20[%swap3A_1732, %swap3A_1733], %gather3A_1730 {strides = array<i32>} : memref<10x16xf32, #tpu.memory_space<vmem>>, vector<16xf32>,
    %slice3A_1735 = vector.extract_strided_slice %select_n3A_1506 {offsets = [3], sizes = [1], strides = [1]} : vector<16xi32> to vector<1xi32>
    %squeeze3A_1736 = vector.extract %slice3A_1735[0] : i32 from vector<1xi32>
    %slice3A_1737 = vector.extract_strided_slice %convert_element_type3A_1500 {offsets = [3], sizes = [1], strides = [1]} : vector<16xi32> to vector<1xi32>
    %squeeze3A_1738 = vector.extract %slice3A_1737[0] : i32 from vector<1xi32>
    %slice3A_1739 = vector.extract_strided_slice %add3A_1616 {offsets = [3], sizes = [1], strides = [1]} : vector<16xi32> to vector<1xi32>
    %squeeze3A_1740 = vector.extract %slice3A_1739[0] : i32 from vector<1xi32>
    %slice3A_1741 = vector.extract_strided_slice %add3A_1617 {offsets = [3], sizes = [1], strides = [1]} : vector<16xi32> to vector<1xi32>
    %squeeze3A_1742 = vector.extract %slice3A_1741[0] : i32 from vector<1xi32>
    %add3A_1743 = vector.broadcast %squeeze3A_1740 : i32 to vector<16xi32>
    %add3A_1744 = arith.addi %iota3A, %add3A_1743 : vector<16xi32>
    %min3A_1745 = arith.constant 63 : i32
    %min3A_1746 = vector.broadcast %min3A_1745 : i32 to vector<16xi32>
    %min3A_1747 = arith.minsi %add3A_1744, %min3A_1746 : vector<16xi32>
    %gather3A_1748 = tpu.vector_load_idx %arg15[%min3A_1747] : memref<64xi32, #tpu.memory_space<vmem>>[vector<16xi32>], vector<16xi32>,
    %swap3A_1749 = arith.constant 3 : i32
    %swap3A_1750 = arith.index_cast %swap3A_1749 : i32 to index
    %swap3A_1751 = arith.constant 0 : index
    %swap3A_1752 = tpu.vector_load %arg18[%swap3A_1750, %swap3A_1751] {strides = array<i32>} : memref<10x16xi32, #tpu.memory_space<vmem>>, vector<16xi32>,
    tpu.vector_store %arg18[%swap3A_1750, %swap3A_1751], %gather3A_1748 {strides = array<i32>} : memref<10x16xi32, #tpu.memory_space<vmem>>, vector<16xi32>,
    %lt3A_1753 = vector.broadcast %squeeze3A_1742 : i32 to vector<16xi32>
    %lt3A_1754 = arith.cmpi slt, %add3A_1744, %lt3A_1753 : vector<16xi32>
    %gt3A_1755 = arith.constant 0 : i32
    %gt3A_1756 = arith.cmpi sgt, %squeeze3A_1738, %gt3A_1755 : i32
    %and3A_1757 = vector.broadcast %gt3A_1756 : i1 to vector<16xi1>
    %and3A_1758 = arith.andi %lt3A_1754, %and3A_1757 : vector<16xi1>
    %convert_element_type3A_1759 = arith.extui %and3A_1758 : vector<16xi1> to vector<16xi32>
    %swap3A_1760 = arith.constant 3 : i32
    %swap3A_1761 = arith.index_cast %swap3A_1760 : i32 to index
    %swap3A_1762 = arith.constant 0 : index
    %swap3A_1763 = tpu.vector_load %arg19[%swap3A_1761, %swap3A_1762] {strides = array<i32>} : memref<10x16xi32, #tpu.memory_space<vmem>>, vector<16xi32>,
    tpu.vector_store %arg19[%swap3A_1761, %swap3A_1762], %convert_element_type3A_1759 {strides = array<i32>} : memref<10x16xi32, #tpu.memory_space<vmem>>, vector<16xi32>,
    %broadcast_in_dim3A_1764 = vector.broadcast %squeeze3A_1736 : i32 to vector<16xi32>
    %shift_right_logical3A_1765 = arith.constant 1 : i32
    %shift_right_logical3A_1766 = vector.broadcast %shift_right_logical3A_1765 : i32 to vector<16xi32>
    %shift_right_logical3A_1767 = arith.shrui %gather3A_1748, %shift_right_logical3A_1766 : vector<16xi32>
    %gather3A_1768 = tpu.vector_load_idx %arg12[%broadcast_in_dim3A_1764, %shift_right_logical3A_1767] : memref<7x64xf32, #tpu.memory_space<vmem>>[vector<16xi32>, vector<16xi32>], vector<16xf32>,
    %swap3A_1769 = arith.constant 3 : i32
    %swap3A_1770 = arith.index_cast %swap3A_1769 : i32 to index
    %swap3A_1771 = arith.constant 0 : index
    %swap3A_1772 = tpu.vector_load %arg20[%swap3A_1770, %swap3A_1771] {strides = array<i32>} : memref<10x16xf32, #tpu.memory_space<vmem>>, vector<16xf32>,
    tpu.vector_store %arg20[%swap3A_1770, %swap3A_1771], %gather3A_1768 {strides = array<i32>} : memref<10x16xf32, #tpu.memory_space<vmem>>, vector<16xf32>,
    %slice3A_1773 = vector.extract_strided_slice %select_n3A_1506 {offsets = [4], sizes = [1], strides = [1]} : vector<16xi32> to vector<1xi32>
    %squeeze3A_1774 = vector.extract %slice3A_1773[0] : i32 from vector<1xi32>
    %slice3A_1775 = vector.extract_strided_slice %convert_element_type3A_1500 {offsets = [4], sizes = [1], strides = [1]} : vector<16xi32> to vector<1xi32>
    %squeeze3A_1776 = vector.extract %slice3A_1775[0] : i32 from vector<1xi32>
    %slice3A_1777 = vector.extract_strided_slice %add3A_1616 {offsets = [4], sizes = [1], strides = [1]} : vector<16xi32> to vector<1xi32>
    %squeeze3A_1778 = vector.extract %slice3A_1777[0] : i32 from vector<1xi32>
    %slice3A_1779 = vector.extract_strided_slice %add3A_1617 {offsets = [4], sizes = [1], strides = [1]} : vector<16xi32> to vector<1xi32>
    %squeeze3A_1780 = vector.extract %slice3A_1779[0] : i32 from vector<1xi32>
    %add3A_1781 = vector.broadcast %squeeze3A_1778 : i32 to vector<16xi32>
    %add3A_1782 = arith.addi %iota3A, %add3A_1781 : vector<16xi32>
    %min3A_1783 = arith.constant 63 : i32
    %min3A_1784 = vector.broadcast %min3A_1783 : i32 to vector<16xi32>
    %min3A_1785 = arith.minsi %add3A_1782, %min3A_1784 : vector<16xi32>
    %gather3A_1786 = tpu.vector_load_idx %arg15[%min3A_1785] : memref<64xi32, #tpu.memory_space<vmem>>[vector<16xi32>], vector<16xi32>,
    %swap3A_1787 = arith.constant 4 : i32
    %swap3A_1788 = arith.index_cast %swap3A_1787 : i32 to index
    %swap3A_1789 = arith.constant 0 : index
    %swap3A_1790 = tpu.vector_load %arg18[%swap3A_1788, %swap3A_1789] {strides = array<i32>} : memref<10x16xi32, #tpu.memory_space<vmem>>, vector<16xi32>,
    tpu.vector_store %arg18[%swap3A_1788, %swap3A_1789], %gather3A_1786 {strides = array<i32>} : memref<10x16xi32, #tpu.memory_space<vmem>>, vector<16xi32>,
    %lt3A_1791 = vector.broadcast %squeeze3A_1780 : i32 to vector<16xi32>
    %lt3A_1792 = arith.cmpi slt, %add3A_1782, %lt3A_1791 : vector<16xi32>
    %gt3A_1793 = arith.constant 0 : i32
    %gt3A_1794 = arith.cmpi sgt, %squeeze3A_1776, %gt3A_1793 : i32
    %and3A_1795 = vector.broadcast %gt3A_1794 : i1 to vector<16xi1>
    %and3A_1796 = arith.andi %lt3A_1792, %and3A_1795 : vector<16xi1>
    %convert_element_type3A_1797 = arith.extui %and3A_1796 : vector<16xi1> to vector<16xi32>
    %swap3A_1798 = arith.constant 4 : i32
    %swap3A_1799 = arith.index_cast %swap3A_1798 : i32 to index
    %swap3A_1800 = arith.constant 0 : index
    %swap3A_1801 = tpu.vector_load %arg19[%swap3A_1799, %swap3A_1800] {strides = array<i32>} : memref<10x16xi32, #tpu.memory_space<vmem>>, vector<16xi32>,
    tpu.vector_store %arg19[%swap3A_1799, %swap3A_1800], %convert_element_type3A_1797 {strides = array<i32>} : memref<10x16xi32, #tpu.memory_space<vmem>>, vector<16xi32>,
    %broadcast_in_dim3A_1802 = vector.broadcast %squeeze3A_1774 : i32 to vector<16xi32>
    %shift_right_logical3A_1803 = arith.constant 1 : i32
    %shift_right_logical3A_1804 = vector.broadcast %shift_right_logical3A_1803 : i32 to vector<16xi32>
    %shift_right_logical3A_1805 = arith.shrui %gather3A_1786, %shift_right_logical3A_1804 : vector<16xi32>
    %gather3A_1806 = tpu.vector_load_idx %arg12[%broadcast_in_dim3A_1802, %shift_right_logical3A_1805] : memref<7x64xf32, #tpu.memory_space<vmem>>[vector<16xi32>, vector<16xi32>], vector<16xf32>,
    %swap3A_1807 = arith.constant 4 : i32
    %swap3A_1808 = arith.index_cast %swap3A_1807 : i32 to index
    %swap3A_1809 = arith.constant 0 : index
    %swap3A_1810 = tpu.vector_load %arg20[%swap3A_1808, %swap3A_1809] {strides = array<i32>} : memref<10x16xf32, #tpu.memory_space<vmem>>, vector<16xf32>,
    tpu.vector_store %arg20[%swap3A_1808, %swap3A_1809], %gather3A_1806 {strides = array<i32>} : memref<10x16xf32, #tpu.memory_space<vmem>>, vector<16xf32>,
    %slice3A_1811 = vector.extract_strided_slice %select_n3A_1506 {offsets = [5], sizes = [1], strides = [1]} : vector<16xi32> to vector<1xi32>
    %squeeze3A_1812 = vector.extract %slice3A_1811[0] : i32 from vector<1xi32>
    %slice3A_1813 = vector.extract_strided_slice %convert_element_type3A_1500 {offsets = [5], sizes = [1], strides = [1]} : vector<16xi32> to vector<1xi32>
    %squeeze3A_1814 = vector.extract %slice3A_1813[0] : i32 from vector<1xi32>
    %slice3A_1815 = vector.extract_strided_slice %add3A_1616 {offsets = [5], sizes = [1], strides = [1]} : vector<16xi32> to vector<1xi32>
    %squeeze3A_1816 = vector.extract %slice3A_1815[0] : i32 from vector<1xi32>
    %slice3A_1817 = vector.extract_strided_slice %add3A_1617 {offsets = [5], sizes = [1], strides = [1]} : vector<16xi32> to vector<1xi32>
    %squeeze3A_1818 = vector.extract %slice3A_1817[0] : i32 from vector<1xi32>
    %add3A_1819 = vector.broadcast %squeeze3A_1816 : i32 to vector<16xi32>
    %add3A_1820 = arith.addi %iota3A, %add3A_1819 : vector<16xi32>
    %min3A_1821 = arith.constant 63 : i32
    %min3A_1822 = vector.broadcast %min3A_1821 : i32 to vector<16xi32>
    %min3A_1823 = arith.minsi %add3A_1820, %min3A_1822 : vector<16xi32>
    %gather3A_1824 = tpu.vector_load_idx %arg15[%min3A_1823] : memref<64xi32, #tpu.memory_space<vmem>>[vector<16xi32>], vector<16xi32>,
    %swap3A_1825 = arith.constant 5 : i32
    %swap3A_1826 = arith.index_cast %swap3A_1825 : i32 to index
    %swap3A_1827 = arith.constant 0 : index
    %swap3A_1828 = tpu.vector_load %arg18[%swap3A_1826, %swap3A_1827] {strides = array<i32>} : memref<10x16xi32, #tpu.memory_space<vmem>>, vector<16xi32>,
    tpu.vector_store %arg18[%swap3A_1826, %swap3A_1827], %gather3A_1824 {strides = array<i32>} : memref<10x16xi32, #tpu.memory_space<vmem>>, vector<16xi32>,
    %lt3A_1829 = vector.broadcast %squeeze3A_1818 : i32 to vector<16xi32>
    %lt3A_1830 = arith.cmpi slt, %add3A_1820, %lt3A_1829 : vector<16xi32>
    %gt3A_1831 = arith.constant 0 : i32
    %gt3A_1832 = arith.cmpi sgt, %squeeze3A_1814, %gt3A_1831 : i32
    %and3A_1833 = vector.broadcast %gt3A_1832 : i1 to vector<16xi1>
    %and3A_1834 = arith.andi %lt3A_1830, %and3A_1833 : vector<16xi1>
    %convert_element_type3A_1835 = arith.extui %and3A_1834 : vector<16xi1> to vector<16xi32>
    %swap3A_1836 = arith.constant 5 : i32
    %swap3A_1837 = arith.index_cast %swap3A_1836 : i32 to index
    %swap3A_1838 = arith.constant 0 : index
    %swap3A_1839 = tpu.vector_load %arg19[%swap3A_1837, %swap3A_1838] {strides = array<i32>} : memref<10x16xi32, #tpu.memory_space<vmem>>, vector<16xi32>,
    tpu.vector_store %arg19[%swap3A_1837, %swap3A_1838], %convert_element_type3A_1835 {strides = array<i32>} : memref<10x16xi32, #tpu.memory_space<vmem>>, vector<16xi32>,
    %broadcast_in_dim3A_1840 = vector.broadcast %squeeze3A_1812 : i32 to vector<16xi32>
    %shift_right_logical3A_1841 = arith.constant 1 : i32
    %shift_right_logical3A_1842 = vector.broadcast %shift_right_logical3A_1841 : i32 to vector<16xi32>
    %shift_right_logical3A_1843 = arith.shrui %gather3A_1824, %shift_right_logical3A_1842 : vector<16xi32>
    %gather3A_1844 = tpu.vector_load_idx %arg12[%broadcast_in_dim3A_1840, %shift_right_logical3A_1843] : memref<7x64xf32, #tpu.memory_space<vmem>>[vector<16xi32>, vector<16xi32>], vector<16xf32>,
    %swap3A_1845 = arith.constant 5 : i32
    %swap3A_1846 = arith.index_cast %swap3A_1845 : i32 to index
    %swap3A_1847 = arith.constant 0 : index
    %swap3A_1848 = tpu.vector_load %arg20[%swap3A_1846, %swap3A_1847] {strides = array<i32>} : memref<10x16xf32, #tpu.memory_space<vmem>>, vector<16xf32>,
    tpu.vector_store %arg20[%swap3A_1846, %swap3A_1847], %gather3A_1844 {strides = array<i32>} : memref<10x16xf32, #tpu.memory_space<vmem>>, vector<16xf32>,
    %slice3A_1849 = vector.extract_strided_slice %select_n3A_1506 {offsets = [6], sizes = [1], strides = [1]} : vector<16xi32> to vector<1xi32>
    %squeeze3A_1850 = vector.extract %slice3A_1849[0] : i32 from vector<1xi32>
    %slice3A_1851 = vector.extract_strided_slice %convert_element_type3A_1500 {offsets = [6], sizes = [1], strides = [1]} : vector<16xi32> to vector<1xi32>
    %squeeze3A_1852 = vector.extract %slice3A_1851[0] : i32 from vector<1xi32>
    %slice3A_1853 = vector.extract_strided_slice %add3A_1616 {offsets = [6], sizes = [1], strides = [1]} : vector<16xi32> to vector<1xi32>
    %squeeze3A_1854 = vector.extract %slice3A_1853[0] : i32 from vector<1xi32>
    %slice3A_1855 = vector.extract_strided_slice %add3A_1617 {offsets = [6], sizes = [1], strides = [1]} : vector<16xi32> to vector<1xi32>
    %squeeze3A_1856 = vector.extract %slice3A_1855[0] : i32 from vector<1xi32>
    %add3A_1857 = vector.broadcast %squeeze3A_1854 : i32 to vector<16xi32>
    %add3A_1858 = arith.addi %iota3A, %add3A_1857 : vector<16xi32>
    %min3A_1859 = arith.constant 63 : i32
    %min3A_1860 = vector.broadcast %min3A_1859 : i32 to vector<16xi32>
    %min3A_1861 = arith.minsi %add3A_1858, %min3A_1860 : vector<16xi32>
    %gather3A_1862 = tpu.vector_load_idx %arg15[%min3A_1861] : memref<64xi32, #tpu.memory_space<vmem>>[vector<16xi32>], vector<16xi32>,
    %swap3A_1863 = arith.constant 6 : i32
    %swap3A_1864 = arith.index_cast %swap3A_1863 : i32 to index
    %swap3A_1865 = arith.constant 0 : index
    %swap3A_1866 = tpu.vector_load %arg18[%swap3A_1864, %swap3A_1865] {strides = array<i32>} : memref<10x16xi32, #tpu.memory_space<vmem>>, vector<16xi32>,
    tpu.vector_store %arg18[%swap3A_1864, %swap3A_1865], %gather3A_1862 {strides = array<i32>} : memref<10x16xi32, #tpu.memory_space<vmem>>, vector<16xi32>,
    %lt3A_1867 = vector.broadcast %squeeze3A_1856 : i32 to vector<16xi32>
    %lt3A_1868 = arith.cmpi slt, %add3A_1858, %lt3A_1867 : vector<16xi32>
    %gt3A_1869 = arith.constant 0 : i32
    %gt3A_1870 = arith.cmpi sgt, %squeeze3A_1852, %gt3A_1869 : i32
    %and3A_1871 = vector.broadcast %gt3A_1870 : i1 to vector<16xi1>
    %and3A_1872 = arith.andi %lt3A_1868, %and3A_1871 : vector<16xi1>
    %convert_element_type3A_1873 = arith.extui %and3A_1872 : vector<16xi1> to vector<16xi32>
    %swap3A_1874 = arith.constant 6 : i32
    %swap3A_1875 = arith.index_cast %swap3A_1874 : i32 to index
    %swap3A_1876 = arith.constant 0 : index
    %swap3A_1877 = tpu.vector_load %arg19[%swap3A_1875, %swap3A_1876] {strides = array<i32>} : memref<10x16xi32, #tpu.memory_space<vmem>>, vector<16xi32>,
    tpu.vector_store %arg19[%swap3A_1875, %swap3A_1876], %convert_element_type3A_1873 {strides = array<i32>} : memref<10x16xi32, #tpu.memory_space<vmem>>, vector<16xi32>,
    %broadcast_in_dim3A_1878 = vector.broadcast %squeeze3A_1850 : i32 to vector<16xi32>
    %shift_right_logical3A_1879 = arith.constant 1 : i32
    %shift_right_logical3A_1880 = vector.broadcast %shift_right_logical3A_1879 : i32 to vector<16xi32>
    %shift_right_logical3A_1881 = arith.shrui %gather3A_1862, %shift_right_logical3A_1880 : vector<16xi32>
    %gather3A_1882 = tpu.vector_load_idx %arg12[%broadcast_in_dim3A_1878, %shift_right_logical3A_1881] : memref<7x64xf32, #tpu.memory_space<vmem>>[vector<16xi32>, vector<16xi32>], vector<16xf32>,
    %swap3A_1883 = arith.constant 6 : i32
    %swap3A_1884 = arith.index_cast %swap3A_1883 : i32 to index
    %swap3A_1885 = arith.constant 0 : index
    %swap3A_1886 = tpu.vector_load %arg20[%swap3A_1884, %swap3A_1885] {strides = array<i32>} : memref<10x16xf32, #tpu.memory_space<vmem>>, vector<16xf32>,
    tpu.vector_store %arg20[%swap3A_1884, %swap3A_1885], %gather3A_1882 {strides = array<i32>} : memref<10x16xf32, #tpu.memory_space<vmem>>, vector<16xf32>,
    %slice3A_1887 = vector.extract_strided_slice %select_n3A_1506 {offsets = [7], sizes = [1], strides = [1]} : vector<16xi32> to vector<1xi32>
    %squeeze3A_1888 = vector.extract %slice3A_1887[0] : i32 from vector<1xi32>
    %slice3A_1889 = vector.extract_strided_slice %convert_element_type3A_1500 {offsets = [7], sizes = [1], strides = [1]} : vector<16xi32> to vector<1xi32>
    %squeeze3A_1890 = vector.extract %slice3A_1889[0] : i32 from vector<1xi32>
    %slice3A_1891 = vector.extract_strided_slice %add3A_1616 {offsets = [7], sizes = [1], strides = [1]} : vector<16xi32> to vector<1xi32>
    %squeeze3A_1892 = vector.extract %slice3A_1891[0] : i32 from vector<1xi32>
    %slice3A_1893 = vector.extract_strided_slice %add3A_1617 {offsets = [7], sizes = [1], strides = [1]} : vector<16xi32> to vector<1xi32>
    %squeeze3A_1894 = vector.extract %slice3A_1893[0] : i32 from vector<1xi32>
    %add3A_1895 = vector.broadcast %squeeze3A_1892 : i32 to vector<16xi32>
    %add3A_1896 = arith.addi %iota3A, %add3A_1895 : vector<16xi32>
    %min3A_1897 = arith.constant 63 : i32
    %min3A_1898 = vector.broadcast %min3A_1897 : i32 to vector<16xi32>
    %min3A_1899 = arith.minsi %add3A_1896, %min3A_1898 : vector<16xi32>
    %gather3A_1900 = tpu.vector_load_idx %arg15[%min3A_1899] : memref<64xi32, #tpu.memory_space<vmem>>[vector<16xi32>], vector<16xi32>,
    %swap3A_1901 = arith.constant 7 : i32
    %swap3A_1902 = arith.index_cast %swap3A_1901 : i32 to index
    %swap3A_1903 = arith.constant 0 : index
    %swap3A_1904 = tpu.vector_load %arg18[%swap3A_1902, %swap3A_1903] {strides = array<i32>} : memref<10x16xi32, #tpu.memory_space<vmem>>, vector<16xi32>,
    tpu.vector_store %arg18[%swap3A_1902, %swap3A_1903], %gather3A_1900 {strides = array<i32>} : memref<10x16xi32, #tpu.memory_space<vmem>>, vector<16xi32>,
    %lt3A_1905 = vector.broadcast %squeeze3A_1894 : i32 to vector<16xi32>
    %lt3A_1906 = arith.cmpi slt, %add3A_1896, %lt3A_1905 : vector<16xi32>
    %gt3A_1907 = arith.constant 0 : i32
    %gt3A_1908 = arith.cmpi sgt, %squeeze3A_1890, %gt3A_1907 : i32
    %and3A_1909 = vector.broadcast %gt3A_1908 : i1 to vector<16xi1>
    %and3A_1910 = arith.andi %lt3A_1906, %and3A_1909 : vector<16xi1>
    %convert_element_type3A_1911 = arith.extui %and3A_1910 : vector<16xi1> to vector<16xi32>
    %swap3A_1912 = arith.constant 7 : i32
    %swap3A_1913 = arith.index_cast %swap3A_1912 : i32 to index
    %swap3A_1914 = arith.constant 0 : index
    %swap3A_1915 = tpu.vector_load %arg19[%swap3A_1913, %swap3A_1914] {strides = array<i32>} : memref<10x16xi32, #tpu.memory_space<vmem>>, vector<16xi32>,
    tpu.vector_store %arg19[%swap3A_1913, %swap3A_1914], %convert_element_type3A_1911 {strides = array<i32>} : memref<10x16xi32, #tpu.memory_space<vmem>>, vector<16xi32>,
    %broadcast_in_dim3A_1916 = vector.broadcast %squeeze3A_1888 : i32 to vector<16xi32>
    %shift_right_logical3A_1917 = arith.constant 1 : i32
    %shift_right_logical3A_1918 = vector.broadcast %shift_right_logical3A_1917 : i32 to vector<16xi32>
    %shift_right_logical3A_1919 = arith.shrui %gather3A_1900, %shift_right_logical3A_1918 : vector<16xi32>
    %gather3A_1920 = tpu.vector_load_idx %arg12[%broadcast_in_dim3A_1916, %shift_right_logical3A_1919] : memref<7x64xf32, #tpu.memory_space<vmem>>[vector<16xi32>, vector<16xi32>], vector<16xf32>,
    %swap3A_1921 = arith.constant 7 : i32
    %swap3A_1922 = arith.index_cast %swap3A_1921 : i32 to index
    %swap3A_1923 = arith.constant 0 : index
    %swap3A_1924 = tpu.vector_load %arg20[%swap3A_1922, %swap3A_1923] {strides = array<i32>} : memref<10x16xf32, #tpu.memory_space<vmem>>, vector<16xf32>,
    tpu.vector_store %arg20[%swap3A_1922, %swap3A_1923], %gather3A_1920 {strides = array<i32>} : memref<10x16xf32, #tpu.memory_space<vmem>>, vector<16xf32>,
    %slice3A_1925 = vector.extract_strided_slice %select_n3A_1506 {offsets = [8], sizes = [1], strides = [1]} : vector<16xi32> to vector<1xi32>
    %squeeze3A_1926 = vector.extract %slice3A_1925[0] : i32 from vector<1xi32>
    %slice3A_1927 = vector.extract_strided_slice %convert_element_type3A_1500 {offsets = [8], sizes = [1], strides = [1]} : vector<16xi32> to vector<1xi32>
    %squeeze3A_1928 = vector.extract %slice3A_1927[0] : i32 from vector<1xi32>
    %slice3A_1929 = vector.extract_strided_slice %add3A_1616 {offsets = [8], sizes = [1], strides = [1]} : vector<16xi32> to vector<1xi32>
    %squeeze3A_1930 = vector.extract %slice3A_1929[0] : i32 from vector<1xi32>
    %slice3A_1931 = vector.extract_strided_slice %add3A_1617 {offsets = [8], sizes = [1], strides = [1]} : vector<16xi32> to vector<1xi32>
    %squeeze3A_1932 = vector.extract %slice3A_1931[0] : i32 from vector<1xi32>
    %add3A_1933 = vector.broadcast %squeeze3A_1930 : i32 to vector<16xi32>
    %add3A_1934 = arith.addi %iota3A, %add3A_1933 : vector<16xi32>
    %min3A_1935 = arith.constant 63 : i32
    %min3A_1936 = vector.broadcast %min3A_1935 : i32 to vector<16xi32>
    %min3A_1937 = arith.minsi %add3A_1934, %min3A_1936 : vector<16xi32>
    %gather3A_1938 = tpu.vector_load_idx %arg15[%min3A_1937] : memref<64xi32, #tpu.memory_space<vmem>>[vector<16xi32>], vector<16xi32>,
    %swap3A_1939 = arith.constant 8 : i32
    %swap3A_1940 = arith.index_cast %swap3A_1939 : i32 to index
    %swap3A_1941 = arith.constant 0 : index
    %swap3A_1942 = tpu.vector_load %arg18[%swap3A_1940, %swap3A_1941] {strides = array<i32>} : memref<10x16xi32, #tpu.memory_space<vmem>>, vector<16xi32>,
    tpu.vector_store %arg18[%swap3A_1940, %swap3A_1941], %gather3A_1938 {strides = array<i32>} : memref<10x16xi32, #tpu.memory_space<vmem>>, vector<16xi32>,
    %lt3A_1943 = vector.broadcast %squeeze3A_1932 : i32 to vector<16xi32>
    %lt3A_1944 = arith.cmpi slt, %add3A_1934, %lt3A_1943 : vector<16xi32>
    %gt3A_1945 = arith.constant 0 : i32
    %gt3A_1946 = arith.cmpi sgt, %squeeze3A_1928, %gt3A_1945 : i32
    %and3A_1947 = vector.broadcast %gt3A_1946 : i1 to vector<16xi1>
    %and3A_1948 = arith.andi %lt3A_1944, %and3A_1947 : vector<16xi1>
    %convert_element_type3A_1949 = arith.extui %and3A_1948 : vector<16xi1> to vector<16xi32>
    %swap3A_1950 = arith.constant 8 : i32
    %swap3A_1951 = arith.index_cast %swap3A_1950 : i32 to index
    %swap3A_1952 = arith.constant 0 : index
    %swap3A_1953 = tpu.vector_load %arg19[%swap3A_1951, %swap3A_1952] {strides = array<i32>} : memref<10x16xi32, #tpu.memory_space<vmem>>, vector<16xi32>,
    tpu.vector_store %arg19[%swap3A_1951, %swap3A_1952], %convert_element_type3A_1949 {strides = array<i32>} : memref<10x16xi32, #tpu.memory_space<vmem>>, vector<16xi32>,
    %broadcast_in_dim3A_1954 = vector.broadcast %squeeze3A_1926 : i32 to vector<16xi32>
    %shift_right_logical3A_1955 = arith.constant 1 : i32
    %shift_right_logical3A_1956 = vector.broadcast %shift_right_logical3A_1955 : i32 to vector<16xi32>
    %shift_right_logical3A_1957 = arith.shrui %gather3A_1938, %shift_right_logical3A_1956 : vector<16xi32>
    %gather3A_1958 = tpu.vector_load_idx %arg12[%broadcast_in_dim3A_1954, %shift_right_logical3A_1957] : memref<7x64xf32, #tpu.memory_space<vmem>>[vector<16xi32>, vector<16xi32>], vector<16xf32>,
    %swap3A_1959 = arith.constant 8 : i32
    %swap3A_1960 = arith.index_cast %swap3A_1959 : i32 to index
    %swap3A_1961 = arith.constant 0 : index
    %swap3A_1962 = tpu.vector_load %arg20[%swap3A_1960, %swap3A_1961] {strides = array<i32>} : memref<10x16xf32, #tpu.memory_space<vmem>>, vector<16xf32>,
    tpu.vector_store %arg20[%swap3A_1960, %swap3A_1961], %gather3A_1958 {strides = array<i32>} : memref<10x16xf32, #tpu.memory_space<vmem>>, vector<16xf32>,
    %slice3A_1963 = vector.extract_strided_slice %select_n3A_1506 {offsets = [9], sizes = [1], strides = [1]} : vector<16xi32> to vector<1xi32>
    %squeeze3A_1964 = vector.extract %slice3A_1963[0] : i32 from vector<1xi32>
    %slice3A_1965 = vector.extract_strided_slice %convert_element_type3A_1500 {offsets = [9], sizes = [1], strides = [1]} : vector<16xi32> to vector<1xi32>
    %squeeze3A_1966 = vector.extract %slice3A_1965[0] : i32 from vector<1xi32>
    %slice3A_1967 = vector.extract_strided_slice %add3A_1616 {offsets = [9], sizes = [1], strides = [1]} : vector<16xi32> to vector<1xi32>
    %squeeze3A_1968 = vector.extract %slice3A_1967[0] : i32 from vector<1xi32>
    %slice3A_1969 = vector.extract_strided_slice %add3A_1617 {offsets = [9], sizes = [1], strides = [1]} : vector<16xi32> to vector<1xi32>
    %squeeze3A_1970 = vector.extract %slice3A_1969[0] : i32 from vector<1xi32>
    %add3A_1971 = vector.broadcast %squeeze3A_1968 : i32 to vector<16xi32>
    %add3A_1972 = arith.addi %iota3A, %add3A_1971 : vector<16xi32>
    %min3A_1973 = arith.constant 63 : i32
    %min3A_1974 = vector.broadcast %min3A_1973 : i32 to vector<16xi32>
    %min3A_1975 = arith.minsi %add3A_1972, %min3A_1974 : vector<16xi32>
    %gather3A_1976 = tpu.vector_load_idx %arg15[%min3A_1975] : memref<64xi32, #tpu.memory_space<vmem>>[vector<16xi32>], vector<16xi32>,
    %swap3A_1977 = arith.constant 9 : i32
    %swap3A_1978 = arith.index_cast %swap3A_1977 : i32 to index
    %swap3A_1979 = arith.constant 0 : index
    %swap3A_1980 = tpu.vector_load %arg18[%swap3A_1978, %swap3A_1979] {strides = array<i32>} : memref<10x16xi32, #tpu.memory_space<vmem>>, vector<16xi32>,
    tpu.vector_store %arg18[%swap3A_1978, %swap3A_1979], %gather3A_1976 {strides = array<i32>} : memref<10x16xi32, #tpu.memory_space<vmem>>, vector<16xi32>,
    %lt3A_1981 = vector.broadcast %squeeze3A_1970 : i32 to vector<16xi32>
    %lt3A_1982 = arith.cmpi slt, %add3A_1972, %lt3A_1981 : vector<16xi32>
    %gt3A_1983 = arith.constant 0 : i32
    %gt3A_1984 = arith.cmpi sgt, %squeeze3A_1966, %gt3A_1983 : i32
    %and3A_1985 = vector.broadcast %gt3A_1984 : i1 to vector<16xi1>
    %and3A_1986 = arith.andi %lt3A_1982, %and3A_1985 : vector<16xi1>
    %convert_element_type3A_1987 = arith.extui %and3A_1986 : vector<16xi1> to vector<16xi32>
    %swap3A_1988 = arith.constant 9 : i32
    %swap3A_1989 = arith.index_cast %swap3A_1988 : i32 to index
    %swap3A_1990 = arith.constant 0 : index
    %swap3A_1991 = tpu.vector_load %arg19[%swap3A_1989, %swap3A_1990] {strides = array<i32>} : memref<10x16xi32, #tpu.memory_space<vmem>>, vector<16xi32>,
    tpu.vector_store %arg19[%swap3A_1989, %swap3A_1990], %convert_element_type3A_1987 {strides = array<i32>} : memref<10x16xi32, #tpu.memory_space<vmem>>, vector<16xi32>,
    %broadcast_in_dim3A_1992 = vector.broadcast %squeeze3A_1964 : i32 to vector<16xi32>
    %shift_right_logical3A_1993 = arith.constant 1 : i32
    %shift_right_logical3A_1994 = vector.broadcast %shift_right_logical3A_1993 : i32 to vector<16xi32>
    %shift_right_logical3A_1995 = arith.shrui %gather3A_1976, %shift_right_logical3A_1994 : vector<16xi32>
    %gather3A_1996 = tpu.vector_load_idx %arg12[%broadcast_in_dim3A_1992, %shift_right_logical3A_1995] : memref<7x64xf32, #tpu.memory_space<vmem>>[vector<16xi32>, vector<16xi32>], vector<16xf32>,
    %swap3A_1997 = arith.constant 9 : i32
    %swap3A_1998 = arith.index_cast %swap3A_1997 : i32 to index
    %swap3A_1999 = arith.constant 0 : index
    %swap3A_2000 = tpu.vector_load %arg20[%swap3A_1998, %swap3A_1999] {strides = array<i32>} : memref<10x16xf32, #tpu.memory_space<vmem>>, vector<16xf32>,
    tpu.vector_store %arg20[%swap3A_1998, %swap3A_1999], %gather3A_1996 {strides = array<i32>} : memref<10x16xf32, #tpu.memory_space<vmem>>, vector<16xf32>,
    %add3A_2001 = arith.addf %add3A_582, %add3A_591 : f32
    %add3A_2002 = arith.addf %add3A_2001, %add3A_600 : f32
    %add3A_2003 = arith.addf %add3A_2002, %add3A_609 : f32
    %add3A_2004 = arith.addf %add3A_2003, %add3A_618 : f32
    %add3A_2005 = arith.addf %add3A_2004, %add3A_627 : f32
    %add3A_2006 = arith.addf %add3A_2005, %add3A_636 : f32
    %mul3A_2007 = arith.constant 0.142857149 : f32
    %mul3A_2008 = arith.mulf %add3A_2006, %mul3A_2007 : f32
    %sub3A_2009 = arith.subf %add3A_582, %mul3A_2008 : f32
    %mul3A_2010 = arith.mulf %sub3A_2009, %sub3A_2009 : f32
    %add3A_2011 = arith.constant 0.000000e+00 : f32
    %add3A_2012 = arith.addf %add3A_2011, %mul3A_2010 : f32
    %sub3A_2013 = arith.subf %add3A_591, %mul3A_2008 : f32
    %mul3A_2014 = arith.mulf %sub3A_2013, %sub3A_2013 : f32
    %add3A_2015 = arith.addf %add3A_2012, %mul3A_2014 : f32
    %sub3A_2016 = arith.subf %add3A_600, %mul3A_2008 : f32
    %mul3A_2017 = arith.mulf %sub3A_2016, %sub3A_2016 : f32
    %add3A_2018 = arith.addf %add3A_2015, %mul3A_2017 : f32
    %sub3A_2019 = arith.subf %add3A_609, %mul3A_2008 : f32
    %mul3A_2020 = arith.mulf %sub3A_2019, %sub3A_2019 : f32
    %add3A_2021 = arith.addf %add3A_2018, %mul3A_2020 : f32
    %sub3A_2022 = arith.subf %add3A_618, %mul3A_2008 : f32
    %mul3A_2023 = arith.mulf %sub3A_2022, %sub3A_2022 : f32
    %add3A_2024 = arith.addf %add3A_2021, %mul3A_2023 : f32
    %sub3A_2025 = arith.subf %add3A_627, %mul3A_2008 : f32
    %mul3A_2026 = arith.mulf %sub3A_2025, %sub3A_2025 : f32
    %add3A_2027 = arith.addf %add3A_2024, %mul3A_2026 : f32
    %sub3A_2028 = arith.subf %add3A_636, %mul3A_2008 : f32
    %mul3A_2029 = arith.mulf %sub3A_2028, %sub3A_2028 : f32
    %add3A_2030 = arith.addf %add3A_2027, %mul3A_2029 : f32
    %mul3A_2031 = arith.constant 0.166666672 : f32
    %mul3A_2032 = arith.mulf %add3A_2030, %mul3A_2031 : f32
    %broadcast_in_dim3A_2033 = vector.broadcast %mul3A_2032 : f32 to vector<16xf32>
    %mul3A_2034 = arith.mulf %mul3A_2008, %mul3A_2008 : f32
    %broadcast_in_dim3A_2035 = vector.broadcast %mul3A_2034 : f32 to vector<16xf32>
    %div3A_2036 = arith.divf %broadcast_in_dim3A_2033, %broadcast_in_dim3A_2035 : vector<16xf32>
    %swap3A_2037 = arith.constant 0 : index
    %swap3A_2038 = tpu.vector_load %arg21[%swap3A_2037] {strides = array<i32>} : memref<16xf32, #tpu.memory_space<vmem>>, vector<16xf32>,
    tpu.vector_store %arg21[%swap3A_2037], %div3A_2036 {strides = array<i32>} : memref<16xf32, #tpu.memory_space<vmem>>, vector<16xf32>,
    %eq3A_2039 = arith.constant 0 : i32
    %eq3A_2040 = arith.cmpi eq, %add3A, %eq3A_2039 : i32
    %convert_element_type3A_2041 = arith.extui %eq3A_2040 : i1 to i32
    %cond3A = arith.constant 0 : i32
    %cond3A_2042 = arith.cmpi ne, %convert_element_type3A_2041, %cond3A : i32
    scf.if %cond3A_2042 {
      "tpu.region"() ({
        %run_scoped3A_2044 = tpu.sem_alloc : memref<!tpu.dma_semaphore, #tpu.memory_space<semaphore_mem>>
        tpu.enqueue_dma source(%arg13 : memref<64xf32, #tpu.memory_space<vmem>>) target(%arg3 : memref<64xf32, #tpu.memory_space<hbm>>) target_semaphore(%run_scoped3A_2044 : memref<!tpu.dma_semaphore, #tpu.memory_space<semaphore_mem>>)
        tpu.wait_dma2 semaphore(%run_scoped3A_2044 : memref<!tpu.dma_semaphore, #tpu.memory_space<semaphore_mem>>) src(%arg13 : memref<64xf32, #tpu.memory_space<vmem>>) dst(%arg3 : memref<64xf32, #tpu.memory_space<hbm>>)
        tpu.yield
      }) : () -> ()
      "tpu.region"() ({
        %run_scoped3A_2044 = tpu.sem_alloc : memref<!tpu.dma_semaphore, #tpu.memory_space<semaphore_mem>>
        tpu.enqueue_dma source(%arg14 : memref<64xi32, #tpu.memory_space<vmem>>) target(%arg4 : memref<64xi32, #tpu.memory_space<hbm>>) target_semaphore(%run_scoped3A_2044 : memref<!tpu.dma_semaphore, #tpu.memory_space<semaphore_mem>>)
        tpu.wait_dma2 semaphore(%run_scoped3A_2044 : memref<!tpu.dma_semaphore, #tpu.memory_space<semaphore_mem>>) src(%arg14 : memref<64xi32, #tpu.memory_space<vmem>>) dst(%arg4 : memref<64xi32, #tpu.memory_space<hbm>>)
        tpu.yield
      }) : () -> ()
      "tpu.region"() ({
        %run_scoped3A_2044 = tpu.sem_alloc : memref<!tpu.dma_semaphore, #tpu.memory_space<semaphore_mem>>
        tpu.enqueue_dma source(%arg18 : memref<10x16xi32, #tpu.memory_space<vmem>>) target(%arg7 : memref<10x16xi32, #tpu.memory_space<hbm>>) target_semaphore(%run_scoped3A_2044 : memref<!tpu.dma_semaphore, #tpu.memory_space<semaphore_mem>>)
        tpu.wait_dma2 semaphore(%run_scoped3A_2044 : memref<!tpu.dma_semaphore, #tpu.memory_space<semaphore_mem>>) src(%arg18 : memref<10x16xi32, #tpu.memory_space<vmem>>) dst(%arg7 : memref<10x16xi32, #tpu.memory_space<hbm>>)
        tpu.yield
      }) : () -> ()
      "tpu.region"() ({
        %run_scoped3A_2044 = tpu.sem_alloc : memref<!tpu.dma_semaphore, #tpu.memory_space<semaphore_mem>>
        tpu.enqueue_dma source(%arg19 : memref<10x16xi32, #tpu.memory_space<vmem>>) target(%arg8 : memref<10x16xi32, #tpu.memory_space<hbm>>) target_semaphore(%run_scoped3A_2044 : memref<!tpu.dma_semaphore, #tpu.memory_space<semaphore_mem>>)
        tpu.wait_dma2 semaphore(%run_scoped3A_2044 : memref<!tpu.dma_semaphore, #tpu.memory_space<semaphore_mem>>) src(%arg19 : memref<10x16xi32, #tpu.memory_space<vmem>>) dst(%arg8 : memref<10x16xi32, #tpu.memory_space<hbm>>)
        tpu.yield
      }) : () -> ()
      "tpu.region"() ({
        %run_scoped3A_2044 = tpu.sem_alloc : memref<!tpu.dma_semaphore, #tpu.memory_space<semaphore_mem>>
        tpu.enqueue_dma source(%arg20 : memref<10x16xf32, #tpu.memory_space<vmem>>) target(%arg9 : memref<10x16xf32, #tpu.memory_space<hbm>>) target_semaphore(%run_scoped3A_2044 : memref<!tpu.dma_semaphore, #tpu.memory_space<semaphore_mem>>)
        tpu.wait_dma2 semaphore(%run_scoped3A_2044 : memref<!tpu.dma_semaphore, #tpu.memory_space<semaphore_mem>>) src(%arg20 : memref<10x16xf32, #tpu.memory_space<vmem>>) dst(%arg9 : memref<10x16xf32, #tpu.memory_space<hbm>>)
        tpu.yield
      }) : () -> ()
      "tpu.region"() ({
        %run_scoped3A_2044 = tpu.sem_alloc : memref<!tpu.dma_semaphore, #tpu.memory_space<semaphore_mem>>
        tpu.enqueue_dma source(%arg21 : memref<16xf32, #tpu.memory_space<vmem>>) target(%arg10 : memref<16xf32, #tpu.memory_space<hbm>>) target_semaphore(%run_scoped3A_2044 : memref<!tpu.dma_semaphore, #tpu.memory_space<semaphore_mem>>)
        tpu.wait_dma2 semaphore(%run_scoped3A_2044 : memref<!tpu.dma_semaphore, #tpu.memory_space<semaphore_mem>>) src(%arg21 : memref<16xf32, #tpu.memory_space<vmem>>) dst(%arg10 : memref<16xf32, #tpu.memory_space<hbm>>)
        tpu.yield
      }) : () -> ()
      %run_scoped3A = arith.constant 0 : i32
      "tpu.region"() ({
        %run_scoped3A_2044 = tpu.sem_alloc : memref<!tpu.dma_semaphore, #tpu.memory_space<semaphore_mem>>
        %dma_start3A = arith.constant 0 : i32
        %dma_start3A_2045 = tpu.memref_slice %arg17[%run_scoped3A, %dma_start3A] : memref<2x16xi32, #tpu.memory_space<vmem>> -> memref<1x16xi32, #tpu.memory_space<vmem>>
        %dma_start3A_2046 = tpu.memref_squeeze %dma_start3A_2045 : memref<1x16xi32, #tpu.memory_space<vmem>> -> memref<16xi32, #tpu.memory_space<vmem>>
        %dma_start3A_2047 = arith.constant 0 : i32
        %dma_start3A_2048 = tpu.memref_slice %arg17[%run_scoped3A, %dma_start3A_2047] : memref<2x16xi32, #tpu.memory_space<vmem>> -> memref<1x16xi32, #tpu.memory_space<vmem>>
        %dma_start3A_2049 = tpu.memref_squeeze %dma_start3A_2048 : memref<1x16xi32, #tpu.memory_space<vmem>> -> memref<16xi32, #tpu.memory_space<vmem>>
        tpu.enqueue_dma source(%dma_start3A_2049 : memref<16xi32, #tpu.memory_space<vmem>>) target(%arg5 : memref<16xi32, #tpu.memory_space<hbm>>) target_semaphore(%run_scoped3A_2044 : memref<!tpu.dma_semaphore, #tpu.memory_space<semaphore_mem>>)
        %dma_wait3A = arith.constant 0 : i32
        %dma_wait3A_2050 = tpu.memref_slice %arg17[%run_scoped3A, %dma_wait3A] : memref<2x16xi32, #tpu.memory_space<vmem>> -> memref<1x16xi32, #tpu.memory_space<vmem>>
        %dma_wait3A_2051 = tpu.memref_squeeze %dma_wait3A_2050 : memref<1x16xi32, #tpu.memory_space<vmem>> -> memref<16xi32, #tpu.memory_space<vmem>>
        %dma_wait3A_2052 = arith.constant 0 : i32
        %dma_wait3A_2053 = tpu.memref_slice %arg17[%run_scoped3A, %dma_wait3A_2052] : memref<2x16xi32, #tpu.memory_space<vmem>> -> memref<1x16xi32, #tpu.memory_space<vmem>>
        %dma_wait3A_2054 = tpu.memref_squeeze %dma_wait3A_2053 : memref<1x16xi32, #tpu.memory_space<vmem>> -> memref<16xi32, #tpu.memory_space<vmem>>
        tpu.wait_dma2 semaphore(%run_scoped3A_2044 : memref<!tpu.dma_semaphore, #tpu.memory_space<semaphore_mem>>) src(%dma_wait3A_2054 : memref<16xi32, #tpu.memory_space<vmem>>) dst(%arg5 : memref<16xi32, #tpu.memory_space<hbm>>)
        tpu.yield
      }) : () -> ()
      %run_scoped3A_2043 = arith.constant 1 : i32
      "tpu.region"() ({
        %run_scoped3A_2044 = tpu.sem_alloc : memref<!tpu.dma_semaphore, #tpu.memory_space<semaphore_mem>>
        %dma_start3A = arith.constant 0 : i32
        %dma_start3A_2045 = tpu.memref_slice %arg17[%run_scoped3A_2043, %dma_start3A] : memref<2x16xi32, #tpu.memory_space<vmem>> -> memref<1x16xi32, #tpu.memory_space<vmem>>
        %dma_start3A_2046 = tpu.memref_squeeze %dma_start3A_2045 : memref<1x16xi32, #tpu.memory_space<vmem>> -> memref<16xi32, #tpu.memory_space<vmem>>
        %dma_start3A_2047 = arith.constant 0 : i32
        %dma_start3A_2048 = tpu.memref_slice %arg17[%run_scoped3A_2043, %dma_start3A_2047] : memref<2x16xi32, #tpu.memory_space<vmem>> -> memref<1x16xi32, #tpu.memory_space<vmem>>
        %dma_start3A_2049 = tpu.memref_squeeze %dma_start3A_2048 : memref<1x16xi32, #tpu.memory_space<vmem>> -> memref<16xi32, #tpu.memory_space<vmem>>
        tpu.enqueue_dma source(%dma_start3A_2049 : memref<16xi32, #tpu.memory_space<vmem>>) target(%arg6 : memref<16xi32, #tpu.memory_space<hbm>>) target_semaphore(%run_scoped3A_2044 : memref<!tpu.dma_semaphore, #tpu.memory_space<semaphore_mem>>)
        %dma_wait3A = arith.constant 0 : i32
        %dma_wait3A_2050 = tpu.memref_slice %arg17[%run_scoped3A_2043, %dma_wait3A] : memref<2x16xi32, #tpu.memory_space<vmem>> -> memref<1x16xi32, #tpu.memory_space<vmem>>
        %dma_wait3A_2051 = tpu.memref_squeeze %dma_wait3A_2050 : memref<1x16xi32, #tpu.memory_space<vmem>> -> memref<16xi32, #tpu.memory_space<vmem>>
        %dma_wait3A_2052 = arith.constant 0 : i32
        %dma_wait3A_2053 = tpu.memref_slice %arg17[%run_scoped3A_2043, %dma_wait3A_2052] : memref<2x16xi32, #tpu.memory_space<vmem>> -> memref<1x16xi32, #tpu.memory_space<vmem>>
        %dma_wait3A_2054 = tpu.memref_squeeze %dma_wait3A_2053 : memref<1x16xi32, #tpu.memory_space<vmem>> -> memref<16xi32, #tpu.memory_space<vmem>>
        tpu.wait_dma2 semaphore(%run_scoped3A_2044 : memref<!tpu.dma_semaphore, #tpu.memory_space<semaphore_mem>>) src(%dma_wait3A_2054 : memref<16xi32, #tpu.memory_space<vmem>>) dst(%arg6 : memref<16xi32, #tpu.memory_space<hbm>>)
        tpu.yield
      }) : () -> ()
    } else {
    }
    return
  }
}

module attributes {stable_mosaic.version = 14 : i64} {
  func.func @_gate_body(%arg0: memref<64x32x2048xf32, #tpu.memory_space<vmem>>, %arg1: memref<7x2048xf32, #tpu.memory_space<vmem>>, %arg2: memref<7x64xf32, #tpu.memory_space<vmem>>) attributes {dimension_semantics = [], scalar_prefetch = 0 : i64, scratch_operands = 0 : i64, tpu.core_type = #tpu.core_type<tc>} {
    %get3A = arith.constant 0 : index
    %get3A_0 = arith.constant 0 : index
    %get3A_1 = arith.constant 0 : index
    %get3A_2 = vector.load %arg0[%get3A, %get3A_0, %get3A_1] : memref<64x32x2048xf32, #tpu.memory_space<vmem>>, vector<64x32x2048xf32>
    %reduce_sum3A = arith.constant dense<0.000000e+00> : vector<64x2048xf32>
    %reduce_sum3A_3 = vector.multi_reduction <add>, %get3A_2, %reduce_sum3A [1] : vector<64x32x2048xf32> to vector<64x2048xf32>
    %mul3A = arith.constant 3.125000e-02 : f32
    %mul3A_4 = vector.broadcast %mul3A : f32 to vector<64x2048xf32>
    %mul3A_5 = arith.mulf %reduce_sum3A_3, %mul3A_4 : vector<64x2048xf32>
    %get3A_6 = arith.constant 0 : index
    %get3A_7 = arith.constant 0 : index
    %get3A_8 = vector.load %arg1[%get3A_6, %get3A_7] : memref<7x2048xf32, #tpu.memory_space<vmem>>, vector<7x2048xf32>
    %dot_general3A = arith.constant dense<0.000000e+00> : vector<7x64xf32>
    %dot_general3A_9 = tpu.matmul %get3A_8, %mul3A_5, %dot_general3A {dimension_numbers = #tpu.dot_dimension_numbers<[1], [1], [0], [0], [0, 0, 1, 0], [], []>, transpose_lhs_hint = false} : vector<7x2048xf32>, vector<64x2048xf32>, vector<7x64xf32> -> vector<7x64xf32>
    %swap3A = arith.constant 0 : index
    %swap3A_10 = arith.constant 0 : index
    %swap3A_11 = vector.load %arg2[%swap3A, %swap3A_10] : memref<7x64xf32, #tpu.memory_space<vmem>>, vector<7x64xf32>
    tpu.vector_store %arg2[%swap3A, %swap3A_10], %dot_general3A_9 {strides = array<i32>} : memref<7x64xf32, #tpu.memory_space<vmem>>, vector<7x64xf32>,
    return
  }
}

module attributes {stable_mosaic.version = 14 : i64} {
  func.func @_moe_body(%arg0: i32, %arg1: i32, %arg2: memref<10xi32, #tpu.memory_space<smem>>, %arg3: memref<10xi32, #tpu.memory_space<smem>>, %arg4: memref<10x16xi32, #tpu.memory_space<smem>>, %arg5: memref<10x16xi32, #tpu.memory_space<smem>>, %arg6: memref<10x16xf32, #tpu.memory_space<smem>>, %arg7: memref<64x32x2048xf32, #tpu.memory_space<vmem>>, %arg8: memref<1x2048x512xf32, #tpu.memory_space<vmem>>, %arg9: memref<1x1x512xf32, #tpu.memory_space<vmem>>, %arg10: memref<1x512x2048xf32, #tpu.memory_space<vmem>>, %arg11: memref<1x1x2048xf32, #tpu.memory_space<vmem>>, %arg12: memref<64x32x2048xf32, #tpu.memory_space<vmem>>, %arg13: memref<512x2048xf32, #tpu.memory_space<vmem>>, %arg14: memref<512x2048xf32, #tpu.memory_space<vmem>>) attributes {dimension_semantics = [#tpu.dimension_semantics<arbitrary>, #tpu.dimension_semantics<arbitrary>], iteration_bounds = array<i64: 10, 4>, scalar_prefetch = 5 : i64, scratch_operands = 2 : i64, tpu.core_type = #tpu.core_type<tc>, window_params = [{pipeline_mode = #tpu.pipeline_mode<synchronous>, transform_indices = @transform_0, window_bounds = array<i64: 64, 32, 2048>}, {transform_indices = @transform_1, window_bounds = array<i64: 1, 2048, 512>}, {transform_indices = @transform_2, window_bounds = array<i64: 1, 1, 512>}, {transform_indices = @transform_3, window_bounds = array<i64: 1, 512, 2048>}, {transform_indices = @transform_4, window_bounds = array<i64: 1, 1, 2048>}, {pipeline_mode = #tpu.pipeline_mode<synchronous>, transform_indices = @transform_5, window_bounds = array<i64: 64, 32, 2048>}]} {
    %get3A = arith.index_cast %arg0 : i32 to index
    %get3A_0 = memref.load %arg3[%get3A] : memref<10xi32, #tpu.memory_space<smem>>
    %gt3A = arith.constant 0 : i32
    %gt3A_1 = arith.cmpi sgt, %get3A_0, %gt3A : i32
    %convert_element_type3A = arith.extui %gt3A_1 : i1 to i32
    %cond3A = arith.constant 0 : i32
    %cond3A_2 = arith.cmpi ne, %convert_element_type3A, %cond3A : i32
    scf.if %cond3A_2 {
      %eq3A = arith.constant 0 : i32
      %eq3A_3 = arith.cmpi eq, %arg1, %eq3A : i32
      %convert_element_type3A_4 = arith.extui %eq3A_3 : i1 to i32
      %cond3A_5 = arith.constant 0 : i32
      %cond3A_6 = arith.cmpi ne, %convert_element_type3A_4, %cond3A_5 : i32
      scf.if %cond3A_6 {
        %get3A_124 = arith.index_cast %arg0 : i32 to index
        %get3A_125 = arith.constant 0 : index
        %get3A_126 = memref.load %arg4[%get3A_124, %get3A_125] : memref<10x16xi32, #tpu.memory_space<smem>>
        %jit3A = arith.constant 2 : i32
        %div3A = arith.divsi %get3A_126, %jit3A : i32
        %sign3A = arith.constant 0 : i32
        %sign3A_127 = arith.cmpi sgt, %get3A_126, %sign3A : i32
        %sign3A_128 = arith.extui %sign3A_127 : i1 to i32
        %sign3A_129 = arith.constant 0 : i32
        %sign3A_130 = arith.cmpi slt, %get3A_126, %sign3A_129 : i32
        %sign3A_131 = arith.extui %sign3A_130 : i1 to i32
        %sign3A_132 = arith.subi %sign3A_128, %sign3A_131 : i32
        %sign3A_133 = arith.constant 0 : i32
        %sign3A_134 = arith.cmpi sgt, %jit3A, %sign3A_133 : i32
        %sign3A_135 = arith.extui %sign3A_134 : i1 to i32
        %sign3A_136 = arith.constant 0 : i32
        %sign3A_137 = arith.cmpi slt, %jit3A, %sign3A_136 : i32
        %sign3A_138 = arith.extui %sign3A_137 : i1 to i32
        %sign3A_139 = arith.subi %sign3A_135, %sign3A_138 : i32
        %ne3A = arith.cmpi ne, %sign3A_132, %sign3A_139 : i32
        %rem3A = arith.remsi %get3A_126, %jit3A : i32
        %ne3A_140 = arith.constant 0 : i32
        %ne3A_141 = arith.cmpi ne, %rem3A, %ne3A_140 : i32
        %and3A = arith.andi %ne3A, %ne3A_141 : i1
        %sub3A = arith.constant 1 : i32
        %sub3A_142 = arith.subi %div3A, %sub3A : i32
        %select_n3A = arith.select %and3A, %sub3A_142, %div3A : i32
        %get3A_143 = arith.index_cast %select_n3A : i32 to index
        %get3A_144 = arith.constant 0 : index
        %get3A_145 = arith.constant 0 : index
        %get3A_146 = vector.load %arg7[%get3A_143, %get3A_144, %get3A_145] : memref<64x32x2048xf32, #tpu.memory_space<vmem>>, vector<1x32x2048xf32>
        %get3A_147 = vector.shape_cast %get3A_146 : vector<1x32x2048xf32> to vector<32x2048xf32>
        %swap3A = arith.constant 0 : index
        %swap3A_148 = arith.constant 0 : index
        %swap3A_149 = vector.load %arg13[%swap3A, %swap3A_148] : memref<512x2048xf32, #tpu.memory_space<vmem>>, vector<32x2048xf32>
        tpu.vector_store %arg13[%swap3A, %swap3A_148], %get3A_147 {strides = array<i32>} : memref<512x2048xf32, #tpu.memory_space<vmem>>, vector<32x2048xf32>,
        %get3A_150 = arith.index_cast %arg0 : i32 to index
        %get3A_151 = arith.constant 1 : index
        %get3A_152 = memref.load %arg4[%get3A_150, %get3A_151] : memref<10x16xi32, #tpu.memory_space<smem>>
        %jit3A_153 = arith.constant 2 : i32
        %div3A_154 = arith.divsi %get3A_152, %jit3A_153 : i32
        %sign3A_155 = arith.constant 0 : i32
        %sign3A_156 = arith.cmpi sgt, %get3A_152, %sign3A_155 : i32
        %sign3A_157 = arith.extui %sign3A_156 : i1 to i32
        %sign3A_158 = arith.constant 0 : i32
        %sign3A_159 = arith.cmpi slt, %get3A_152, %sign3A_158 : i32
        %sign3A_160 = arith.extui %sign3A_159 : i1 to i32
        %sign3A_161 = arith.subi %sign3A_157, %sign3A_160 : i32
        %sign3A_162 = arith.constant 0 : i32
        %sign3A_163 = arith.cmpi sgt, %jit3A_153, %sign3A_162 : i32
        %sign3A_164 = arith.extui %sign3A_163 : i1 to i32
        %sign3A_165 = arith.constant 0 : i32
        %sign3A_166 = arith.cmpi slt, %jit3A_153, %sign3A_165 : i32
        %sign3A_167 = arith.extui %sign3A_166 : i1 to i32
        %sign3A_168 = arith.subi %sign3A_164, %sign3A_167 : i32
        %ne3A_169 = arith.cmpi ne, %sign3A_161, %sign3A_168 : i32
        %rem3A_170 = arith.remsi %get3A_152, %jit3A_153 : i32
        %ne3A_171 = arith.constant 0 : i32
        %ne3A_172 = arith.cmpi ne, %rem3A_170, %ne3A_171 : i32
        %and3A_173 = arith.andi %ne3A_169, %ne3A_172 : i1
        %sub3A_174 = arith.constant 1 : i32
        %sub3A_175 = arith.subi %div3A_154, %sub3A_174 : i32
        %select_n3A_176 = arith.select %and3A_173, %sub3A_175, %div3A_154 : i32
        %get3A_177 = arith.index_cast %select_n3A_176 : i32 to index
        %get3A_178 = arith.constant 0 : index
        %get3A_179 = arith.constant 0 : index
        %get3A_180 = vector.load %arg7[%get3A_177, %get3A_178, %get3A_179] : memref<64x32x2048xf32, #tpu.memory_space<vmem>>, vector<1x32x2048xf32>
        %get3A_181 = vector.shape_cast %get3A_180 : vector<1x32x2048xf32> to vector<32x2048xf32>
        %swap3A_182 = arith.constant 32 : index
        %swap3A_183 = arith.constant 0 : index
        %swap3A_184 = vector.load %arg13[%swap3A_182, %swap3A_183] : memref<512x2048xf32, #tpu.memory_space<vmem>>, vector<32x2048xf32>
        tpu.vector_store %arg13[%swap3A_182, %swap3A_183], %get3A_181 {strides = array<i32>} : memref<512x2048xf32, #tpu.memory_space<vmem>>, vector<32x2048xf32>,
        %get3A_185 = arith.index_cast %arg0 : i32 to index
        %get3A_186 = arith.constant 2 : index
        %get3A_187 = memref.load %arg4[%get3A_185, %get3A_186] : memref<10x16xi32, #tpu.memory_space<smem>>
        %jit3A_188 = arith.constant 2 : i32
        %div3A_189 = arith.divsi %get3A_187, %jit3A_188 : i32
        %sign3A_190 = arith.constant 0 : i32
        %sign3A_191 = arith.cmpi sgt, %get3A_187, %sign3A_190 : i32
        %sign3A_192 = arith.extui %sign3A_191 : i1 to i32
        %sign3A_193 = arith.constant 0 : i32
        %sign3A_194 = arith.cmpi slt, %get3A_187, %sign3A_193 : i32
        %sign3A_195 = arith.extui %sign3A_194 : i1 to i32
        %sign3A_196 = arith.subi %sign3A_192, %sign3A_195 : i32
        %sign3A_197 = arith.constant 0 : i32
        %sign3A_198 = arith.cmpi sgt, %jit3A_188, %sign3A_197 : i32
        %sign3A_199 = arith.extui %sign3A_198 : i1 to i32
        %sign3A_200 = arith.constant 0 : i32
        %sign3A_201 = arith.cmpi slt, %jit3A_188, %sign3A_200 : i32
        %sign3A_202 = arith.extui %sign3A_201 : i1 to i32
        %sign3A_203 = arith.subi %sign3A_199, %sign3A_202 : i32
        %ne3A_204 = arith.cmpi ne, %sign3A_196, %sign3A_203 : i32
        %rem3A_205 = arith.remsi %get3A_187, %jit3A_188 : i32
        %ne3A_206 = arith.constant 0 : i32
        %ne3A_207 = arith.cmpi ne, %rem3A_205, %ne3A_206 : i32
        %and3A_208 = arith.andi %ne3A_204, %ne3A_207 : i1
        %sub3A_209 = arith.constant 1 : i32
        %sub3A_210 = arith.subi %div3A_189, %sub3A_209 : i32
        %select_n3A_211 = arith.select %and3A_208, %sub3A_210, %div3A_189 : i32
        %get3A_212 = arith.index_cast %select_n3A_211 : i32 to index
        %get3A_213 = arith.constant 0 : index
        %get3A_214 = arith.constant 0 : index
        %get3A_215 = vector.load %arg7[%get3A_212, %get3A_213, %get3A_214] : memref<64x32x2048xf32, #tpu.memory_space<vmem>>, vector<1x32x2048xf32>
        %get3A_216 = vector.shape_cast %get3A_215 : vector<1x32x2048xf32> to vector<32x2048xf32>
        %swap3A_217 = arith.constant 64 : index
        %swap3A_218 = arith.constant 0 : index
        %swap3A_219 = vector.load %arg13[%swap3A_217, %swap3A_218] : memref<512x2048xf32, #tpu.memory_space<vmem>>, vector<32x2048xf32>
        tpu.vector_store %arg13[%swap3A_217, %swap3A_218], %get3A_216 {strides = array<i32>} : memref<512x2048xf32, #tpu.memory_space<vmem>>, vector<32x2048xf32>,
        %get3A_220 = arith.index_cast %arg0 : i32 to index
        %get3A_221 = arith.constant 3 : index
        %get3A_222 = memref.load %arg4[%get3A_220, %get3A_221] : memref<10x16xi32, #tpu.memory_space<smem>>
        %jit3A_223 = arith.constant 2 : i32
        %div3A_224 = arith.divsi %get3A_222, %jit3A_223 : i32
        %sign3A_225 = arith.constant 0 : i32
        %sign3A_226 = arith.cmpi sgt, %get3A_222, %sign3A_225 : i32
        %sign3A_227 = arith.extui %sign3A_226 : i1 to i32
        %sign3A_228 = arith.constant 0 : i32
        %sign3A_229 = arith.cmpi slt, %get3A_222, %sign3A_228 : i32
        %sign3A_230 = arith.extui %sign3A_229 : i1 to i32
        %sign3A_231 = arith.subi %sign3A_227, %sign3A_230 : i32
        %sign3A_232 = arith.constant 0 : i32
        %sign3A_233 = arith.cmpi sgt, %jit3A_223, %sign3A_232 : i32
        %sign3A_234 = arith.extui %sign3A_233 : i1 to i32
        %sign3A_235 = arith.constant 0 : i32
        %sign3A_236 = arith.cmpi slt, %jit3A_223, %sign3A_235 : i32
        %sign3A_237 = arith.extui %sign3A_236 : i1 to i32
        %sign3A_238 = arith.subi %sign3A_234, %sign3A_237 : i32
        %ne3A_239 = arith.cmpi ne, %sign3A_231, %sign3A_238 : i32
        %rem3A_240 = arith.remsi %get3A_222, %jit3A_223 : i32
        %ne3A_241 = arith.constant 0 : i32
        %ne3A_242 = arith.cmpi ne, %rem3A_240, %ne3A_241 : i32
        %and3A_243 = arith.andi %ne3A_239, %ne3A_242 : i1
        %sub3A_244 = arith.constant 1 : i32
        %sub3A_245 = arith.subi %div3A_224, %sub3A_244 : i32
        %select_n3A_246 = arith.select %and3A_243, %sub3A_245, %div3A_224 : i32
        %get3A_247 = arith.index_cast %select_n3A_246 : i32 to index
        %get3A_248 = arith.constant 0 : index
        %get3A_249 = arith.constant 0 : index
        %get3A_250 = vector.load %arg7[%get3A_247, %get3A_248, %get3A_249] : memref<64x32x2048xf32, #tpu.memory_space<vmem>>, vector<1x32x2048xf32>
        %get3A_251 = vector.shape_cast %get3A_250 : vector<1x32x2048xf32> to vector<32x2048xf32>
        %swap3A_252 = arith.constant 96 : index
        %swap3A_253 = arith.constant 0 : index
        %swap3A_254 = vector.load %arg13[%swap3A_252, %swap3A_253] : memref<512x2048xf32, #tpu.memory_space<vmem>>, vector<32x2048xf32>
        tpu.vector_store %arg13[%swap3A_252, %swap3A_253], %get3A_251 {strides = array<i32>} : memref<512x2048xf32, #tpu.memory_space<vmem>>, vector<32x2048xf32>,
        %get3A_255 = arith.index_cast %arg0 : i32 to index
        %get3A_256 = arith.constant 4 : index
        %get3A_257 = memref.load %arg4[%get3A_255, %get3A_256] : memref<10x16xi32, #tpu.memory_space<smem>>
        %jit3A_258 = arith.constant 2 : i32
        %div3A_259 = arith.divsi %get3A_257, %jit3A_258 : i32
        %sign3A_260 = arith.constant 0 : i32
        %sign3A_261 = arith.cmpi sgt, %get3A_257, %sign3A_260 : i32
        %sign3A_262 = arith.extui %sign3A_261 : i1 to i32
        %sign3A_263 = arith.constant 0 : i32
        %sign3A_264 = arith.cmpi slt, %get3A_257, %sign3A_263 : i32
        %sign3A_265 = arith.extui %sign3A_264 : i1 to i32
        %sign3A_266 = arith.subi %sign3A_262, %sign3A_265 : i32
        %sign3A_267 = arith.constant 0 : i32
        %sign3A_268 = arith.cmpi sgt, %jit3A_258, %sign3A_267 : i32
        %sign3A_269 = arith.extui %sign3A_268 : i1 to i32
        %sign3A_270 = arith.constant 0 : i32
        %sign3A_271 = arith.cmpi slt, %jit3A_258, %sign3A_270 : i32
        %sign3A_272 = arith.extui %sign3A_271 : i1 to i32
        %sign3A_273 = arith.subi %sign3A_269, %sign3A_272 : i32
        %ne3A_274 = arith.cmpi ne, %sign3A_266, %sign3A_273 : i32
        %rem3A_275 = arith.remsi %get3A_257, %jit3A_258 : i32
        %ne3A_276 = arith.constant 0 : i32
        %ne3A_277 = arith.cmpi ne, %rem3A_275, %ne3A_276 : i32
        %and3A_278 = arith.andi %ne3A_274, %ne3A_277 : i1
        %sub3A_279 = arith.constant 1 : i32
        %sub3A_280 = arith.subi %div3A_259, %sub3A_279 : i32
        %select_n3A_281 = arith.select %and3A_278, %sub3A_280, %div3A_259 : i32
        %get3A_282 = arith.index_cast %select_n3A_281 : i32 to index
        %get3A_283 = arith.constant 0 : index
        %get3A_284 = arith.constant 0 : index
        %get3A_285 = vector.load %arg7[%get3A_282, %get3A_283, %get3A_284] : memref<64x32x2048xf32, #tpu.memory_space<vmem>>, vector<1x32x2048xf32>
        %get3A_286 = vector.shape_cast %get3A_285 : vector<1x32x2048xf32> to vector<32x2048xf32>
        %swap3A_287 = arith.constant 128 : index
        %swap3A_288 = arith.constant 0 : index
        %swap3A_289 = vector.load %arg13[%swap3A_287, %swap3A_288] : memref<512x2048xf32, #tpu.memory_space<vmem>>, vector<32x2048xf32>
        tpu.vector_store %arg13[%swap3A_287, %swap3A_288], %get3A_286 {strides = array<i32>} : memref<512x2048xf32, #tpu.memory_space<vmem>>, vector<32x2048xf32>,
        %get3A_290 = arith.index_cast %arg0 : i32 to index
        %get3A_291 = arith.constant 5 : index
        %get3A_292 = memref.load %arg4[%get3A_290, %get3A_291] : memref<10x16xi32, #tpu.memory_space<smem>>
        %jit3A_293 = arith.constant 2 : i32
        %div3A_294 = arith.divsi %get3A_292, %jit3A_293 : i32
        %sign3A_295 = arith.constant 0 : i32
        %sign3A_296 = arith.cmpi sgt, %get3A_292, %sign3A_295 : i32
        %sign3A_297 = arith.extui %sign3A_296 : i1 to i32
        %sign3A_298 = arith.constant 0 : i32
        %sign3A_299 = arith.cmpi slt, %get3A_292, %sign3A_298 : i32
        %sign3A_300 = arith.extui %sign3A_299 : i1 to i32
        %sign3A_301 = arith.subi %sign3A_297, %sign3A_300 : i32
        %sign3A_302 = arith.constant 0 : i32
        %sign3A_303 = arith.cmpi sgt, %jit3A_293, %sign3A_302 : i32
        %sign3A_304 = arith.extui %sign3A_303 : i1 to i32
        %sign3A_305 = arith.constant 0 : i32
        %sign3A_306 = arith.cmpi slt, %jit3A_293, %sign3A_305 : i32
        %sign3A_307 = arith.extui %sign3A_306 : i1 to i32
        %sign3A_308 = arith.subi %sign3A_304, %sign3A_307 : i32
        %ne3A_309 = arith.cmpi ne, %sign3A_301, %sign3A_308 : i32
        %rem3A_310 = arith.remsi %get3A_292, %jit3A_293 : i32
        %ne3A_311 = arith.constant 0 : i32
        %ne3A_312 = arith.cmpi ne, %rem3A_310, %ne3A_311 : i32
        %and3A_313 = arith.andi %ne3A_309, %ne3A_312 : i1
        %sub3A_314 = arith.constant 1 : i32
        %sub3A_315 = arith.subi %div3A_294, %sub3A_314 : i32
        %select_n3A_316 = arith.select %and3A_313, %sub3A_315, %div3A_294 : i32
        %get3A_317 = arith.index_cast %select_n3A_316 : i32 to index
        %get3A_318 = arith.constant 0 : index
        %get3A_319 = arith.constant 0 : index
        %get3A_320 = vector.load %arg7[%get3A_317, %get3A_318, %get3A_319] : memref<64x32x2048xf32, #tpu.memory_space<vmem>>, vector<1x32x2048xf32>
        %get3A_321 = vector.shape_cast %get3A_320 : vector<1x32x2048xf32> to vector<32x2048xf32>
        %swap3A_322 = arith.constant 160 : index
        %swap3A_323 = arith.constant 0 : index
        %swap3A_324 = vector.load %arg13[%swap3A_322, %swap3A_323] : memref<512x2048xf32, #tpu.memory_space<vmem>>, vector<32x2048xf32>
        tpu.vector_store %arg13[%swap3A_322, %swap3A_323], %get3A_321 {strides = array<i32>} : memref<512x2048xf32, #tpu.memory_space<vmem>>, vector<32x2048xf32>,
        %get3A_325 = arith.index_cast %arg0 : i32 to index
        %get3A_326 = arith.constant 6 : index
        %get3A_327 = memref.load %arg4[%get3A_325, %get3A_326] : memref<10x16xi32, #tpu.memory_space<smem>>
        %jit3A_328 = arith.constant 2 : i32
        %div3A_329 = arith.divsi %get3A_327, %jit3A_328 : i32
        %sign3A_330 = arith.constant 0 : i32
        %sign3A_331 = arith.cmpi sgt, %get3A_327, %sign3A_330 : i32
        %sign3A_332 = arith.extui %sign3A_331 : i1 to i32
        %sign3A_333 = arith.constant 0 : i32
        %sign3A_334 = arith.cmpi slt, %get3A_327, %sign3A_333 : i32
        %sign3A_335 = arith.extui %sign3A_334 : i1 to i32
        %sign3A_336 = arith.subi %sign3A_332, %sign3A_335 : i32
        %sign3A_337 = arith.constant 0 : i32
        %sign3A_338 = arith.cmpi sgt, %jit3A_328, %sign3A_337 : i32
        %sign3A_339 = arith.extui %sign3A_338 : i1 to i32
        %sign3A_340 = arith.constant 0 : i32
        %sign3A_341 = arith.cmpi slt, %jit3A_328, %sign3A_340 : i32
        %sign3A_342 = arith.extui %sign3A_341 : i1 to i32
        %sign3A_343 = arith.subi %sign3A_339, %sign3A_342 : i32
        %ne3A_344 = arith.cmpi ne, %sign3A_336, %sign3A_343 : i32
        %rem3A_345 = arith.remsi %get3A_327, %jit3A_328 : i32
        %ne3A_346 = arith.constant 0 : i32
        %ne3A_347 = arith.cmpi ne, %rem3A_345, %ne3A_346 : i32
        %and3A_348 = arith.andi %ne3A_344, %ne3A_347 : i1
        %sub3A_349 = arith.constant 1 : i32
        %sub3A_350 = arith.subi %div3A_329, %sub3A_349 : i32
        %select_n3A_351 = arith.select %and3A_348, %sub3A_350, %div3A_329 : i32
        %get3A_352 = arith.index_cast %select_n3A_351 : i32 to index
        %get3A_353 = arith.constant 0 : index
        %get3A_354 = arith.constant 0 : index
        %get3A_355 = vector.load %arg7[%get3A_352, %get3A_353, %get3A_354] : memref<64x32x2048xf32, #tpu.memory_space<vmem>>, vector<1x32x2048xf32>
        %get3A_356 = vector.shape_cast %get3A_355 : vector<1x32x2048xf32> to vector<32x2048xf32>
        %swap3A_357 = arith.constant 192 : index
        %swap3A_358 = arith.constant 0 : index
        %swap3A_359 = vector.load %arg13[%swap3A_357, %swap3A_358] : memref<512x2048xf32, #tpu.memory_space<vmem>>, vector<32x2048xf32>
        tpu.vector_store %arg13[%swap3A_357, %swap3A_358], %get3A_356 {strides = array<i32>} : memref<512x2048xf32, #tpu.memory_space<vmem>>, vector<32x2048xf32>,
        %get3A_360 = arith.index_cast %arg0 : i32 to index
        %get3A_361 = arith.constant 7 : index
        %get3A_362 = memref.load %arg4[%get3A_360, %get3A_361] : memref<10x16xi32, #tpu.memory_space<smem>>
        %jit3A_363 = arith.constant 2 : i32
        %div3A_364 = arith.divsi %get3A_362, %jit3A_363 : i32
        %sign3A_365 = arith.constant 0 : i32
        %sign3A_366 = arith.cmpi sgt, %get3A_362, %sign3A_365 : i32
        %sign3A_367 = arith.extui %sign3A_366 : i1 to i32
        %sign3A_368 = arith.constant 0 : i32
        %sign3A_369 = arith.cmpi slt, %get3A_362, %sign3A_368 : i32
        %sign3A_370 = arith.extui %sign3A_369 : i1 to i32
        %sign3A_371 = arith.subi %sign3A_367, %sign3A_370 : i32
        %sign3A_372 = arith.constant 0 : i32
        %sign3A_373 = arith.cmpi sgt, %jit3A_363, %sign3A_372 : i32
        %sign3A_374 = arith.extui %sign3A_373 : i1 to i32
        %sign3A_375 = arith.constant 0 : i32
        %sign3A_376 = arith.cmpi slt, %jit3A_363, %sign3A_375 : i32
        %sign3A_377 = arith.extui %sign3A_376 : i1 to i32
        %sign3A_378 = arith.subi %sign3A_374, %sign3A_377 : i32
        %ne3A_379 = arith.cmpi ne, %sign3A_371, %sign3A_378 : i32
        %rem3A_380 = arith.remsi %get3A_362, %jit3A_363 : i32
        %ne3A_381 = arith.constant 0 : i32
        %ne3A_382 = arith.cmpi ne, %rem3A_380, %ne3A_381 : i32
        %and3A_383 = arith.andi %ne3A_379, %ne3A_382 : i1
        %sub3A_384 = arith.constant 1 : i32
        %sub3A_385 = arith.subi %div3A_364, %sub3A_384 : i32
        %select_n3A_386 = arith.select %and3A_383, %sub3A_385, %div3A_364 : i32
        %get3A_387 = arith.index_cast %select_n3A_386 : i32 to index
        %get3A_388 = arith.constant 0 : index
        %get3A_389 = arith.constant 0 : index
        %get3A_390 = vector.load %arg7[%get3A_387, %get3A_388, %get3A_389] : memref<64x32x2048xf32, #tpu.memory_space<vmem>>, vector<1x32x2048xf32>
        %get3A_391 = vector.shape_cast %get3A_390 : vector<1x32x2048xf32> to vector<32x2048xf32>
        %swap3A_392 = arith.constant 224 : index
        %swap3A_393 = arith.constant 0 : index
        %swap3A_394 = vector.load %arg13[%swap3A_392, %swap3A_393] : memref<512x2048xf32, #tpu.memory_space<vmem>>, vector<32x2048xf32>
        tpu.vector_store %arg13[%swap3A_392, %swap3A_393], %get3A_391 {strides = array<i32>} : memref<512x2048xf32, #tpu.memory_space<vmem>>, vector<32x2048xf32>,
        %get3A_395 = arith.index_cast %arg0 : i32 to index
        %get3A_396 = arith.constant 8 : index
        %get3A_397 = memref.load %arg4[%get3A_395, %get3A_396] : memref<10x16xi32, #tpu.memory_space<smem>>
        %jit3A_398 = arith.constant 2 : i32
        %div3A_399 = arith.divsi %get3A_397, %jit3A_398 : i32
        %sign3A_400 = arith.constant 0 : i32
        %sign3A_401 = arith.cmpi sgt, %get3A_397, %sign3A_400 : i32
        %sign3A_402 = arith.extui %sign3A_401 : i1 to i32
        %sign3A_403 = arith.constant 0 : i32
        %sign3A_404 = arith.cmpi slt, %get3A_397, %sign3A_403 : i32
        %sign3A_405 = arith.extui %sign3A_404 : i1 to i32
        %sign3A_406 = arith.subi %sign3A_402, %sign3A_405 : i32
        %sign3A_407 = arith.constant 0 : i32
        %sign3A_408 = arith.cmpi sgt, %jit3A_398, %sign3A_407 : i32
        %sign3A_409 = arith.extui %sign3A_408 : i1 to i32
        %sign3A_410 = arith.constant 0 : i32
        %sign3A_411 = arith.cmpi slt, %jit3A_398, %sign3A_410 : i32
        %sign3A_412 = arith.extui %sign3A_411 : i1 to i32
        %sign3A_413 = arith.subi %sign3A_409, %sign3A_412 : i32
        %ne3A_414 = arith.cmpi ne, %sign3A_406, %sign3A_413 : i32
        %rem3A_415 = arith.remsi %get3A_397, %jit3A_398 : i32
        %ne3A_416 = arith.constant 0 : i32
        %ne3A_417 = arith.cmpi ne, %rem3A_415, %ne3A_416 : i32
        %and3A_418 = arith.andi %ne3A_414, %ne3A_417 : i1
        %sub3A_419 = arith.constant 1 : i32
        %sub3A_420 = arith.subi %div3A_399, %sub3A_419 : i32
        %select_n3A_421 = arith.select %and3A_418, %sub3A_420, %div3A_399 : i32
        %get3A_422 = arith.index_cast %select_n3A_421 : i32 to index
        %get3A_423 = arith.constant 0 : index
        %get3A_424 = arith.constant 0 : index
        %get3A_425 = vector.load %arg7[%get3A_422, %get3A_423, %get3A_424] : memref<64x32x2048xf32, #tpu.memory_space<vmem>>, vector<1x32x2048xf32>
        %get3A_426 = vector.shape_cast %get3A_425 : vector<1x32x2048xf32> to vector<32x2048xf32>
        %swap3A_427 = arith.constant 256 : index
        %swap3A_428 = arith.constant 0 : index
        %swap3A_429 = vector.load %arg13[%swap3A_427, %swap3A_428] : memref<512x2048xf32, #tpu.memory_space<vmem>>, vector<32x2048xf32>
        tpu.vector_store %arg13[%swap3A_427, %swap3A_428], %get3A_426 {strides = array<i32>} : memref<512x2048xf32, #tpu.memory_space<vmem>>, vector<32x2048xf32>,
        %get3A_430 = arith.index_cast %arg0 : i32 to index
        %get3A_431 = arith.constant 9 : index
        %get3A_432 = memref.load %arg4[%get3A_430, %get3A_431] : memref<10x16xi32, #tpu.memory_space<smem>>
        %jit3A_433 = arith.constant 2 : i32
        %div3A_434 = arith.divsi %get3A_432, %jit3A_433 : i32
        %sign3A_435 = arith.constant 0 : i32
        %sign3A_436 = arith.cmpi sgt, %get3A_432, %sign3A_435 : i32
        %sign3A_437 = arith.extui %sign3A_436 : i1 to i32
        %sign3A_438 = arith.constant 0 : i32
        %sign3A_439 = arith.cmpi slt, %get3A_432, %sign3A_438 : i32
        %sign3A_440 = arith.extui %sign3A_439 : i1 to i32
        %sign3A_441 = arith.subi %sign3A_437, %sign3A_440 : i32
        %sign3A_442 = arith.constant 0 : i32
        %sign3A_443 = arith.cmpi sgt, %jit3A_433, %sign3A_442 : i32
        %sign3A_444 = arith.extui %sign3A_443 : i1 to i32
        %sign3A_445 = arith.constant 0 : i32
        %sign3A_446 = arith.cmpi slt, %jit3A_433, %sign3A_445 : i32
        %sign3A_447 = arith.extui %sign3A_446 : i1 to i32
        %sign3A_448 = arith.subi %sign3A_444, %sign3A_447 : i32
        %ne3A_449 = arith.cmpi ne, %sign3A_441, %sign3A_448 : i32
        %rem3A_450 = arith.remsi %get3A_432, %jit3A_433 : i32
        %ne3A_451 = arith.constant 0 : i32
        %ne3A_452 = arith.cmpi ne, %rem3A_450, %ne3A_451 : i32
        %and3A_453 = arith.andi %ne3A_449, %ne3A_452 : i1
        %sub3A_454 = arith.constant 1 : i32
        %sub3A_455 = arith.subi %div3A_434, %sub3A_454 : i32
        %select_n3A_456 = arith.select %and3A_453, %sub3A_455, %div3A_434 : i32
        %get3A_457 = arith.index_cast %select_n3A_456 : i32 to index
        %get3A_458 = arith.constant 0 : index
        %get3A_459 = arith.constant 0 : index
        %get3A_460 = vector.load %arg7[%get3A_457, %get3A_458, %get3A_459] : memref<64x32x2048xf32, #tpu.memory_space<vmem>>, vector<1x32x2048xf32>
        %get3A_461 = vector.shape_cast %get3A_460 : vector<1x32x2048xf32> to vector<32x2048xf32>
        %swap3A_462 = arith.constant 288 : index
        %swap3A_463 = arith.constant 0 : index
        %swap3A_464 = vector.load %arg13[%swap3A_462, %swap3A_463] : memref<512x2048xf32, #tpu.memory_space<vmem>>, vector<32x2048xf32>
        tpu.vector_store %arg13[%swap3A_462, %swap3A_463], %get3A_461 {strides = array<i32>} : memref<512x2048xf32, #tpu.memory_space<vmem>>, vector<32x2048xf32>,
        %get3A_465 = arith.index_cast %arg0 : i32 to index
        %get3A_466 = arith.constant 10 : index
        %get3A_467 = memref.load %arg4[%get3A_465, %get3A_466] : memref<10x16xi32, #tpu.memory_space<smem>>
        %jit3A_468 = arith.constant 2 : i32
        %div3A_469 = arith.divsi %get3A_467, %jit3A_468 : i32
        %sign3A_470 = arith.constant 0 : i32
        %sign3A_471 = arith.cmpi sgt, %get3A_467, %sign3A_470 : i32
        %sign3A_472 = arith.extui %sign3A_471 : i1 to i32
        %sign3A_473 = arith.constant 0 : i32
        %sign3A_474 = arith.cmpi slt, %get3A_467, %sign3A_473 : i32
        %sign3A_475 = arith.extui %sign3A_474 : i1 to i32
        %sign3A_476 = arith.subi %sign3A_472, %sign3A_475 : i32
        %sign3A_477 = arith.constant 0 : i32
        %sign3A_478 = arith.cmpi sgt, %jit3A_468, %sign3A_477 : i32
        %sign3A_479 = arith.extui %sign3A_478 : i1 to i32
        %sign3A_480 = arith.constant 0 : i32
        %sign3A_481 = arith.cmpi slt, %jit3A_468, %sign3A_480 : i32
        %sign3A_482 = arith.extui %sign3A_481 : i1 to i32
        %sign3A_483 = arith.subi %sign3A_479, %sign3A_482 : i32
        %ne3A_484 = arith.cmpi ne, %sign3A_476, %sign3A_483 : i32
        %rem3A_485 = arith.remsi %get3A_467, %jit3A_468 : i32
        %ne3A_486 = arith.constant 0 : i32
        %ne3A_487 = arith.cmpi ne, %rem3A_485, %ne3A_486 : i32
        %and3A_488 = arith.andi %ne3A_484, %ne3A_487 : i1
        %sub3A_489 = arith.constant 1 : i32
        %sub3A_490 = arith.subi %div3A_469, %sub3A_489 : i32
        %select_n3A_491 = arith.select %and3A_488, %sub3A_490, %div3A_469 : i32
        %get3A_492 = arith.index_cast %select_n3A_491 : i32 to index
        %get3A_493 = arith.constant 0 : index
        %get3A_494 = arith.constant 0 : index
        %get3A_495 = vector.load %arg7[%get3A_492, %get3A_493, %get3A_494] : memref<64x32x2048xf32, #tpu.memory_space<vmem>>, vector<1x32x2048xf32>
        %get3A_496 = vector.shape_cast %get3A_495 : vector<1x32x2048xf32> to vector<32x2048xf32>
        %swap3A_497 = arith.constant 320 : index
        %swap3A_498 = arith.constant 0 : index
        %swap3A_499 = vector.load %arg13[%swap3A_497, %swap3A_498] : memref<512x2048xf32, #tpu.memory_space<vmem>>, vector<32x2048xf32>
        tpu.vector_store %arg13[%swap3A_497, %swap3A_498], %get3A_496 {strides = array<i32>} : memref<512x2048xf32, #tpu.memory_space<vmem>>, vector<32x2048xf32>,
        %get3A_500 = arith.index_cast %arg0 : i32 to index
        %get3A_501 = arith.constant 11 : index
        %get3A_502 = memref.load %arg4[%get3A_500, %get3A_501] : memref<10x16xi32, #tpu.memory_space<smem>>
        %jit3A_503 = arith.constant 2 : i32
        %div3A_504 = arith.divsi %get3A_502, %jit3A_503 : i32
        %sign3A_505 = arith.constant 0 : i32
        %sign3A_506 = arith.cmpi sgt, %get3A_502, %sign3A_505 : i32
        %sign3A_507 = arith.extui %sign3A_506 : i1 to i32
        %sign3A_508 = arith.constant 0 : i32
        %sign3A_509 = arith.cmpi slt, %get3A_502, %sign3A_508 : i32
        %sign3A_510 = arith.extui %sign3A_509 : i1 to i32
        %sign3A_511 = arith.subi %sign3A_507, %sign3A_510 : i32
        %sign3A_512 = arith.constant 0 : i32
        %sign3A_513 = arith.cmpi sgt, %jit3A_503, %sign3A_512 : i32
        %sign3A_514 = arith.extui %sign3A_513 : i1 to i32
        %sign3A_515 = arith.constant 0 : i32
        %sign3A_516 = arith.cmpi slt, %jit3A_503, %sign3A_515 : i32
        %sign3A_517 = arith.extui %sign3A_516 : i1 to i32
        %sign3A_518 = arith.subi %sign3A_514, %sign3A_517 : i32
        %ne3A_519 = arith.cmpi ne, %sign3A_511, %sign3A_518 : i32
        %rem3A_520 = arith.remsi %get3A_502, %jit3A_503 : i32
        %ne3A_521 = arith.constant 0 : i32
        %ne3A_522 = arith.cmpi ne, %rem3A_520, %ne3A_521 : i32
        %and3A_523 = arith.andi %ne3A_519, %ne3A_522 : i1
        %sub3A_524 = arith.constant 1 : i32
        %sub3A_525 = arith.subi %div3A_504, %sub3A_524 : i32
        %select_n3A_526 = arith.select %and3A_523, %sub3A_525, %div3A_504 : i32
        %get3A_527 = arith.index_cast %select_n3A_526 : i32 to index
        %get3A_528 = arith.constant 0 : index
        %get3A_529 = arith.constant 0 : index
        %get3A_530 = vector.load %arg7[%get3A_527, %get3A_528, %get3A_529] : memref<64x32x2048xf32, #tpu.memory_space<vmem>>, vector<1x32x2048xf32>
        %get3A_531 = vector.shape_cast %get3A_530 : vector<1x32x2048xf32> to vector<32x2048xf32>
        %swap3A_532 = arith.constant 352 : index
        %swap3A_533 = arith.constant 0 : index
        %swap3A_534 = vector.load %arg13[%swap3A_532, %swap3A_533] : memref<512x2048xf32, #tpu.memory_space<vmem>>, vector<32x2048xf32>
        tpu.vector_store %arg13[%swap3A_532, %swap3A_533], %get3A_531 {strides = array<i32>} : memref<512x2048xf32, #tpu.memory_space<vmem>>, vector<32x2048xf32>,
        %get3A_535 = arith.index_cast %arg0 : i32 to index
        %get3A_536 = arith.constant 12 : index
        %get3A_537 = memref.load %arg4[%get3A_535, %get3A_536] : memref<10x16xi32, #tpu.memory_space<smem>>
        %jit3A_538 = arith.constant 2 : i32
        %div3A_539 = arith.divsi %get3A_537, %jit3A_538 : i32
        %sign3A_540 = arith.constant 0 : i32
        %sign3A_541 = arith.cmpi sgt, %get3A_537, %sign3A_540 : i32
        %sign3A_542 = arith.extui %sign3A_541 : i1 to i32
        %sign3A_543 = arith.constant 0 : i32
        %sign3A_544 = arith.cmpi slt, %get3A_537, %sign3A_543 : i32
        %sign3A_545 = arith.extui %sign3A_544 : i1 to i32
        %sign3A_546 = arith.subi %sign3A_542, %sign3A_545 : i32
        %sign3A_547 = arith.constant 0 : i32
        %sign3A_548 = arith.cmpi sgt, %jit3A_538, %sign3A_547 : i32
        %sign3A_549 = arith.extui %sign3A_548 : i1 to i32
        %sign3A_550 = arith.constant 0 : i32
        %sign3A_551 = arith.cmpi slt, %jit3A_538, %sign3A_550 : i32
        %sign3A_552 = arith.extui %sign3A_551 : i1 to i32
        %sign3A_553 = arith.subi %sign3A_549, %sign3A_552 : i32
        %ne3A_554 = arith.cmpi ne, %sign3A_546, %sign3A_553 : i32
        %rem3A_555 = arith.remsi %get3A_537, %jit3A_538 : i32
        %ne3A_556 = arith.constant 0 : i32
        %ne3A_557 = arith.cmpi ne, %rem3A_555, %ne3A_556 : i32
        %and3A_558 = arith.andi %ne3A_554, %ne3A_557 : i1
        %sub3A_559 = arith.constant 1 : i32
        %sub3A_560 = arith.subi %div3A_539, %sub3A_559 : i32
        %select_n3A_561 = arith.select %and3A_558, %sub3A_560, %div3A_539 : i32
        %get3A_562 = arith.index_cast %select_n3A_561 : i32 to index
        %get3A_563 = arith.constant 0 : index
        %get3A_564 = arith.constant 0 : index
        %get3A_565 = vector.load %arg7[%get3A_562, %get3A_563, %get3A_564] : memref<64x32x2048xf32, #tpu.memory_space<vmem>>, vector<1x32x2048xf32>
        %get3A_566 = vector.shape_cast %get3A_565 : vector<1x32x2048xf32> to vector<32x2048xf32>
        %swap3A_567 = arith.constant 384 : index
        %swap3A_568 = arith.constant 0 : index
        %swap3A_569 = vector.load %arg13[%swap3A_567, %swap3A_568] : memref<512x2048xf32, #tpu.memory_space<vmem>>, vector<32x2048xf32>
        tpu.vector_store %arg13[%swap3A_567, %swap3A_568], %get3A_566 {strides = array<i32>} : memref<512x2048xf32, #tpu.memory_space<vmem>>, vector<32x2048xf32>,
        %get3A_570 = arith.index_cast %arg0 : i32 to index
        %get3A_571 = arith.constant 13 : index
        %get3A_572 = memref.load %arg4[%get3A_570, %get3A_571] : memref<10x16xi32, #tpu.memory_space<smem>>
        %jit3A_573 = arith.constant 2 : i32
        %div3A_574 = arith.divsi %get3A_572, %jit3A_573 : i32
        %sign3A_575 = arith.constant 0 : i32
        %sign3A_576 = arith.cmpi sgt, %get3A_572, %sign3A_575 : i32
        %sign3A_577 = arith.extui %sign3A_576 : i1 to i32
        %sign3A_578 = arith.constant 0 : i32
        %sign3A_579 = arith.cmpi slt, %get3A_572, %sign3A_578 : i32
        %sign3A_580 = arith.extui %sign3A_579 : i1 to i32
        %sign3A_581 = arith.subi %sign3A_577, %sign3A_580 : i32
        %sign3A_582 = arith.constant 0 : i32
        %sign3A_583 = arith.cmpi sgt, %jit3A_573, %sign3A_582 : i32
        %sign3A_584 = arith.extui %sign3A_583 : i1 to i32
        %sign3A_585 = arith.constant 0 : i32
        %sign3A_586 = arith.cmpi slt, %jit3A_573, %sign3A_585 : i32
        %sign3A_587 = arith.extui %sign3A_586 : i1 to i32
        %sign3A_588 = arith.subi %sign3A_584, %sign3A_587 : i32
        %ne3A_589 = arith.cmpi ne, %sign3A_581, %sign3A_588 : i32
        %rem3A_590 = arith.remsi %get3A_572, %jit3A_573 : i32
        %ne3A_591 = arith.constant 0 : i32
        %ne3A_592 = arith.cmpi ne, %rem3A_590, %ne3A_591 : i32
        %and3A_593 = arith.andi %ne3A_589, %ne3A_592 : i1
        %sub3A_594 = arith.constant 1 : i32
        %sub3A_595 = arith.subi %div3A_574, %sub3A_594 : i32
        %select_n3A_596 = arith.select %and3A_593, %sub3A_595, %div3A_574 : i32
        %get3A_597 = arith.index_cast %select_n3A_596 : i32 to index
        %get3A_598 = arith.constant 0 : index
        %get3A_599 = arith.constant 0 : index
        %get3A_600 = vector.load %arg7[%get3A_597, %get3A_598, %get3A_599] : memref<64x32x2048xf32, #tpu.memory_space<vmem>>, vector<1x32x2048xf32>
        %get3A_601 = vector.shape_cast %get3A_600 : vector<1x32x2048xf32> to vector<32x2048xf32>
        %swap3A_602 = arith.constant 416 : index
        %swap3A_603 = arith.constant 0 : index
        %swap3A_604 = vector.load %arg13[%swap3A_602, %swap3A_603] : memref<512x2048xf32, #tpu.memory_space<vmem>>, vector<32x2048xf32>
        tpu.vector_store %arg13[%swap3A_602, %swap3A_603], %get3A_601 {strides = array<i32>} : memref<512x2048xf32, #tpu.memory_space<vmem>>, vector<32x2048xf32>,
        %get3A_605 = arith.index_cast %arg0 : i32 to index
        %get3A_606 = arith.constant 14 : index
        %get3A_607 = memref.load %arg4[%get3A_605, %get3A_606] : memref<10x16xi32, #tpu.memory_space<smem>>
        %jit3A_608 = arith.constant 2 : i32
        %div3A_609 = arith.divsi %get3A_607, %jit3A_608 : i32
        %sign3A_610 = arith.constant 0 : i32
        %sign3A_611 = arith.cmpi sgt, %get3A_607, %sign3A_610 : i32
        %sign3A_612 = arith.extui %sign3A_611 : i1 to i32
        %sign3A_613 = arith.constant 0 : i32
        %sign3A_614 = arith.cmpi slt, %get3A_607, %sign3A_613 : i32
        %sign3A_615 = arith.extui %sign3A_614 : i1 to i32
        %sign3A_616 = arith.subi %sign3A_612, %sign3A_615 : i32
        %sign3A_617 = arith.constant 0 : i32
        %sign3A_618 = arith.cmpi sgt, %jit3A_608, %sign3A_617 : i32
        %sign3A_619 = arith.extui %sign3A_618 : i1 to i32
        %sign3A_620 = arith.constant 0 : i32
        %sign3A_621 = arith.cmpi slt, %jit3A_608, %sign3A_620 : i32
        %sign3A_622 = arith.extui %sign3A_621 : i1 to i32
        %sign3A_623 = arith.subi %sign3A_619, %sign3A_622 : i32
        %ne3A_624 = arith.cmpi ne, %sign3A_616, %sign3A_623 : i32
        %rem3A_625 = arith.remsi %get3A_607, %jit3A_608 : i32
        %ne3A_626 = arith.constant 0 : i32
        %ne3A_627 = arith.cmpi ne, %rem3A_625, %ne3A_626 : i32
        %and3A_628 = arith.andi %ne3A_624, %ne3A_627 : i1
        %sub3A_629 = arith.constant 1 : i32
        %sub3A_630 = arith.subi %div3A_609, %sub3A_629 : i32
        %select_n3A_631 = arith.select %and3A_628, %sub3A_630, %div3A_609 : i32
        %get3A_632 = arith.index_cast %select_n3A_631 : i32 to index
        %get3A_633 = arith.constant 0 : index
        %get3A_634 = arith.constant 0 : index
        %get3A_635 = vector.load %arg7[%get3A_632, %get3A_633, %get3A_634] : memref<64x32x2048xf32, #tpu.memory_space<vmem>>, vector<1x32x2048xf32>
        %get3A_636 = vector.shape_cast %get3A_635 : vector<1x32x2048xf32> to vector<32x2048xf32>
        %swap3A_637 = arith.constant 448 : index
        %swap3A_638 = arith.constant 0 : index
        %swap3A_639 = vector.load %arg13[%swap3A_637, %swap3A_638] : memref<512x2048xf32, #tpu.memory_space<vmem>>, vector<32x2048xf32>
        tpu.vector_store %arg13[%swap3A_637, %swap3A_638], %get3A_636 {strides = array<i32>} : memref<512x2048xf32, #tpu.memory_space<vmem>>, vector<32x2048xf32>,
        %get3A_640 = arith.index_cast %arg0 : i32 to index
        %get3A_641 = arith.constant 15 : index
        %get3A_642 = memref.load %arg4[%get3A_640, %get3A_641] : memref<10x16xi32, #tpu.memory_space<smem>>
        %jit3A_643 = arith.constant 2 : i32
        %div3A_644 = arith.divsi %get3A_642, %jit3A_643 : i32
        %sign3A_645 = arith.constant 0 : i32
        %sign3A_646 = arith.cmpi sgt, %get3A_642, %sign3A_645 : i32
        %sign3A_647 = arith.extui %sign3A_646 : i1 to i32
        %sign3A_648 = arith.constant 0 : i32
        %sign3A_649 = arith.cmpi slt, %get3A_642, %sign3A_648 : i32
        %sign3A_650 = arith.extui %sign3A_649 : i1 to i32
        %sign3A_651 = arith.subi %sign3A_647, %sign3A_650 : i32
        %sign3A_652 = arith.constant 0 : i32
        %sign3A_653 = arith.cmpi sgt, %jit3A_643, %sign3A_652 : i32
        %sign3A_654 = arith.extui %sign3A_653 : i1 to i32
        %sign3A_655 = arith.constant 0 : i32
        %sign3A_656 = arith.cmpi slt, %jit3A_643, %sign3A_655 : i32
        %sign3A_657 = arith.extui %sign3A_656 : i1 to i32
        %sign3A_658 = arith.subi %sign3A_654, %sign3A_657 : i32
        %ne3A_659 = arith.cmpi ne, %sign3A_651, %sign3A_658 : i32
        %rem3A_660 = arith.remsi %get3A_642, %jit3A_643 : i32
        %ne3A_661 = arith.constant 0 : i32
        %ne3A_662 = arith.cmpi ne, %rem3A_660, %ne3A_661 : i32
        %and3A_663 = arith.andi %ne3A_659, %ne3A_662 : i1
        %sub3A_664 = arith.constant 1 : i32
        %sub3A_665 = arith.subi %div3A_644, %sub3A_664 : i32
        %select_n3A_666 = arith.select %and3A_663, %sub3A_665, %div3A_644 : i32
        %get3A_667 = arith.index_cast %select_n3A_666 : i32 to index
        %get3A_668 = arith.constant 0 : index
        %get3A_669 = arith.constant 0 : index
        %get3A_670 = vector.load %arg7[%get3A_667, %get3A_668, %get3A_669] : memref<64x32x2048xf32, #tpu.memory_space<vmem>>, vector<1x32x2048xf32>
        %get3A_671 = vector.shape_cast %get3A_670 : vector<1x32x2048xf32> to vector<32x2048xf32>
        %swap3A_672 = arith.constant 480 : index
        %swap3A_673 = arith.constant 0 : index
        %swap3A_674 = vector.load %arg13[%swap3A_672, %swap3A_673] : memref<512x2048xf32, #tpu.memory_space<vmem>>, vector<32x2048xf32>
        tpu.vector_store %arg13[%swap3A_672, %swap3A_673], %get3A_671 {strides = array<i32>} : memref<512x2048xf32, #tpu.memory_space<vmem>>, vector<32x2048xf32>,
      } else {
      }
      %get3A_7 = arith.constant 0 : index
      %get3A_8 = arith.constant 0 : index
      %get3A_9 = vector.load %arg13[%get3A_7, %get3A_8] : memref<512x2048xf32, #tpu.memory_space<vmem>>, vector<512x2048xf32>
      %get3A_10 = arith.constant 0 : index
      %get3A_11 = arith.constant 0 : index
      %get3A_12 = arith.constant 0 : index
      %get3A_13 = vector.load %arg8[%get3A_10, %get3A_11, %get3A_12] : memref<1x2048x512xf32, #tpu.memory_space<vmem>>, vector<1x2048x512xf32>
      %get3A_14 = vector.shape_cast %get3A_13 : vector<1x2048x512xf32> to vector<2048x512xf32>
      %dot_general3A = arith.constant dense<0.000000e+00> : vector<512x512xf32>
      %dot_general3A_15 = tpu.matmul %get3A_9, %get3A_14, %dot_general3A {dimension_numbers = #tpu.dot_dimension_numbers<[1], [0], [0], [1], [0, 0, 1, 1], [], []>, transpose_lhs_hint = false} : vector<512x2048xf32>, vector<2048x512xf32>, vector<512x512xf32> -> vector<512x512xf32>
      %get3A_16 = arith.constant 0 : index
      %get3A_17 = arith.constant 0 : index
      %get3A_18 = arith.constant 0 : index
      %get3A_19 = vector.load %arg9[%get3A_16, %get3A_17, %get3A_18] : memref<1x1x512xf32, #tpu.memory_space<vmem>>, vector<1x1x512xf32>
      %get3A_20 = vector.shape_cast %get3A_19 : vector<1x1x512xf32> to vector<512xf32>
      %broadcast_in_dim3A = vector.shape_cast %get3A_20 : vector<512xf32> to vector<1x512xf32>
      %add3A = vector.broadcast %broadcast_in_dim3A : vector<1x512xf32> to vector<512x512xf32>
      %add3A_21 = arith.addf %dot_general3A_15, %add3A : vector<512x512xf32>
      %integer_pow3A = arith.mulf %add3A_21, %add3A_21 : vector<512x512xf32>
      %integer_pow3A_22 = arith.mulf %add3A_21, %integer_pow3A : vector<512x512xf32>
      %mul3A = arith.constant 4.471500e-02 : f32
      %mul3A_23 = vector.broadcast %mul3A : f32 to vector<512x512xf32>
      %mul3A_24 = arith.mulf %mul3A_23, %integer_pow3A_22 : vector<512x512xf32>
      %add3A_25 = arith.addf %add3A_21, %mul3A_24 : vector<512x512xf32>
      %mul3A_26 = arith.constant 0.797884583 : f32
      %mul3A_27 = vector.broadcast %mul3A_26 : f32 to vector<512x512xf32>
      %mul3A_28 = arith.mulf %mul3A_27, %add3A_25 : vector<512x512xf32>
      %tanh3A = math.tanh %mul3A_28 : vector<512x512xf32>
      %add3A_29 = arith.constant 1.000000e+00 : f32
      %add3A_30 = vector.broadcast %add3A_29 : f32 to vector<512x512xf32>
      %add3A_31 = arith.addf %add3A_30, %tanh3A : vector<512x512xf32>
      %mul3A_32 = arith.constant 5.000000e-01 : f32
      %mul3A_33 = vector.broadcast %mul3A_32 : f32 to vector<512x512xf32>
      %mul3A_34 = arith.mulf %mul3A_33, %add3A_31 : vector<512x512xf32>
      %mul3A_35 = arith.mulf %add3A_21, %mul3A_34 : vector<512x512xf32>
      %get3A_36 = arith.index_cast %arg0 : i32 to index
      %get3A_37 = arith.constant 0 : index
      %get3A_38 = memref.load %arg6[%get3A_36, %get3A_37] : memref<10x16xf32, #tpu.memory_space<smem>>
      %broadcast_in_dim3A_39 = vector.broadcast %get3A_38 : f32 to vector<32x1xf32>
      %get3A_40 = arith.index_cast %arg0 : i32 to index
      %get3A_41 = arith.constant 1 : index
      %get3A_42 = memref.load %arg6[%get3A_40, %get3A_41] : memref<10x16xf32, #tpu.memory_space<smem>>
      %broadcast_in_dim3A_43 = vector.broadcast %get3A_42 : f32 to vector<32x1xf32>
      %get3A_44 = arith.index_cast %arg0 : i32 to index
      %get3A_45 = arith.constant 2 : index
      %get3A_46 = memref.load %arg6[%get3A_44, %get3A_45] : memref<10x16xf32, #tpu.memory_space<smem>>
      %broadcast_in_dim3A_47 = vector.broadcast %get3A_46 : f32 to vector<32x1xf32>
      %get3A_48 = arith.index_cast %arg0 : i32 to index
      %get3A_49 = arith.constant 3 : index
      %get3A_50 = memref.load %arg6[%get3A_48, %get3A_49] : memref<10x16xf32, #tpu.memory_space<smem>>
      %broadcast_in_dim3A_51 = vector.broadcast %get3A_50 : f32 to vector<32x1xf32>
      %get3A_52 = arith.index_cast %arg0 : i32 to index
      %get3A_53 = arith.constant 4 : index
      %get3A_54 = memref.load %arg6[%get3A_52, %get3A_53] : memref<10x16xf32, #tpu.memory_space<smem>>
      %broadcast_in_dim3A_55 = vector.broadcast %get3A_54 : f32 to vector<32x1xf32>
      %get3A_56 = arith.index_cast %arg0 : i32 to index
      %get3A_57 = arith.constant 5 : index
      %get3A_58 = memref.load %arg6[%get3A_56, %get3A_57] : memref<10x16xf32, #tpu.memory_space<smem>>
      %broadcast_in_dim3A_59 = vector.broadcast %get3A_58 : f32 to vector<32x1xf32>
      %get3A_60 = arith.index_cast %arg0 : i32 to index
      %get3A_61 = arith.constant 6 : index
      %get3A_62 = memref.load %arg6[%get3A_60, %get3A_61] : memref<10x16xf32, #tpu.memory_space<smem>>
      %broadcast_in_dim3A_63 = vector.broadcast %get3A_62 : f32 to vector<32x1xf32>
      %get3A_64 = arith.index_cast %arg0 : i32 to index
      %get3A_65 = arith.constant 7 : index
      %get3A_66 = memref.load %arg6[%get3A_64, %get3A_65] : memref<10x16xf32, #tpu.memory_space<smem>>
      %broadcast_in_dim3A_67 = vector.broadcast %get3A_66 : f32 to vector<32x1xf32>
      %get3A_68 = arith.index_cast %arg0 : i32 to index
      %get3A_69 = arith.constant 8 : index
      %get3A_70 = memref.load %arg6[%get3A_68, %get3A_69] : memref<10x16xf32, #tpu.memory_space<smem>>
      %broadcast_in_dim3A_71 = vector.broadcast %get3A_70 : f32 to vector<32x1xf32>
      %get3A_72 = arith.index_cast %arg0 : i32 to index
      %get3A_73 = arith.constant 9 : index
      %get3A_74 = memref.load %arg6[%get3A_72, %get3A_73] : memref<10x16xf32, #tpu.memory_space<smem>>
      %broadcast_in_dim3A_75 = vector.broadcast %get3A_74 : f32 to vector<32x1xf32>
      %get3A_76 = arith.index_cast %arg0 : i32 to index
      %get3A_77 = arith.constant 10 : index
      %get3A_78 = memref.load %arg6[%get3A_76, %get3A_77] : memref<10x16xf32, #tpu.memory_space<smem>>
      %broadcast_in_dim3A_79 = vector.broadcast %get3A_78 : f32 to vector<32x1xf32>
      %get3A_80 = arith.index_cast %arg0 : i32 to index
      %get3A_81 = arith.constant 11 : index
      %get3A_82 = memref.load %arg6[%get3A_80, %get3A_81] : memref<10x16xf32, #tpu.memory_space<smem>>
      %broadcast_in_dim3A_83 = vector.broadcast %get3A_82 : f32 to vector<32x1xf32>
      %get3A_84 = arith.index_cast %arg0 : i32 to index
      %get3A_85 = arith.constant 12 : index
      %get3A_86 = memref.load %arg6[%get3A_84, %get3A_85] : memref<10x16xf32, #tpu.memory_space<smem>>
      %broadcast_in_dim3A_87 = vector.broadcast %get3A_86 : f32 to vector<32x1xf32>
      %get3A_88 = arith.index_cast %arg0 : i32 to index
      %get3A_89 = arith.constant 13 : index
      %get3A_90 = memref.load %arg6[%get3A_88, %get3A_89] : memref<10x16xf32, #tpu.memory_space<smem>>
      %broadcast_in_dim3A_91 = vector.broadcast %get3A_90 : f32 to vector<32x1xf32>
      %get3A_92 = arith.index_cast %arg0 : i32 to index
      %get3A_93 = arith.constant 14 : index
      %get3A_94 = memref.load %arg6[%get3A_92, %get3A_93] : memref<10x16xf32, #tpu.memory_space<smem>>
      %broadcast_in_dim3A_95 = vector.broadcast %get3A_94 : f32 to vector<32x1xf32>
      %get3A_96 = arith.index_cast %arg0 : i32 to index
      %get3A_97 = arith.constant 15 : index
      %get3A_98 = memref.load %arg6[%get3A_96, %get3A_97] : memref<10x16xf32, #tpu.memory_space<smem>>
      %broadcast_in_dim3A_99 = vector.broadcast %get3A_98 : f32 to vector<32x1xf32>
      %concatenate3A = tpu.concatenate %broadcast_in_dim3A_39, %broadcast_in_dim3A_43, %broadcast_in_dim3A_47, %broadcast_in_dim3A_51, %broadcast_in_dim3A_55, %broadcast_in_dim3A_59, %broadcast_in_dim3A_63, %broadcast_in_dim3A_67, %broadcast_in_dim3A_71, %broadcast_in_dim3A_75, %broadcast_in_dim3A_79, %broadcast_in_dim3A_83, %broadcast_in_dim3A_87, %broadcast_in_dim3A_91, %broadcast_in_dim3A_95, %broadcast_in_dim3A_99 in 0 : vector<32x1xf32>, vector<32x1xf32>, vector<32x1xf32>, vector<32x1xf32>, vector<32x1xf32>, vector<32x1xf32>, vector<32x1xf32>, vector<32x1xf32>, vector<32x1xf32>, vector<32x1xf32>, vector<32x1xf32>, vector<32x1xf32>, vector<32x1xf32>, vector<32x1xf32>, vector<32x1xf32>, vector<32x1xf32> -> vector<512x1xf32>
      %mul3A_100 = vector.broadcast %concatenate3A : vector<512x1xf32> to vector<512x512xf32>
      %mul3A_101 = arith.mulf %mul3A_35, %mul3A_100 : vector<512x512xf32>
      %get3A_102 = arith.constant 0 : index
      %get3A_103 = arith.constant 0 : index
      %get3A_104 = arith.constant 0 : index
      %get3A_105 = vector.load %arg10[%get3A_102, %get3A_103, %get3A_104] : memref<1x512x2048xf32, #tpu.memory_space<vmem>>, vector<1x512x2048xf32>
      %get3A_106 = vector.shape_cast %get3A_105 : vector<1x512x2048xf32> to vector<512x2048xf32>
      %dot_general3A_107 = arith.constant dense<0.000000e+00> : vector<512x2048xf32>
      %dot_general3A_108 = tpu.matmul %mul3A_101, %get3A_106, %dot_general3A_107 {dimension_numbers = #tpu.dot_dimension_numbers<[1], [0], [0], [1], [0, 0, 1, 1], [], []>, transpose_lhs_hint = false} : vector<512x512xf32>, vector<512x2048xf32>, vector<512x2048xf32> -> vector<512x2048xf32>
      %eq3A_109 = arith.constant 0 : i32
      %eq3A_110 = arith.cmpi eq, %arg1, %eq3A_109 : i32
      %convert_element_type3A_111 = arith.extui %eq3A_110 : i1 to i32
      %cond3A_112 = arith.constant 0 : i32
      %cond3A_113 = arith.cmpi ne, %convert_element_type3A_111, %cond3A_112 : i32
      scf.if %cond3A_113 {
        %swap3A = arith.constant 0 : index
        %swap3A_124 = arith.constant 0 : index
        %swap3A_125 = vector.load %arg14[%swap3A, %swap3A_124] : memref<512x2048xf32, #tpu.memory_space<vmem>>, vector<512x2048xf32>
        tpu.vector_store %arg14[%swap3A, %swap3A_124], %dot_general3A_108 {strides = array<i32>} : memref<512x2048xf32, #tpu.memory_space<vmem>>, vector<512x2048xf32>,
      } else {
      }
      %gt3A_114 = arith.constant 0 : i32
      %gt3A_115 = arith.cmpi sgt, %arg1, %gt3A_114 : i32
      %convert_element_type3A_116 = arith.extui %gt3A_115 : i1 to i32
      %cond3A_117 = arith.constant 0 : i32
      %cond3A_118 = arith.cmpi ne, %convert_element_type3A_116, %cond3A_117 : i32
      scf.if %cond3A_118 {
        %get3A_124 = arith.constant 0 : index
        %get3A_125 = arith.constant 0 : index
        %get3A_126 = vector.load %arg14[%get3A_124, %get3A_125] : memref<512x2048xf32, #tpu.memory_space<vmem>>, vector<512x2048xf32>
        %add3A_127 = arith.addf %get3A_126, %dot_general3A_108 : vector<512x2048xf32>
        %swap3A = arith.constant 0 : index
        %swap3A_128 = arith.constant 0 : index
        %swap3A_129 = vector.load %arg14[%swap3A, %swap3A_128] : memref<512x2048xf32, #tpu.memory_space<vmem>>, vector<512x2048xf32>
        tpu.vector_store %arg14[%swap3A, %swap3A_128], %add3A_127 {strides = array<i32>} : memref<512x2048xf32, #tpu.memory_space<vmem>>, vector<512x2048xf32>,
      } else {
      }
      %eq3A_119 = arith.constant 3 : i32
      %eq3A_120 = arith.cmpi eq, %arg1, %eq3A_119 : i32
      %convert_element_type3A_121 = arith.extui %eq3A_120 : i1 to i32
      %cond3A_122 = arith.constant 0 : i32
      %cond3A_123 = arith.cmpi ne, %convert_element_type3A_121, %cond3A_122 : i32
      scf.if %cond3A_123 {
        %get3A_124 = arith.constant 0 : index
        %get3A_125 = arith.constant 0 : index
        %get3A_126 = vector.load %arg14[%get3A_124, %get3A_125] : memref<512x2048xf32, #tpu.memory_space<vmem>>, vector<512x2048xf32>
        %get3A_127 = arith.constant 0 : index
        %get3A_128 = arith.constant 0 : index
        %get3A_129 = arith.constant 0 : index
        %get3A_130 = vector.load %arg11[%get3A_127, %get3A_128, %get3A_129] : memref<1x1x2048xf32, #tpu.memory_space<vmem>>, vector<1x1x2048xf32>
        %get3A_131 = vector.shape_cast %get3A_130 : vector<1x1x2048xf32> to vector<2048xf32>
        %broadcast_in_dim3A_132 = vector.shape_cast %get3A_131 : vector<2048xf32> to vector<1x2048xf32>
        %mul3A_133 = vector.broadcast %concatenate3A : vector<512x1xf32> to vector<512x2048xf32>
        %mul3A_134 = vector.broadcast %broadcast_in_dim3A_132 : vector<1x2048xf32> to vector<512x2048xf32>
        %mul3A_135 = arith.mulf %mul3A_133, %mul3A_134 : vector<512x2048xf32>
        %add3A_136 = arith.addf %get3A_126, %mul3A_135 : vector<512x2048xf32>
        %get3A_137 = arith.index_cast %arg0 : i32 to index
        %get3A_138 = arith.constant 0 : index
        %get3A_139 = memref.load %arg5[%get3A_137, %get3A_138] : memref<10x16xi32, #tpu.memory_space<smem>>
        %gt3A_140 = arith.constant 0 : i32
        %gt3A_141 = arith.cmpi sgt, %get3A_139, %gt3A_140 : i32
        %convert_element_type3A_142 = arith.extui %gt3A_141 : i1 to i32
        %cond3A_143 = arith.constant 0 : i32
        %cond3A_144 = arith.cmpi ne, %convert_element_type3A_142, %cond3A_143 : i32
        scf.if %cond3A_144 {
          %slice3A = vector.extract_strided_slice %add3A_136 {offsets = [0, 0], sizes = [32, 2048], strides = [1, 1]} : vector<512x2048xf32> to vector<32x2048xf32>
          %get3A_265 = arith.index_cast %arg0 : i32 to index
          %get3A_266 = arith.constant 0 : index
          %get3A_267 = memref.load %arg4[%get3A_265, %get3A_266] : memref<10x16xi32, #tpu.memory_space<smem>>
          %swap3A = arith.index_cast %get3A_267 : i32 to index
          %swap3A_268 = arith.constant 0 : index
          %swap3A_269 = arith.constant 0 : index
          %swap3A_270 = vector.load %arg12[%swap3A, %swap3A_268, %swap3A_269] : memref<64x32x2048xf32, #tpu.memory_space<vmem>>, vector<1x32x2048xf32>
          %swap3A_271 = vector.shape_cast %swap3A_270 : vector<1x32x2048xf32> to vector<32x2048xf32>
          %swap3A_272 = vector.shape_cast %slice3A : vector<32x2048xf32> to vector<1x32x2048xf32>
          tpu.vector_store %arg12[%swap3A, %swap3A_268, %swap3A_269], %swap3A_272 {strides = array<i32>} : memref<64x32x2048xf32, #tpu.memory_space<vmem>>, vector<1x32x2048xf32>,
        } else {
        }
        %get3A_145 = arith.index_cast %arg0 : i32 to index
        %get3A_146 = arith.constant 1 : index
        %get3A_147 = memref.load %arg5[%get3A_145, %get3A_146] : memref<10x16xi32, #tpu.memory_space<smem>>
        %gt3A_148 = arith.constant 0 : i32
        %gt3A_149 = arith.cmpi sgt, %get3A_147, %gt3A_148 : i32
        %convert_element_type3A_150 = arith.extui %gt3A_149 : i1 to i32
        %cond3A_151 = arith.constant 0 : i32
        %cond3A_152 = arith.cmpi ne, %convert_element_type3A_150, %cond3A_151 : i32
        scf.if %cond3A_152 {
          %slice3A = vector.extract_strided_slice %add3A_136 {offsets = [32, 0], sizes = [32, 2048], strides = [1, 1]} : vector<512x2048xf32> to vector<32x2048xf32>
          %get3A_265 = arith.index_cast %arg0 : i32 to index
          %get3A_266 = arith.constant 1 : index
          %get3A_267 = memref.load %arg4[%get3A_265, %get3A_266] : memref<10x16xi32, #tpu.memory_space<smem>>
          %swap3A = arith.index_cast %get3A_267 : i32 to index
          %swap3A_268 = arith.constant 0 : index
          %swap3A_269 = arith.constant 0 : index
          %swap3A_270 = vector.load %arg12[%swap3A, %swap3A_268, %swap3A_269] : memref<64x32x2048xf32, #tpu.memory_space<vmem>>, vector<1x32x2048xf32>
          %swap3A_271 = vector.shape_cast %swap3A_270 : vector<1x32x2048xf32> to vector<32x2048xf32>
          %swap3A_272 = vector.shape_cast %slice3A : vector<32x2048xf32> to vector<1x32x2048xf32>
          tpu.vector_store %arg12[%swap3A, %swap3A_268, %swap3A_269], %swap3A_272 {strides = array<i32>} : memref<64x32x2048xf32, #tpu.memory_space<vmem>>, vector<1x32x2048xf32>,
        } else {
        }
        %get3A_153 = arith.index_cast %arg0 : i32 to index
        %get3A_154 = arith.constant 2 : index
        %get3A_155 = memref.load %arg5[%get3A_153, %get3A_154] : memref<10x16xi32, #tpu.memory_space<smem>>
        %gt3A_156 = arith.constant 0 : i32
        %gt3A_157 = arith.cmpi sgt, %get3A_155, %gt3A_156 : i32
        %convert_element_type3A_158 = arith.extui %gt3A_157 : i1 to i32
        %cond3A_159 = arith.constant 0 : i32
        %cond3A_160 = arith.cmpi ne, %convert_element_type3A_158, %cond3A_159 : i32
        scf.if %cond3A_160 {
          %slice3A = vector.extract_strided_slice %add3A_136 {offsets = [64, 0], sizes = [32, 2048], strides = [1, 1]} : vector<512x2048xf32> to vector<32x2048xf32>
          %get3A_265 = arith.index_cast %arg0 : i32 to index
          %get3A_266 = arith.constant 2 : index
          %get3A_267 = memref.load %arg4[%get3A_265, %get3A_266] : memref<10x16xi32, #tpu.memory_space<smem>>
          %swap3A = arith.index_cast %get3A_267 : i32 to index
          %swap3A_268 = arith.constant 0 : index
          %swap3A_269 = arith.constant 0 : index
          %swap3A_270 = vector.load %arg12[%swap3A, %swap3A_268, %swap3A_269] : memref<64x32x2048xf32, #tpu.memory_space<vmem>>, vector<1x32x2048xf32>
          %swap3A_271 = vector.shape_cast %swap3A_270 : vector<1x32x2048xf32> to vector<32x2048xf32>
          %swap3A_272 = vector.shape_cast %slice3A : vector<32x2048xf32> to vector<1x32x2048xf32>
          tpu.vector_store %arg12[%swap3A, %swap3A_268, %swap3A_269], %swap3A_272 {strides = array<i32>} : memref<64x32x2048xf32, #tpu.memory_space<vmem>>, vector<1x32x2048xf32>,
        } else {
        }
        %get3A_161 = arith.index_cast %arg0 : i32 to index
        %get3A_162 = arith.constant 3 : index
        %get3A_163 = memref.load %arg5[%get3A_161, %get3A_162] : memref<10x16xi32, #tpu.memory_space<smem>>
        %gt3A_164 = arith.constant 0 : i32
        %gt3A_165 = arith.cmpi sgt, %get3A_163, %gt3A_164 : i32
        %convert_element_type3A_166 = arith.extui %gt3A_165 : i1 to i32
        %cond3A_167 = arith.constant 0 : i32
        %cond3A_168 = arith.cmpi ne, %convert_element_type3A_166, %cond3A_167 : i32
        scf.if %cond3A_168 {
          %slice3A = vector.extract_strided_slice %add3A_136 {offsets = [96, 0], sizes = [32, 2048], strides = [1, 1]} : vector<512x2048xf32> to vector<32x2048xf32>
          %get3A_265 = arith.index_cast %arg0 : i32 to index
          %get3A_266 = arith.constant 3 : index
          %get3A_267 = memref.load %arg4[%get3A_265, %get3A_266] : memref<10x16xi32, #tpu.memory_space<smem>>
          %swap3A = arith.index_cast %get3A_267 : i32 to index
          %swap3A_268 = arith.constant 0 : index
          %swap3A_269 = arith.constant 0 : index
          %swap3A_270 = vector.load %arg12[%swap3A, %swap3A_268, %swap3A_269] : memref<64x32x2048xf32, #tpu.memory_space<vmem>>, vector<1x32x2048xf32>
          %swap3A_271 = vector.shape_cast %swap3A_270 : vector<1x32x2048xf32> to vector<32x2048xf32>
          %swap3A_272 = vector.shape_cast %slice3A : vector<32x2048xf32> to vector<1x32x2048xf32>
          tpu.vector_store %arg12[%swap3A, %swap3A_268, %swap3A_269], %swap3A_272 {strides = array<i32>} : memref<64x32x2048xf32, #tpu.memory_space<vmem>>, vector<1x32x2048xf32>,
        } else {
        }
        %get3A_169 = arith.index_cast %arg0 : i32 to index
        %get3A_170 = arith.constant 4 : index
        %get3A_171 = memref.load %arg5[%get3A_169, %get3A_170] : memref<10x16xi32, #tpu.memory_space<smem>>
        %gt3A_172 = arith.constant 0 : i32
        %gt3A_173 = arith.cmpi sgt, %get3A_171, %gt3A_172 : i32
        %convert_element_type3A_174 = arith.extui %gt3A_173 : i1 to i32
        %cond3A_175 = arith.constant 0 : i32
        %cond3A_176 = arith.cmpi ne, %convert_element_type3A_174, %cond3A_175 : i32
        scf.if %cond3A_176 {
          %slice3A = vector.extract_strided_slice %add3A_136 {offsets = [128, 0], sizes = [32, 2048], strides = [1, 1]} : vector<512x2048xf32> to vector<32x2048xf32>
          %get3A_265 = arith.index_cast %arg0 : i32 to index
          %get3A_266 = arith.constant 4 : index
          %get3A_267 = memref.load %arg4[%get3A_265, %get3A_266] : memref<10x16xi32, #tpu.memory_space<smem>>
          %swap3A = arith.index_cast %get3A_267 : i32 to index
          %swap3A_268 = arith.constant 0 : index
          %swap3A_269 = arith.constant 0 : index
          %swap3A_270 = vector.load %arg12[%swap3A, %swap3A_268, %swap3A_269] : memref<64x32x2048xf32, #tpu.memory_space<vmem>>, vector<1x32x2048xf32>
          %swap3A_271 = vector.shape_cast %swap3A_270 : vector<1x32x2048xf32> to vector<32x2048xf32>
          %swap3A_272 = vector.shape_cast %slice3A : vector<32x2048xf32> to vector<1x32x2048xf32>
          tpu.vector_store %arg12[%swap3A, %swap3A_268, %swap3A_269], %swap3A_272 {strides = array<i32>} : memref<64x32x2048xf32, #tpu.memory_space<vmem>>, vector<1x32x2048xf32>,
        } else {
        }
        %get3A_177 = arith.index_cast %arg0 : i32 to index
        %get3A_178 = arith.constant 5 : index
        %get3A_179 = memref.load %arg5[%get3A_177, %get3A_178] : memref<10x16xi32, #tpu.memory_space<smem>>
        %gt3A_180 = arith.constant 0 : i32
        %gt3A_181 = arith.cmpi sgt, %get3A_179, %gt3A_180 : i32
        %convert_element_type3A_182 = arith.extui %gt3A_181 : i1 to i32
        %cond3A_183 = arith.constant 0 : i32
        %cond3A_184 = arith.cmpi ne, %convert_element_type3A_182, %cond3A_183 : i32
        scf.if %cond3A_184 {
          %slice3A = vector.extract_strided_slice %add3A_136 {offsets = [160, 0], sizes = [32, 2048], strides = [1, 1]} : vector<512x2048xf32> to vector<32x2048xf32>
          %get3A_265 = arith.index_cast %arg0 : i32 to index
          %get3A_266 = arith.constant 5 : index
          %get3A_267 = memref.load %arg4[%get3A_265, %get3A_266] : memref<10x16xi32, #tpu.memory_space<smem>>
          %swap3A = arith.index_cast %get3A_267 : i32 to index
          %swap3A_268 = arith.constant 0 : index
          %swap3A_269 = arith.constant 0 : index
          %swap3A_270 = vector.load %arg12[%swap3A, %swap3A_268, %swap3A_269] : memref<64x32x2048xf32, #tpu.memory_space<vmem>>, vector<1x32x2048xf32>
          %swap3A_271 = vector.shape_cast %swap3A_270 : vector<1x32x2048xf32> to vector<32x2048xf32>
          %swap3A_272 = vector.shape_cast %slice3A : vector<32x2048xf32> to vector<1x32x2048xf32>
          tpu.vector_store %arg12[%swap3A, %swap3A_268, %swap3A_269], %swap3A_272 {strides = array<i32>} : memref<64x32x2048xf32, #tpu.memory_space<vmem>>, vector<1x32x2048xf32>,
        } else {
        }
        %get3A_185 = arith.index_cast %arg0 : i32 to index
        %get3A_186 = arith.constant 6 : index
        %get3A_187 = memref.load %arg5[%get3A_185, %get3A_186] : memref<10x16xi32, #tpu.memory_space<smem>>
        %gt3A_188 = arith.constant 0 : i32
        %gt3A_189 = arith.cmpi sgt, %get3A_187, %gt3A_188 : i32
        %convert_element_type3A_190 = arith.extui %gt3A_189 : i1 to i32
        %cond3A_191 = arith.constant 0 : i32
        %cond3A_192 = arith.cmpi ne, %convert_element_type3A_190, %cond3A_191 : i32
        scf.if %cond3A_192 {
          %slice3A = vector.extract_strided_slice %add3A_136 {offsets = [192, 0], sizes = [32, 2048], strides = [1, 1]} : vector<512x2048xf32> to vector<32x2048xf32>
          %get3A_265 = arith.index_cast %arg0 : i32 to index
          %get3A_266 = arith.constant 6 : index
          %get3A_267 = memref.load %arg4[%get3A_265, %get3A_266] : memref<10x16xi32, #tpu.memory_space<smem>>
          %swap3A = arith.index_cast %get3A_267 : i32 to index
          %swap3A_268 = arith.constant 0 : index
          %swap3A_269 = arith.constant 0 : index
          %swap3A_270 = vector.load %arg12[%swap3A, %swap3A_268, %swap3A_269] : memref<64x32x2048xf32, #tpu.memory_space<vmem>>, vector<1x32x2048xf32>
          %swap3A_271 = vector.shape_cast %swap3A_270 : vector<1x32x2048xf32> to vector<32x2048xf32>
          %swap3A_272 = vector.shape_cast %slice3A : vector<32x2048xf32> to vector<1x32x2048xf32>
          tpu.vector_store %arg12[%swap3A, %swap3A_268, %swap3A_269], %swap3A_272 {strides = array<i32>} : memref<64x32x2048xf32, #tpu.memory_space<vmem>>, vector<1x32x2048xf32>,
        } else {
        }
        %get3A_193 = arith.index_cast %arg0 : i32 to index
        %get3A_194 = arith.constant 7 : index
        %get3A_195 = memref.load %arg5[%get3A_193, %get3A_194] : memref<10x16xi32, #tpu.memory_space<smem>>
        %gt3A_196 = arith.constant 0 : i32
        %gt3A_197 = arith.cmpi sgt, %get3A_195, %gt3A_196 : i32
        %convert_element_type3A_198 = arith.extui %gt3A_197 : i1 to i32
        %cond3A_199 = arith.constant 0 : i32
        %cond3A_200 = arith.cmpi ne, %convert_element_type3A_198, %cond3A_199 : i32
        scf.if %cond3A_200 {
          %slice3A = vector.extract_strided_slice %add3A_136 {offsets = [224, 0], sizes = [32, 2048], strides = [1, 1]} : vector<512x2048xf32> to vector<32x2048xf32>
          %get3A_265 = arith.index_cast %arg0 : i32 to index
          %get3A_266 = arith.constant 7 : index
          %get3A_267 = memref.load %arg4[%get3A_265, %get3A_266] : memref<10x16xi32, #tpu.memory_space<smem>>
          %swap3A = arith.index_cast %get3A_267 : i32 to index
          %swap3A_268 = arith.constant 0 : index
          %swap3A_269 = arith.constant 0 : index
          %swap3A_270 = vector.load %arg12[%swap3A, %swap3A_268, %swap3A_269] : memref<64x32x2048xf32, #tpu.memory_space<vmem>>, vector<1x32x2048xf32>
          %swap3A_271 = vector.shape_cast %swap3A_270 : vector<1x32x2048xf32> to vector<32x2048xf32>
          %swap3A_272 = vector.shape_cast %slice3A : vector<32x2048xf32> to vector<1x32x2048xf32>
          tpu.vector_store %arg12[%swap3A, %swap3A_268, %swap3A_269], %swap3A_272 {strides = array<i32>} : memref<64x32x2048xf32, #tpu.memory_space<vmem>>, vector<1x32x2048xf32>,
        } else {
        }
        %get3A_201 = arith.index_cast %arg0 : i32 to index
        %get3A_202 = arith.constant 8 : index
        %get3A_203 = memref.load %arg5[%get3A_201, %get3A_202] : memref<10x16xi32, #tpu.memory_space<smem>>
        %gt3A_204 = arith.constant 0 : i32
        %gt3A_205 = arith.cmpi sgt, %get3A_203, %gt3A_204 : i32
        %convert_element_type3A_206 = arith.extui %gt3A_205 : i1 to i32
        %cond3A_207 = arith.constant 0 : i32
        %cond3A_208 = arith.cmpi ne, %convert_element_type3A_206, %cond3A_207 : i32
        scf.if %cond3A_208 {
          %slice3A = vector.extract_strided_slice %add3A_136 {offsets = [256, 0], sizes = [32, 2048], strides = [1, 1]} : vector<512x2048xf32> to vector<32x2048xf32>
          %get3A_265 = arith.index_cast %arg0 : i32 to index
          %get3A_266 = arith.constant 8 : index
          %get3A_267 = memref.load %arg4[%get3A_265, %get3A_266] : memref<10x16xi32, #tpu.memory_space<smem>>
          %swap3A = arith.index_cast %get3A_267 : i32 to index
          %swap3A_268 = arith.constant 0 : index
          %swap3A_269 = arith.constant 0 : index
          %swap3A_270 = vector.load %arg12[%swap3A, %swap3A_268, %swap3A_269] : memref<64x32x2048xf32, #tpu.memory_space<vmem>>, vector<1x32x2048xf32>
          %swap3A_271 = vector.shape_cast %swap3A_270 : vector<1x32x2048xf32> to vector<32x2048xf32>
          %swap3A_272 = vector.shape_cast %slice3A : vector<32x2048xf32> to vector<1x32x2048xf32>
          tpu.vector_store %arg12[%swap3A, %swap3A_268, %swap3A_269], %swap3A_272 {strides = array<i32>} : memref<64x32x2048xf32, #tpu.memory_space<vmem>>, vector<1x32x2048xf32>,
        } else {
        }
        %get3A_209 = arith.index_cast %arg0 : i32 to index
        %get3A_210 = arith.constant 9 : index
        %get3A_211 = memref.load %arg5[%get3A_209, %get3A_210] : memref<10x16xi32, #tpu.memory_space<smem>>
        %gt3A_212 = arith.constant 0 : i32
        %gt3A_213 = arith.cmpi sgt, %get3A_211, %gt3A_212 : i32
        %convert_element_type3A_214 = arith.extui %gt3A_213 : i1 to i32
        %cond3A_215 = arith.constant 0 : i32
        %cond3A_216 = arith.cmpi ne, %convert_element_type3A_214, %cond3A_215 : i32
        scf.if %cond3A_216 {
          %slice3A = vector.extract_strided_slice %add3A_136 {offsets = [288, 0], sizes = [32, 2048], strides = [1, 1]} : vector<512x2048xf32> to vector<32x2048xf32>
          %get3A_265 = arith.index_cast %arg0 : i32 to index
          %get3A_266 = arith.constant 9 : index
          %get3A_267 = memref.load %arg4[%get3A_265, %get3A_266] : memref<10x16xi32, #tpu.memory_space<smem>>
          %swap3A = arith.index_cast %get3A_267 : i32 to index
          %swap3A_268 = arith.constant 0 : index
          %swap3A_269 = arith.constant 0 : index
          %swap3A_270 = vector.load %arg12[%swap3A, %swap3A_268, %swap3A_269] : memref<64x32x2048xf32, #tpu.memory_space<vmem>>, vector<1x32x2048xf32>
          %swap3A_271 = vector.shape_cast %swap3A_270 : vector<1x32x2048xf32> to vector<32x2048xf32>
          %swap3A_272 = vector.shape_cast %slice3A : vector<32x2048xf32> to vector<1x32x2048xf32>
          tpu.vector_store %arg12[%swap3A, %swap3A_268, %swap3A_269], %swap3A_272 {strides = array<i32>} : memref<64x32x2048xf32, #tpu.memory_space<vmem>>, vector<1x32x2048xf32>,
        } else {
        }
        %get3A_217 = arith.index_cast %arg0 : i32 to index
        %get3A_218 = arith.constant 10 : index
        %get3A_219 = memref.load %arg5[%get3A_217, %get3A_218] : memref<10x16xi32, #tpu.memory_space<smem>>
        %gt3A_220 = arith.constant 0 : i32
        %gt3A_221 = arith.cmpi sgt, %get3A_219, %gt3A_220 : i32
        %convert_element_type3A_222 = arith.extui %gt3A_221 : i1 to i32
        %cond3A_223 = arith.constant 0 : i32
        %cond3A_224 = arith.cmpi ne, %convert_element_type3A_222, %cond3A_223 : i32
        scf.if %cond3A_224 {
          %slice3A = vector.extract_strided_slice %add3A_136 {offsets = [320, 0], sizes = [32, 2048], strides = [1, 1]} : vector<512x2048xf32> to vector<32x2048xf32>
          %get3A_265 = arith.index_cast %arg0 : i32 to index
          %get3A_266 = arith.constant 10 : index
          %get3A_267 = memref.load %arg4[%get3A_265, %get3A_266] : memref<10x16xi32, #tpu.memory_space<smem>>
          %swap3A = arith.index_cast %get3A_267 : i32 to index
          %swap3A_268 = arith.constant 0 : index
          %swap3A_269 = arith.constant 0 : index
          %swap3A_270 = vector.load %arg12[%swap3A, %swap3A_268, %swap3A_269] : memref<64x32x2048xf32, #tpu.memory_space<vmem>>, vector<1x32x2048xf32>
          %swap3A_271 = vector.shape_cast %swap3A_270 : vector<1x32x2048xf32> to vector<32x2048xf32>
          %swap3A_272 = vector.shape_cast %slice3A : vector<32x2048xf32> to vector<1x32x2048xf32>
          tpu.vector_store %arg12[%swap3A, %swap3A_268, %swap3A_269], %swap3A_272 {strides = array<i32>} : memref<64x32x2048xf32, #tpu.memory_space<vmem>>, vector<1x32x2048xf32>,
        } else {
        }
        %get3A_225 = arith.index_cast %arg0 : i32 to index
        %get3A_226 = arith.constant 11 : index
        %get3A_227 = memref.load %arg5[%get3A_225, %get3A_226] : memref<10x16xi32, #tpu.memory_space<smem>>
        %gt3A_228 = arith.constant 0 : i32
        %gt3A_229 = arith.cmpi sgt, %get3A_227, %gt3A_228 : i32
        %convert_element_type3A_230 = arith.extui %gt3A_229 : i1 to i32
        %cond3A_231 = arith.constant 0 : i32
        %cond3A_232 = arith.cmpi ne, %convert_element_type3A_230, %cond3A_231 : i32
        scf.if %cond3A_232 {
          %slice3A = vector.extract_strided_slice %add3A_136 {offsets = [352, 0], sizes = [32, 2048], strides = [1, 1]} : vector<512x2048xf32> to vector<32x2048xf32>
          %get3A_265 = arith.index_cast %arg0 : i32 to index
          %get3A_266 = arith.constant 11 : index
          %get3A_267 = memref.load %arg4[%get3A_265, %get3A_266] : memref<10x16xi32, #tpu.memory_space<smem>>
          %swap3A = arith.index_cast %get3A_267 : i32 to index
          %swap3A_268 = arith.constant 0 : index
          %swap3A_269 = arith.constant 0 : index
          %swap3A_270 = vector.load %arg12[%swap3A, %swap3A_268, %swap3A_269] : memref<64x32x2048xf32, #tpu.memory_space<vmem>>, vector<1x32x2048xf32>
          %swap3A_271 = vector.shape_cast %swap3A_270 : vector<1x32x2048xf32> to vector<32x2048xf32>
          %swap3A_272 = vector.shape_cast %slice3A : vector<32x2048xf32> to vector<1x32x2048xf32>
          tpu.vector_store %arg12[%swap3A, %swap3A_268, %swap3A_269], %swap3A_272 {strides = array<i32>} : memref<64x32x2048xf32, #tpu.memory_space<vmem>>, vector<1x32x2048xf32>,
        } else {
        }
        %get3A_233 = arith.index_cast %arg0 : i32 to index
        %get3A_234 = arith.constant 12 : index
        %get3A_235 = memref.load %arg5[%get3A_233, %get3A_234] : memref<10x16xi32, #tpu.memory_space<smem>>
        %gt3A_236 = arith.constant 0 : i32
        %gt3A_237 = arith.cmpi sgt, %get3A_235, %gt3A_236 : i32
        %convert_element_type3A_238 = arith.extui %gt3A_237 : i1 to i32
        %cond3A_239 = arith.constant 0 : i32
        %cond3A_240 = arith.cmpi ne, %convert_element_type3A_238, %cond3A_239 : i32
        scf.if %cond3A_240 {
          %slice3A = vector.extract_strided_slice %add3A_136 {offsets = [384, 0], sizes = [32, 2048], strides = [1, 1]} : vector<512x2048xf32> to vector<32x2048xf32>
          %get3A_265 = arith.index_cast %arg0 : i32 to index
          %get3A_266 = arith.constant 12 : index
          %get3A_267 = memref.load %arg4[%get3A_265, %get3A_266] : memref<10x16xi32, #tpu.memory_space<smem>>
          %swap3A = arith.index_cast %get3A_267 : i32 to index
          %swap3A_268 = arith.constant 0 : index
          %swap3A_269 = arith.constant 0 : index
          %swap3A_270 = vector.load %arg12[%swap3A, %swap3A_268, %swap3A_269] : memref<64x32x2048xf32, #tpu.memory_space<vmem>>, vector<1x32x2048xf32>
          %swap3A_271 = vector.shape_cast %swap3A_270 : vector<1x32x2048xf32> to vector<32x2048xf32>
          %swap3A_272 = vector.shape_cast %slice3A : vector<32x2048xf32> to vector<1x32x2048xf32>
          tpu.vector_store %arg12[%swap3A, %swap3A_268, %swap3A_269], %swap3A_272 {strides = array<i32>} : memref<64x32x2048xf32, #tpu.memory_space<vmem>>, vector<1x32x2048xf32>,
        } else {
        }
        %get3A_241 = arith.index_cast %arg0 : i32 to index
        %get3A_242 = arith.constant 13 : index
        %get3A_243 = memref.load %arg5[%get3A_241, %get3A_242] : memref<10x16xi32, #tpu.memory_space<smem>>
        %gt3A_244 = arith.constant 0 : i32
        %gt3A_245 = arith.cmpi sgt, %get3A_243, %gt3A_244 : i32
        %convert_element_type3A_246 = arith.extui %gt3A_245 : i1 to i32
        %cond3A_247 = arith.constant 0 : i32
        %cond3A_248 = arith.cmpi ne, %convert_element_type3A_246, %cond3A_247 : i32
        scf.if %cond3A_248 {
          %slice3A = vector.extract_strided_slice %add3A_136 {offsets = [416, 0], sizes = [32, 2048], strides = [1, 1]} : vector<512x2048xf32> to vector<32x2048xf32>
          %get3A_265 = arith.index_cast %arg0 : i32 to index
          %get3A_266 = arith.constant 13 : index
          %get3A_267 = memref.load %arg4[%get3A_265, %get3A_266] : memref<10x16xi32, #tpu.memory_space<smem>>
          %swap3A = arith.index_cast %get3A_267 : i32 to index
          %swap3A_268 = arith.constant 0 : index
          %swap3A_269 = arith.constant 0 : index
          %swap3A_270 = vector.load %arg12[%swap3A, %swap3A_268, %swap3A_269] : memref<64x32x2048xf32, #tpu.memory_space<vmem>>, vector<1x32x2048xf32>
          %swap3A_271 = vector.shape_cast %swap3A_270 : vector<1x32x2048xf32> to vector<32x2048xf32>
          %swap3A_272 = vector.shape_cast %slice3A : vector<32x2048xf32> to vector<1x32x2048xf32>
          tpu.vector_store %arg12[%swap3A, %swap3A_268, %swap3A_269], %swap3A_272 {strides = array<i32>} : memref<64x32x2048xf32, #tpu.memory_space<vmem>>, vector<1x32x2048xf32>,
        } else {
        }
        %get3A_249 = arith.index_cast %arg0 : i32 to index
        %get3A_250 = arith.constant 14 : index
        %get3A_251 = memref.load %arg5[%get3A_249, %get3A_250] : memref<10x16xi32, #tpu.memory_space<smem>>
        %gt3A_252 = arith.constant 0 : i32
        %gt3A_253 = arith.cmpi sgt, %get3A_251, %gt3A_252 : i32
        %convert_element_type3A_254 = arith.extui %gt3A_253 : i1 to i32
        %cond3A_255 = arith.constant 0 : i32
        %cond3A_256 = arith.cmpi ne, %convert_element_type3A_254, %cond3A_255 : i32
        scf.if %cond3A_256 {
          %slice3A = vector.extract_strided_slice %add3A_136 {offsets = [448, 0], sizes = [32, 2048], strides = [1, 1]} : vector<512x2048xf32> to vector<32x2048xf32>
          %get3A_265 = arith.index_cast %arg0 : i32 to index
          %get3A_266 = arith.constant 14 : index
          %get3A_267 = memref.load %arg4[%get3A_265, %get3A_266] : memref<10x16xi32, #tpu.memory_space<smem>>
          %swap3A = arith.index_cast %get3A_267 : i32 to index
          %swap3A_268 = arith.constant 0 : index
          %swap3A_269 = arith.constant 0 : index
          %swap3A_270 = vector.load %arg12[%swap3A, %swap3A_268, %swap3A_269] : memref<64x32x2048xf32, #tpu.memory_space<vmem>>, vector<1x32x2048xf32>
          %swap3A_271 = vector.shape_cast %swap3A_270 : vector<1x32x2048xf32> to vector<32x2048xf32>
          %swap3A_272 = vector.shape_cast %slice3A : vector<32x2048xf32> to vector<1x32x2048xf32>
          tpu.vector_store %arg12[%swap3A, %swap3A_268, %swap3A_269], %swap3A_272 {strides = array<i32>} : memref<64x32x2048xf32, #tpu.memory_space<vmem>>, vector<1x32x2048xf32>,
        } else {
        }
        %get3A_257 = arith.index_cast %arg0 : i32 to index
        %get3A_258 = arith.constant 15 : index
        %get3A_259 = memref.load %arg5[%get3A_257, %get3A_258] : memref<10x16xi32, #tpu.memory_space<smem>>
        %gt3A_260 = arith.constant 0 : i32
        %gt3A_261 = arith.cmpi sgt, %get3A_259, %gt3A_260 : i32
        %convert_element_type3A_262 = arith.extui %gt3A_261 : i1 to i32
        %cond3A_263 = arith.constant 0 : i32
        %cond3A_264 = arith.cmpi ne, %convert_element_type3A_262, %cond3A_263 : i32
        scf.if %cond3A_264 {
          %slice3A = vector.extract_strided_slice %add3A_136 {offsets = [480, 0], sizes = [32, 2048], strides = [1, 1]} : vector<512x2048xf32> to vector<32x2048xf32>
          %get3A_265 = arith.index_cast %arg0 : i32 to index
          %get3A_266 = arith.constant 15 : index
          %get3A_267 = memref.load %arg4[%get3A_265, %get3A_266] : memref<10x16xi32, #tpu.memory_space<smem>>
          %swap3A = arith.index_cast %get3A_267 : i32 to index
          %swap3A_268 = arith.constant 0 : index
          %swap3A_269 = arith.constant 0 : index
          %swap3A_270 = vector.load %arg12[%swap3A, %swap3A_268, %swap3A_269] : memref<64x32x2048xf32, #tpu.memory_space<vmem>>, vector<1x32x2048xf32>
          %swap3A_271 = vector.shape_cast %swap3A_270 : vector<1x32x2048xf32> to vector<32x2048xf32>
          %swap3A_272 = vector.shape_cast %slice3A : vector<32x2048xf32> to vector<1x32x2048xf32>
          tpu.vector_store %arg12[%swap3A, %swap3A_268, %swap3A_269], %swap3A_272 {strides = array<i32>} : memref<64x32x2048xf32, #tpu.memory_space<vmem>>, vector<1x32x2048xf32>,
        } else {
        }
      } else {
      }
    } else {
    }
    return
  }
  func.func @transform_0(%arg0: i32, %arg1: i32, %arg2: memref<10xi32, #tpu.memory_space<smem>>, %arg3: memref<10xi32, #tpu.memory_space<smem>>, %arg4: memref<10x16xi32, #tpu.memory_space<smem>>, %arg5: memref<10x16xi32, #tpu.memory_space<smem>>, %arg6: memref<10x16xf32, #tpu.memory_space<smem>>) -> (i32, i32, i32) {
    %c0_i32 = arith.constant 0 : i32
    %c0_i32_0 = arith.constant 0 : i32
    %c0_i32_1 = arith.constant 0 : i32
    %c0_i32_2 = arith.constant 0 : i32
    return %c0_i32, %c0_i32_0, %c0_i32_1 : i32, i32, i32
  }
  func.func @transform_1(%arg0: i32, %arg1: i32, %arg2: memref<10xi32, #tpu.memory_space<smem>>, %arg3: memref<10xi32, #tpu.memory_space<smem>>, %arg4: memref<10x16xi32, #tpu.memory_space<smem>>, %arg5: memref<10x16xi32, #tpu.memory_space<smem>>, %arg6: memref<10x16xf32, #tpu.memory_space<smem>>) -> (i32, i32, i32) {
    %get3A = arith.index_cast %arg0 : i32 to index
    %get3A_0 = memref.load %arg2[%get3A] : memref<10xi32, #tpu.memory_space<smem>>
    %get3A_1 = arith.index_cast %arg0 : i32 to index
    %get3A_2 = memref.load %arg3[%get3A_1] : memref<10xi32, #tpu.memory_space<smem>>
    %gt3A = arith.constant 0 : i32
    %gt3A_3 = arith.cmpi sgt, %get3A_2, %gt3A : i32
    %jit3A = arith.constant 0 : i32
    %select_n3A = arith.select %gt3A_3, %arg1, %jit3A : i32
    %c0_i32 = arith.constant 0 : i32
    %c0_i32_4 = arith.constant 0 : i32
    return %get3A_0, %c0_i32, %select_n3A : i32, i32, i32
  }
  func.func @transform_2(%arg0: i32, %arg1: i32, %arg2: memref<10xi32, #tpu.memory_space<smem>>, %arg3: memref<10xi32, #tpu.memory_space<smem>>, %arg4: memref<10x16xi32, #tpu.memory_space<smem>>, %arg5: memref<10x16xi32, #tpu.memory_space<smem>>, %arg6: memref<10x16xf32, #tpu.memory_space<smem>>) -> (i32, i32, i32) {
    %get3A = arith.index_cast %arg0 : i32 to index
    %get3A_0 = memref.load %arg2[%get3A] : memref<10xi32, #tpu.memory_space<smem>>
    %get3A_1 = arith.index_cast %arg0 : i32 to index
    %get3A_2 = memref.load %arg3[%get3A_1] : memref<10xi32, #tpu.memory_space<smem>>
    %gt3A = arith.constant 0 : i32
    %gt3A_3 = arith.cmpi sgt, %get3A_2, %gt3A : i32
    %jit3A = arith.constant 0 : i32
    %select_n3A = arith.select %gt3A_3, %arg1, %jit3A : i32
    %c0_i32 = arith.constant 0 : i32
    %c0_i32_4 = arith.constant 0 : i32
    return %get3A_0, %c0_i32, %select_n3A : i32, i32, i32
  }
  func.func @transform_3(%arg0: i32, %arg1: i32, %arg2: memref<10xi32, #tpu.memory_space<smem>>, %arg3: memref<10xi32, #tpu.memory_space<smem>>, %arg4: memref<10x16xi32, #tpu.memory_space<smem>>, %arg5: memref<10x16xi32, #tpu.memory_space<smem>>, %arg6: memref<10x16xf32, #tpu.memory_space<smem>>) -> (i32, i32, i32) {
    %get3A = arith.index_cast %arg0 : i32 to index
    %get3A_0 = memref.load %arg2[%get3A] : memref<10xi32, #tpu.memory_space<smem>>
    %get3A_1 = arith.index_cast %arg0 : i32 to index
    %get3A_2 = memref.load %arg3[%get3A_1] : memref<10xi32, #tpu.memory_space<smem>>
    %gt3A = arith.constant 0 : i32
    %gt3A_3 = arith.cmpi sgt, %get3A_2, %gt3A : i32
    %jit3A = arith.constant 0 : i32
    %select_n3A = arith.select %gt3A_3, %arg1, %jit3A : i32
    %c0_i32 = arith.constant 0 : i32
    %c0_i32_4 = arith.constant 0 : i32
    return %get3A_0, %select_n3A, %c0_i32 : i32, i32, i32
  }
  func.func @transform_4(%arg0: i32, %arg1: i32, %arg2: memref<10xi32, #tpu.memory_space<smem>>, %arg3: memref<10xi32, #tpu.memory_space<smem>>, %arg4: memref<10x16xi32, #tpu.memory_space<smem>>, %arg5: memref<10x16xi32, #tpu.memory_space<smem>>, %arg6: memref<10x16xf32, #tpu.memory_space<smem>>) -> (i32, i32, i32) {
    %get3A = arith.index_cast %arg0 : i32 to index
    %get3A_0 = memref.load %arg2[%get3A] : memref<10xi32, #tpu.memory_space<smem>>
    %c0_i32 = arith.constant 0 : i32
    %c0_i32_1 = arith.constant 0 : i32
    %c0_i32_2 = arith.constant 0 : i32
    return %get3A_0, %c0_i32, %c0_i32_1 : i32, i32, i32
  }
  func.func @transform_5(%arg0: i32, %arg1: i32, %arg2: memref<10xi32, #tpu.memory_space<smem>>, %arg3: memref<10xi32, #tpu.memory_space<smem>>, %arg4: memref<10x16xi32, #tpu.memory_space<smem>>, %arg5: memref<10x16xi32, #tpu.memory_space<smem>>, %arg6: memref<10x16xf32, #tpu.memory_space<smem>>) -> (i32, i32, i32) {
    %c0_i32 = arith.constant 0 : i32
    %c0_i32_0 = arith.constant 0 : i32
    %c0_i32_1 = arith.constant 0 : i32
    %c0_i32_2 = arith.constant 0 : i32
    return %c0_i32, %c0_i32_0, %c0_i32_1 : i32, i32, i32
  }
}

</mosaic_0001>

<sc_bundles>
// kernel: kernel.5.cloned.1.call-start
scs
__scs_entry_jumppad:
0x0: {  	(pc) =	sbr.rel $0x88, $3  }
0x1: {  	(tag) =	ssettag $0x0;
	lr =	simm.s32 $0x1  }
0x2: {  	[smem:$0x3F9B] =	sst lr;
	_ =	strace $0xD0000000  }
0x3: {  	_ = 	snop  }
0x4: {  	_ = 	snop  }
0x5: {  	_ = 	snop  }
0x6: {  	_ = 	snop  }
0x7: {  	_ = 	snop  }
__scs_overlays_trampoline_lowered:
0x8: {  	[smem:$0x3FAA] =	sst s0  }
0x9: {  	[smem:$0x3FAB] =	sst s1  }
0xa: {  	[smem:$0x3FAC] =	sst s2  }
0xb: {  	[smem:$0x3FAD] =	sst s3  }
0xc: {  	[smem:$0x3FAE] =	sst s4  }
0xd: {  	[smem:$0x3FAF] =	sst s5  }
0xe: {  	[smem:$0x3FB0] =	sst s6  }
0xf: {  	[smem:$0x3FB1] =	sst s7  }
0x10: {  	[smem:$0x3FB2] =	sst s8  }
0x11: {  	[smem:$0x3FB3] =	sst s9;
	s0 =	simm.s32 @!p0 $0x0  }
0x12: {  	s1 =	sld [smem:$0x3F99];
	s0 =	simm.s32 @p0 $0x1  }
0x13: {  	[smem:$0x3FB4] =	sst s0;
	s0 =	simm.s32 @!p1 $0x0  }
0x14: {  	s2 =	sld [smem:$0x3F98];
	s0 =	simm.s32 @p1 $0x1  }
0x15: {  	[smem:$0x3FB5] =	sst s0;
	s0 =	simm.s32 @!p2 $0x0  }
0x16: {  	s3 =	sld [smem:$0x3FDB];
	s0 =	simm.s32 @p2 $0x1  }
0x17: {  	s4 =	simm.s32 $0x1BF5;
	[smem:$0x3FB7] =	sst s0  }
0x18: {  	s0 =	sld [smem:$0x3F9A];
	_ =	swait.ge [sflag:s4], $0x0  }
0x19: {  	s7 =	sld [smem:$0x3F9B]  }
0x1a: {  	s8 =	sadd.s32 $0xFFFFE003, lr  }
0x1b: {  	s9 =	sadd.s32 $0xFFFFFEF7, lr;
	s5 =	simm.s32 $0xFFFFFFFF;
	p2 =	slt.u32 s8, $0xFFFFF086  }
0x1c: {  	p1 =	slt.u32 s9, $0xF7A;
	s5 =	simm.s32 @!p2 $0x0  }
0x1d: {  	s5 =	simm.s32 @p1 $0x1;
	p0 =	seq.s32 s7, s2  }
0x1e: {  	s7 =	smul.u32 @!p0 $0xF7A, s2;
	p2 =	seq.s32 @!p0 s5, $0x0  }
0x1f: {  	s9 =	smul.u32 $0xF7A, s1;
	s8 =	simm.s32 @!p0 $0x1BF5;
	p2 =	por !p2, p0  }
0x20: {  	[sflag:s8] =	ssyncset.s32 @!p0 $0xFFFFF086;
	s6 =	sadd.s32 @!p0 s3, s7;
	s7 =	simm.s32 @!p0 $0x108  }
0x21: {  	s3 =	sadd.s32 s3, s9;
	s6 =	sadd.s32 @!p0 $0x88, s6;
	s7 =	simm.s32 @p2 $0x1082  }
0x22: {  	[simem:s7], [sflag:s8] =	dma.local @!p0 [hbm:s6], $0xF7A  }
0x23: {  	s9 =	sor.u32 $0xD0000000, s2;
	s6 =	simm.s32 $0x108;
	_ =	swait.ge @!p0 [sflag:s8], $0x0  }
0x24: {  	s3 =	sadd.s32 $0x88, s3;
	s6 =	simm.s32 @!p1 $0x1082;
	[sflag:s4] =	ssyncset.s32 $0xFFFFF086  }
0x25: {  	[simem:s6], [sflag:s4] =	dma.local [hbm:s3], $0xF7A  }
0x26: {  	[smem:$0x3F9B] =	sst s1;
	(tag) =	ssettag s2;
	_ =	strace s9  }
0x27: {  	s1 =	sld [smem:$0x3FAB]  }
0x28: {  	s2 =	sld [smem:$0x3FAC]  }
0x29: {  	s4 =	sld [smem:$0x3FAE]  }
0x2a: {  	p0 =	seq.s32 s5, $0x0;
	s5 =	sld [smem:$0x3FAF]  }
0x2b: {  	s6 =	sld [smem:$0x3FB0]  }
0x2c: {  	s7 =	sld [smem:$0x3FB1]  }
0x2d: {  	s3 =	simm.s32 $0x108;
	s8 =	sld [smem:$0x3FB2]  }
0x2e: {  	s3 =	simm.s32 @!p0 $0x1082;
	s9 =	sld [smem:$0x3FB3]  }
0x2f: {  	lr =	sadd.s32 s0, s3;
	s0 =	sld [smem:$0x3FAA]  }
0x30: {  	s3 =	sld [smem:$0x3FAD]  }
0x31: {  	[smem:$0x3FB6] =	sst s10  }
0x32: {  	s10 =	sld [smem:$0x3FB4];
	_ =	sdelay $0x3  }
0x33: {  	p0 =	seq.s32 s10, $0x1;
	s10 =	sld [smem:$0x3FB6];
	_ =	sdelay $0x3  }
0x34: {  	[smem:$0x3FB6] =	sst s10  }
0x35: {  	s10 =	sld [smem:$0x3FB5];
	_ =	sdelay $0x3  }
0x36: {  	p1 =	seq.s32 s10, $0x1;
	s10 =	sld [smem:$0x3FB6];
	_ =	sdelay $0x3  }
0x37: {  	[smem:$0x3FB6] =	sst s10  }
0x38: {  	s10 =	sld [smem:$0x3FB7]  }
0x39: {  	_ = 	snop;
	(pc) =	sbr.ind lr, $3  }
0x3a: {  	_ = 	snop  }
0x3b: {  	_ = 	snop  }
0x3c: {  	p2 =	seq.s32 s10, $0x1;
	s10 =	sld [smem:$0x3FB6]  }
0x3d: {  	_ =	shalt  }
0x3e: {  	_ =	shalt  }
0x3f: {  	_ =	shalt  }
0x40: {  	_ =	shalt  }
0x41: {  	_ =	shalt  }
0x42: {  	_ =	shalt  }
0x43: {  	_ =	shalt  }
0x44: {  	_ =	shalt  }
0x45: {  	_ =	shalt  }
0x46: {  	_ =	shalt  }
0x47: {  	_ =	shalt  }
0x48: {  	_ =	shalt  }
0x49: {  	_ =	shalt  }
0x4a: {  	_ =	shalt  }
0x4b: {  	_ =	shalt  }
0x4c: {  	_ =	shalt  }
0x4d: {  	_ =	shalt  }
0x4e: {  	_ =	shalt  }
0x4f: {  	_ =	shalt  }
0x50: {  	_ =	shalt  }
0x51: {  	_ =	shalt  }
0x52: {  	_ =	shalt  }
0x53: {  	_ =	shalt  }
0x54: {  	_ =	shalt  }
0x55: {  	_ =	shalt  }
0x56: {  	_ =	shalt  }
0x57: {  	_ =	shalt  }
0x58: {  	_ =	shalt  }
0x59: {  	_ =	shalt  }
0x5a: {  	_ =	shalt  }
0x5b: {  	_ =	shalt  }
0x5c: {  	_ =	shalt  }
0x5d: {  	_ =	shalt  }
0x5e: {  	_ =	shalt  }
0x5f: {  	_ =	shalt  }
0x60: {  	_ =	shalt  }
0x61: {  	_ =	shalt  }
0x62: {  	_ =	shalt  }
0x63: {  	_ =	shalt  }
0x64: {  	_ =	shalt  }
0x65: {  	_ =	shalt  }
0x66: {  	_ =	shalt  }
0x67: {  	_ =	shalt  }
0x68: {  	_ =	shalt  }
0x69: {  	_ =	shalt  }
0x6a: {  	_ =	shalt  }
0x6b: {  	_ =	shalt  }
0x6c: {  	_ =	shalt  }
0x6d: {  	_ =	shalt  }
0x6e: {  	_ =	shalt  }
0x6f: {  	_ =	shalt  }
0x70: {  	_ =	shalt  }
0x71: {  	_ =	shalt  }
0x72: {  	_ =	shalt  }
0x73: {  	_ =	shalt  }
0x74: {  	_ =	shalt  }
0x75: {  	_ =	shalt  }
0x76: {  	_ =	shalt  }
0x77: {  	_ =	shalt  }
0x78: {  	_ =	shalt  }
0x79: {  	_ =	shalt  }
0x7a: {  	_ =	shalt  }
0x7b: {  	_ =	shalt  }
0x7c: {  	_ =	shalt  }
0x7d: {  	_ =	shalt  }
0x7e: {  	_ =	shalt  }
0x7f: {  	_ =	shalt  }
0x80: {  	_ =	shalt  }
0x81: {  	_ =	shalt  }
0x82: {  	_ =	shalt  }
0x83: {  	_ =	shalt  }
0x84: {  	_ =	shalt  }
0x85: {  	_ =	shalt  }
0x86: {  	_ =	shalt  }
0x87: {  	_ =	shalt  }
.Lfunc_end0:
.L_simem_size_0:
called_computation_lowered:
.L_overlay_start_0:
0x88: {  	s2 =	sld [smem:$0x3FD9]  }
0x89: {  	s3 =	sld [smem:$0x3FFE];
	_ =	sdelay $0x1  }
0x8a: {  	s1 =	srdreg.scid  }
0x8b: {  	s0 =	sand.u32 $0x1, s1  }
0x8c: {  	s14 =	sshll.u32 s0, $0xA;
	s2 =	sadd.s32 s3, s2  }
0x8d: {  	s2 =	sadd.s32 s2, s14  }
0x8e: {  	[smem:$0x3FC2] =	sst s2  }
0x8f: {  	_ = 	snop  }
0x90: {  	s2 =	sld [smem:$0x3FD0];
	_ =	sdelay $0x2  }
0x91: {  	s15 =	simm.s32 $0xA;
	s4 =	simm.s32 $0x10  }
0x92: {  	[smem:s4], [sflag:s15] =	dma.local [hbm:s2], $0x1  }
0x93: {  	_ =	swait.eq [sflag:s15], $0x1  }
0x94: {  	s16 =	sld [smem:$0x10]  }
0x95: {  	s17 =	sld [smem:$0x11]  }
0x96: {  	s5 =	sld [smem:$0x12];
	[sflag:s15] =	ssyncset.done $0x0  }
0x97: {  	s6 =	sld [smem:$0x13];
	[sflag:s15] =	ssyncadd.s32 $0xFFFFFFFF  }
0x98: {  	s18 =	sld [smem:$0x14];
	(tm) =	ssettm $0x1  }
0x99: {  	s7 =	sld [smem:$0x3FFB];
	_ =	sdelay $0x3  }
0x9a: {  	_ =	strace s7  }
0x9b: {  	s7 =	sld [smem:$0x3FFC];
	_ =	sdelay $0x3  }
0x9c: {  	_ =	strace s7  }
0x9d: {  	s7 =	sld [smem:$0x3FFD];
	_ =	sdelay $0x3  }
0x9e: {  	_ =	strace s7  }
0x9f: {  	_ =	strace $0x8FFFFFFF  }
0xa0: {  	s19 =	sld [smem:$0x3FDB];
	_ =	sdelay $0x1  }
0xa1: {  	s8 =	simm.s32 $_scs_section_size  }
0xa2: {  	s9 =	simm.s32 $_size__tile_overlayer_lowered;
	s10 =	simm.s32 $_tile_overlayer_lowered  }
0xa3: {  	s22 =	simm.s32 $0x1BFF;
	s21 =	sshll.u32 s10, $0x1;
	s7 =	sadd.s32 s8, s19  }
0xa4: {  	s11 =	simm.s32 $0x0;
	s20 =	sshll.u32 s9, $0x1;
	s9 =	sadd.s32 s21, s7  }
0xa5: {  	[timem:s11], [sflag:s22] =	dma.local [hbm:s9], s20  }
0xa6: {  	_ =	swait.ge [sflag:s22], s20  }
0xa7: {  	s8 =	ssub.s32 $0x0, s20;
	[sflag:s22] =	ssyncset.done $0x0  }
0xa8: {  	[sflag:s22] =	ssyncadd.s32 s8;
	_ =	sdelay $0x1  }
0xa9: {  	s23 =	simm.s32 $0x1B8B  }
0xaa: {  	_ =	swait.ge [sflag:s23], $0x1  }
0xab: {  	[sflag:s23] =	ssyncset.done $0x0  }
0xac: {  	s25 =	simm.s32 $0x1B8E;
	s24 =	sld [smem:$0x3FFE];
	[sflag:s23] =	ssyncadd.s32 $0xFFFFFFFF  }
0xad: {  	s26 =	simm.s32 $execute0_lowered;
	[smem:$0x3FD2] =	sst s25  }
0xae: {  	s9 =	sshll.u32 s26, $0x1;
	_ =	strace $0x80000046;
	[dreg:$0x1] =	wrdreg $0xFFFFFFFF  }
0xaf: {  	s28 =	simm.s32 $_size_execute0_lowered;
	s7 =	sadd.s32 s7, s9;
	[dreg:$0x0] =	wrdreg $0x0  }
0xb0: {  	s9 =	sshll.u32 s28, $0x1;
	[dreg:$0x2] =	wrdreg s7  }
0xb1: {  	[dreg:$0x3] =	wrdreg s9  }
0xb2: {  	[dreg:$0x4] =	wrdreg $0xC0  }
0xb3: {  	_ =	task [dreg:s11], $0x5FFFF  }
0xb4: {  	[dreg:$0x1] =	wrdreg $0xFFFFFFFF  }
0xb5: {  	[dreg:$0x0] =	wrdreg $0x60  }
0xb6: {  	[dreg:$0x2] =	wrdreg s16  }
0xb7: {  	[dreg:$0x3] =	wrdreg s17  }
0xb8: {  	[dreg:$0x4] =	wrdreg s5  }
0xb9: {  	[dreg:$0x5] =	wrdreg s6  }
0xba: {  	[dreg:$0x6] =	wrdreg s24  }
0xbb: {  	[dreg:$0x7] =	wrdreg s18  }
0xbc: {  	[dreg:$0x8] =	wrdreg $0x9  }
0xbd: {  	_ =	task.clear_ibuf [dreg:s11], $0x9FFFF;
	_ =	strace $0x90000046  }
0xbe: {  	s29 =	simm.s32 $0x9;
	_ =	strace $0x80000048  }
0xbf: {  	_ =	swait.ge [sflag:s29], $0x1  }
0xc0: {  	[sflag:s29] =	ssyncadd.s32 $0xFFFFFFFF  }
0xc1: {  	_ =	strace $0x90000048  }
0xc2: {  	_ =	sfence  }
0xc3: {  	s30 =	sld [smem:$0x0];
	_ =	sdelay $0x2  }
0xc4: {  	s31 =	sshll.u32 s1, $0xD;
	s1 =	sshrl.u32 s1, $0x2  }
0xc5: {  	s3 =	sand.u32 $0x4000, s31;
	s1 =	sadd.s32 s1, s30  }
0xc6: {  	s0 =	sor.u32 s3, s0;
	s1 =	sshll.u32 s1, $0x11  }
0xc7: {  	s0 =	sor.u32 s1, s0  }
0xc8: {  	s0 =	sadd.s32 $0x8F2B, s0  }
0xc9: {  	[sflag:s0] =	ssyncadd.remote.s32 $0x1  }
0xca: {  	_ =	sfence.sel $0xFFFF  }
0xcb: {  	[dreg:$0x0] =	wrdreg $0xFFFFFFFF;
	(pc) =	sbr.abs _section_cstart, $3  }
0xcc: {  	[dreg:$0x1] =	wrdreg $0xFFFFFFFF  }
0xcd: {  	_ =	task.clear_ibuf [dreg:s11], $0x2FFFF;
	_ =	strace $0x9FFFFFFF  }
0xce: {  	(tm) =	ssettm $0x7FFFFFFF  }
0xcf: {  	_ =	shalt  }
tec
execute0_lowered:
.L_overlay_start_1:
0x0: {  	(tag) =	ssettag $0x1  }
0x1: {  	s0 =	rddreg [dreg:$0x0]  }
0x2: {  	s20 =	rddreg [dreg:$0x1]  }
0x3: {  	s21 =	rddreg [dreg:$0x2]  }
0x4: {  	s22 =	rddreg [dreg:$0x3]  }
0x5: {  	s23 =	rddreg [dreg:$0x4]  }
0x6: {  	s1 =	rddreg [dreg:$0x5]  }
0x7: {  	[dreg:$0x7] =	wrdreg s0  }
0x8: {  	[dreg:$0x8] =	wrdreg s20  }
0x9: {  	[dreg:$0x9] =	wrdreg s21  }
0xa: {  	s2 =	srdreg.scid;
	[dreg:$0xe] =	wrdreg s22  }
0xb: {  	s3 =	stileid.u32;
	s5 =	simm.s32 $0x900;
	[dreg:$0xd] =	wrdreg s1  }
0xc: {  	v0 =	vlaneseq.u32;
	s24 =	sadd.s32 $0xE00, s23;
	s25 =	sadd.s32 $0x1000, s23;
	s26 =	sadd.s32 $0x1200, s23  }
0xd: {  	s2 =	sand.u32 $0x1, s2;
	v1 =	vor.u32 $0x10, v0;
	_ =	strace $0x80000047;
	[dreg:$0xf] =	wrdreg s24  }
0xe: {  	s0 =	sadd.s32 $0x1400, s23;
	v62 =	vor.u32 $0x20, v0;
	[dreg:$0xa] =	wrdreg s25;
	s28 =	ssub.s32 $0x2, s2;
	[tilespmem:$0x1FFC0] =	vst v1  }
0xf: {  	s30 =	sshll.u32 s3, $0x1;
	v63 =	vor.u32 $0x30, v0;
	[dreg:$0xb] =	wrdreg s26;
	[tilespmem:$0x1FFD0] =	vst v62;
	s29 =	sshrl.u32 s28, $0x1  }
0x10: {  	v0 =	vadd.s32 $0x1, v0;
	[dreg:$0xc] =	wrdreg s0;
	s31 =	ssub.s32 $0x0, s2;
	[tilespmem:$0x1FFE0] =	vst v63;
	s0 =	ssub.s32 s28, s29  }
0x11: {  	v53 =	vimm.s32 $0x0;
	[tilespmem:$0x1FFF0] =	vst v0;
	s24 =	simm.s32 $0x400;
	p0 =	sne.s32 s30, s31;
	s2 =	smax.u32 s0, $0x1  }
.LBB2_1:
0x12: {  	s0 =	rddreg [dreg:$0x7];
	s1 =	simm.s32 $0x0;
	s3 =	simm.s32 $0x1  }
0x13: {  	[tilespmem:s1], [sflag:$0x1] =	stream.linear.gather [hbm4b:s0+s1], $0x380, $0x38;
	[tilespmem:$0x2380] =	vst v63  }
0x14: {  	_ =	swait.ge [sflag:s3], $0x380  }
0x15: {  	[sflag:s3] =	ssyncset.done $0x0  }
0x16: {  	[sflag:s3] =	ssyncadd.s32 $0xFFFFFC80  }
0x17: {  	v0 =	vld [tilespmem:$0x0]  }
0x18: {  	v2 =	vld [tilespmem:$0x80]  }
0x19: {  	v3 =	vld [tilespmem:$0x100]  }
0x1a: {  	v4 =	vld [tilespmem:$0x180]  }
0x1b: {  	v5 =	vld [tilespmem:$0x200]  }
0x1c: {  	v6 =	vld [tilespmem:$0x280]  }
0x1d: {  	v7 =	vld [tilespmem:$0x300];
	v8 =	vmax.f32 v0, v2  }
0x1e: {  	v8 =	vmax.f32 v8, v3  }
0x1f: {  	v8 =	vmax.f32 v8, v4  }
0x20: {  	v8 =	vmax.f32 v8, v5  }
0x21: {  	v8 =	vmax.f32 v8, v6  }
0x22: {  	v8 =	vmax.f32 v8, v7  }
0x23: {  	v0 =	vsub.f32 v0, v8  }
0x24: {  	v2 =	vsub.f32 v2, v8  }
0x25: {  	v0 =	vmul.f32 $1.442695020e+00, v0  }
0x26: {  	v3 =	vsub.f32 v3, v8;
	v2 =	vmul.f32 $1.442695020e+00, v2  }
0x27: {  	(erf) = vpow2.f32 v0  }
0x28: {  	v52 =	vsub.f32 v4, v8;
	v51 =	vmul.f32 $1.442695020e+00, v3;
	(erf) = vpow2.f32 v2;
	_ =	sdelay $0x1  }
0x29: {  	v55 =	vsub.f32 v5, v8;
	v54 =	vmul.f32 $1.442695020e+00, v52;
	(erf) = vpow2.f32 v51;
	_ =	sdelay $0x1  }
0x2a: {  	v57 =	vsub.f32 v6, v8;
	v56 =	vmul.f32 $1.442695020e+00, v55;
	(erf) = vpow2.f32 v54;
	_ =	sdelay $0x1  }
0x2b: {  	v60 =	vld [tilespmem:$0x10];
	v59 =	vsub.f32 v7, v8;
	v58 =	vmul.f32 $1.442695020e+00, v57;
	(erf) = vpow2.f32 v56  }
0x2c: {  	v62 =	vld [tilespmem:$0x90]  }
0x2d: {  	v63 =	vld [tilespmem:$0x110];
	v61 =	vmul.f32 $1.442695020e+00, v59;
	(erf) = vpow2.f32 v58;
	v17 =	vpop (erf)  }
0x2e: {  	v16 =	vld [tilespmem:$0x190];
	v18 =	vpop (erf)  }
0x2f: {  	v19 =	vld [tilespmem:$0x210];
	(erf) = vpow2.f32 v61;
	v15 =	vadd.f32 v18, v17  }
0x30: {  	v20 =	vld [tilespmem:$0x290];
	v8 =	vpop (erf)  }
0x31: {  	v10 =	vmax.f32 v60, v62;
	v0 =	vadd.f32 v15, v8  }
0x32: {  	v13 =	vld [tilespmem:$0x310];
	v10 =	vmax.f32 v10, v63;
	v9 =	vpop (erf)  }
0x33: {  	v10 =	vmax.f32 v10, v16;
	v0 =	vadd.f32 v0, v9  }
0x34: {  	v10 =	vmax.f32 v10, v19;
	v11 =	vpop (erf)  }
0x35: {  	v10 =	vmax.f32 v10, v20;
	v0 =	vadd.f32 v0, v11  }
0x36: {  	v12 =	vpop (erf)  }
0x37: {  	v14 =	vmax.f32 v10, v13;
	v0 =	vadd.f32 v0, v12  }
0x38: {  	v3 =	vsub.f32 v60, v14;
	v10 =	vpop (erf)  }
0x39: {  	v2 =	vsub.f32 v62, v14;
	v0 =	vadd.f32 v0, v10  }
0x3a: {  	v3 =	vmul.f32 $1.442695020e+00, v3  }
0x3b: {  	v22 =	vsub.f32 v63, v14;
	v21 =	vmul.f32 $1.442695020e+00, v2;
	(erf) = vrcp.f32 v0  }
0x3c: {  	(erf) = vpow2.f32 v3  }
0x3d: {  	v24 =	vsub.f32 v16, v14;
	v23 =	vmul.f32 $1.442695020e+00, v22;
	(erf) = vpow2.f32 v21;
	_ =	sdelay $0x1  }
0x3e: {  	v26 =	vsub.f32 v19, v14;
	v25 =	vmul.f32 $1.442695020e+00, v24;
	(erf) = vpow2.f32 v23;
	_ =	sdelay $0x1  }
0x3f: {  	v28 =	vsub.f32 v20, v14;
	v27 =	vmul.f32 $1.442695020e+00, v26;
	(erf) = vpow2.f32 v25;
	_ =	sdelay $0x1  }
0x40: {  	v31 =	vld [tilespmem:$0x20];
	v30 =	vsub.f32 v13, v14;
	v29 =	vmul.f32 $1.442695020e+00, v28;
	(erf) = vpow2.f32 v27  }
0x41: {  	v33 =	vld [tilespmem:$0xA0];
	v19 =	vpop (erf)  }
0x42: {  	v34 =	vld [tilespmem:$0x120];
	v32 =	vmul.f32 $1.442695020e+00, v30;
	(erf) = vpow2.f32 v29;
	v20 =	vpop (erf)  }
0x43: {  	v36 =	vld [tilespmem:$0x1A0];
	v13 =	vpop (erf)  }
0x44: {  	v37 =	vld [tilespmem:$0x220];
	(erf) = vpow2.f32 v32;
	v35 =	vadd.f32 v13, v20  }
0x45: {  	v38 =	vld [tilespmem:$0x2A0];
	v21 =	vpop (erf)  }
0x46: {  	v15 =	vmax.f32 v31, v33;
	v0 =	vadd.f32 v35, v21  }
0x47: {  	v22 =	vld [tilespmem:$0x320];
	v15 =	vmax.f32 v15, v34;
	v14 =	vpop (erf)  }
0x48: {  	v15 =	vmax.f32 v15, v36;
	v0 =	vadd.f32 v0, v14  }
0x49: {  	v16 =	vmax.f32 v15, v37;
	v23 =	vpop (erf)  }
0x4a: {  	v16 =	vmax.f32 v16, v38;
	v0 =	vadd.f32 v0, v23  }
0x4b: {  	v15 =	vpop (erf)  }
0x4c: {  	v24 =	vmax.f32 v16, v22;
	v0 =	vadd.f32 v0, v15  }
0x4d: {  	v3 =	vsub.f32 v31, v24;
	v16 =	vpop (erf)  }
0x4e: {  	v2 =	vsub.f32 v33, v24;
	v0 =	vadd.f32 v0, v16  }
0x4f: {  	v3 =	vmul.f32 $1.442695020e+00, v3  }
0x50: {  	v40 =	vsub.f32 v34, v24;
	v39 =	vmul.f32 $1.442695020e+00, v2;
	(erf) = vrcp.f32 v0  }
0x51: {  	(erf) = vpow2.f32 v3  }
0x52: {  	v42 =	vsub.f32 v36, v24;
	v41 =	vmul.f32 $1.442695020e+00, v40;
	(erf) = vpow2.f32 v39  }
0x53: {  	v49 =	vld [tilespmem:$0x30]  }
0x54: {  	v44 =	vsub.f32 v37, v24;
	v43 =	vmul.f32 $1.442695020e+00, v42;
	v25 =	vld [tilespmem:$0xB0];
	(erf) = vpow2.f32 v41  }
0x55: {  	v26 =	vld [tilespmem:$0x130]  }
0x56: {  	v45 =	vmul.f32 $1.442695020e+00, v44;
	v27 =	vld [tilespmem:$0x1B0];
	(erf) = vpow2.f32 v43  }
0x57: {  	v28 =	vld [tilespmem:$0x230];
	v46 =	vsub.f32 v38, v24;
	v48 =	vsub.f32 v22, v24  }
0x58: {  	v29 =	vld [tilespmem:$0x2B0];
	(erf) = vpow2.f32 v45  }
0x59: {  	v30 =	vld [tilespmem:$0x330];
	v47 =	vmul.f32 $1.442695020e+00, v46;
	v50 =	vmul.f32 $1.442695020e+00, v48;
	v52 =	vmax.f32 v49, v25;
	v22 =	vpop (erf)  }
0x5a: {  	v54 =	vmax.f32 v52, v26;
	v1 =	vmul.f32 v19, v17;
	v56 =	vmul.f32 v19, v18;
	v5 =	vpop (erf)  }
0x5b: {  	v34 =	vmul.f32 v19, v8;
	v4 =	vmax.f32 v54, v27;
	(erf) = vpow2.f32 v47;
	v7 =	vpop (erf)  }
0x5c: {  	v37 =	vmul.f32 v19, v11;
	v31 =	vmax.f32 v4, v28;
	v51 =	vadd.f32 v7, v5  }
0x5d: {  	v52 =	vmul.f32 v19, v10;
	(xrf2) =	vadd.scan.msk.f32 $0xffff, v1;
	v31 =	vmax.f32 v31, v29;
	(erf) = vpow2.f32 v50;
	v6 =	vpop (erf)  }
0x5e: {  	vm0 =	vgt.f32 v56, v1;
	v31 =	vmax.f32 v31, v30;
	v0 =	vadd.f32 v51, v6  }
0x5f: {  	v36 =	vsel vm0, v56, v1;
	v24 =	vsub.f32 v49, v31;
	v25 =	vsub.f32 v25, v31;
	v2 =	vpop (erf)  }
0x60: {  	v38 =	vmovc v34;
	v35 =	vmul.f32 v19, v9;
	v58 =	vsub.f32 v26, v31;
	v0 =	vadd.f32 v0, v2  }
0x61: {  	vm1 =	vgt.f32 v34, v36;
	v60 =	vsub.f32 v27, v31;
	v62 =	vsub.f32 v28, v31;
	v3 =	vpop (erf)  }
0x62: {  	v8 =	vsel vm1, v38, v36;
	v28 =	vsub.f32 v29, v31;
	v0 =	vadd.f32 v0, v3  }
0x63: {  	(xrf2) =	vadd.scan.msk.f32 $0xffff, v56;
	v40 =	vsub.f32 v30, v31;
	vm8 =	vgt.f32 v35, v8;
	v57 =	vmul.f32 $1.442695020e+00, v24  }
0x64: {  	(xrf2) =	vadd.scan.msk.f32 $0xffff, v34;
	v30 =	vimm.s32 $0x0;
	v59 =	vmul.f32 $1.442695020e+00, v25;
	v61 =	vmul.f32 $1.442695020e+00, v58;
	v4 =	vpop (erf)  }
0x65: {  	(xrf2) =	vadd.scan.msk.f32 $0xffff, v35;
	v63 =	vmul.f32 $1.442695020e+00, v60;
	v39 =	vmul.f32 v19, v12;
	v32 =	vadd.f32 v0, v4  }
0x66: {  	(xrf2) =	vadd.scan.msk.f32 $0xffff, v37;
	v8 =	vsel vm8, v35, v8;
	v29 =	vmul.f32 $1.442695020e+00, v62;
	v33 =	vmul.f32 $1.442695020e+00, v28;
	v0 =	vpop (erf)  }
0x67: {  	v11 =	vmul.f32 $1.442695020e+00, v40;
	vm9 =	vgt.f32 v37, v8;
	v48, _, _ =	vpop (xrf2);
	(xrf2) =	vadd.scan.msk.f32 $0xffff, v39;
	v55 =	vadd.f32 v32, v0  }
0x68: {  	v8 =	vsel vm9, v37, v8;
	(v2sf) =	vpush v48, $0xF;
	v44 =	vmul.f32 v22, v13  }
0x69: {  	v41 =	vsel vm0, $0x1, v53;
	v42 =	vmul.f32 v22, v20;
	(erf) = vrcp.f32 v55  }
0x6a: {  	[tilespmem:$0x1FD30] =	vst v1;
	v10 =	vsel vm1, $0x2, v41;
	vm10 =	vgt.f32 v39, v8;
	v50 =	vmovc v44;
	(erf) = vpow2.f32 v57  }
0x6b: {  	(xrf2) =	vadd.scan.msk.f32 $0xffff, v52;
	v45 =	vmul.f32 v22, v21;
	vm11 =	vgt.f32 v50, v42;
	(erf) = vpow2.f32 v59  }
0x6c: {  	[tilespmem:$0x1FD40] =	vst v56;
	v10 =	vsel vm8, $0x3, v10;
	v46 =	vsel vm10, v39, v8;
	v58 =	vsel vm11, v50, v42  }
0x6d: {  	v49 =	vmul.f32 v22, v14;
	(xrf2) =	vadd.scan.msk.f32 $0xffff, v42;
	vm12 =	vgt.f32 v45, v58;
	v51, _, _ =	vpop (xrf2);
	(erf) = vpow2.f32 v61  }
0x6e: {  	[tilespmem:$0x1FD70] =	vst v34;
	v10 =	vsel vm9, $0x4, v10;
	v56 =	vmul.f32 v22, v15;
	v15 =	vsel vm12, v45, v58;
	v55, _, _ =	vpop (xrf2)  }
0x6f: {  	v54 =	vmul.f32 v22, v23;
	(xrf2) =	vadd.scan.msk.f32 $0xffff, v44;
	vm13 =	vgt.f32 v49, v15;
	v57, _, _ =	vpop (xrf2);
	(erf) = vpow2.f32 v63  }
0x70: {  	[tilespmem:$0x1FDA0] =	vst v37;
	vm2 =	vgt.f32 v52, v46;
	v47 =	vsel vm10, $0x5, v10;
	v15 =	vsel vm13, v49, v15;
	v60, _, _ =	vpop (xrf2)  }
0x71: {  	[tilespmem:$0x1FD90] =	vst v35;
	v22 =	vmul.f32 v22, v16;
	vm14 =	vgt.f32 v54, v15;
	(erf) = vpow2.f32 v29;
	v61, _, _ =	vpop (xrf2)  }
0x72: {  	[tilespmem:$0x1FDB0] =	vst v39;
	v8 =	vsel vm2, $0x6, v47;
	(v2sf) =	vpush v51, $0xF;
	v15 =	vsel vm14, v54, v15;
	v9 =	vpop (erf)  }
0x73: {  	[tilespmem:$0x1FBF0] =	vst v46;
	vm15 =	vgt.f32 v56, v15;
	(v2sf) =	vpush v55, $0xF;
	(erf) = vpow2.f32 v33;
	v12 =	vpop (erf)  }
0x74: {  	[tilespmem:$0x1FDD0] =	vst v44;
	v58 =	vimm.s32 $0x0;
	v25 =	vsel vm15, v56, v15;
	(v2sf) =	vpush v57, $0xF;
	v17 =	vpop (erf)  }
0x75: {  	[tilespmem:$0x1FC00] =	vst v22;
	(v2sf) =	vpush v60, $0xF;
	v62, _, _ =	vpop (xrf2);
	(erf) = vpow2.f32 v11;
	v43 =	vadd.f32 v17, v12  }
0x76: {  	(xrf2) =	vadd.scan.msk.f32 $0xffff, v45;
	vm4 =	vgt.f32 v22, v25;
	v59 =	vimm.s32 $0x0;
	(v2sf) =	vpush v61, $0xF;
	v18 =	vpop (erf)  }
0x77: {  	(xrf2) =	vadd.scan.msk.f32 $0xffff, v49;
	v63 =	vsel vm11, $0x1, v53;
	(v2sf) =	vpush v62, $0xF;
	v1, _, _ =	vpop (xrf2);
	v11 =	vadd.f32 v43, v18  }
0x78: {  	(xrf2) =	vadd.scan.msk.f32 $0xffff, v54;
	v16 =	vsel vm2, $0xFFFFFFFF, v59;
	v14 =	vsel vm12, $0x2, v63;
	(v2sf) =	vpush v1, $0xF;
	v19 =	vpop (erf)  }
0x79: {  	(xrf2) =	vadd.scan.msk.f32 $0xffff, v56;
	v24, _, _ =	vpop (xrf2);
	v27 =	vmul.f32 v9, v5;
	v28 =	vmul.f32 v9, v7;
	v11 =	vadd.f32 v11, v19  }
0x7a: {  	(xrf2) =	vadd.scan.msk.f32 $0xffff, v22;
	v22 =	vimm.s32 $0x0;
	v23 =	vsel vm13, $0x3, v14;
	(v2sf) =	vpush v24, $0xF;
	v20 =	vpop (erf)  }
0x7b: {  	[tilespmem:$0x1FDC0] =	vst v42;
	v33 =	vmul.f32 v9, v6;
	vm5 =	vgt.f32 v28, v27;
	v11 =	vadd.f32 v11, v20  }
0x7c: {  	[tilespmem:$0x1FE10] =	vst v54;
	v24 =	vimm.s32 $0x0;
	v7 =	vsel vm4, $0xFFFFFFFF, v30;
	v35 =	vsel vm5, v28, v27;
	v13 =	vpop (erf)  }
0x7d: {  	[tilespmem:$0x1FDE0] =	vst v45;
	v36 =	vmul.f32 v9, v2;
	vm6 =	vgt.f32 v33, v35;
	v11 =	vadd.f32 v11, v13  }
0x7e: {  	[tilespmem:$0x1FDF0] =	vst v49;
	v37 =	vmul.f32 v9, v3;
	v40 =	vmul.f32 v9, v4;
	v39 =	vsel vm6, v33, v35;
	v10 =	vpop (erf)  }
0x7f: {  	[tilespmem:$0x1FE20] =	vst v56;
	v47 =	vmul.f32 v9, v0;
	vm7 =	vgt.f32 v36, v39;
	v11 =	vadd.f32 v11, v10  }
0x80: {  	[tilespmem:$0x1FC20] =	vst v25;
	v30 =	vimm.s32 $0x0;
	v38 =	vsel vm5, $0x1, v53;
	v3 =	vsel vm7, v36, v39  }
0x81: {  	[tilespmem:$0x1FBE0] =	vst v16;
	v26, _, _ =	vpop (xrf2);
	v2 =	vsel vm6, $0x2, v38;
	vm8 =	vgt.f32 v37, v3;
	(erf) = vrcp.f32 v11  }
0x82: {  	v51 =	vsel vm7, $0x3, v2;
	v54 =	vsel vm8, v37, v3;
	(v2sf) =	vpush v26, $0xF;
	[tilespmem:$0x1FE30] =	vst v27  }
0x83: {  	v35 =	vimm.s32 $0x0;
	v0 =	vsel vm8, $0x4, v51;
	vm10 =	vgt.f32 v40, v54;
	[tilespmem:$0x1FE50] =	vst v28  }
0x84: {  	v51 =	vsel vm10, v40, v54;
	v0 =	vsel vm10, $0x5, v0;
	v11 =	vsel vm14, $0x4, v23;
	[tilespmem:$0x880] =	vst v8  }
0x85: {  	vm12 =	vgt.f32 v47, v51;
	v29 =	vsel vm15, $0x5, v11;
	[tilespmem:$0x1FE90] =	vst v36;
	(xrf2) =	vadd.scan.msk.f32 $0xffff, v27;
	v11 =	vld [tilespmem:$0x880]  }
0x86: {  	v54 =	vimm.s32 $0x0;
	v2 =	vsel vm12, $0xFFFFFFFF, v58;
	[tilespmem:$0x1FEA0] =	vst v37;
	v14, _, _ =	vpop (xrf2);
	(xrf2) =	vadd.scan.msk.f32 $0xffff, v28  }
0x87: {  	v0 =	vsel vm12, $0x6, v0;
	[tilespmem:$0x1FC30] =	vst v2;
	(v2sf) =	vpush v14, $0xF;
	v31, _, _ =	vpop (xrf2);
	(xrf2) =	vadd.scan.msk.f32 $0xffff, v33  }
0x88: {  	[tilespmem:$0x8A0] =	vst v0;
	v5 =	vsel vm4, $0x6, v29;
	(v2sf) =	vpush v31, $0xF;
	v32, _, _ =	vpop (xrf2);
	(xrf2) =	vadd.scan.msk.f32 $0xffff, v36  }
0x89: {  	[tilespmem:$0x890] =	vst v5;
	v28 =	vimm.s32 $0x0;
	(v2sf) =	vpush v32, $0xF;
	v34, _, _ =	vpop (xrf2);
	(xrf2) =	vadd.scan.msk.f32 $0xffff, v37  }
0x8a: {  	v25 =	vld [tilespmem:$0x890];
	(v2sf) =	vpush v34, $0xF;
	(xrf2) =	vadd.scan.msk.f32 $0xffff, v40;
	vm5 =	veq.s32 v11, $0x0;
	vm6 =	veq.s32 v11, $0x1  }
0x8b: {  	vm7 =	veq.s32 v11, $0x2;
	vm8 =	veq.s32 v11, $0x3;
	(xrf2) =	vadd.scan.msk.f32 $0xffff, v47;
	v46 =	vsel vm5, $0x1, v53  }
0x8c: {  	vm10 =	veq.s32 v11, $0x5;
	v0 =	vsel vm6, $0xFFFFFFFF, v22;
	v44 =	vsel vm6, $0x1, v53;
	v41 =	vpop (erf);
	(xrf0) =	vadd.scan.msk.s32 $0xffff, v46  }
0x8d: {  	v27 =	vsel vm7, $0x1, v53;
	v49 =	vsel vm8, $0x1, v53;
	v42 =	vmul.f32 v41, v12;
	(xrf0) =	vadd.scan.msk.s32 $0xffff, v44  }
0x8e: {  	v50 =	vsel vm10, $0x1, v53;
	[tilespmem:$0x1FC80] =	vst v0;
	v43 =	vmul.f32 v41, v17;
	(xrf0) =	vadd.scan.msk.s32 $0xffff, v27  }
0x8f: {  	v0 =	vsel vm8, $0xFFFFFFFF, v28;
	vm8 =	veq.s32 v25, $0x1;
	v55 =	vmul.f32 v41, v18;
	(xrf2) =	vadd.scan.msk.f32 $0xffff, v42  }
0x90: {  	vm12 =	veq.s32 v25, $0x4;
	v57 =	vmul.f32 v41, v19;
	v61 =	vmul.f32 v41, v20;
	(xrf2) =	vadd.scan.msk.f32 $0xffff, v43  }
0x91: {  	v62 =	vmul.f32 v41, v13;
	v48 =	vmul.f32 v41, v10;
	vm9 =	vgt.f32 v43, v42;
	v60, _, _ =	vpop (xrf2);
	(xrf2) =	vadd.scan.msk.f32 $0xffff, v55  }
0x92: {  	v17 =	vimm.s32 $0x0;
	v20 =	vimm.s32 $0x0;
	v56 =	vsel vm9, v43, v42;
	(xrf2) =	vadd.scan.msk.f32 $0xffff, v57  }
0x93: {  	[tilespmem:$0x1FF10] =	vst v55;
	(v2sf) =	vpush v60, $0xF;
	v63, _, _ =	vpop (xrf2);
	vm11 =	vgt.f32 v55, v56;
	(xrf2) =	vadd.scan.msk.f32 $0xffff, v61  }
0x94: {  	s4 =	spop (v2sf);
	v10 =	vsel vm9, $0x1, v53;
	(v2sf) =	vpush v63, $0xF;
	v12, _, _ =	vpop (xrf2);
	v59 =	vsel vm11, v55, v56;
	(xrf2) =	vadd.scan.msk.f32 $0xffff, v62  }
0x95: {  	s6 =	spop (v2sf);
	vm9 =	veq.s32 v11, $0x4;
	(v2sf) =	vpush v12, $0xF;
	v13, _, _ =	vpop (xrf2);
	vm13 =	vgt.f32 v57, v59;
	(xrf2) =	vadd.scan.msk.f32 $0xffff, v48  }
0x96: {  	s7 =	spop (v2sf);
	[tilespmem:$0x1FF20] =	vst v57;
	v32 =	vsel vm9, $0x1, v53;
	v14, _, _ =	vpop (xrf2);
	(v2sf) =	vpush v13, $0xF;
	v2 =	vsel vm13, v57, v59  }
0x97: {  	s8 =	spop (v2sf);
	[tilespmem:$0x1FF50] =	vst v61;
	v4 =	vsel vm11, $0x2, v10;
	v16, _, _ =	vpop (xrf2);
	(v2sf) =	vpush v14, $0xF;
	vm14 =	vgt.f32 v61, v2  }
0x98: {  	s9 =	spop (v2sf);
	[tilespmem:$0x1FF70] =	vst v62;
	vm11 =	veq.s32 v11, $0x6;
	v18, _, _ =	vpop (xrf2);
	(v2sf) =	vpush v16, $0xF;
	v2 =	vsel vm14, v61, v2  }
0x99: {  	s10 =	spop (v2sf);
	(xrf0) =	vadd.scan.msk.s32 $0xffff, v49;
	v56 =	vsel vm8, $0x1, v53;
	(v2sf) =	vpush v18, $0xF;
	vm15 =	vgt.f32 v62, v2;
	v21, _, _ =	vpop (xrf2)  }
0x9a: {  	s11 =	spop (v2sf);
	(xrf0) =	vadd.scan.msk.s32 $0xffff, v32;
	v37 =	vsel vm11, $0x1, v53;
	v1 =	vsel vm15, v62, v2;
	v23, _, _ =	vpop (xrf2);
	(v2sf) =	vpush v21, $0xF  }
0x9b: {  	s12 =	spop (v2sf);
	(xrf0) =	vadd.scan.msk.s32 $0xffff, v50;
	v4 =	vsel vm13, $0x3, v4;
	vm4 =	vgt.f32 v48, v1;
	v26, _, _ =	vpop (xrf2);
	(v2sf) =	vpush v23, $0xF  }
0x9c: {  	s13 =	spop (v2sf);
	v15 =	vsel vm14, $0x4, v4;
	[tilespmem:$0x1FC50] =	vst v1;
	v1 =	vsel vm4, $0xFFFFFFFF, v17;
	v29, _, _ =	vpop (xrf2);
	(v2sf) =	vpush v26, $0xF  }
0x9d: {  	s14 =	spop (v2sf);
	v61 =	vsel vm12, $0x1, v53;
	[tilespmem:$0x1FC40] =	vst v1;
	v1 =	vsel vm5, $0xFFFFFFFF, v20;
	v31, _, _ =	vpop (xrf2);
	(v2sf) =	vpush v29, $0xF  }
0x9e: {  	s15 =	spop (v2sf);
	v3 =	vsel vm15, $0x5, v15;
	[tilespmem:$0x1FC60] =	vst v1;
	v1 =	vsel vm7, $0xFFFFFFFF, v24;
	v34, _, _ =	vpop (xrf2);
	(v2sf) =	vpush v31, $0xF  }
0x9f: {  	s16 =	spop (v2sf);
	[tilespmem:$0x1FC90] =	vst v1;
	v1 =	vsel vm9, $0xFFFFFFFF, v30;
	vm9 =	veq.s32 v25, $0x0;
	(v2sf) =	vpush v34, $0xF;
	v36, _, _ =	vpop (xrf2)  }
0xa0: {  	v58, _, _ =	vpop (xrf0);
	(xrf0) =	vadd.scan.msk.s32 $0xffff, v37;
	s17 =	spop (v2sf);
	vm7 =	veq.s32 v25, $0x2;
	v38 =	vsel vm9, $0x1, v53;
	(v2sf) =	vpush v36, $0xF  }
0xa1: {  	v39 =	vld [tilespmem:$0x8A0];
	v55, _, _ =	vpop (xrf0);
	s18 =	spop (v2sf);
	v57 =	vsel vm7, $0x1, v53;
	[tilespmem:$0x1FCC0] =	vst v1;
	(xrf0) =	vadd.scan.msk.s32 $0xffff, v38;
	(v2sf) =	vpush v58, $0xF  }
0xa2: {  	v59, _, _ =	vpop (xrf0);
	v1 =	vsel vm11, $0xFFFFFFFF, v35;
	vm11 =	veq.s32 v25, $0x3;
	s19 =	spop (v2sf);
	(xrf0) =	vadd.scan.msk.s32 $0xffff, v56;
	(v2sf) =	vpush v55, $0xF  }
0xa3: {  	v60, _, _ =	vpop (xrf0);
	vm15 =	veq.s32 v25, $0x5;
	v45 =	vsel vm11, $0x1, v53;
	s20 =	spop (v2sf);
	(xrf0) =	vadd.scan.msk.s32 $0xffff, v57;
	(v2sf) =	vpush v59, $0xF  }
0xa4: {  	v63, _, _ =	vpop (xrf0);
	v62 =	vsel vm15, $0x1, v53;
	[tilespmem:$0x1FD00] =	vst v1;
	s21 =	spop (v2sf);
	(xrf0) =	vadd.scan.msk.s32 $0xffff, v45;
	(v2sf) =	vpush v60, $0xF  }
0xa5: {  	v5, _, _ =	vpop (xrf0);
	v1 =	vsel vm12, $0xFFFFFFFF, v54;
	vm12 =	veq.s32 v25, $0x6;
	s22 =	spop (v2sf);
	(xrf0) =	vadd.scan.msk.s32 $0xffff, v61;
	(v2sf) =	vpush v63, $0xF  }
0xa6: {  	vm14 =	veq.s32 v39, $0x0;
	v4, _, _ =	vpop (xrf0);
	v6 =	vsel vm12, $0x1, v53;
	s25 =	spop (v2sf);
	(xrf0) =	vadd.scan.msk.s32 $0xffff, v62;
	(v2sf) =	vpush v5, $0xF  }
0xa7: {  	[tilespmem:$0x1FC10] =	vst v7;
	v7 =	vsel vm14, $0x1, v53;
	s26 =	spop (v2sf);
	v21, _, _ =	vpop (xrf0);
	(xrf0) =	vadd.scan.msk.s32 $0xffff, v6;
	(v2sf) =	vpush v4, $0xF  }
0xa8: {  	s28 =	spop (v2sf);
	v18, _, _ =	vpop (xrf0);
	(xrf0) =	vadd.scan.msk.s32 $0xffff, v7;
	(v2sf) =	vpush v21, $0xF  }
0xa9: {  	v17, _, _ =	vpop (xrf0);
	s29 =	spop (v2sf);
	(v2sf) =	vpush v18, $0xF  }
0xaa: {  	[tilespmem:$0x1FC70] =	vst v27;
	v27, _, _ =	vpop (xrf0);
	s30 =	spop (v2sf);
	(v2sf) =	vpush v17, $0xF  }
0xab: {  	v29, _, _ =	vpop (xrf0);
	s31 =	spop (v2sf);
	(v2sf) =	vpush v27, $0xF  }
0xac: {  	[dreg:$0x18] =	wrdreg s13;
	v22, _, _ =	vpop (xrf0);
	s13 =	spop (v2sf);
	(v2sf) =	vpush v29, $0xF  }
0xad: {  	[tilespmem:$0x1FE70] =	vst v33;
	[dreg:$0x12] =	wrdreg s7;
	v23, _, _ =	vpop (xrf0);
	s7 =	spop (v2sf);
	(v2sf) =	vpush v22, $0xF  }
0xae: {  	[tilespmem:$0x1FCA0] =	vst v0;
	v30, _, _ =	vpop (xrf0);
	(v2sf) =	vpush v23, $0xF;
	s3 =	spop (v2sf)  }
0xaf: {  	[dreg:$0x10] =	wrdreg s4;
	v33 =	vimm.s32 $0x0;
	[tilespmem:$0x1FEF0] =	vst v43;
	v19 =	vsel vm4, $0x6, v3;
	(v2sf) =	vpush v30, $0xF;
	s4 =	spop (v2sf)  }
0xb0: {  	v0 =	vsel vm10, $0xFFFFFFFF, v33;
	vm10 =	veq.s32 v39, $0x1;
	[tilespmem:$0x8B0] =	vst v19;
	s23 =	spop (v2sf)  }
0xb1: {  	[dreg:$0x11] =	wrdreg s6;
	vm6 =	veq.s32 v39, $0x2;
	v43 =	vsel vm10, $0x1, v53;
	[tilespmem:$0x1FD20] =	vst v45;
	v45 =	vld [tilespmem:$0x8B0];
	s6 =	spop (v2sf)  }
0xb2: {  	[dreg:$0x13] =	wrdreg s8;
	vm5 =	veq.s32 v39, $0x3;
	v35 =	vsel vm6, $0x1, v53;
	(xrf0) =	vadd.scan.msk.s32 $0xffff, v43;
	s8 =	spop (v2sf)  }
0xb3: {  	[dreg:$0x14] =	wrdreg s9;
	vm4 =	veq.s32 v39, $0x4;
	v34 =	vsel vm5, $0x1, v53;
	(xrf0) =	vadd.scan.msk.s32 $0xffff, v35;
	s9 =	spop (v2sf)  }
0xb4: {  	vm3 =	veq.s32 v39, $0x5;
	[dreg:$0x15] =	wrdreg s10;
	[tilespmem:$0x1FCB0] =	vst v32;
	v32 =	vsel vm4, $0x1, v53;
	(xrf0) =	vadd.scan.msk.s32 $0xffff, v34;
	s10 =	spop (v2sf)  }
0xb5: {  	v9 =	vimm.s32 $0x0;
	[dreg:$0x16] =	wrdreg s11;
	vm13 =	veq.s32 v39, $0x6;
	v31 =	vsel vm3, $0x1, v53;
	(xrf0) =	vadd.scan.msk.s32 $0xffff, v32;
	s11 =	spop (v2sf)  }
0xb6: {  	[tilespmem:$0x1FD60] =	vst v62;
	v62 =	vsel vm13, $0x1, v53;
	vm1 =	veq.s32 v45, $0x0;
	(xrf0) =	vadd.scan.msk.s32 $0xffff, v31;
	s1 =	spop (v2sf)  }
0xb7: {  	v8 =	vimm.s32 $0x0;
	[dreg:$0x17] =	wrdreg s12;
	[tilespmem:$0x1FCD0] =	vst v0;
	v10 =	vsel vm1, $0x1, v53;
	(xrf0) =	vadd.scan.msk.s32 $0xffff, v62;
	s12 =	spop (v2sf)  }
0xb8: {  	[tilespmem:$0x1FCE0] =	vst v37;
	[dreg:$0x1a] =	wrdreg s15;
	v0 =	vsel vm14, $0xFFFFFFFF, v8;
	(xrf0) =	vadd.scan.msk.s32 $0xffff, v10;
	v13, _, _ =	vpop (xrf0);
	s15 =	spop (v2sf)  }
0xb9: {  	v11 =	vimm.s32 $0x0;
	v12 =	vimm.s32 $0x0;
	[dreg:$0x1b] =	wrdreg s16;
	[tilespmem:$0x1FF30] =	vst v0;
	v0 =	vsel vm13, $0xFFFFFFFF, v9;
	v9, _, _ =	vpop (xrf0);
	s16 =	spop (v2sf)  }
0xba: {  	v14 =	vimm.s32 $0x0;
	v37 =	vsel vm14, $0xFFFFFFFF, v53;
	[dreg:$0x1c] =	wrdreg s17;
	[tilespmem:$0x1FD80] =	vst v6;
	v6, _, _ =	vpop (xrf0);
	(v2sf) =	vpush v13, $0xF;
	s17 =	spop (v2sf)  }
0xbb: {  	[dreg:$0x1d] =	wrdreg s18;
	[tilespmem:$0x1FE00] =	vst v0;
	vm0 =	veq.s32 v45, $0x3;
	v0 =	vsel vm1, $0xFFFFFFFF, v11;
	v3, _, _ =	vpop (xrf0);
	(v2sf) =	vpush v9, $0xF;
	s18 =	spop (v2sf)  }
0xbc: {  	[dreg:$0x1e] =	wrdreg s19;
	v54 =	vsel vm0, $0x1, v53;
	v20 =	vsel vm1, $0xFFFFFFFF, v53;
	v2, _, _ =	vpop (xrf0);
	(v2sf) =	vpush v6, $0xF;
	s19 =	spop (v2sf)  }
0xbd: {  	[dreg:$0x19] =	wrdreg s14;
	[tilespmem:$0x1FFA0] =	vst v0;
	v0 =	vsel vm0, $0xFFFFFFFF, v12;
	vm0 =	veq.s32 v45, $0x4;
	v19, _, _ =	vpop (xrf0);
	(v2sf) =	vpush v3, $0xF;
	s14 =	spop (v2sf)  }
0xbe: {  	[dreg:$0x1f] =	wrdreg s20;
	[tilespmem:$0x1FE40] =	vst v0;
	v0 =	vsel vm0, $0xFFFFFFFF, v14;
	v30 =	vadd.s32 v37, v30;
	v36, _, _ =	vpop (xrf0);
	(v2sf) =	vpush v2, $0xF;
	s0 =	sadd.s32 s23, s12;
	s20 =	spop (v2sf)  }
0xbf: {  	v14 =	vld [tilespmem:$0x1FBE0];
	(v2sf) =	vpush v19, $0xF;
	v16 =	vadd.s32 s0, v30;
	v30 =	vadd.s32 v20, v36;
	s10 =	sadd.s32 s10, s18;
	s18 =	sadd.s32 s0, s20  }
0xc0: {  	(v2sf) =	vpush v36, $0xF;
	v36 =	vadd.s32 s18, v30;
	v30 =	vld [tilespmem:$0x1FC10]  }
0xc1: {  	v20 =	vld [tilespmem:$0x1FBF0];
	_ =	sdelay $0x1  }
0xc2: {  	[tilespmem:$0x1FEE0] =	vst v42;
	v15 =	vimm.s32 $0x0;
	v42 =	vsel vm0, $0x1, v53;
	vm0 =	veq.s32 v45, $0x5  }
0xc3: {  	[tilespmem:$0x1FE60] =	vst v0;
	v0 =	vsel vm0, $0xFFFFFFFF, v15;
	v41 =	vsel vm0, $0x1, v53;
	vm0 =	vnez.u8 v14;
	v14 =	vld [tilespmem:$0x1FC00]  }
0xc4: {  	vm1 =	vnez.u8 v30;
	v30 =	vld [tilespmem:$0x1FC30]  }
0xc5: {  	[tilespmem:$0x1FE80] =	vst v0;
	v0 =	vsel vm0, v52, v20;
	v20 =	vld [tilespmem:$0x1FC20];
	_ =	sdelay $0x3  }
0xc6: {  	vm14 =	vnez.u8 v30  }
0xc7: {  	[tilespmem:$0x1FD10] =	vst v1;
	v1 =	vsel vm1, v14, v20;
	v20 =	vsel vm14, v47, v51;
	v51 =	vld [tilespmem:$0x1FC40];
	_ =	sdelay $0x1  }
0xc8: {  	vm2 =	veq.s32 v45, $0x1  }
0xc9: {  	vm13 =	veq.s32 v45, $0x2;
	v33 =	vsel vm2, $0x1, v53  }
0xca: {  	[tilespmem:$0x1FD50] =	vst v61;
	v61 =	vsel vm13, $0x1, v53;
	(xrf0) =	vadd.scan.msk.s32 $0xffff, v33  }
0xcb: {  	(xrf0) =	vadd.scan.msk.s32 $0xffff, v61;
	vm14 =	vnez.u8 v51;
	v51 =	vld [tilespmem:$0x1FC50]  }
0xcc: {  	(xrf0) =	vadd.scan.msk.s32 $0xffff, v54  }
0xcd: {  	(xrf0) =	vadd.scan.msk.s32 $0xffff, v42  }
0xce: {  	(xrf0) =	vadd.scan.msk.s32 $0xffff, v41;
	_ =	sdelay $0x1  }
0xcf: {  	[tilespmem:$0x1FF90] =	vst v48;
	v7, _, _ =	vpop (xrf0);
	v30 =	vmov v47;
	v47 =	vsel vm14, v48, v51;
	v48 =	vld [tilespmem:$0x1FC60]  }
0xd0: {  	v24, _, _ =	vpop (xrf0);
	(v2sf) =	vpush v7, $0xF  }
0xd1: {  	v25, _, _ =	vpop (xrf0);
	(v2sf) =	vpush v24, $0xF  }
0xd2: {  	v26, _, _ =	vpop (xrf0);
	(v2sf) =	vpush v25, $0xF  }
0xd3: {  	v28, _, _ =	vpop (xrf0);
	(v2sf) =	vpush v26, $0xF  }
0xd4: {  	(v2sf) =	vpush v28, $0xF;
	vm14 =	vnez.u8 v48;
	v48 =	vld [tilespmem:$0x1FC80];
	_ =	sdelay $0x3  }
0xd5: {  	v46 =	vsub.s32 v58, v46;
	[smem:$0x7FC] =	sst s21;
	s21 =	spop (v2sf)  }
0xd6: {  	[smem:$0x7FD] =	sst s22;
	s22 =	spop (v2sf);
	v46 =	vnsel vm14, $0x0, v46;
	vm14 =	vnez.u8 v48;
	v48 =	vld [tilespmem:$0x1FC90]  }
0xd7: {  	s6 =	sadd.s32 s6, s15;
	s15 =	spop (v2sf)  }
0xd8: {  	[tilespmem:$0x1FEC0] =	vst v40;
	s8 =	sadd.s32 s8, s16;
	s16 =	spop (v2sf)  }
0xd9: {  	[tilespmem:$0x1FF40] =	vst v16;
	s9 =	sadd.s32 s9, s17;
	s20 =	sadd.s32 s8, s22;
	s23 =	spop (v2sf)  }
0xda: {  	v44 =	vsub.s32 v55, v44;
	s17 =	sadd.s32 s11, s19;
	[tilespmem:$0x1FFB0] =	vst v36;
	s15 =	sadd.s32 s9, s15;
	v37 =	vmov s20;
	s12 =	spop (v2sf);
	v51 =	vld [tilespmem:$0x1FC70]  }
0xdb: {  	s19 =	sadd.s32 s6, s21;
	s16 =	sadd.s32 s10, s16;
	[tilespmem:$0x1FEB0] =	vst v37;
	v38 =	vmov s15;
	s21 =	spop (v2sf);
	v44 =	vnsel vm14, $0x0, v44;
	vm14 =	vnez.u8 v48;
	v48 =	vld [tilespmem:$0x1FCA0]  }
0xdc: {  	s22 =	sadd.s32 s17, s23;
	[tilespmem:$0x1FF00] =	vst v38;
	v39 =	vmov s16;
	s23 =	spop (v2sf)  }
0xdd: {  	[tilespmem:$0x1FF60] =	vst v39;
	v40 =	vmov s22;
	s0 =	sadd.s32 s19, s23;
	s23 =	spop (v2sf)  }
0xde: {  	v12 =	vmov s9;
	[tilespmem:$0x1FF80] =	vst v40;
	s9 =	spop (v2sf)  }
0xdf: {  	v10 =	vmov s17;
	s17 =	spop (v2sf);
	[tilespmem:$0x1FED0] =	vst v47;
	v47 =	vsub.s32 v59, v51;
	v51 =	vld [tilespmem:$0x1FCC0]  }
0xe0: {  	v16 =	vmov s19;
	s19 =	spop (v2sf);
	v47 =	vnsel vm14, $0x0, v47;
	vm14 =	vnez.u8 v48;
	v48 =	vld [tilespmem:$0x1FCB0];
	[tilespmem:$0x1FCF0] =	vst v0  }
0xe1: {  	v0 =	vld [tilespmem:$0x1FCD0];
	_ =	sdelay $0x2  }
0xe2: {  	v49 =	vsub.s32 v60, v49  }
0xe3: {  	v49 =	vnsel vm14, $0x0, v49;
	vm14 =	vnez.u8 v51;
	v48 =	vsub.s32 v63, v48  }
0xe4: {  	v48 =	vnsel vm14, $0x0, v48;
	vm14 =	vnez.u8 v0;
	v0 =	vld [tilespmem:$0x1FCF0];
	_ =	sdelay $0x2  }
0xe5: {  	v58 =	vbroadcast v58, $0xF  }
0xe6: {  	v51 =	vsel vm9, $0xFFFFFFFF, v53  }
0xe7: {  	v51 =	vadd.s32 v51, v58;
	v58 =	vld [tilespmem:$0x1FCE0];
	[tilespmem:$0x1FCF0] =	vst v0  }
0xe8: {  	v0 =	vld [tilespmem:$0x1FD00];
	_ =	sdelay $0x3  }
0xe9: {  	v50 =	vsub.s32 v5, v50;
	v59 =	vbroadcast v59, $0xF;
	v21 =	vadd.s32 v21, v51  }
0xea: {  	v51 =	vbroadcast v55, $0xF;
	v50 =	vnsel vm14, $0x0, v50;
	vm14 =	vnez.u8 v0;
	v0 =	vld [tilespmem:$0x1FCF0]  }
0xeb: {  	v18 =	vsub.s32 v18, v56;
	v17 =	vsub.s32 v17, v57;
	v55 =	vld [tilespmem:$0x1FD10]  }
0xec: {  	v57 =	vnsel vm7, $0x0, v59;
	v59 =	vbroadcast v60, $0xF;
	v51 =	vnsel vm8, $0x0, v51;
	v56 =	vld [tilespmem:$0x1FD20]  }
0xed: {  	v44 =	vadd.s32 v44, v46;
	v46 =	vadd.s32 v51, v57;
	v57 =	vld [tilespmem:$0x1FD30]  }
0xee: {  	v5 =	vbroadcast v5, $0xF;
	v60 =	vbroadcast v63, $0xF;
	v63 =	vnsel vm11, $0x0, v59;
	v59 =	vld [tilespmem:$0x1FD40]  }
0xef: {  	v46 =	vadd.s32 v63, v46;
	v63 =	vld [tilespmem:$0x1FD60]  }
0xf0: {  	v5 =	vnsel vm15, $0x0, v5;
	[tilespmem:$0x700] =	vst v52;
	v52 =	vnsel vm5, $0x0, v12;
	v12 =	vld [tilespmem:$0x1FDF0]  }
0xf1: {  	v18 =	vnsel vm8, $0x0, v18;
	v13 =	vsub.s32 v13, v43;
	v9 =	vsub.s32 v9, v35;
	v35 =	vld [tilespmem:$0x1FE30]  }
0xf2: {  	v17 =	vnsel vm7, $0x0, v17;
	v13 =	vnsel vm10, $0x0, v13;
	v6 =	vsub.s32 v6, v34;
	v43 =	vld [tilespmem:$0x1FE40]  }
0xf3: {  	v9 =	vnsel vm6, $0x0, v9;
	v3 =	vsub.s32 v3, v32;
	vm0 =	veq.s32 v45, $0x6;
	v45 =	vld [tilespmem:$0x1FE50]  }
0xf4: {  	v9 =	vadd.s32 v13, v9;
	v6 =	vnsel vm5, $0x0, v6;
	v2 =	vsub.s32 v2, v31;
	v13 =	vld [tilespmem:$0x1FF00]  }
0xf5: {  	v3 =	vnsel vm4, $0x0, v3;
	v2 =	vnsel vm3, $0x0, v2;
	v34 =	vsub.s32 v25, v54;
	[tilespmem:$0x820] =	vst v20;
	v20 =	vld [tilespmem:$0x1FF50]  }
0xf6: {  	v42 =	vsub.s32 v26, v42;
	v15 =	vmov s6;
	v44 =	vadd.s32 v47, v44;
	v26 =	vld [tilespmem:$0x1FF90]  }
0xf7: {  	v11 =	vmov s8;
	v15 =	vnsel vm10, $0x0, v15;
	s11 =	sadd.s32 s18, s21;
	v44 =	vadd.s32 v49, v44;
	[tilespmem:$0x720] =	vst v30;
	v30 =	vld [tilespmem:$0x1FFA0]  }
0xf8: {  	v8 =	vmov s10;
	s6 =	sadd.s32 s20, s23;
	s21 =	sadd.s32 s0, s11;
	[tilespmem:$0x800] =	vst v0;
	v0 =	vsub.s32 v27, v56;
	v27 =	vadd.s32 v48, v44;
	v44 =	vld [tilespmem:$0x1FD80]  }
0xf9: {  	v11 =	vnsel vm6, $0x0, v11;
	v8 =	vnsel vm4, $0x0, v8;
	v10 =	vnsel vm3, $0x0, v10;
	s8 =	sadd.s32 s15, s9;
	s18 =	sadd.s32 s6, s21;
	v48 =	vld [tilespmem:$0x1FDB0]  }
0xfa: {  	v40 =	vmov s21;
	s9 =	sadd.s32 s16, s17;
	s20 =	sadd.s32 s8, s18;
	v21 =	vnsel vm9, $0x0, v21;
	vm9 =	vnez.u8 v55;
	v55 =	vld [tilespmem:$0x1FDC0]  }
0xfb: {  	v39 =	vmov s18;
	s10 =	sadd.s32 s22, s19;
	s22 =	sadd.s32 s9, s20;
	v58 =	vsub.s32 v4, v58;
	v4 =	vbroadcast v4, $0xF;
	v56 =	vld [tilespmem:$0x1FDD0]  }
0xfc: {  	s23 =	sadd.s32 s10, s22;
	v22 =	vsub.s32 v22, v63;
	v63 =	vnsel vm2, $0x0, v16;
	v16 =	vsub.s32 v19, v62;
	v19 =	vld [tilespmem:$0x1FE00]  }
0xfd: {  	v38 =	vmov s20;
	v37 =	vmov s22;
	v36 =	vmov s23;
	[tilespmem:$0x400] =	vst v57;
	v62 =	vld [tilespmem:$0x1FEE0]  }
0xfe: {  	v4 =	vnsel vm12, $0x0, v4;
	v58 =	vnsel vm14, $0x0, v58;
	v57 =	vadd.s32 v6, v9;
	[tilespmem:$0x590] =	vst v12;
	v12 =	vld [tilespmem:$0x1FEF0]  }
0xff: {  	[tilespmem:$0x480] =	vst v59;
	v59 =	vsub.s32 v7, v33;
	v33 =	vsub.s32 v24, v61;
	v24 =	vld [tilespmem:$0x1FF80];
	v47 =	vnsel vm9, $0x0, v60  }
0x100: {  	[tilespmem:$0x810] =	vst v1;
	vm14 =	vnez.u8 v43;
	vm5 =	vnez.u8 v30;
	v60 =	vld [tilespmem:$0x1FD50];
	v46 =	vadd.s32 v47, v46  }
0x101: {  	[tilespmem:$0x710] =	vst v14;
	v0 =	vnsel vm11, $0x0, v0;
	v49 =	vnsel vm15, $0x0, v22;
	v22 =	vld [tilespmem:$0x1FE10];
	v5 =	vadd.s32 v5, v46  }
0x102: {  	[tilespmem:$0x420] =	vst v35;
	v6 =	vnsel vm2, $0x0, v59;
	v3 =	vadd.s32 v3, v57;
	v57 =	vld [tilespmem:$0x1FEC0];
	v4 =	vadd.s32 v4, v5  }
0x103: {  	[tilespmem:$0x4A0] =	vst v45;
	v1 =	vnsel vm14, $0x0, v34;
	v47 =	vld [tilespmem:$0x1FDA0];
	v2 =	vadd.s32 v2, v3;
	v4 =	vadd.s32 v18, v4  }
0x104: {  	[tilespmem:$0x630] =	vst v20;
	v46 =	vld [tilespmem:$0x1FD90];
	v18 =	vsub.s32 v23, v44;
	vm2 =	vnez.u8 v19;
	v23 =	vadd.s32 v50, v27  }
0x105: {  	s1 =	sadd.s32 s1, s14;
	[tilespmem:$0x730] =	vst v26;
	v44 =	vld [tilespmem:$0x880];
	v5 =	vsub.s32 v29, v60;
	v4 =	vadd.s32 v17, v4;
	v51 =	vnsel vm12, $0x0, v18  }
0x106: {  	[tilespmem:$0x680] =	vst v48;
	v50 =	vld [tilespmem:$0x1FE80];
	v18 =	vsel vm0, $0x1, v53;
	v3 =	vnsel vm2, $0x0, v16;
	v16 =	vmov s1  }
0x107: {  	[tilespmem:$0x490] =	vst v56;
	v27 =	vld [tilespmem:$0x1FE20];
	v5 =	vnsel vm9, $0x0, v5;
	v0 =	vadd.s32 v0, v4;
	v2 =	vadd.s32 v3, v2  }
0x108: {  	v29 =	vld [tilespmem:$0x1FD70];
	[tilespmem:$0x600] =	vst v47;
	v7 =	vnsel vm2, $0x0, v16;
	v0 =	vadd.s32 v5, v0;
	v2 =	vadd.s32 v15, v2  }
0x109: {  	v56 =	vld [tilespmem:$0x1FEB0];
	(xrf0) =	vadd.scan.msk.s32 $0xffff, v18;
	v0 =	vadd.s32 v49, v0;
	v32 =	vadd.s32 v11, v2;
	v2 =	vnsel vm13, $0x0, v33  }
0x10a: {  	v47 =	vld [tilespmem:$0x1FE60];
	[tilespmem:$0x580] =	vst v46;
	v46 =	vsub.s32 v28, v41;
	v0 =	vadd.s32 v51, v0;
	v2 =	vadd.s32 v6, v2  }
0x10b: {  	[tilespmem:$0x410] =	vst v55;
	v19 =	vld [tilespmem:$0x1FF40];
	s1 =	sadd.s32 s1, s12;
	vm8 =	vnez.u8 v50;
	vm9 =	veq.s32 v44, $0x1;
	vm10 =	veq.s32 v44, $0x2  }
0x10c: {  	v60 =	vld [tilespmem:$0x1FDE0];
	[tilespmem:$0x690] =	vst v27;
	vm11 =	veq.s32 v44, $0x3;
	vm12 =	veq.s32 v44, $0x4;
	v27 =	vmov s1  }
0x10d: {  	v17 =	vld [tilespmem:$0x1FF20];
	[tilespmem:$0x500] =	vst v29;
	v29 =	vadd.s32 v58, v23;
	v31 =	vadd.s32 v21, v0;
	v0 =	vadd.s32 v52, v32  }
0x10e: {  	[tilespmem:$0x430] =	vst v62;
	v15 =	vld [tilespmem:$0x1FF10];
	v1 =	vadd.s32 v1, v2;
	v61 =	vnsel vm10, $0x0, v40;
	v14 =	vnsel vm12, $0x0, v38  }
0x10f: {  	[tilespmem:$0x4B0] =	vst v12;
	v49 =	vld [tilespmem:$0x1FE70];
	v11 =	vnsel vm8, $0x0, v24;
	vm15 =	vnez.u8 v47;
	v0 =	vadd.s32 v8, v0  }
0x110: {  	[tilespmem:$0x610] =	vst v22;
	v51 =	vld [tilespmem:$0x1FE90];
	v9 =	vnsel vm15, $0x0, v42;
	v48, _, _ =	vpop (xrf0);
	v54 =	vadd.s32 v10, v0;
	v0 =	vmov s11  }
0x111: {  	[tilespmem:$0x6A0] =	vst v57;
	v21 =	vld [tilespmem:$0x1FF60];
	v1 =	vadd.s32 v9, v1;
	v9 =	vnsel vm8, $0x0, v46;
	v4 =	vsub.s32 v48, v18  }
0x112: {  	[tilespmem:$0x510] =	vst v60;
	v52 =	vld [tilespmem:$0x1FEA0];
	v59 =	vnsel vm9, $0x0, v0;
	v28 =	vadd.s32 v7, v54;
	v1 =	vadd.s32 v9, v1  }
0x113: {  	v60 =	vld [tilespmem:$0x1FED0];
	[tilespmem:$0x5B0] =	vst v17;
	v4 =	vnsel vm0, $0x0, v4;
	v9 =	vnsel vm14, $0x0, v13;
	vm14 =	veq.s32 v44, $0x5  }
0x114: {  	[tilespmem:$0x980] =	vst v29;
	v18 =	vld [tilespmem:$0x1FF30];
	v55 =	vadd.s32 v4, v1;
	v1 =	vnsel vm13, $0x0, v56;
	v4 =	vadd.s32 v29, v59  }
0x115: {  	v23 =	vld [tilespmem:$0x1FF70];
	[tilespmem:$0x990] =	vst v31;
	v58 =	vadd.s32 v63, v55;
	v4 =	vadd.s32 v61, v4;
	v63 =	vnsel vm11, $0x0, v39  }
0x116: {  	v31 =	vld [tilespmem:$0x1FFB0];
	[tilespmem:$0x530] =	vst v15;
	v10 =	vnsel vm15, $0x0, v21;
	vm15 =	veq.s32 v44, $0x6;
	v4 =	vadd.s32 v63, v4  }
0x117: {  	[tilespmem:$0x520] =	vst v49;
	v22 =	vnsel vm14, $0x0, v37;
	v1 =	vadd.s32 v1, v58;
	v4 =	vadd.s32 v14, v4  }
0x118: {  	[tilespmem:$0x5A0] =	vst v51;
	v25 =	vnsel vm15, $0x0, v36;
	v1 =	vadd.s32 v9, v1;
	v4 =	vadd.s32 v22, v4  }
0x119: {  	[tilespmem:$0x620] =	vst v52;
	vm13 =	vnez.u8 v18;
	v1 =	vadd.s32 v10, v1;
	v4 =	vadd.s32 v25, v4  }
0x11a: {  	[tilespmem:$0x830] =	vst v60;
	v29 =	vnsel vm0, $0x0, v27;
	v9 =	vnsel vm13, $0x0, v19;
	v1 =	vadd.s32 v11, v1  }
0x11b: {  	[tilespmem:$0x6B0] =	vst v23;
	v5 =	vnsel vm5, $0x0, v31;
	v3 =	vadd.s32 v9, v28;
	v1 =	vadd.s32 v29, v1  }
0x11c: {  	[tilespmem:$0x9A0] =	vst v3;
	v1 =	vadd.s32 v5, v1  }
0x11d: {  	v13 =	vlaneseq.u32;
	[tilespmem:$0x9B0] =	vst v1  }
0x11e: {  	(v2sf) =	vpush v48, $0xF;
	[tilespmem:v4+s5+$0x0] =	vst.idx.msk $0xffff, v13  }
0x11f: {  	v32 =	vld [tilespmem:$0x890];
	_ =	sdelay $0x1  }
0x120: {  	v33 =	vld [tilespmem:$0x990];
	_ =	sdelay $0x2  }
0x121: {  	vm6 =	veq.s32 v32, $0x1  }
0x122: {  	vm7 =	veq.s32 v32, $0x2;
	v34 =	vnsel vm6, $0x0, v0  }
0x123: {  	vm8 =	veq.s32 v32, $0x3;
	v35 =	vnsel vm7, $0x0, v40;
	v3 =	vadd.s32 v33, v34  }
0x124: {  	vm9 =	veq.s32 v32, $0x4;
	v41 =	vnsel vm8, $0x0, v39;
	v3 =	vadd.s32 v35, v3  }
0x125: {  	vm10 =	veq.s32 v32, $0x5;
	v42 =	vnsel vm9, $0x0, v38;
	v3 =	vadd.s32 v41, v3  }
0x126: {  	vm11 =	veq.s32 v32, $0x6;
	v43 =	vnsel vm10, $0x0, v37;
	v44 =	vadd.s32 v42, v3  }
0x127: {  	s17 =	sadd.s32 $0xF, s0;
	s18 =	sadd.s32 $0xF, s6;
	s11 =	sadd.s32 $0xF, s11;
	v46 =	vld [tilespmem:$0x1FFC0];
	v45 =	vnsel vm11, $0x0, v36;
	v1 =	vadd.s32 v43, v44  }
0x128: {  	s14 =	sshrl.u32 s18, $0x4;
	s12 =	sshrl.u32 s17, $0x4;
	s11 =	sshrl.u32 s11, $0x4;
	v63 =	vld [tilespmem:$0x1FFF0];
	v1 =	vadd.s32 v45, v1  }
0x129: {  	s19 =	sadd.s32 $0xF, s8;
	s20 =	sadd.s32 $0xF, s9;
	s12 =	sadd.s32 s12, s11  }
0x12a: {  	s15 =	sshrl.u32 s19, $0x4;
	s14 =	sadd.s32 s14, s12;
	s16 =	spop (v2sf)  }
0x12b: {  	v56 =	vmov s11;
	s15 =	sadd.s32 s15, s14;
	s1 =	sadd.s32 s1, s16;
	s16 =	sshrl.u32 s20, $0x4  }
0x12c: {  	v57 =	vmov s12;
	v58 =	vmov s14;
	v59 =	vmov s15;
	s16 =	sadd.s32 s16, s15  }
0x12d: {  	v60 =	vmov s16;
	vm7 =	vlt.u32 v56, v63;
	vm8 =	vlt.u32 v57, v63;
	[tilespmem:v1+s5+$0x0] =	vst.idx.msk $0xffff, v46  }
0x12e: {  	s21 =	sadd.s32 $0xF, s10;
	vm9 =	vlt.u32 v58, v63;
	v15 =	vsel vm7, $0x1, v53;
	v16 =	vsel vm8, $0x1, v53;
	v1 =	vld [tilespmem:$0x8A0]  }
0x12f: {  	s17 =	sshrl.u32 s21, $0x4;
	s22 =	sadd.s32 $0xF, s1;
	vm10 =	vlt.u32 v59, v63;
	v18 =	vsel vm9, $0x1, v53;
	v9 =	vadd.s32 v15, v16  }
0x130: {  	s23 =	sshrl.u32 s22, $0x4;
	s17 =	sadd.s32 s17, s16;
	vm11 =	vlt.u32 v60, v63;
	v19 =	vsel vm10, $0x1, v53;
	v9 =	vadd.s32 v18, v9  }
0x131: {  	s11 =	sadd.s32 s23, s17;
	v20 =	vsel vm11, $0x1, v53;
	v9 =	vadd.s32 v19, v9;
	v2 =	vld [tilespmem:$0x9A0]  }
0x132: {  	v61 =	vmov s17;
	v62 =	vmov s11;
	v9 =	vadd.s32 v20, v9  }
0x133: {  	vm12 =	veq.s32 v1, $0x1;
	vm13 =	veq.s32 v1, $0x2;
	vm14 =	veq.s32 v1, $0x3  }
0x134: {  	vm15 =	veq.s32 v1, $0x4;
	vm4 =	veq.s32 v1, $0x5;
	vm5 =	veq.s32 v1, $0x6  }
0x135: {  	v47 =	vnsel vm12, $0x0, v0;
	v48 =	vnsel vm13, $0x0, v40;
	v49 =	vnsel vm14, $0x0, v39  }
0x136: {  	v50 =	vnsel vm15, $0x0, v38;
	v51 =	vnsel vm4, $0x0, v37;
	v2 =	vadd.s32 v2, v47  }
0x137: {  	v54 =	vnsel vm5, $0x0, v36;
	vm12 =	vlt.s32 v61, v63;
	v2 =	vadd.s32 v48, v2  }
0x138: {  	vm13 =	vlt.s32 v62, v63;
	v21 =	vsel vm12, $0x1, v53;
	v2 =	vadd.s32 v49, v2  }
0x139: {  	v23 =	vsel vm13, $0x1, v53;
	v9 =	vadd.s32 v21, v9;
	v52 =	vadd.s32 v50, v2  }
0x13a: {  	vm15 =	vgt.s32 v62, v13;
	v9 =	vadd.s32 v23, v9;
	v1 =	vadd.s32 v51, v52  }
0x13b: {  	v55 =	vld [tilespmem:$0x1FFD0];
	v9 =	vnsel vm15, $0x6, v9;
	v1 =	vadd.s32 v54, v1  }
0x13c: {  	v3 =	vsub.s32 v13, v57;
	vm2 =	veq.s32 v9, $0x1  }
0x13d: {  	vm1 =	veq.s32 v9, $0x2;
	vm0 =	veq.s32 v9, $0x3;
	vm9 =	veq.s32 v9, $0x4  }
0x13e: {  	vm10 =	veq.s32 v9, $0x5;
	vm11 =	veq.s32 v9, $0x6;
	v26 =	vnsel vm2, $0x0, v0  }
0x13f: {  	v27 =	vnsel vm1, $0x0, v40;
	v2 =	vnsel vm2, $0x0, v56;
	v4 =	vnsel vm0, $0x0, v58  }
0x140: {  	v28 =	vnsel vm0, $0x0, v39;
	v5 =	vnsel vm9, $0x0, v59;
	v2 =	vadd.s32 v4, v2;
	[tilespmem:v1+s5+$0x0] =	vst.idx.msk $0xffff, v55  }
0x141: {  	v30 =	vnsel vm9, $0x0, v38;
	v31 =	vnsel vm10, $0x0, v60;
	v2 =	vadd.s32 v5, v2;
	v1 =	vld [tilespmem:$0x8B0]  }
0x142: {  	v33 =	vnsel vm11, $0x0, v61;
	v10 =	vadd.s32 v27, v26;
	v2 =	vadd.s32 v31, v2  }
0x143: {  	v3 =	vsel vm1, v3, v13;
	v10 =	vadd.s32 v28, v10;
	v2 =	vadd.s32 v33, v2;
	v17 =	vld [tilespmem:$0x9B0]  }
0x144: {  	v35 =	vnsel vm10, $0x0, v37;
	v32 =	vadd.s32 v30, v10;
	v2 =	vsub.s32 v3, v2  }
0x145: {  	v6 =	vsel vm15, $0x1, v53;
	v5 =	vadd.s32 v35, v32;
	v2 =	vshll.u32 v2, $0x4  }
0x146: {  	vm6 =	veq.s32 v1, $0x2;
	vm14 =	veq.s32 v1, $0x1;
	vm7 =	veq.s32 v1, $0x3  }
0x147: {  	vm8 =	veq.s32 v1, $0x4;
	vm12 =	veq.s32 v1, $0x5;
	v22 =	vnsel vm6, $0x0, v40  }
0x148: {  	v24 =	vnsel vm14, $0x0, v0;
	v25 =	vnsel vm7, $0x0, v39;
	v11 =	vadd.s32 v17, v22  }
0x149: {  	v34 =	vnsel vm12, $0x0, v37;
	v37 =	vnsel vm11, $0x0, v36;
	v8 =	vadd.s32 v24, v11  }
0x14a: {  	v29 =	vnsel vm8, $0x0, v38;
	v38 =	vadd.s32 v37, v5;
	v8 =	vadd.s32 v25, v8  }
0x14b: {  	vm13 =	veq.s32 v1, $0x6;
	v7 =	vadd.s32 v38, v2;
	v40 =	vadd.s32 v29, v8  }
0x14c: {  	v39 =	vnsel vm13, $0x0, v36;
	v42 =	vbroadcast v7, $0x0;
	v41 =	vadd.s32 v34, v40  }
0x14d: {  	v44 =	vld [tilespmem:$0x1FFE0];
	(v2sf) =	vpush v6, $0x0;
	v2 =	vadd.s32 v39, v41  }
0x14e: {  	v43 =	vadd.s32 v13, v42  }
0x14f: {  	vm14 =	vlt.s32 v43, $0x3F  }
0x150: {  	v4 =	vnsel vm14, $0x3F, v43;
	_ =	sdelay $0x1  }
0x151: {  	[tilespmem:v2+s5+$0x0] =	vst.idx.msk $0xffff, v44  }
0x152: {  	v45 =	vmov s0;
	vm15 =	veq.s32 v9, $0x0;
	[tilespmem:$0xA00] =	vst v9  }
0x153: {  	v46 =	vmov s6;
	v0 =	vnsel vm15, $0x0, v0;
	v2 =	vnsel vm2, $0x0, v45;
	[tilespmem:$0xA80] =	vst v6  }
0x154: {  	v47 =	vmov s8;
	v5 =	vnsel vm1, $0x0, v46;
	v0 =	vadd.s32 v2, v0;
	v48 =	vld.idx.msk [tilespmem:v4+s5+$0x0], $0xffff  }
0x155: {  	v49 =	vmov s9;
	v8 =	vnsel vm0, $0x0, v47;
	v0 =	vadd.s32 v5, v0  }
0x156: {  	v50 =	vmov s10;
	v4 =	vnsel vm9, $0x0, v49;
	v0 =	vadd.s32 v8, v0  }
0x157: {  	v51 =	vmov s1;
	v52 =	vnsel vm10, $0x0, v50;
	v0 =	vadd.s32 v4, v0  }
0x158: {  	v54 =	vnsel vm11, $0x0, v51;
	v8 =	vshll.u32 v9, $0x7;
	v0 =	vadd.s32 v52, v0  }
0x159: {  	v56 =	vbroadcast v8, $0x0;
	v0 =	vadd.s32 v54, v0;
	v55 =	vshrl.u32 v48, $0x1  }
0x15a: {  	vm2 =	vmxor vm2, vm2;
	v9 =	vadd.s32 v38, v0;
	v57 =	vand.u32 $0x7FFFFF80, v55  }
0x15b: {  	s18 =	spop (v2sf);
	v1 =	vbroadcast v9, $0x0;
	v4 =	vand.u32 $0x7F, v55;
	v0 =	vadd.s32 v57, v56  }
0x15c: {  	p1 =	sne.s32 s18, $0x0;
	vm0 =	vmmov vm2;
	v0 =	vor.u32 v4, v0  }
0x15d: {  	vm0 =	vmneg @p1 vm0;
	vm9 =	vlt.s32 v43, v1  }
0x15e: {  	(v2sf) =	vpush v6, $0x1;
	v58 =	vbroadcast v7, $0x1;
	vm0 =	vmand vm0, vm9  }
0x15f: {  	[tilespmem:$0xB00] =	vst v48;
	v59 =	vsel vm0, $0x1, v53  }
0x160: {  	v1 =	vadd.s32 v13, v58;
	[tilespmem:$0x1300] =	vst v59  }
0x161: {  	vm10 =	vlt.s32 v1, $0x3F;
	v0 =	vld.idx.msk [tilespmem:v0+s24+$0x0], $0xffff  }
0x162: {  	v60 =	vnsel vm10, $0x3F, v1;
	_ =	sdelay $0x3  }
0x163: {  	[tilespmem:$0x1B00] =	vst v0  }
0x164: {  	v0 =	vld.idx.msk [tilespmem:v60+s5+$0x0], $0xffff;
	_ =	sdelay $0x4  }
0x165: {  	v61 =	vbroadcast v8, $0x1;
	v2 =	vshrl.u32 v0, $0x1  }
0x166: {  	s19 =	spop (v2sf);
	v63 =	vbroadcast v9, $0x1;
	v62 =	vand.u32 $0x7FFFFF80, v2  }
0x167: {  	p1 =	sne.s32 s19, $0x0;
	vm0 =	vmmov vm2;
	v2 =	vand.u32 $0x7F, v2;
	v3 =	vadd.s32 v62, v61  }
0x168: {  	vm11 =	vlt.s32 v1, v63;
	vm0 =	vmneg @p1 vm0;
	v2 =	vor.u32 v2, v3  }
0x169: {  	vm0 =	vmand vm0, vm11  }
0x16a: {  	v5 =	vbroadcast v7, $0x2;
	(v2sf) =	vpush v6, $0x2;
	v10 =	vsel vm0, $0x1, v53  }
0x16b: {  	[tilespmem:$0x1380] =	vst v10  }
0x16c: {  	v11 =	vadd.s32 v13, v5;
	[tilespmem:$0xB80] =	vst v0  }
0x16d: {  	vm12 =	vlt.s32 v11, $0x3F;
	v12 =	vld.idx.msk [tilespmem:v2+s24+$0x0], $0xffff  }
0x16e: {  	v14 =	vnsel vm12, $0x3F, v11;
	_ =	sdelay $0x3  }
0x16f: {  	[tilespmem:$0x1B80] =	vst v12  }
0x170: {  	v1 =	vld.idx.msk [tilespmem:v14+s5+$0x0], $0xffff;
	_ =	sdelay $0x4  }
0x171: {  	v15 =	vbroadcast v8, $0x2;
	v2 =	vshrl.u32 v1, $0x1  }
0x172: {  	v17 =	vbroadcast v9, $0x2;
	s20 =	spop (v2sf);
	v16 =	vand.u32 $0x7FFFFF80, v2  }
0x173: {  	vm0 =	vmmov vm2;
	p1 =	sne.s32 s20, $0x0;
	v2 =	vand.u32 $0x7F, v2;
	v3 =	vadd.s32 v15, v16  }
0x174: {  	vm13 =	vlt.s32 v11, v17;
	vm0 =	vmneg @p1 vm0;
	v2 =	vor.u32 v2, v3  }
0x175: {  	vm0 =	vmand vm0, vm13  }
0x176: {  	v18 =	vbroadcast v7, $0x3;
	(v2sf) =	vpush v6, $0x3;
	v19 =	vsel vm0, $0x1, v53  }
0x177: {  	[tilespmem:$0x1400] =	vst v19  }
0x178: {  	v0 =	vadd.s32 v13, v18;
	[tilespmem:$0xC00] =	vst v1  }
0x179: {  	vm14 =	vlt.s32 v0, $0x3F;
	v1 =	vld.idx.msk [tilespmem:v2+s24+$0x0], $0xffff  }
0x17a: {  	v20 =	vnsel vm14, $0x3F, v0;
	_ =	sdelay $0x3  }
0x17b: {  	[tilespmem:$0x1C00] =	vst v1  }
0x17c: {  	v1 =	vld.idx.msk [tilespmem:v20+s5+$0x0], $0xffff;
	_ =	sdelay $0x4  }
0x17d: {  	v21 =	vbroadcast v8, $0x3;
	v2 =	vshrl.u32 v1, $0x1  }
0x17e: {  	v23 =	vbroadcast v9, $0x3;
	s21 =	spop (v2sf);
	v22 =	vand.u32 $0x7FFFFF80, v2  }
0x17f: {  	vm0 =	vmmov vm2;
	p1 =	sne.s32 s21, $0x0;
	v2 =	vand.u32 $0x7F, v2;
	v3 =	vadd.s32 v21, v22  }
0x180: {  	vm15 =	vlt.s32 v0, v23;
	vm0 =	vmneg @p1 vm0;
	v2 =	vor.u32 v2, v3  }
0x181: {  	vm0 =	vmand vm0, vm15  }
0x182: {  	v24 =	vbroadcast v7, $0x4;
	(v2sf) =	vpush v6, $0x4;
	v25 =	vsel vm0, $0x1, v53  }
0x183: {  	[tilespmem:$0x1480] =	vst v25  }
0x184: {  	v0 =	vadd.s32 v13, v24;
	[tilespmem:$0xC80] =	vst v1  }
0x185: {  	vm4 =	vlt.s32 v0, $0x3F;
	v1 =	vld.idx.msk [tilespmem:v2+s24+$0x0], $0xffff  }
0x186: {  	v26 =	vnsel vm4, $0x3F, v0;
	_ =	sdelay $0x3  }
0x187: {  	[tilespmem:$0x1C80] =	vst v1  }
0x188: {  	v1 =	vld.idx.msk [tilespmem:v26+s5+$0x0], $0xffff;
	_ =	sdelay $0x4  }
0x189: {  	v27 =	vbroadcast v8, $0x4;
	v2 =	vshrl.u32 v1, $0x1  }
0x18a: {  	v29 =	vbroadcast v9, $0x4;
	s22 =	spop (v2sf);
	v28 =	vand.u32 $0x7FFFFF80, v2  }
0x18b: {  	vm0 =	vmmov vm2;
	p1 =	sne.s32 s22, $0x0;
	v2 =	vand.u32 $0x7F, v2;
	v3 =	vadd.s32 v27, v28  }
0x18c: {  	vm5 =	vlt.s32 v0, v29;
	vm0 =	vmneg @p1 vm0;
	v2 =	vor.u32 v2, v3  }
0x18d: {  	vm0 =	vmand vm0, vm5  }
0x18e: {  	v30 =	vbroadcast v7, $0x5;
	(v2sf) =	vpush v6, $0x5;
	v31 =	vsel vm0, $0x1, v53  }
0x18f: {  	[tilespmem:$0x1500] =	vst v31  }
0x190: {  	v0 =	vadd.s32 v13, v30;
	[tilespmem:$0xD00] =	vst v1  }
0x191: {  	vm6 =	vlt.s32 v0, $0x3F;
	v1 =	vld.idx.msk [tilespmem:v2+s24+$0x0], $0xffff  }
0x192: {  	v32 =	vnsel vm6, $0x3F, v0;
	_ =	sdelay $0x3  }
0x193: {  	[tilespmem:$0x1D00] =	vst v1  }
0x194: {  	v1 =	vld.idx.msk [tilespmem:v32+s5+$0x0], $0xffff;
	_ =	sdelay $0x4  }
0x195: {  	v33 =	vbroadcast v8, $0x5;
	v2 =	vshrl.u32 v1, $0x1  }
0x196: {  	v35 =	vbroadcast v9, $0x5;
	s23 =	spop (v2sf);
	v34 =	vand.u32 $0x7FFFFF80, v2  }
0x197: {  	vm0 =	vmmov vm2;
	p1 =	sne.s32 s23, $0x0;
	v2 =	vand.u32 $0x7F, v2;
	v3 =	vadd.s32 v33, v34  }
0x198: {  	vm7 =	vlt.s32 v0, v35;
	vm0 =	vmneg @p1 vm0;
	v2 =	vor.u32 v2, v3  }
0x199: {  	vm0 =	vmand vm0, vm7  }
0x19a: {  	v36 =	vbroadcast v7, $0x6;
	(v2sf) =	vpush v6, $0x6;
	v37 =	vsel vm0, $0x1, v53  }
0x19b: {  	[tilespmem:$0x1580] =	vst v37  }
0x19c: {  	v0 =	vadd.s32 v13, v36;
	[tilespmem:$0xD80] =	vst v1  }
0x19d: {  	vm8 =	vlt.s32 v0, $0x3F;
	v1 =	vld.idx.msk [tilespmem:v2+s24+$0x0], $0xffff  }
0x19e: {  	v38 =	vnsel vm8, $0x3F, v0;
	_ =	sdelay $0x1  }
0x19f: {  	s12 =	rddreg [dreg:$0x19]  }
0x1a0: {  	s14 =	rddreg [dreg:$0x13]  }
0x1a1: {  	s15 =	rddreg [dreg:$0x14];
	[tilespmem:$0x1D80] =	vst v1  }
0x1a2: {  	s16 =	rddreg [dreg:$0x1a];
	v1 =	vld.idx.msk [tilespmem:v38+s5+$0x0], $0xffff  }
0x1a3: {  	s17 =	rddreg [dreg:$0x1b]  }
0x1a4: {  	s11 =	rddreg [dreg:$0x18]  }
0x1a5: {  	s6 =	rddreg [dreg:$0x10]  }
0x1a6: {  	s0 =	sadd.f32 $0.0e+00, s6  }
0x1a7: {  	s8 =	rddreg [dreg:$0x17];
	v39 =	vbroadcast v8, $0x6;
	v2 =	vshrl.u32 v1, $0x1  }
0x1a8: {  	s0 =	sadd.f32 s8, s0;
	v41 =	vbroadcast v9, $0x6;
	s1 =	spop (v2sf);
	v40 =	vand.u32 $0x7FFFFF80, v2  }
0x1a9: {  	s8 =	sadd.f32 $0.0e+00, s14;
	vm0 =	vmmov vm2;
	p1 =	sne.s32 s1, $0x0;
	v2 =	vand.u32 $0x7F, v2;
	v3 =	vadd.s32 v39, v40  }
0x1aa: {  	s14 =	rddreg [dreg:$0x1f];
	vm9 =	vlt.s32 v0, v41;
	vm0 =	vmneg @p1 vm0;
	v2 =	vor.u32 v2, v3  }
0x1ab: {  	s10 =	rddreg [dreg:$0x12];
	vm0 =	vmand vm0, vm9  }
0x1ac: {  	s8 =	sadd.f32 s16, s8;
	v42 =	vbroadcast v7, $0x7;
	(v2sf) =	vpush v6, $0x7;
	v43 =	vsel vm0, $0x1, v53  }
0x1ad: {  	s16 =	sld [smem:$0x7FD];
	[tilespmem:$0x1600] =	vst v43  }
0x1ae: {  	s6 =	sadd.f32 $0.0e+00, s10;
	v0 =	vadd.s32 v13, v42;
	[tilespmem:$0xE00] =	vst v1  }
0x1af: {  	s9 =	rddreg [dreg:$0x11];
	vm10 =	vlt.s32 v0, $0x3F;
	v1 =	vld.idx.msk [tilespmem:v2+s24+$0x0], $0xffff  }
0x1b0: {  	s6 =	sadd.f32 s12, s6;
	v44 =	vnsel vm10, $0x3F, v0  }
0x1b1: {  	s8 =	sadd.f32 s16, s8  }
0x1b2: {  	s18 =	rddreg [dreg:$0x15]  }
0x1b3: {  	s10 =	sadd.f32 $0.0e+00, s18  }
0x1b4: {  	s20 =	rddreg [dreg:$0x1c];
	[tilespmem:$0x1E00] =	vst v1  }
0x1b5: {  	s10 =	sadd.f32 s20, s10;
	v1 =	vld.idx.msk [tilespmem:v44+s5+$0x0], $0xffff  }
0x1b6: {  	s8 =	sadd.f32 s13, s8  }
0x1b7: {  	s10 =	sadd.f32 s26, s10  }
0x1b8: {  	s19 =	rddreg [dreg:$0x16]  }
0x1b9: {  	s3 =	sadd.f32 s3, s10  }
0x1ba: {  	v45 =	vbroadcast v8, $0x7;
	s23 =	rddreg [dreg:$0x1e];
	v2 =	vshrl.u32 v1, $0x1  }
0x1bb: {  	v47 =	vbroadcast v9, $0x7;
	s0 =	sadd.f32 s23, s0;
	s21 =	spop (v2sf);
	v46 =	vand.u32 $0x7FFFFF80, v2  }
0x1bc: {  	s22 =	rddreg [dreg:$0x1d];
	vm0 =	vmmov vm2;
	p1 =	sne.s32 s21, $0x0;
	v2 =	vand.u32 $0x7F, v2;
	v3 =	vadd.s32 v45, v46  }
0x1bd: {  	vm11 =	vlt.s32 v0, v47;
	s0 =	sadd.f32 s29, s0;
	vm0 =	vmneg @p1 vm0;
	v2 =	vor.u32 v2, v3  }
0x1be: {  	s1 =	sadd.f32 $0.0e+00, s9;
	vm0 =	vmand vm0, vm11  }
0x1bf: {  	v48 =	vbroadcast v7, $0x8;
	s9 =	sadd.f32 $0.0e+00, s15;
	(v2sf) =	vpush v6, $0x8;
	v49 =	vsel vm0, $0x1, v53  }
0x1c0: {  	s15 =	sld [smem:$0x7FC];
	[tilespmem:$0x1680] =	vst v49  }
0x1c1: {  	v0 =	vadd.s32 v13, v48;
	s1 =	sadd.f32 s11, s1;
	[tilespmem:$0xE80] =	vst v1  }
0x1c2: {  	vm12 =	vlt.s32 v0, $0x3F;
	s9 =	sadd.f32 s17, s9;
	v1 =	vld.idx.msk [tilespmem:v2+s24+$0x0], $0xffff  }
0x1c3: {  	v50 =	vnsel vm12, $0x3F, v0;
	s11 =	sadd.f32 $0.0e+00, s19  }
0x1c4: {  	s6 =	sadd.f32 s15, s6  }
0x1c5: {  	s1 =	sadd.f32 s14, s1  }
0x1c6: {  	s11 =	sadd.f32 s22, s11  }
0x1c7: {  	s1 =	sadd.f32 s30, s1;
	[tilespmem:$0x1E80] =	vst v1  }
0x1c8: {  	s6 =	sadd.f32 s31, s6;
	v1 =	vld.idx.msk [tilespmem:v50+s5+$0x0], $0xffff  }
0x1c9: {  	s17 =	sadd.f32 s1, s0  }
0x1ca: {  	s9 =	sadd.f32 s25, s9  }
0x1cb: {  	s12 =	sadd.f32 s17, s6  }
0x1cc: {  	s7 =	sadd.f32 s7, s9  }
0x1cd: {  	v51 =	vbroadcast v8, $0x8;
	s18 =	sadd.f32 s12, s8;
	v2 =	vshrl.u32 v1, $0x1  }
0x1ce: {  	v54 =	vbroadcast v9, $0x8;
	s11 =	sadd.f32 s28, s11;
	s19 =	spop (v2sf);
	v52 =	vand.u32 $0x7FFFFF80, v2  }
0x1cf: {  	s9 =	sadd.f32 s18, s7;
	vm0 =	vmmov vm2;
	p1 =	sne.s32 s19, $0x0;
	v2 =	vand.u32 $0x7F, v2;
	v3 =	vadd.s32 v51, v52  }
0x1d0: {  	vm13 =	vlt.s32 v0, v54;
	s4 =	sadd.f32 s4, s11;
	vm0 =	vmneg @p1 vm0;
	v2 =	vor.u32 v2, v3  }
0x1d1: {  	s9 =	sadd.f32 s9, s3;
	vm0 =	vmand vm0, vm13  }
0x1d2: {  	v55 =	vbroadcast v7, $0x9;
	(v2sf) =	vpush v6, $0x9;
	v56 =	vsel vm0, $0x1, v53  }
0x1d3: {  	s9 =	sadd.f32 s9, s4;
	[tilespmem:$0x1700] =	vst v56  }
0x1d4: {  	v0 =	vadd.s32 v13, v55;
	[tilespmem:$0xF00] =	vst v1  }
0x1d5: {  	vm14 =	vlt.s32 v0, $0x3F;
	s9 =	smul.f32 $1.428571490e-01, s9;
	v1 =	vld.idx.msk [tilespmem:v2+s24+$0x0], $0xffff  }
0x1d6: {  	v57 =	vnsel vm14, $0x3F, v0  }
0x1d7: {  	s0 =	ssub.f32 s0, s9  }
0x1d8: {  	s1 =	ssub.f32 s1, s9  }
0x1d9: {  	s0 =	smul.f32 s0, s0  }
0x1da: {  	s6 =	ssub.f32 s6, s9;
	s1 =	smul.f32 s1, s1;
	[tilespmem:$0x1F00] =	vst v1  }
0x1db: {  	s21 =	ssub.f32 s8, s9;
	v1 =	vld.idx.msk [tilespmem:v57+s5+$0x0], $0xffff  }
0x1dc: {  	s20 =	smul.f32 s6, s6;
	s0 =	sadd.f32 s1, s0  }
0x1dd: {  	s23 =	ssub.f32 s7, s9;
	s25 =	smul.f32 s9, s9  }
0x1de: {  	s22 =	smul.f32 s21, s21;
	s0 =	sadd.f32 s0, s20  }
0x1df: {  	s3 =	ssub.f32 s3, s9;
	v61 =	vmov s25  }
0x1e0: {  	v58 =	vbroadcast v8, $0x9;
	s26 =	smul.f32 s23, s23;
	(erf) = vrcp.f32 v61;
	s0 =	sadd.f32 s0, s22;
	v2 =	vshrl.u32 v1, $0x1  }
0x1e1: {  	v59 =	vbroadcast v9, $0x9;
	s30 =	ssub.f32 s4, s9;
	s28 =	spop (v2sf);
	v60 =	vand.u32 $0x7FFFFF80, v2  }
0x1e2: {  	s29 =	smul.f32 s3, s3;
	s0 =	sadd.f32 s0, s26;
	vm0 =	vmmov vm2;
	p1 =	sne.s32 s28, $0x0;
	v2 =	vand.u32 $0x7F, v2;
	v3 =	vadd.s32 v58, v60  }
0x1e3: {  	vm15 =	vlt.s32 v0, v59;
	vm0 =	vmneg @p1 vm0;
	v2 =	vor.u32 v2, v3  }
0x1e4: {  	s31 =	smul.f32 s30, s30;
	s0 =	sadd.f32 s0, s29;
	vm0 =	vmand vm0, vm15  }
0x1e5: {  	v62 =	vsel vm0, $0x1, v53  }
0x1e6: {  	s0 =	sadd.f32 s0, s31;
	[tilespmem:$0x1780] =	vst v62  }
0x1e7: {  	[tilespmem:$0xF80] =	vst v1  }
0x1e8: {  	s0 =	smul.f32 $1.666666720e-01, s0;
	v0 =	vld.idx.msk [tilespmem:v2+s24+$0x0], $0xffff  }
0x1e9: {  	v63 =	vpop (erf)  }
0x1ea: {  	v1 =	vmul.f32 s0, v63;
	_ =	sdelay $0x1  }
0x1eb: {  	[tilespmem:$0x2300] =	vst v1  }
0x1ec: {  	s3 =	simm.s32 @!p0 $0x800;
	s1 =	simm.s32 @!p0 $0x0;
	s0 =	rddreg [dreg:$0x8];
	[tilespmem:$0x1F80] =	vst v0  }
0x1ed: {  	[hbm4b:s0+s1] =	stream.linear.scatter @!p0 [tilespmem:s3], [sflag:$0x1], $0x80, $0x38;
	[tilespmem:$0x2380] =	vst v63  }
0x1ee: {  	s0 =	simm.s32 @!p0 $0x1  }
0x1ef: {  	_ =	swait.ge @!p0 [sflag:s0], $0x80  }
0x1f0: {  	[sflag:s0] =	ssyncset.done @!p0 $0x0  }
0x1f1: {  	s4 =	simm.s32 @!p0 $0x880;
	s3 =	rddreg [dreg:$0x9];
	[sflag:s0] =	ssyncadd.s32 @!p0 $0xFFFFFF80  }
0x1f2: {  	[hbm4b:s3+s1] =	stream.linear.scatter @!p0 [tilespmem:s4], [sflag:$0x1], $0x80, $0x38;
	[tilespmem:$0x2380] =	vst v63  }
0x1f3: {  	_ =	swait.ge @!p0 [sflag:s0], $0x80  }
0x1f4: {  	[sflag:s0] =	ssyncset.done @!p0 $0x0  }
0x1f5: {  	s4 =	simm.s32 @!p0 $0xB00;
	s3 =	rddreg [dreg:$0xa];
	[sflag:s0] =	ssyncadd.s32 @!p0 $0xFFFFFF80  }
0x1f6: {  	[hbm4b:s3+s1] =	stream.linear.scatter @!p0 [tilespmem:s4], [sflag:$0x1], $0x500, $0x38;
	[tilespmem:$0x2380] =	vst v63  }
0x1f7: {  	_ =	swait.ge @!p0 [sflag:s0], $0x500  }
0x1f8: {  	[sflag:s0] =	ssyncset.done @!p0 $0x0  }
0x1f9: {  	s4 =	simm.s32 @!p0 $0x1300;
	s3 =	rddreg [dreg:$0xb];
	[sflag:s0] =	ssyncadd.s32 @!p0 $0xFFFFFB00  }
0x1fa: {  	[hbm4b:s3+s1] =	stream.linear.scatter @!p0 [tilespmem:s4], [sflag:$0x1], $0x500, $0x38;
	[tilespmem:$0x2380] =	vst v63  }
0x1fb: {  	_ =	swait.ge @!p0 [sflag:s0], $0x500  }
0x1fc: {  	[sflag:s0] =	ssyncset.done @!p0 $0x0  }
0x1fd: {  	s4 =	simm.s32 @!p0 $0x1B00;
	s3 =	rddreg [dreg:$0xc];
	[sflag:s0] =	ssyncadd.s32 @!p0 $0xFFFFFB00  }
0x1fe: {  	[hbm4b:s3+s1] =	stream.linear.scatter @!p0 [tilespmem:s4], [sflag:$0x1], $0x500, $0x38;
	[tilespmem:$0x2380] =	vst v63  }
0x1ff: {  	_ =	swait.ge @!p0 [sflag:s0], $0x500  }
0x200: {  	[sflag:s0] =	ssyncset.done @!p0 $0x0  }
0x201: {  	s4 =	simm.s32 @!p0 $0x2300;
	s3 =	rddreg [dreg:$0xd];
	[sflag:s0] =	ssyncadd.s32 @!p0 $0xFFFFFB00  }
0x202: {  	[hbm4b:s3+s1] =	stream.linear.scatter @!p0 [tilespmem:s4], [sflag:$0x1], $0x80, $0x38;
	[tilespmem:$0x2380] =	vst v63  }
0x203: {  	_ =	swait.ge @!p0 [sflag:s0], $0x80  }
0x204: {  	[sflag:s0] =	ssyncset.done @!p0 $0x0  }
0x205: {  	s4 =	simm.s32 @!p0 $0xA00;
	s3 =	rddreg [dreg:$0xe];
	[sflag:s0] =	ssyncadd.s32 @!p0 $0xFFFFFF80  }
0x206: {  	[hbm4b:s3+s1] =	stream.linear.scatter @!p0 [tilespmem:s4], [sflag:$0x1], $0x80, $0x38;
	[tilespmem:$0x2380] =	vst v63  }
0x207: {  	s2 =	sadd.s32 $0xFFFFFFFF, s2;
	_ =	swait.ge @!p0 [sflag:s0], $0x80  }
0x208: {  	p1 =	sne.s32 s2, $0x0;
	s4 =	simm.s32 @!p0 $0xA80;
	[sflag:s0] =	ssyncset.done @!p0 $0x0  }
.Ltmp0:
0x209: {  	s3 =	rddreg [dreg:$0xf];
	[sflag:s0] =	ssyncadd.s32 @!p0 $0xFFFFFF80;
	(pc) =	sbr.rel @p1 .LBB2_1-.Ltmp0, $4  }
0x20a: {  	[hbm4b:s3+s1] =	stream.linear.scatter @!p0 [tilespmem:s4], [sflag:$0x1], $0x80, $0x38;
	[tilespmem:$0x2380] =	vst v63  }
0x20b: {  	_ =	swait.ge @!p0 [sflag:s0], $0x80  }
0x20c: {  	[sflag:s0] =	ssyncset.done @!p0 $0x0  }
0x20d: {  	[sflag:s0] =	ssyncadd.s32 @!p0 $0xFFFFFF80  }
0x20e: {  	_ =	sfence.sel $0x180000  }
0x20f: {  	[bflag:$0x0] =	sbarrier.arrive $0xFFFF  }
0x210: {  	_ =	strace $0x90000047  }
0x211: {  	s0 =	stileid.u32;
	[bflag:$0x2] =	sbarrier.arrive $0xFFFF  }
0x212: {  	p0 =	sne.s32 s0, $0x0;
	s0 =	rddreg [dreg:$0x6]  }
0x213: {  	s0 =	sadd.s32 @!p0 $0x100000, s0  }
0x214: {  	[sflag:s0] =	ssyncadd.tile.s32 @!p0 $0x1;
	_ =	shalt  }
.Lfunc_end2:
_tile_overlayer_lowered:
.L_overlay_start_2:
0x215: {  	(tag) =	ssettag $0x2  }
0x216: {  	s0 =	rddreg [dreg:$0x0];
	s2 =	stileid.u32  }
0x217: {  	s1 =	rddreg [dreg:$0x1];
	p0 =	sne.s32 s2, $0x0  }
0x218: {  	s3 =	rddreg [dreg:$0x2];
	[bflag:$0x3] =	sbarrier.arrive $0xFFFF;
	s2 =	simm.s32 @!p0 $0x1C01  }
0x219: {  	[timem:s3], [sflag:s2] =	dma.local @!p0 [hbm:s0], s1  }
0x21a: {  	s0 =	simm.s32 @!p0 $0x1  }
0x21b: {  	_ =	swait.ge @!p0 [sflag:s0], s1  }
0x21c: {  	s1 =	ssub.s32 @!p0 $0x0, s1;
	[sflag:s0] =	ssyncset.done @!p0 $0x0  }
0x21d: {  	[sflag:s0] =	ssyncadd.s32 @!p0 s1  }
0x21e: {  	[bflag:$0x3] =	sbarrier.arrive $0xFFFF  }
0x21f: {  	_ =	shalt  }

</sc_bundles>
